<compile_context>
chip_gen: v7x
topology: tpu7x:2x2x1
jax: 0.10.2.dev20260603
libtpu: 0.0.44.dev20260713+nightly
codegen_flags: <defaults>
</compile_context>

<pallas_src>
import jax
import jax.numpy as jnp
from jax import lax
from jax.experimental import pallas as pl
from jax.experimental.pallas import tpu as pltpu
from jax.experimental.pallas import tpu_sc as plsc

N = 10000
D = 128
NC = 2
NS = 16
NW = NC * NS
EB = 128
NP = 10112
ZR = 128


def _sc_pass(n_pairs, gather_h):
    mesh = plsc.VectorSubcoreMesh(
        core_axis_name="c", subcore_axis_name="s",
        num_cores=NC, num_subcores=NS)
    out_type = jax.ShapeDtypeStruct((NC * NP, D), jnp.float32)
    scratch = [
        pltpu.VMEM((2 * EB,), jnp.int32),
        pltpu.VMEM((EB,), jnp.int32),
        pltpu.VMEM((EB,), jnp.int32),
        pltpu.VMEM((EB, D), jnp.float32),
        pltpu.VMEM((EB, D), jnp.float32),
        pltpu.VMEM_SHARED((NP, D), jnp.float32),
        pltpu.SemaphoreType.DMA,
        pltpu.SemaphoreType.DMA,
    ]

    def body(h_hbm, src_hbm, dst_hbm, zrow_hbm, one_hbm, acc_out,
             sidx, d0, d1, rows0, rows1, acc_sp, sem0, sem1):
        cid = lax.axis_index("c")
        sid = lax.axis_index("s")
        wid = cid * NS + sid
        rows = (rows0, rows1)
        sems = (sem0, sem1)

        def fill_idx(base):
            for j in range(EB // 16):
                d0[pl.ds(j * 16, 16)] = base + j * 16 + lax.iota(
                    jnp.int32, 16)

        pltpu.sync_copy(zrow_hbm, rows0)
        for k in range(5):
            def zchunk(k=k):
                fill_idx(sid * 640 + k * ZR)
                pltpu.sync_copy(rows0, acc_sp.at[d0])
            if k < 4:
                zchunk()
            else:
                pl.when(sid < NS - 1)(zchunk)
        if not gather_h:
            pltpu.sync_copy(one_hbm, rows0)
            pltpu.sync_copy(one_hbm, rows1)
        plsc.subcore_barrier()

        def epair(g, _):
            base = (wid * n_pairs + g) * (2 * EB)
            pltpu.sync_copy(dst_hbm.at[pl.ds(base, EB)], d0)
            pltpu.sync_copy(dst_hbm.at[pl.ds(base + EB, EB)], d1)
            if gather_h:
                pltpu.sync_copy(src_hbm.at[pl.ds(base, 2 * EB)], sidx)
                c0 = pltpu.async_copy(
                    h_hbm.at[sidx.at[pl.ds(0, EB)]], rows0, sem0)
                c1 = pltpu.async_copy(
                    h_hbm.at[sidx.at[pl.ds(EB, EB)]], rows1, sem1)
                c0.wait()
                pltpu.sync_copy(rows0, acc_sp.at[d0], add=True)
                c1.wait()
                pltpu.sync_copy(rows1, acc_sp.at[d1], add=True)
            else:
                pltpu.sync_copy(rows0, acc_sp.at[d0], add=True)
                pltpu.sync_copy(rows1, acc_sp.at[d1], add=True)
            return ()

        lax.fori_loop(0, n_pairs, epair, ())
        plsc.subcore_barrier()

        for k in range(5):
            def wchunk(k=k):
                row0 = sid * 640 + k * ZR
                fill_idx(row0)
                pltpu.async_copy(acc_sp.at[d0], rows0, sem0).wait()
                pltpu.sync_copy(
                    rows0, acc_out.at[pl.ds(cid * NP + row0, ZR)])
            if k < 4:
                wchunk()
            else:
                pl.when(sid < NS - 1)(wchunk)

    return pl.kernel(body, out_type=out_type, mesh=mesh,
                     scratch_types=scratch)


def _bn_tc(x, g, b):
    m = jnp.mean(x, axis=0, keepdims=True)
    v = jnp.mean((x - m) * (x - m), axis=0, keepdims=True)
    return g * (x - m) * lax.rsqrt(v + 1e-5) + b


def _ffn_body(x_ref, w1_ref, b1_ref, g1_ref, be1_ref,
              w2_ref, b2_ref, g2_ref, be2_ref, o_ref):
    dn = (((1,), (1,)), ((), ()))
    x = x_ref[...]
    t = lax.dot_general(x, w1_ref[...], dn,
                        preferred_element_type=jnp.float32) + b1_ref[...]
    t = jnp.maximum(_bn_tc(t, g1_ref[...], be1_ref[...]), 0.0)
    t = lax.dot_general(t, w2_ref[...], dn,
                        preferred_element_type=jnp.float32) + b2_ref[...]
    o_ref[...] = jnp.maximum(_bn_tc(t, g2_ref[...], be2_ref[...]), 0.0)


def _sage_body(h_ref, agg_ref, deg_ref, ws_ref, bs_ref, wn_ref,
               g_ref, b_ref, o_ref):
    dn = (((1,), (1,)), ((), ()))
    agg = agg_ref[0:N, :] + agg_ref[NP:NP + N, :]
    deg = deg_ref[0:N, 0:1] + deg_ref[NP:NP + N, 0:1]
    hn = agg * (1.0 / jnp.maximum(deg, 1.0))
    z = (lax.dot_general(h_ref[...], ws_ref[...], dn,
                         preferred_element_type=jnp.float32)
         + bs_ref[...]
         + lax.dot_general(hn, wn_ref[...], dn,
                           preferred_element_type=jnp.float32))
    z = _bn_tc(z, g_ref[...], b_ref[...])
    o_ref[...] = jnp.where(z >= 0.0, z, 0.01 * z)


_ffn_call = pl.pallas_call(
    _ffn_body, out_shape=jax.ShapeDtypeStruct((N, D), jnp.float32))
_sage_call = pl.pallas_call(
    _sage_body, out_shape=jax.ShapeDtypeStruct((N, D), jnp.float32))


def kernel(nodes, edge_index, ff_w1, ff_b1, ff_g1, ff_be1, ff_w2, ff_b2,
           ff_g2, ff_be2, s1_ws, s1_bs, s1_wn, bn1_g, bn1_b, s2_ws, s2_bs,
           s2_wn, bn2_g, bn2_b):
    src = edge_index[0]
    dst = edge_index[1]
    e = src.shape[0]
    n_pairs = -(-e // (NW * 2 * EB))
    epad = NW * 2 * EB * n_pairs
    pad = epad - e
    if pad:
        src = jnp.concatenate([src, jnp.zeros((pad,), jnp.int32)])
        dst = jnp.concatenate([dst, jnp.full((pad,), N, jnp.int32)])
    zrow = jnp.zeros((ZR, D), jnp.float32)
    onerow = jnp.ones((ZR, D), jnp.float32)

    deg = _sc_pass(n_pairs, False)(nodes, src, dst, zrow, onerow)
    h = _ffn_call(nodes, ff_w1, ff_b1, ff_g1, ff_be1,
                  ff_w2, ff_b2, ff_g2, ff_be2)

    agg1 = _sc_pass(n_pairs, True)(h, src, dst, zrow, onerow)
    h1 = _sage_call(h, agg1, deg, s1_ws, s1_bs, s1_wn, bn1_g, bn1_b)

    agg2 = _sc_pass(n_pairs, True)(h1, src, dst, zrow, onerow)
    out = _sage_call(h1, agg2, deg, s2_ws, s2_bs, s2_wn, bn2_g, bn2_b)
    return out

# --- scband reference (transcript-rebuilt; emitter-appended) ---
"""Pipeline reference for scband-sage-35150012350591 (READ-ONLY COPY).

The authoritative reference and input builder live on the scoring server;
editing this copy changes nothing except your own understanding.
"""

import jax, jax.numpy as jnp
import numpy as np

N = 10000
E = 320000
D = 128


def setup_inputs(seed: int = 0):
    key = jax.random.key(seed)
    ks = jax.random.split(key, 16)
    s = 1.0 / np.sqrt(D)
    inp = {}
    inp['nodes'] = jax.random.normal(ks[0], (N, D), dtype=jnp.float32)
    inp['edge_index'] = jax.random.randint(ks[1], (2, E), 0, N, dtype=jnp.int32)
    inp['ff_w1'] = jax.random.uniform(ks[2], (D, D), jnp.float32, -s, s)
    inp['ff_b1'] = jax.random.uniform(ks[3], (D,), jnp.float32, -s, s)
    inp['ff_g1'] = jnp.ones((D,), jnp.float32)
    inp['ff_be1'] = jnp.zeros((D,), jnp.float32)
    inp['ff_w2'] = jax.random.uniform(ks[4], (D, D), jnp.float32, -s, s)
    inp['ff_b2'] = jax.random.uniform(ks[5], (D,), jnp.float32, -s, s)
    inp['ff_g2'] = jnp.ones((D,), jnp.float32)
    inp['ff_be2'] = jnp.zeros((D,), jnp.float32)
    inp['s1_ws'] = jax.random.uniform(ks[6], (D, D), jnp.float32, -s, s)
    inp['s1_bs'] = jax.random.uniform(ks[7], (D,), jnp.float32, -s, s)
    inp['s1_wn'] = jax.random.uniform(ks[8], (D, D), jnp.float32, -s, s)
    inp['bn1_g'] = jnp.ones((D,), jnp.float32)
    inp['bn1_b'] = jnp.zeros((D,), jnp.float32)
    inp['s2_ws'] = jax.random.uniform(ks[9], (D, D), jnp.float32, -s, s)
    inp['s2_bs'] = jax.random.uniform(ks[10], (D,), jnp.float32, -s, s)
    inp['s2_wn'] = jax.random.uniform(ks[11], (D, D), jnp.float32, -s, s)
    inp['bn2_g'] = jnp.ones((D,), jnp.float32)
    inp['bn2_b'] = jnp.zeros((D,), jnp.float32)
    return inp


def _bn(x, g, b):
    m = jnp.mean(x, axis=0)
    v = jnp.var(x, axis=0)
    return g * (x - m) / jnp.sqrt(v + 1e-5) + b


def _leaky(x):
    return jnp.where(x >= 0, x, 0.01 * x)


def _sage(x, src, dst, ws, bs, wn):
    # DGL SAGEConv mean aggregator: h_neigh = mean over in-edges of x[src]
    msg = jnp.take(x, src, axis=0)
    agg = jax.ops.segment_sum(msg, dst, num_segments=N)
    deg = jax.ops.segment_sum(jnp.ones(dst.shape, x.dtype), dst, num_segments=N)
    h_neigh = agg / jnp.maximum(deg, 1.0)[:, None]
    return x @ ws.T + bs + h_neigh @ wn.T


def reference(nodes, edge_index, ff_w1, ff_b1, ff_g1, ff_be1, ff_w2, ff_b2, ff_g2, ff_be2, s1_ws, s1_bs, s1_wn, bn1_g, bn1_b, s2_ws, s2_bs, s2_wn, bn2_g, bn2_b):
    src = edge_index[0]
    dst = edge_index[1]
    # FeedForward (dropout=0.0 -> identity)
    h = jax.nn.relu(_bn(nodes @ ff_w1.T + ff_b1, ff_g1, ff_be1))
    h = jax.nn.relu(_bn(h @ ff_w2.T + ff_b2, ff_g2, ff_be2))
    # SAGE layer 1
    h1 = _leaky(_bn(_sage(h, src, dst, s1_ws, s1_bs, s1_wn), bn1_g, bn1_b))
    # SAGE layer 2
    out = _leaky(_bn(_sage(h1, src, dst, s2_ws, s2_bs, s2_wn), bn2_g, bn2_b))
    return out

if __name__ == "__main__":
    import jax
    _d = setup_inputs()
    print(jax.jit(kernel)(*tuple(_d.values())))

</pallas_src>

<mosaic_0001>
#map = affine_map<(d0, d1) -> (0, 0)>
#map1 = affine_map<(d0, d1) -> (0)>
module attributes {stable_mosaic.version = 14 : i64} {
  func.func @body(%arg0: i32, %arg1: i32, %arg2: memref<10000x128xf32, #tpu.memory_space<hbm>>, %arg3: memref<327680xi32, #tpu.memory_space<hbm>>, %arg4: memref<327680xi32, #tpu.memory_space<hbm>>, %arg5: memref<128x128xf32, #tpu.memory_space<hbm>>, %arg6: memref<128x128xf32, #tpu.memory_space<hbm>>, %arg7: memref<20224x128xf32, #tpu.memory_space<hbm>>, %arg8: memref<256xi32, #tpu.memory_space<vmem>>, %arg9: memref<128xi32, #tpu.memory_space<vmem>>, %arg10: memref<128xi32, #tpu.memory_space<vmem>>, %arg11: memref<128x128xf32, #tpu.memory_space<vmem>>, %arg12: memref<128x128xf32, #tpu.memory_space<vmem>>, %arg13: memref<10112x128xf32, #tpu.memory_space<vmem_shared>>, %arg14: memref<!tpu.dma_semaphore, #tpu.memory_space<semaphore_mem>>, %arg15: memref<!tpu.dma_semaphore, #tpu.memory_space<semaphore_mem>>) attributes {dimension_semantics = [#tpu.dimension_semantics<core_parallel>, #tpu.dimension_semantics<subcore_parallel>], iteration_bounds = array<i64: 2, 16>, scalar_prefetch = 0 : i64, scratch_operands = 8 : i64, tpu.core_type = #tpu.core_type<sc_vector_subcore>, window_params = [{transform_indices = #map}, {transform_indices = #map1}, {transform_indices = #map1}, {transform_indices = #map}, {transform_indices = #map}, {transform_indices = #map}]} {
    %mul3A = arith.constant 16 : i32
    %mul3A_0 = arith.muli %arg0, %mul3A : i32
    %add3A = arith.addi %mul3A_0, %arg1 : i32
    "tpu.region"() ({
      %run_scoped3A = tpu.sem_alloc : memref<!tpu.dma_semaphore, #tpu.memory_space<semaphore_mem>>
      tpu.enqueue_dma source(%arg5 : memref<128x128xf32, #tpu.memory_space<hbm>>) target(%arg11 : memref<128x128xf32, #tpu.memory_space<vmem>>) target_semaphore(%run_scoped3A : memref<!tpu.dma_semaphore, #tpu.memory_space<semaphore_mem>>)
      tpu.wait_dma2 semaphore(%run_scoped3A : memref<!tpu.dma_semaphore, #tpu.memory_space<semaphore_mem>>) src(%arg5 : memref<128x128xf32, #tpu.memory_space<hbm>>) dst(%arg11 : memref<128x128xf32, #tpu.memory_space<vmem>>)
      tpu.yield
    }) : () -> ()
    %mul3A_1 = arith.constant 640 : i32
    %mul3A_2 = arith.muli %arg1, %mul3A_1 : i32
    %add3A_3 = arith.constant 0 : i32
    %add3A_4 = arith.addi %mul3A_2, %add3A_3 : i32
    %add3A_5 = arith.constant 0 : i32
    %add3A_6 = arith.addi %add3A_4, %add3A_5 : i32
    %iota3A = tpu.iota {dimensions = array<i32: 0>} : vector<16xi32>
    %add3A_7 = vector.broadcast %add3A_6 : i32 to vector<16xi32>
    %add3A_8 = arith.addi %add3A_7, %iota3A : vector<16xi32>
    %swap3A = arith.constant 0 : index
    %swap3A_9 = tpu.vector_load %arg9[%swap3A] {strides = array<i32>} : memref<128xi32, #tpu.memory_space<vmem>>, vector<16xi32>,
    %swap3A_10 = vector.shape_cast %swap3A_9 : vector<16xi32> to vector<16xi32>
    %swap3A_11 = vector.shape_cast %add3A_8 : vector<16xi32> to vector<16xi32>
    tpu.vector_store %arg9[%swap3A], %swap3A_11 {strides = array<i32>} : memref<128xi32, #tpu.memory_space<vmem>>, vector<16xi32>,
    %add3A_12 = arith.constant 16 : i32
    %add3A_13 = arith.addi %add3A_4, %add3A_12 : i32
    %iota3A_14 = tpu.iota {dimensions = array<i32: 0>} : vector<16xi32>
    %add3A_15 = vector.broadcast %add3A_13 : i32 to vector<16xi32>
    %add3A_16 = arith.addi %add3A_15, %iota3A_14 : vector<16xi32>
    %swap3A_17 = arith.constant 16 : index
    %swap3A_18 = tpu.vector_load %arg9[%swap3A_17] {strides = array<i32>} : memref<128xi32, #tpu.memory_space<vmem>>, vector<16xi32>,
    %swap3A_19 = vector.shape_cast %swap3A_18 : vector<16xi32> to vector<16xi32>
    %swap3A_20 = vector.shape_cast %add3A_16 : vector<16xi32> to vector<16xi32>
    tpu.vector_store %arg9[%swap3A_17], %swap3A_20 {strides = array<i32>} : memref<128xi32, #tpu.memory_space<vmem>>, vector<16xi32>,
    %add3A_21 = arith.constant 32 : i32
    %add3A_22 = arith.addi %add3A_4, %add3A_21 : i32
    %iota3A_23 = tpu.iota {dimensions = array<i32: 0>} : vector<16xi32>
    %add3A_24 = vector.broadcast %add3A_22 : i32 to vector<16xi32>
    %add3A_25 = arith.addi %add3A_24, %iota3A_23 : vector<16xi32>
    %swap3A_26 = arith.constant 32 : index
    %swap3A_27 = tpu.vector_load %arg9[%swap3A_26] {strides = array<i32>} : memref<128xi32, #tpu.memory_space<vmem>>, vector<16xi32>,
    %swap3A_28 = vector.shape_cast %swap3A_27 : vector<16xi32> to vector<16xi32>
    %swap3A_29 = vector.shape_cast %add3A_25 : vector<16xi32> to vector<16xi32>
    tpu.vector_store %arg9[%swap3A_26], %swap3A_29 {strides = array<i32>} : memref<128xi32, #tpu.memory_space<vmem>>, vector<16xi32>,
    %add3A_30 = arith.constant 48 : i32
    %add3A_31 = arith.addi %add3A_4, %add3A_30 : i32
    %iota3A_32 = tpu.iota {dimensions = array<i32: 0>} : vector<16xi32>
    %add3A_33 = vector.broadcast %add3A_31 : i32 to vector<16xi32>
    %add3A_34 = arith.addi %add3A_33, %iota3A_32 : vector<16xi32>
    %swap3A_35 = arith.constant 48 : index
    %swap3A_36 = tpu.vector_load %arg9[%swap3A_35] {strides = array<i32>} : memref<128xi32, #tpu.memory_space<vmem>>, vector<16xi32>,
    %swap3A_37 = vector.shape_cast %swap3A_36 : vector<16xi32> to vector<16xi32>
    %swap3A_38 = vector.shape_cast %add3A_34 : vector<16xi32> to vector<16xi32>
    tpu.vector_store %arg9[%swap3A_35], %swap3A_38 {strides = array<i32>} : memref<128xi32, #tpu.memory_space<vmem>>, vector<16xi32>,
    %add3A_39 = arith.constant 64 : i32
    %add3A_40 = arith.addi %add3A_4, %add3A_39 : i32
    %iota3A_41 = tpu.iota {dimensions = array<i32: 0>} : vector<16xi32>
    %add3A_42 = vector.broadcast %add3A_40 : i32 to vector<16xi32>
    %add3A_43 = arith.addi %add3A_42, %iota3A_41 : vector<16xi32>
    %swap3A_44 = arith.constant 64 : index
    %swap3A_45 = tpu.vector_load %arg9[%swap3A_44] {strides = array<i32>} : memref<128xi32, #tpu.memory_space<vmem>>, vector<16xi32>,
    %swap3A_46 = vector.shape_cast %swap3A_45 : vector<16xi32> to vector<16xi32>
    %swap3A_47 = vector.shape_cast %add3A_43 : vector<16xi32> to vector<16xi32>
    tpu.vector_store %arg9[%swap3A_44], %swap3A_47 {strides = array<i32>} : memref<128xi32, #tpu.memory_space<vmem>>, vector<16xi32>,
    %add3A_48 = arith.constant 80 : i32
    %add3A_49 = arith.addi %add3A_4, %add3A_48 : i32
    %iota3A_50 = tpu.iota {dimensions = array<i32: 0>} : vector<16xi32>
    %add3A_51 = vector.broadcast %add3A_49 : i32 to vector<16xi32>
    %add3A_52 = arith.addi %add3A_51, %iota3A_50 : vector<16xi32>
    %swap3A_53 = arith.constant 80 : index
    %swap3A_54 = tpu.vector_load %arg9[%swap3A_53] {strides = array<i32>} : memref<128xi32, #tpu.memory_space<vmem>>, vector<16xi32>,
    %swap3A_55 = vector.shape_cast %swap3A_54 : vector<16xi32> to vector<16xi32>
    %swap3A_56 = vector.shape_cast %add3A_52 : vector<16xi32> to vector<16xi32>
    tpu.vector_store %arg9[%swap3A_53], %swap3A_56 {strides = array<i32>} : memref<128xi32, #tpu.memory_space<vmem>>, vector<16xi32>,
    %add3A_57 = arith.constant 96 : i32
    %add3A_58 = arith.addi %add3A_4, %add3A_57 : i32
    %iota3A_59 = tpu.iota {dimensions = array<i32: 0>} : vector<16xi32>
    %add3A_60 = vector.broadcast %add3A_58 : i32 to vector<16xi32>
    %add3A_61 = arith.addi %add3A_60, %iota3A_59 : vector<16xi32>
    %swap3A_62 = arith.constant 96 : index
    %swap3A_63 = tpu.vector_load %arg9[%swap3A_62] {strides = array<i32>} : memref<128xi32, #tpu.memory_space<vmem>>, vector<16xi32>,
    %swap3A_64 = vector.shape_cast %swap3A_63 : vector<16xi32> to vector<16xi32>
    %swap3A_65 = vector.shape_cast %add3A_61 : vector<16xi32> to vector<16xi32>
    tpu.vector_store %arg9[%swap3A_62], %swap3A_65 {strides = array<i32>} : memref<128xi32, #tpu.memory_space<vmem>>, vector<16xi32>,
    %add3A_66 = arith.constant 112 : i32
    %add3A_67 = arith.addi %add3A_4, %add3A_66 : i32
    %iota3A_68 = tpu.iota {dimensions = array<i32: 0>} : vector<16xi32>
    %add3A_69 = vector.broadcast %add3A_67 : i32 to vector<16xi32>
    %add3A_70 = arith.addi %add3A_69, %iota3A_68 : vector<16xi32>
    %swap3A_71 = arith.constant 112 : index
    %swap3A_72 = tpu.vector_load %arg9[%swap3A_71] {strides = array<i32>} : memref<128xi32, #tpu.memory_space<vmem>>, vector<16xi32>,
    %swap3A_73 = vector.shape_cast %swap3A_72 : vector<16xi32> to vector<16xi32>
    %swap3A_74 = vector.shape_cast %add3A_70 : vector<16xi32> to vector<16xi32>
    tpu.vector_store %arg9[%swap3A_71], %swap3A_74 {strides = array<i32>} : memref<128xi32, #tpu.memory_space<vmem>>, vector<16xi32>,
    "tpu.region"() ({
      %run_scoped3A = tpu.sem_alloc : memref<!tpu.dma_semaphore, #tpu.memory_space<semaphore_mem>>
      %dma_start3A_653 = arith.constant 0 : i32
      %dma_start3A_654 = arith.constant 0 : i32
      %dma_start3A_655 = tpu.memref_slice %arg13[%dma_start3A_653, %dma_start3A_654] : memref<10112x128xf32, #tpu.memory_space<vmem_shared>> -> memref<10112x128xf32, #tpu.memory_space<vmem_shared>>
      tpu.enqueue_indirect_dma source(%arg11 : memref<128x128xf32, #tpu.memory_space<vmem>>) target(%dma_start3A_655 : memref<10112x128xf32, #tpu.memory_space<vmem_shared>>) offsets(%arg9 : memref<128xi32, #tpu.memory_space<vmem>>) semaphore(%run_scoped3A : memref<!tpu.dma_semaphore, #tpu.memory_space<semaphore_mem>>)
      %dma_wait3A_656 = arith.constant 0 : i32
      %dma_wait3A_657 = arith.constant 0 : i32
      %dma_wait3A_658 = tpu.memref_slice %arg13[%dma_wait3A_656, %dma_wait3A_657] : memref<10112x128xf32, #tpu.memory_space<vmem_shared>> -> memref<10112x128xf32, #tpu.memory_space<vmem_shared>>
      tpu.wait_indirect_dma semaphore(%run_scoped3A : memref<!tpu.dma_semaphore, #tpu.memory_space<semaphore_mem>>) src(%arg11 : memref<128x128xf32, #tpu.memory_space<vmem>>) dst(%dma_wait3A_658 : memref<10112x128xf32, #tpu.memory_space<vmem_shared>>)
      tpu.yield
    }) : () -> ()
    %mul3A_75 = arith.constant 640 : i32
    %mul3A_76 = arith.muli %arg1, %mul3A_75 : i32
    %add3A_77 = arith.constant 128 : i32
    %add3A_78 = arith.addi %mul3A_76, %add3A_77 : i32
    %add3A_79 = arith.constant 0 : i32
    %add3A_80 = arith.addi %add3A_78, %add3A_79 : i32
    %iota3A_81 = tpu.iota {dimensions = array<i32: 0>} : vector<16xi32>
    %add3A_82 = vector.broadcast %add3A_80 : i32 to vector<16xi32>
    %add3A_83 = arith.addi %add3A_82, %iota3A_81 : vector<16xi32>
    %swap3A_84 = arith.constant 0 : index
    %swap3A_85 = tpu.vector_load %arg9[%swap3A_84] {strides = array<i32>} : memref<128xi32, #tpu.memory_space<vmem>>, vector<16xi32>,
    %swap3A_86 = vector.shape_cast %swap3A_85 : vector<16xi32> to vector<16xi32>
    %swap3A_87 = vector.shape_cast %add3A_83 : vector<16xi32> to vector<16xi32>
    tpu.vector_store %arg9[%swap3A_84], %swap3A_87 {strides = array<i32>} : memref<128xi32, #tpu.memory_space<vmem>>, vector<16xi32>,
    %add3A_88 = arith.constant 16 : i32
    %add3A_89 = arith.addi %add3A_78, %add3A_88 : i32
    %iota3A_90 = tpu.iota {dimensions = array<i32: 0>} : vector<16xi32>
    %add3A_91 = vector.broadcast %add3A_89 : i32 to vector<16xi32>
    %add3A_92 = arith.addi %add3A_91, %iota3A_90 : vector<16xi32>
    %swap3A_93 = arith.constant 16 : index
    %swap3A_94 = tpu.vector_load %arg9[%swap3A_93] {strides = array<i32>} : memref<128xi32, #tpu.memory_space<vmem>>, vector<16xi32>,
    %swap3A_95 = vector.shape_cast %swap3A_94 : vector<16xi32> to vector<16xi32>
    %swap3A_96 = vector.shape_cast %add3A_92 : vector<16xi32> to vector<16xi32>
    tpu.vector_store %arg9[%swap3A_93], %swap3A_96 {strides = array<i32>} : memref<128xi32, #tpu.memory_space<vmem>>, vector<16xi32>,
    %add3A_97 = arith.constant 32 : i32
    %add3A_98 = arith.addi %add3A_78, %add3A_97 : i32
    %iota3A_99 = tpu.iota {dimensions = array<i32: 0>} : vector<16xi32>
    %add3A_100 = vector.broadcast %add3A_98 : i32 to vector<16xi32>
    %add3A_101 = arith.addi %add3A_100, %iota3A_99 : vector<16xi32>
    %swap3A_102 = arith.constant 32 : index
    %swap3A_103 = tpu.vector_load %arg9[%swap3A_102] {strides = array<i32>} : memref<128xi32, #tpu.memory_space<vmem>>, vector<16xi32>,
    %swap3A_104 = vector.shape_cast %swap3A_103 : vector<16xi32> to vector<16xi32>
    %swap3A_105 = vector.shape_cast %add3A_101 : vector<16xi32> to vector<16xi32>
    tpu.vector_store %arg9[%swap3A_102], %swap3A_105 {strides = array<i32>} : memref<128xi32, #tpu.memory_space<vmem>>, vector<16xi32>,
    %add3A_106 = arith.constant 48 : i32
    %add3A_107 = arith.addi %add3A_78, %add3A_106 : i32
    %iota3A_108 = tpu.iota {dimensions = array<i32: 0>} : vector<16xi32>
    %add3A_109 = vector.broadcast %add3A_107 : i32 to vector<16xi32>
    %add3A_110 = arith.addi %add3A_109, %iota3A_108 : vector<16xi32>
    %swap3A_111 = arith.constant 48 : index
    %swap3A_112 = tpu.vector_load %arg9[%swap3A_111] {strides = array<i32>} : memref<128xi32, #tpu.memory_space<vmem>>, vector<16xi32>,
    %swap3A_113 = vector.shape_cast %swap3A_112 : vector<16xi32> to vector<16xi32>
    %swap3A_114 = vector.shape_cast %add3A_110 : vector<16xi32> to vector<16xi32>
    tpu.vector_store %arg9[%swap3A_111], %swap3A_114 {strides = array<i32>} : memref<128xi32, #tpu.memory_space<vmem>>, vector<16xi32>,
    %add3A_115 = arith.constant 64 : i32
    %add3A_116 = arith.addi %add3A_78, %add3A_115 : i32
    %iota3A_117 = tpu.iota {dimensions = array<i32: 0>} : vector<16xi32>
    %add3A_118 = vector.broadcast %add3A_116 : i32 to vector<16xi32>
    %add3A_119 = arith.addi %add3A_118, %iota3A_117 : vector<16xi32>
    %swap3A_120 = arith.constant 64 : index
    %swap3A_121 = tpu.vector_load %arg9[%swap3A_120] {strides = array<i32>} : memref<128xi32, #tpu.memory_space<vmem>>, vector<16xi32>,
    %swap3A_122 = vector.shape_cast %swap3A_121 : vector<16xi32> to vector<16xi32>
    %swap3A_123 = vector.shape_cast %add3A_119 : vector<16xi32> to vector<16xi32>
    tpu.vector_store %arg9[%swap3A_120], %swap3A_123 {strides = array<i32>} : memref<128xi32, #tpu.memory_space<vmem>>, vector<16xi32>,
    %add3A_124 = arith.constant 80 : i32
    %add3A_125 = arith.addi %add3A_78, %add3A_124 : i32
    %iota3A_126 = tpu.iota {dimensions = array<i32: 0>} : vector<16xi32>
    %add3A_127 = vector.broadcast %add3A_125 : i32 to vector<16xi32>
    %add3A_128 = arith.addi %add3A_127, %iota3A_126 : vector<16xi32>
    %swap3A_129 = arith.constant 80 : index
    %swap3A_130 = tpu.vector_load %arg9[%swap3A_129] {strides = array<i32>} : memref<128xi32, #tpu.memory_space<vmem>>, vector<16xi32>,
    %swap3A_131 = vector.shape_cast %swap3A_130 : vector<16xi32> to vector<16xi32>
    %swap3A_132 = vector.shape_cast %add3A_128 : vector<16xi32> to vector<16xi32>
    tpu.vector_store %arg9[%swap3A_129], %swap3A_132 {strides = array<i32>} : memref<128xi32, #tpu.memory_space<vmem>>, vector<16xi32>,
    %add3A_133 = arith.constant 96 : i32
    %add3A_134 = arith.addi %add3A_78, %add3A_133 : i32
    %iota3A_135 = tpu.iota {dimensions = array<i32: 0>} : vector<16xi32>
    %add3A_136 = vector.broadcast %add3A_134 : i32 to vector<16xi32>
    %add3A_137 = arith.addi %add3A_136, %iota3A_135 : vector<16xi32>
    %swap3A_138 = arith.constant 96 : index
    %swap3A_139 = tpu.vector_load %arg9[%swap3A_138] {strides = array<i32>} : memref<128xi32, #tpu.memory_space<vmem>>, vector<16xi32>,
    %swap3A_140 = vector.shape_cast %swap3A_139 : vector<16xi32> to vector<16xi32>
    %swap3A_141 = vector.shape_cast %add3A_137 : vector<16xi32> to vector<16xi32>
    tpu.vector_store %arg9[%swap3A_138], %swap3A_141 {strides = array<i32>} : memref<128xi32, #tpu.memory_space<vmem>>, vector<16xi32>,
    %add3A_142 = arith.constant 112 : i32
    %add3A_143 = arith.addi %add3A_78, %add3A_142 : i32
    %iota3A_144 = tpu.iota {dimensions = array<i32: 0>} : vector<16xi32>
    %add3A_145 = vector.broadcast %add3A_143 : i32 to vector<16xi32>
    %add3A_146 = arith.addi %add3A_145, %iota3A_144 : vector<16xi32>
    %swap3A_147 = arith.constant 112 : index
    %swap3A_148 = tpu.vector_load %arg9[%swap3A_147] {strides = array<i32>} : memref<128xi32, #tpu.memory_space<vmem>>, vector<16xi32>,
    %swap3A_149 = vector.shape_cast %swap3A_148 : vector<16xi32> to vector<16xi32>
    %swap3A_150 = vector.shape_cast %add3A_146 : vector<16xi32> to vector<16xi32>
    tpu.vector_store %arg9[%swap3A_147], %swap3A_150 {strides = array<i32>} : memref<128xi32, #tpu.memory_space<vmem>>, vector<16xi32>,
    "tpu.region"() ({
      %run_scoped3A = tpu.sem_alloc : memref<!tpu.dma_semaphore, #tpu.memory_space<semaphore_mem>>
      %dma_start3A_653 = arith.constant 0 : i32
      %dma_start3A_654 = arith.constant 0 : i32
      %dma_start3A_655 = tpu.memref_slice %arg13[%dma_start3A_653, %dma_start3A_654] : memref<10112x128xf32, #tpu.memory_space<vmem_shared>> -> memref<10112x128xf32, #tpu.memory_space<vmem_shared>>
      tpu.enqueue_indirect_dma source(%arg11 : memref<128x128xf32, #tpu.memory_space<vmem>>) target(%dma_start3A_655 : memref<10112x128xf32, #tpu.memory_space<vmem_shared>>) offsets(%arg9 : memref<128xi32, #tpu.memory_space<vmem>>) semaphore(%run_scoped3A : memref<!tpu.dma_semaphore, #tpu.memory_space<semaphore_mem>>)
      %dma_wait3A_656 = arith.constant 0 : i32
      %dma_wait3A_657 = arith.constant 0 : i32
      %dma_wait3A_658 = tpu.memref_slice %arg13[%dma_wait3A_656, %dma_wait3A_657] : memref<10112x128xf32, #tpu.memory_space<vmem_shared>> -> memref<10112x128xf32, #tpu.memory_space<vmem_shared>>
      tpu.wait_indirect_dma semaphore(%run_scoped3A : memref<!tpu.dma_semaphore, #tpu.memory_space<semaphore_mem>>) src(%arg11 : memref<128x128xf32, #tpu.memory_space<vmem>>) dst(%dma_wait3A_658 : memref<10112x128xf32, #tpu.memory_space<vmem_shared>>)
      tpu.yield
    }) : () -> ()
    %mul3A_151 = arith.constant 640 : i32
    %mul3A_152 = arith.muli %arg1, %mul3A_151 : i32
    %add3A_153 = arith.constant 256 : i32
    %add3A_154 = arith.addi %mul3A_152, %add3A_153 : i32
    %add3A_155 = arith.constant 0 : i32
    %add3A_156 = arith.addi %add3A_154, %add3A_155 : i32
    %iota3A_157 = tpu.iota {dimensions = array<i32: 0>} : vector<16xi32>
    %add3A_158 = vector.broadcast %add3A_156 : i32 to vector<16xi32>
    %add3A_159 = arith.addi %add3A_158, %iota3A_157 : vector<16xi32>
    %swap3A_160 = arith.constant 0 : index
    %swap3A_161 = tpu.vector_load %arg9[%swap3A_160] {strides = array<i32>} : memref<128xi32, #tpu.memory_space<vmem>>, vector<16xi32>,
    %swap3A_162 = vector.shape_cast %swap3A_161 : vector<16xi32> to vector<16xi32>
    %swap3A_163 = vector.shape_cast %add3A_159 : vector<16xi32> to vector<16xi32>
    tpu.vector_store %arg9[%swap3A_160], %swap3A_163 {strides = array<i32>} : memref<128xi32, #tpu.memory_space<vmem>>, vector<16xi32>,
    %add3A_164 = arith.constant 16 : i32
    %add3A_165 = arith.addi %add3A_154, %add3A_164 : i32
    %iota3A_166 = tpu.iota {dimensions = array<i32: 0>} : vector<16xi32>
    %add3A_167 = vector.broadcast %add3A_165 : i32 to vector<16xi32>
    %add3A_168 = arith.addi %add3A_167, %iota3A_166 : vector<16xi32>
    %swap3A_169 = arith.constant 16 : index
    %swap3A_170 = tpu.vector_load %arg9[%swap3A_169] {strides = array<i32>} : memref<128xi32, #tpu.memory_space<vmem>>, vector<16xi32>,
    %swap3A_171 = vector.shape_cast %swap3A_170 : vector<16xi32> to vector<16xi32>
    %swap3A_172 = vector.shape_cast %add3A_168 : vector<16xi32> to vector<16xi32>
    tpu.vector_store %arg9[%swap3A_169], %swap3A_172 {strides = array<i32>} : memref<128xi32, #tpu.memory_space<vmem>>, vector<16xi32>,
    %add3A_173 = arith.constant 32 : i32
    %add3A_174 = arith.addi %add3A_154, %add3A_173 : i32
    %iota3A_175 = tpu.iota {dimensions = array<i32: 0>} : vector<16xi32>
    %add3A_176 = vector.broadcast %add3A_174 : i32 to vector<16xi32>
    %add3A_177 = arith.addi %add3A_176, %iota3A_175 : vector<16xi32>
    %swap3A_178 = arith.constant 32 : index
    %swap3A_179 = tpu.vector_load %arg9[%swap3A_178] {strides = array<i32>} : memref<128xi32, #tpu.memory_space<vmem>>, vector<16xi32>,
    %swap3A_180 = vector.shape_cast %swap3A_179 : vector<16xi32> to vector<16xi32>
    %swap3A_181 = vector.shape_cast %add3A_177 : vector<16xi32> to vector<16xi32>
    tpu.vector_store %arg9[%swap3A_178], %swap3A_181 {strides = array<i32>} : memref<128xi32, #tpu.memory_space<vmem>>, vector<16xi32>,
    %add3A_182 = arith.constant 48 : i32
    %add3A_183 = arith.addi %add3A_154, %add3A_182 : i32
    %iota3A_184 = tpu.iota {dimensions = array<i32: 0>} : vector<16xi32>
    %add3A_185 = vector.broadcast %add3A_183 : i32 to vector<16xi32>
    %add3A_186 = arith.addi %add3A_185, %iota3A_184 : vector<16xi32>
    %swap3A_187 = arith.constant 48 : index
    %swap3A_188 = tpu.vector_load %arg9[%swap3A_187] {strides = array<i32>} : memref<128xi32, #tpu.memory_space<vmem>>, vector<16xi32>,
    %swap3A_189 = vector.shape_cast %swap3A_188 : vector<16xi32> to vector<16xi32>
    %swap3A_190 = vector.shape_cast %add3A_186 : vector<16xi32> to vector<16xi32>
    tpu.vector_store %arg9[%swap3A_187], %swap3A_190 {strides = array<i32>} : memref<128xi32, #tpu.memory_space<vmem>>, vector<16xi32>,
    %add3A_191 = arith.constant 64 : i32
    %add3A_192 = arith.addi %add3A_154, %add3A_191 : i32
    %iota3A_193 = tpu.iota {dimensions = array<i32: 0>} : vector<16xi32>
    %add3A_194 = vector.broadcast %add3A_192 : i32 to vector<16xi32>
    %add3A_195 = arith.addi %add3A_194, %iota3A_193 : vector<16xi32>
    %swap3A_196 = arith.constant 64 : index
    %swap3A_197 = tpu.vector_load %arg9[%swap3A_196] {strides = array<i32>} : memref<128xi32, #tpu.memory_space<vmem>>, vector<16xi32>,
    %swap3A_198 = vector.shape_cast %swap3A_197 : vector<16xi32> to vector<16xi32>
    %swap3A_199 = vector.shape_cast %add3A_195 : vector<16xi32> to vector<16xi32>
    tpu.vector_store %arg9[%swap3A_196], %swap3A_199 {strides = array<i32>} : memref<128xi32, #tpu.memory_space<vmem>>, vector<16xi32>,
    %add3A_200 = arith.constant 80 : i32
    %add3A_201 = arith.addi %add3A_154, %add3A_200 : i32
    %iota3A_202 = tpu.iota {dimensions = array<i32: 0>} : vector<16xi32>
    %add3A_203 = vector.broadcast %add3A_201 : i32 to vector<16xi32>
    %add3A_204 = arith.addi %add3A_203, %iota3A_202 : vector<16xi32>
    %swap3A_205 = arith.constant 80 : index
    %swap3A_206 = tpu.vector_load %arg9[%swap3A_205] {strides = array<i32>} : memref<128xi32, #tpu.memory_space<vmem>>, vector<16xi32>,
    %swap3A_207 = vector.shape_cast %swap3A_206 : vector<16xi32> to vector<16xi32>
    %swap3A_208 = vector.shape_cast %add3A_204 : vector<16xi32> to vector<16xi32>
    tpu.vector_store %arg9[%swap3A_205], %swap3A_208 {strides = array<i32>} : memref<128xi32, #tpu.memory_space<vmem>>, vector<16xi32>,
    %add3A_209 = arith.constant 96 : i32
    %add3A_210 = arith.addi %add3A_154, %add3A_209 : i32
    %iota3A_211 = tpu.iota {dimensions = array<i32: 0>} : vector<16xi32>
    %add3A_212 = vector.broadcast %add3A_210 : i32 to vector<16xi32>
    %add3A_213 = arith.addi %add3A_212, %iota3A_211 : vector<16xi32>
    %swap3A_214 = arith.constant 96 : index
    %swap3A_215 = tpu.vector_load %arg9[%swap3A_214] {strides = array<i32>} : memref<128xi32, #tpu.memory_space<vmem>>, vector<16xi32>,
    %swap3A_216 = vector.shape_cast %swap3A_215 : vector<16xi32> to vector<16xi32>
    %swap3A_217 = vector.shape_cast %add3A_213 : vector<16xi32> to vector<16xi32>
    tpu.vector_store %arg9[%swap3A_214], %swap3A_217 {strides = array<i32>} : memref<128xi32, #tpu.memory_space<vmem>>, vector<16xi32>,
    %add3A_218 = arith.constant 112 : i32
    %add3A_219 = arith.addi %add3A_154, %add3A_218 : i32
    %iota3A_220 = tpu.iota {dimensions = array<i32: 0>} : vector<16xi32>
    %add3A_221 = vector.broadcast %add3A_219 : i32 to vector<16xi32>
    %add3A_222 = arith.addi %add3A_221, %iota3A_220 : vector<16xi32>
    %swap3A_223 = arith.constant 112 : index
    %swap3A_224 = tpu.vector_load %arg9[%swap3A_223] {strides = array<i32>} : memref<128xi32, #tpu.memory_space<vmem>>, vector<16xi32>,
    %swap3A_225 = vector.shape_cast %swap3A_224 : vector<16xi32> to vector<16xi32>
    %swap3A_226 = vector.shape_cast %add3A_222 : vector<16xi32> to vector<16xi32>
    tpu.vector_store %arg9[%swap3A_223], %swap3A_226 {strides = array<i32>} : memref<128xi32, #tpu.memory_space<vmem>>, vector<16xi32>,
    "tpu.region"() ({
      %run_scoped3A = tpu.sem_alloc : memref<!tpu.dma_semaphore, #tpu.memory_space<semaphore_mem>>
      %dma_start3A_653 = arith.constant 0 : i32
      %dma_start3A_654 = arith.constant 0 : i32
      %dma_start3A_655 = tpu.memref_slice %arg13[%dma_start3A_653, %dma_start3A_654] : memref<10112x128xf32, #tpu.memory_space<vmem_shared>> -> memref<10112x128xf32, #tpu.memory_space<vmem_shared>>
      tpu.enqueue_indirect_dma source(%arg11 : memref<128x128xf32, #tpu.memory_space<vmem>>) target(%dma_start3A_655 : memref<10112x128xf32, #tpu.memory_space<vmem_shared>>) offsets(%arg9 : memref<128xi32, #tpu.memory_space<vmem>>) semaphore(%run_scoped3A : memref<!tpu.dma_semaphore, #tpu.memory_space<semaphore_mem>>)
      %dma_wait3A_656 = arith.constant 0 : i32
      %dma_wait3A_657 = arith.constant 0 : i32
      %dma_wait3A_658 = tpu.memref_slice %arg13[%dma_wait3A_656, %dma_wait3A_657] : memref<10112x128xf32, #tpu.memory_space<vmem_shared>> -> memref<10112x128xf32, #tpu.memory_space<vmem_shared>>
      tpu.wait_indirect_dma semaphore(%run_scoped3A : memref<!tpu.dma_semaphore, #tpu.memory_space<semaphore_mem>>) src(%arg11 : memref<128x128xf32, #tpu.memory_space<vmem>>) dst(%dma_wait3A_658 : memref<10112x128xf32, #tpu.memory_space<vmem_shared>>)
      tpu.yield
    }) : () -> ()
    %mul3A_227 = arith.constant 640 : i32
    %mul3A_228 = arith.muli %arg1, %mul3A_227 : i32
    %add3A_229 = arith.constant 384 : i32
    %add3A_230 = arith.addi %mul3A_228, %add3A_229 : i32
    %add3A_231 = arith.constant 0 : i32
    %add3A_232 = arith.addi %add3A_230, %add3A_231 : i32
    %iota3A_233 = tpu.iota {dimensions = array<i32: 0>} : vector<16xi32>
    %add3A_234 = vector.broadcast %add3A_232 : i32 to vector<16xi32>
    %add3A_235 = arith.addi %add3A_234, %iota3A_233 : vector<16xi32>
    %swap3A_236 = arith.constant 0 : index
    %swap3A_237 = tpu.vector_load %arg9[%swap3A_236] {strides = array<i32>} : memref<128xi32, #tpu.memory_space<vmem>>, vector<16xi32>,
    %swap3A_238 = vector.shape_cast %swap3A_237 : vector<16xi32> to vector<16xi32>
    %swap3A_239 = vector.shape_cast %add3A_235 : vector<16xi32> to vector<16xi32>
    tpu.vector_store %arg9[%swap3A_236], %swap3A_239 {strides = array<i32>} : memref<128xi32, #tpu.memory_space<vmem>>, vector<16xi32>,
    %add3A_240 = arith.constant 16 : i32
    %add3A_241 = arith.addi %add3A_230, %add3A_240 : i32
    %iota3A_242 = tpu.iota {dimensions = array<i32: 0>} : vector<16xi32>
    %add3A_243 = vector.broadcast %add3A_241 : i32 to vector<16xi32>
    %add3A_244 = arith.addi %add3A_243, %iota3A_242 : vector<16xi32>
    %swap3A_245 = arith.constant 16 : index
    %swap3A_246 = tpu.vector_load %arg9[%swap3A_245] {strides = array<i32>} : memref<128xi32, #tpu.memory_space<vmem>>, vector<16xi32>,
    %swap3A_247 = vector.shape_cast %swap3A_246 : vector<16xi32> to vector<16xi32>
    %swap3A_248 = vector.shape_cast %add3A_244 : vector<16xi32> to vector<16xi32>
    tpu.vector_store %arg9[%swap3A_245], %swap3A_248 {strides = array<i32>} : memref<128xi32, #tpu.memory_space<vmem>>, vector<16xi32>,
    %add3A_249 = arith.constant 32 : i32
    %add3A_250 = arith.addi %add3A_230, %add3A_249 : i32
    %iota3A_251 = tpu.iota {dimensions = array<i32: 0>} : vector<16xi32>
    %add3A_252 = vector.broadcast %add3A_250 : i32 to vector<16xi32>
    %add3A_253 = arith.addi %add3A_252, %iota3A_251 : vector<16xi32>
    %swap3A_254 = arith.constant 32 : index
    %swap3A_255 = tpu.vector_load %arg9[%swap3A_254] {strides = array<i32>} : memref<128xi32, #tpu.memory_space<vmem>>, vector<16xi32>,
    %swap3A_256 = vector.shape_cast %swap3A_255 : vector<16xi32> to vector<16xi32>
    %swap3A_257 = vector.shape_cast %add3A_253 : vector<16xi32> to vector<16xi32>
    tpu.vector_store %arg9[%swap3A_254], %swap3A_257 {strides = array<i32>} : memref<128xi32, #tpu.memory_space<vmem>>, vector<16xi32>,
    %add3A_258 = arith.constant 48 : i32
    %add3A_259 = arith.addi %add3A_230, %add3A_258 : i32
    %iota3A_260 = tpu.iota {dimensions = array<i32: 0>} : vector<16xi32>
    %add3A_261 = vector.broadcast %add3A_259 : i32 to vector<16xi32>
    %add3A_262 = arith.addi %add3A_261, %iota3A_260 : vector<16xi32>
    %swap3A_263 = arith.constant 48 : index
    %swap3A_264 = tpu.vector_load %arg9[%swap3A_263] {strides = array<i32>} : memref<128xi32, #tpu.memory_space<vmem>>, vector<16xi32>,
    %swap3A_265 = vector.shape_cast %swap3A_264 : vector<16xi32> to vector<16xi32>
    %swap3A_266 = vector.shape_cast %add3A_262 : vector<16xi32> to vector<16xi32>
    tpu.vector_store %arg9[%swap3A_263], %swap3A_266 {strides = array<i32>} : memref<128xi32, #tpu.memory_space<vmem>>, vector<16xi32>,
    %add3A_267 = arith.constant 64 : i32
    %add3A_268 = arith.addi %add3A_230, %add3A_267 : i32
    %iota3A_269 = tpu.iota {dimensions = array<i32: 0>} : vector<16xi32>
    %add3A_270 = vector.broadcast %add3A_268 : i32 to vector<16xi32>
    %add3A_271 = arith.addi %add3A_270, %iota3A_269 : vector<16xi32>
    %swap3A_272 = arith.constant 64 : index
    %swap3A_273 = tpu.vector_load %arg9[%swap3A_272] {strides = array<i32>} : memref<128xi32, #tpu.memory_space<vmem>>, vector<16xi32>,
    %swap3A_274 = vector.shape_cast %swap3A_273 : vector<16xi32> to vector<16xi32>
    %swap3A_275 = vector.shape_cast %add3A_271 : vector<16xi32> to vector<16xi32>
    tpu.vector_store %arg9[%swap3A_272], %swap3A_275 {strides = array<i32>} : memref<128xi32, #tpu.memory_space<vmem>>, vector<16xi32>,
    %add3A_276 = arith.constant 80 : i32
    %add3A_277 = arith.addi %add3A_230, %add3A_276 : i32
    %iota3A_278 = tpu.iota {dimensions = array<i32: 0>} : vector<16xi32>
    %add3A_279 = vector.broadcast %add3A_277 : i32 to vector<16xi32>
    %add3A_280 = arith.addi %add3A_279, %iota3A_278 : vector<16xi32>
    %swap3A_281 = arith.constant 80 : index
    %swap3A_282 = tpu.vector_load %arg9[%swap3A_281] {strides = array<i32>} : memref<128xi32, #tpu.memory_space<vmem>>, vector<16xi32>,
    %swap3A_283 = vector.shape_cast %swap3A_282 : vector<16xi32> to vector<16xi32>
    %swap3A_284 = vector.shape_cast %add3A_280 : vector<16xi32> to vector<16xi32>
    tpu.vector_store %arg9[%swap3A_281], %swap3A_284 {strides = array<i32>} : memref<128xi32, #tpu.memory_space<vmem>>, vector<16xi32>,
    %add3A_285 = arith.constant 96 : i32
    %add3A_286 = arith.addi %add3A_230, %add3A_285 : i32
    %iota3A_287 = tpu.iota {dimensions = array<i32: 0>} : vector<16xi32>
    %add3A_288 = vector.broadcast %add3A_286 : i32 to vector<16xi32>
    %add3A_289 = arith.addi %add3A_288, %iota3A_287 : vector<16xi32>
    %swap3A_290 = arith.constant 96 : index
    %swap3A_291 = tpu.vector_load %arg9[%swap3A_290] {strides = array<i32>} : memref<128xi32, #tpu.memory_space<vmem>>, vector<16xi32>,
    %swap3A_292 = vector.shape_cast %swap3A_291 : vector<16xi32> to vector<16xi32>
    %swap3A_293 = vector.shape_cast %add3A_289 : vector<16xi32> to vector<16xi32>
    tpu.vector_store %arg9[%swap3A_290], %swap3A_293 {strides = array<i32>} : memref<128xi32, #tpu.memory_space<vmem>>, vector<16xi32>,
    %add3A_294 = arith.constant 112 : i32
    %add3A_295 = arith.addi %add3A_230, %add3A_294 : i32
    %iota3A_296 = tpu.iota {dimensions = array<i32: 0>} : vector<16xi32>
    %add3A_297 = vector.broadcast %add3A_295 : i32 to vector<16xi32>
    %add3A_298 = arith.addi %add3A_297, %iota3A_296 : vector<16xi32>
    %swap3A_299 = arith.constant 112 : index
    %swap3A_300 = tpu.vector_load %arg9[%swap3A_299] {strides = array<i32>} : memref<128xi32, #tpu.memory_space<vmem>>, vector<16xi32>,
    %swap3A_301 = vector.shape_cast %swap3A_300 : vector<16xi32> to vector<16xi32>
    %swap3A_302 = vector.shape_cast %add3A_298 : vector<16xi32> to vector<16xi32>
    tpu.vector_store %arg9[%swap3A_299], %swap3A_302 {strides = array<i32>} : memref<128xi32, #tpu.memory_space<vmem>>, vector<16xi32>,
    "tpu.region"() ({
      %run_scoped3A = tpu.sem_alloc : memref<!tpu.dma_semaphore, #tpu.memory_space<semaphore_mem>>
      %dma_start3A_653 = arith.constant 0 : i32
      %dma_start3A_654 = arith.constant 0 : i32
      %dma_start3A_655 = tpu.memref_slice %arg13[%dma_start3A_653, %dma_start3A_654] : memref<10112x128xf32, #tpu.memory_space<vmem_shared>> -> memref<10112x128xf32, #tpu.memory_space<vmem_shared>>
      tpu.enqueue_indirect_dma source(%arg11 : memref<128x128xf32, #tpu.memory_space<vmem>>) target(%dma_start3A_655 : memref<10112x128xf32, #tpu.memory_space<vmem_shared>>) offsets(%arg9 : memref<128xi32, #tpu.memory_space<vmem>>) semaphore(%run_scoped3A : memref<!tpu.dma_semaphore, #tpu.memory_space<semaphore_mem>>)
      %dma_wait3A_656 = arith.constant 0 : i32
      %dma_wait3A_657 = arith.constant 0 : i32
      %dma_wait3A_658 = tpu.memref_slice %arg13[%dma_wait3A_656, %dma_wait3A_657] : memref<10112x128xf32, #tpu.memory_space<vmem_shared>> -> memref<10112x128xf32, #tpu.memory_space<vmem_shared>>
      tpu.wait_indirect_dma semaphore(%run_scoped3A : memref<!tpu.dma_semaphore, #tpu.memory_space<semaphore_mem>>) src(%arg11 : memref<128x128xf32, #tpu.memory_space<vmem>>) dst(%dma_wait3A_658 : memref<10112x128xf32, #tpu.memory_space<vmem_shared>>)
      tpu.yield
    }) : () -> ()
    %lt3A = arith.constant 15 : i32
    %lt3A_303 = arith.cmpi slt, %arg1, %lt3A : i32
    %convert_element_type3A = arith.extui %lt3A_303 : i1 to i32
    %cond3A = arith.constant 0 : i32
    %cond3A_304 = arith.cmpi ne, %convert_element_type3A, %cond3A : i32
    scf.if %cond3A_304 {
      %mul3A_653 = arith.constant 640 : i32
      %mul3A_654 = arith.muli %arg1, %mul3A_653 : i32
      %add3A_655 = arith.constant 512 : i32
      %add3A_656 = arith.addi %mul3A_654, %add3A_655 : i32
      %add3A_657 = arith.constant 0 : i32
      %add3A_658 = arith.addi %add3A_656, %add3A_657 : i32
      %iota3A_659 = tpu.iota {dimensions = array<i32: 0>} : vector<16xi32>
      %add3A_660 = vector.broadcast %add3A_658 : i32 to vector<16xi32>
      %add3A_661 = arith.addi %add3A_660, %iota3A_659 : vector<16xi32>
      %swap3A_662 = arith.constant 0 : index
      %swap3A_663 = tpu.vector_load %arg9[%swap3A_662] {strides = array<i32>} : memref<128xi32, #tpu.memory_space<vmem>>, vector<16xi32>,
      %swap3A_664 = vector.shape_cast %swap3A_663 : vector<16xi32> to vector<16xi32>
      %swap3A_665 = vector.shape_cast %add3A_661 : vector<16xi32> to vector<16xi32>
      tpu.vector_store %arg9[%swap3A_662], %swap3A_665 {strides = array<i32>} : memref<128xi32, #tpu.memory_space<vmem>>, vector<16xi32>,
      %add3A_666 = arith.constant 16 : i32
      %add3A_667 = arith.addi %add3A_656, %add3A_666 : i32
      %iota3A_668 = tpu.iota {dimensions = array<i32: 0>} : vector<16xi32>
      %add3A_669 = vector.broadcast %add3A_667 : i32 to vector<16xi32>
      %add3A_670 = arith.addi %add3A_669, %iota3A_668 : vector<16xi32>
      %swap3A_671 = arith.constant 16 : index
      %swap3A_672 = tpu.vector_load %arg9[%swap3A_671] {strides = array<i32>} : memref<128xi32, #tpu.memory_space<vmem>>, vector<16xi32>,
      %swap3A_673 = vector.shape_cast %swap3A_672 : vector<16xi32> to vector<16xi32>
      %swap3A_674 = vector.shape_cast %add3A_670 : vector<16xi32> to vector<16xi32>
      tpu.vector_store %arg9[%swap3A_671], %swap3A_674 {strides = array<i32>} : memref<128xi32, #tpu.memory_space<vmem>>, vector<16xi32>,
      %add3A_675 = arith.constant 32 : i32
      %add3A_676 = arith.addi %add3A_656, %add3A_675 : i32
      %iota3A_677 = tpu.iota {dimensions = array<i32: 0>} : vector<16xi32>
      %add3A_678 = vector.broadcast %add3A_676 : i32 to vector<16xi32>
      %add3A_679 = arith.addi %add3A_678, %iota3A_677 : vector<16xi32>
      %swap3A_680 = arith.constant 32 : index
      %swap3A_681 = tpu.vector_load %arg9[%swap3A_680] {strides = array<i32>} : memref<128xi32, #tpu.memory_space<vmem>>, vector<16xi32>,
      %swap3A_682 = vector.shape_cast %swap3A_681 : vector<16xi32> to vector<16xi32>
      %swap3A_683 = vector.shape_cast %add3A_679 : vector<16xi32> to vector<16xi32>
      tpu.vector_store %arg9[%swap3A_680], %swap3A_683 {strides = array<i32>} : memref<128xi32, #tpu.memory_space<vmem>>, vector<16xi32>,
      %add3A_684 = arith.constant 48 : i32
      %add3A_685 = arith.addi %add3A_656, %add3A_684 : i32
      %iota3A_686 = tpu.iota {dimensions = array<i32: 0>} : vector<16xi32>
      %add3A_687 = vector.broadcast %add3A_685 : i32 to vector<16xi32>
      %add3A_688 = arith.addi %add3A_687, %iota3A_686 : vector<16xi32>
      %swap3A_689 = arith.constant 48 : index
      %swap3A_690 = tpu.vector_load %arg9[%swap3A_689] {strides = array<i32>} : memref<128xi32, #tpu.memory_space<vmem>>, vector<16xi32>,
      %swap3A_691 = vector.shape_cast %swap3A_690 : vector<16xi32> to vector<16xi32>
      %swap3A_692 = vector.shape_cast %add3A_688 : vector<16xi32> to vector<16xi32>
      tpu.vector_store %arg9[%swap3A_689], %swap3A_692 {strides = array<i32>} : memref<128xi32, #tpu.memory_space<vmem>>, vector<16xi32>,
      %add3A_693 = arith.constant 64 : i32
      %add3A_694 = arith.addi %add3A_656, %add3A_693 : i32
      %iota3A_695 = tpu.iota {dimensions = array<i32: 0>} : vector<16xi32>
      %add3A_696 = vector.broadcast %add3A_694 : i32 to vector<16xi32>
      %add3A_697 = arith.addi %add3A_696, %iota3A_695 : vector<16xi32>
      %swap3A_698 = arith.constant 64 : index
      %swap3A_699 = tpu.vector_load %arg9[%swap3A_698] {strides = array<i32>} : memref<128xi32, #tpu.memory_space<vmem>>, vector<16xi32>,
      %swap3A_700 = vector.shape_cast %swap3A_699 : vector<16xi32> to vector<16xi32>
      %swap3A_701 = vector.shape_cast %add3A_697 : vector<16xi32> to vector<16xi32>
      tpu.vector_store %arg9[%swap3A_698], %swap3A_701 {strides = array<i32>} : memref<128xi32, #tpu.memory_space<vmem>>, vector<16xi32>,
      %add3A_702 = arith.constant 80 : i32
      %add3A_703 = arith.addi %add3A_656, %add3A_702 : i32
      %iota3A_704 = tpu.iota {dimensions = array<i32: 0>} : vector<16xi32>
      %add3A_705 = vector.broadcast %add3A_703 : i32 to vector<16xi32>
      %add3A_706 = arith.addi %add3A_705, %iota3A_704 : vector<16xi32>
      %swap3A_707 = arith.constant 80 : index
      %swap3A_708 = tpu.vector_load %arg9[%swap3A_707] {strides = array<i32>} : memref<128xi32, #tpu.memory_space<vmem>>, vector<16xi32>,
      %swap3A_709 = vector.shape_cast %swap3A_708 : vector<16xi32> to vector<16xi32>
      %swap3A_710 = vector.shape_cast %add3A_706 : vector<16xi32> to vector<16xi32>
      tpu.vector_store %arg9[%swap3A_707], %swap3A_710 {strides = array<i32>} : memref<128xi32, #tpu.memory_space<vmem>>, vector<16xi32>,
      %add3A_711 = arith.constant 96 : i32
      %add3A_712 = arith.addi %add3A_656, %add3A_711 : i32
      %iota3A_713 = tpu.iota {dimensions = array<i32: 0>} : vector<16xi32>
      %add3A_714 = vector.broadcast %add3A_712 : i32 to vector<16xi32>
      %add3A_715 = arith.addi %add3A_714, %iota3A_713 : vector<16xi32>
      %swap3A_716 = arith.constant 96 : index
      %swap3A_717 = tpu.vector_load %arg9[%swap3A_716] {strides = array<i32>} : memref<128xi32, #tpu.memory_space<vmem>>, vector<16xi32>,
      %swap3A_718 = vector.shape_cast %swap3A_717 : vector<16xi32> to vector<16xi32>
      %swap3A_719 = vector.shape_cast %add3A_715 : vector<16xi32> to vector<16xi32>
      tpu.vector_store %arg9[%swap3A_716], %swap3A_719 {strides = array<i32>} : memref<128xi32, #tpu.memory_space<vmem>>, vector<16xi32>,
      %add3A_720 = arith.constant 112 : i32
      %add3A_721 = arith.addi %add3A_656, %add3A_720 : i32
      %iota3A_722 = tpu.iota {dimensions = array<i32: 0>} : vector<16xi32>
      %add3A_723 = vector.broadcast %add3A_721 : i32 to vector<16xi32>
      %add3A_724 = arith.addi %add3A_723, %iota3A_722 : vector<16xi32>
      %swap3A_725 = arith.constant 112 : index
      %swap3A_726 = tpu.vector_load %arg9[%swap3A_725] {strides = array<i32>} : memref<128xi32, #tpu.memory_space<vmem>>, vector<16xi32>,
      %swap3A_727 = vector.shape_cast %swap3A_726 : vector<16xi32> to vector<16xi32>
      %swap3A_728 = vector.shape_cast %add3A_724 : vector<16xi32> to vector<16xi32>
      tpu.vector_store %arg9[%swap3A_725], %swap3A_728 {strides = array<i32>} : memref<128xi32, #tpu.memory_space<vmem>>, vector<16xi32>,
      "tpu.region"() ({
        %run_scoped3A = tpu.sem_alloc : memref<!tpu.dma_semaphore, #tpu.memory_space<semaphore_mem>>
        %dma_start3A_729 = arith.constant 0 : i32
        %dma_start3A_730 = arith.constant 0 : i32
        %dma_start3A_731 = tpu.memref_slice %arg13[%dma_start3A_729, %dma_start3A_730] : memref<10112x128xf32, #tpu.memory_space<vmem_shared>> -> memref<10112x128xf32, #tpu.memory_space<vmem_shared>>
        tpu.enqueue_indirect_dma source(%arg11 : memref<128x128xf32, #tpu.memory_space<vmem>>) target(%dma_start3A_731 : memref<10112x128xf32, #tpu.memory_space<vmem_shared>>) offsets(%arg9 : memref<128xi32, #tpu.memory_space<vmem>>) semaphore(%run_scoped3A : memref<!tpu.dma_semaphore, #tpu.memory_space<semaphore_mem>>)
        %dma_wait3A_732 = arith.constant 0 : i32
        %dma_wait3A_733 = arith.constant 0 : i32
        %dma_wait3A_734 = tpu.memref_slice %arg13[%dma_wait3A_732, %dma_wait3A_733] : memref<10112x128xf32, #tpu.memory_space<vmem_shared>> -> memref<10112x128xf32, #tpu.memory_space<vmem_shared>>
        tpu.wait_indirect_dma semaphore(%run_scoped3A : memref<!tpu.dma_semaphore, #tpu.memory_space<semaphore_mem>>) src(%arg11 : memref<128x128xf32, #tpu.memory_space<vmem>>) dst(%dma_wait3A_734 : memref<10112x128xf32, #tpu.memory_space<vmem_shared>>)
        tpu.yield
      }) : () -> ()
    } else {
    }
    "tpu.region"() ({
      %run_scoped3A = tpu.sem_alloc : memref<!tpu.dma_semaphore, #tpu.memory_space<semaphore_mem>>
      tpu.enqueue_dma source(%arg6 : memref<128x128xf32, #tpu.memory_space<hbm>>) target(%arg11 : memref<128x128xf32, #tpu.memory_space<vmem>>) target_semaphore(%run_scoped3A : memref<!tpu.dma_semaphore, #tpu.memory_space<semaphore_mem>>)
      tpu.wait_dma2 semaphore(%run_scoped3A : memref<!tpu.dma_semaphore, #tpu.memory_space<semaphore_mem>>) src(%arg6 : memref<128x128xf32, #tpu.memory_space<hbm>>) dst(%arg11 : memref<128x128xf32, #tpu.memory_space<vmem>>)
      tpu.yield
    }) : () -> ()
    "tpu.region"() ({
      %run_scoped3A = tpu.sem_alloc : memref<!tpu.dma_semaphore, #tpu.memory_space<semaphore_mem>>
      tpu.enqueue_dma source(%arg6 : memref<128x128xf32, #tpu.memory_space<hbm>>) target(%arg12 : memref<128x128xf32, #tpu.memory_space<vmem>>) target_semaphore(%run_scoped3A : memref<!tpu.dma_semaphore, #tpu.memory_space<semaphore_mem>>)
      tpu.wait_dma2 semaphore(%run_scoped3A : memref<!tpu.dma_semaphore, #tpu.memory_space<semaphore_mem>>) src(%arg6 : memref<128x128xf32, #tpu.memory_space<hbm>>) dst(%arg12 : memref<128x128xf32, #tpu.memory_space<vmem>>)
      tpu.yield
    }) : () -> ()
    %barrier3A = arith.constant 0 : index
    tpu.barrier barrier_id(%barrier3A)
    %scan3A = arith.constant 0 : i32
    %scan3A_305 = arith.constant 40 : i32
    %scan3A_306 = arith.addi %scan3A, %scan3A_305 : i32
    %scan3A_307 = arith.constant 1 : i32
    scf.for %scan3A_653 = %scan3A to %scan3A_306 step %scan3A_307  : i32 {
      %mul3A_654 = arith.constant 40 : i32
      %mul3A_655 = arith.muli %add3A, %mul3A_654 : i32
      %add3A_656 = arith.addi %mul3A_655, %scan3A_653 : i32
      %mul3A_657 = arith.constant 256 : i32
      %mul3A_658 = arith.muli %add3A_656, %mul3A_657 : i32
      "tpu.region"() ({
        %run_scoped3A = tpu.sem_alloc : memref<!tpu.dma_semaphore, #tpu.memory_space<semaphore_mem>>
        %dma_start3A_661 = tpu.memref_slice %arg4[%mul3A_658] : memref<327680xi32, #tpu.memory_space<hbm>> -> memref<128xi32, #tpu.memory_space<hbm>>
        %dma_start3A_662 = tpu.memref_slice %arg4[%mul3A_658] : memref<327680xi32, #tpu.memory_space<hbm>> -> memref<128xi32, #tpu.memory_space<hbm>>
        tpu.enqueue_dma source(%dma_start3A_662 : memref<128xi32, #tpu.memory_space<hbm>>) target(%arg9 : memref<128xi32, #tpu.memory_space<vmem>>) target_semaphore(%run_scoped3A : memref<!tpu.dma_semaphore, #tpu.memory_space<semaphore_mem>>)
        %dma_wait3A_663 = tpu.memref_slice %arg4[%mul3A_658] : memref<327680xi32, #tpu.memory_space<hbm>> -> memref<128xi32, #tpu.memory_space<hbm>>
        %dma_wait3A_664 = tpu.memref_slice %arg4[%mul3A_658] : memref<327680xi32, #tpu.memory_space<hbm>> -> memref<128xi32, #tpu.memory_space<hbm>>
        tpu.wait_dma2 semaphore(%run_scoped3A : memref<!tpu.dma_semaphore, #tpu.memory_space<semaphore_mem>>) src(%dma_wait3A_664 : memref<128xi32, #tpu.memory_space<hbm>>) dst(%arg9 : memref<128xi32, #tpu.memory_space<vmem>>)
        tpu.yield
      }) : () -> ()
      %add3A_659 = arith.constant 128 : i32
      %add3A_660 = arith.addi %mul3A_658, %add3A_659 : i32
      "tpu.region"() ({
        %run_scoped3A = tpu.sem_alloc : memref<!tpu.dma_semaphore, #tpu.memory_space<semaphore_mem>>
        %dma_start3A_661 = tpu.memref_slice %arg4[%add3A_660] : memref<327680xi32, #tpu.memory_space<hbm>> -> memref<128xi32, #tpu.memory_space<hbm>>
        %dma_start3A_662 = tpu.memref_slice %arg4[%add3A_660] : memref<327680xi32, #tpu.memory_space<hbm>> -> memref<128xi32, #tpu.memory_space<hbm>>
        tpu.enqueue_dma source(%dma_start3A_662 : memref<128xi32, #tpu.memory_space<hbm>>) target(%arg10 : memref<128xi32, #tpu.memory_space<vmem>>) target_semaphore(%run_scoped3A : memref<!tpu.dma_semaphore, #tpu.memory_space<semaphore_mem>>)
        %dma_wait3A_663 = tpu.memref_slice %arg4[%add3A_660] : memref<327680xi32, #tpu.memory_space<hbm>> -> memref<128xi32, #tpu.memory_space<hbm>>
        %dma_wait3A_664 = tpu.memref_slice %arg4[%add3A_660] : memref<327680xi32, #tpu.memory_space<hbm>> -> memref<128xi32, #tpu.memory_space<hbm>>
        tpu.wait_dma2 semaphore(%run_scoped3A : memref<!tpu.dma_semaphore, #tpu.memory_space<semaphore_mem>>) src(%dma_wait3A_664 : memref<128xi32, #tpu.memory_space<hbm>>) dst(%arg10 : memref<128xi32, #tpu.memory_space<vmem>>)
        tpu.yield
      }) : () -> ()
      "tpu.region"() ({
        %run_scoped3A = tpu.sem_alloc : memref<!tpu.dma_semaphore, #tpu.memory_space<semaphore_mem>>
        %dma_start3A_661 = arith.constant 0 : i32
        %dma_start3A_662 = arith.constant 0 : i32
        %dma_start3A_663 = tpu.memref_slice %arg13[%dma_start3A_661, %dma_start3A_662] : memref<10112x128xf32, #tpu.memory_space<vmem_shared>> -> memref<10112x128xf32, #tpu.memory_space<vmem_shared>>
        tpu.enqueue_indirect_dma source(%arg11 : memref<128x128xf32, #tpu.memory_space<vmem>>) target(%dma_start3A_663 : memref<10112x128xf32, #tpu.memory_space<vmem_shared>>) offsets(%arg9 : memref<128xi32, #tpu.memory_space<vmem>>) semaphore(%run_scoped3A : memref<!tpu.dma_semaphore, #tpu.memory_space<semaphore_mem>>) {add = true}
        %dma_wait3A_664 = arith.constant 0 : i32
        %dma_wait3A_665 = arith.constant 0 : i32
        %dma_wait3A_666 = tpu.memref_slice %arg13[%dma_wait3A_664, %dma_wait3A_665] : memref<10112x128xf32, #tpu.memory_space<vmem_shared>> -> memref<10112x128xf32, #tpu.memory_space<vmem_shared>>
        tpu.wait_indirect_dma semaphore(%run_scoped3A : memref<!tpu.dma_semaphore, #tpu.memory_space<semaphore_mem>>) src(%arg11 : memref<128x128xf32, #tpu.memory_space<vmem>>) dst(%dma_wait3A_666 : memref<10112x128xf32, #tpu.memory_space<vmem_shared>>)
        tpu.yield
      }) : () -> ()
      "tpu.region"() ({
        %run_scoped3A = tpu.sem_alloc : memref<!tpu.dma_semaphore, #tpu.memory_space<semaphore_mem>>
        %dma_start3A_661 = arith.constant 0 : i32
        %dma_start3A_662 = arith.constant 0 : i32
        %dma_start3A_663 = tpu.memref_slice %arg13[%dma_start3A_661, %dma_start3A_662] : memref<10112x128xf32, #tpu.memory_space<vmem_shared>> -> memref<10112x128xf32, #tpu.memory_space<vmem_shared>>
        tpu.enqueue_indirect_dma source(%arg12 : memref<128x128xf32, #tpu.memory_space<vmem>>) target(%dma_start3A_663 : memref<10112x128xf32, #tpu.memory_space<vmem_shared>>) offsets(%arg10 : memref<128xi32, #tpu.memory_space<vmem>>) semaphore(%run_scoped3A : memref<!tpu.dma_semaphore, #tpu.memory_space<semaphore_mem>>) {add = true}
        %dma_wait3A_664 = arith.constant 0 : i32
        %dma_wait3A_665 = arith.constant 0 : i32
        %dma_wait3A_666 = tpu.memref_slice %arg13[%dma_wait3A_664, %dma_wait3A_665] : memref<10112x128xf32, #tpu.memory_space<vmem_shared>> -> memref<10112x128xf32, #tpu.memory_space<vmem_shared>>
        tpu.wait_indirect_dma semaphore(%run_scoped3A : memref<!tpu.dma_semaphore, #tpu.memory_space<semaphore_mem>>) src(%arg12 : memref<128x128xf32, #tpu.memory_space<vmem>>) dst(%dma_wait3A_666 : memref<10112x128xf32, #tpu.memory_space<vmem_shared>>)
        tpu.yield
      }) : () -> ()
    }
    %scan3A_308 = arith.constant 40 : i32
    %barrier3A_309 = arith.constant 0 : index
    tpu.barrier barrier_id(%barrier3A_309)
    %mul3A_310 = arith.constant 640 : i32
    %mul3A_311 = arith.muli %arg1, %mul3A_310 : i32
    %add3A_312 = arith.constant 0 : i32
    %add3A_313 = arith.addi %mul3A_311, %add3A_312 : i32
    %add3A_314 = arith.constant 0 : i32
    %add3A_315 = arith.addi %add3A_313, %add3A_314 : i32
    %iota3A_316 = tpu.iota {dimensions = array<i32: 0>} : vector<16xi32>
    %add3A_317 = vector.broadcast %add3A_315 : i32 to vector<16xi32>
    %add3A_318 = arith.addi %add3A_317, %iota3A_316 : vector<16xi32>
    %swap3A_319 = arith.constant 0 : index
    %swap3A_320 = tpu.vector_load %arg9[%swap3A_319] {strides = array<i32>} : memref<128xi32, #tpu.memory_space<vmem>>, vector<16xi32>,
    %swap3A_321 = vector.shape_cast %swap3A_320 : vector<16xi32> to vector<16xi32>
    %swap3A_322 = vector.shape_cast %add3A_318 : vector<16xi32> to vector<16xi32>
    tpu.vector_store %arg9[%swap3A_319], %swap3A_322 {strides = array<i32>} : memref<128xi32, #tpu.memory_space<vmem>>, vector<16xi32>,
    %add3A_323 = arith.constant 16 : i32
    %add3A_324 = arith.addi %add3A_313, %add3A_323 : i32
    %iota3A_325 = tpu.iota {dimensions = array<i32: 0>} : vector<16xi32>
    %add3A_326 = vector.broadcast %add3A_324 : i32 to vector<16xi32>
    %add3A_327 = arith.addi %add3A_326, %iota3A_325 : vector<16xi32>
    %swap3A_328 = arith.constant 16 : index
    %swap3A_329 = tpu.vector_load %arg9[%swap3A_328] {strides = array<i32>} : memref<128xi32, #tpu.memory_space<vmem>>, vector<16xi32>,
    %swap3A_330 = vector.shape_cast %swap3A_329 : vector<16xi32> to vector<16xi32>
    %swap3A_331 = vector.shape_cast %add3A_327 : vector<16xi32> to vector<16xi32>
    tpu.vector_store %arg9[%swap3A_328], %swap3A_331 {strides = array<i32>} : memref<128xi32, #tpu.memory_space<vmem>>, vector<16xi32>,
    %add3A_332 = arith.constant 32 : i32
    %add3A_333 = arith.addi %add3A_313, %add3A_332 : i32
    %iota3A_334 = tpu.iota {dimensions = array<i32: 0>} : vector<16xi32>
    %add3A_335 = vector.broadcast %add3A_333 : i32 to vector<16xi32>
    %add3A_336 = arith.addi %add3A_335, %iota3A_334 : vector<16xi32>
    %swap3A_337 = arith.constant 32 : index
    %swap3A_338 = tpu.vector_load %arg9[%swap3A_337] {strides = array<i32>} : memref<128xi32, #tpu.memory_space<vmem>>, vector<16xi32>,
    %swap3A_339 = vector.shape_cast %swap3A_338 : vector<16xi32> to vector<16xi32>
    %swap3A_340 = vector.shape_cast %add3A_336 : vector<16xi32> to vector<16xi32>
    tpu.vector_store %arg9[%swap3A_337], %swap3A_340 {strides = array<i32>} : memref<128xi32, #tpu.memory_space<vmem>>, vector<16xi32>,
    %add3A_341 = arith.constant 48 : i32
    %add3A_342 = arith.addi %add3A_313, %add3A_341 : i32
    %iota3A_343 = tpu.iota {dimensions = array<i32: 0>} : vector<16xi32>
    %add3A_344 = vector.broadcast %add3A_342 : i32 to vector<16xi32>
    %add3A_345 = arith.addi %add3A_344, %iota3A_343 : vector<16xi32>
    %swap3A_346 = arith.constant 48 : index
    %swap3A_347 = tpu.vector_load %arg9[%swap3A_346] {strides = array<i32>} : memref<128xi32, #tpu.memory_space<vmem>>, vector<16xi32>,
    %swap3A_348 = vector.shape_cast %swap3A_347 : vector<16xi32> to vector<16xi32>
    %swap3A_349 = vector.shape_cast %add3A_345 : vector<16xi32> to vector<16xi32>
    tpu.vector_store %arg9[%swap3A_346], %swap3A_349 {strides = array<i32>} : memref<128xi32, #tpu.memory_space<vmem>>, vector<16xi32>,
    %add3A_350 = arith.constant 64 : i32
    %add3A_351 = arith.addi %add3A_313, %add3A_350 : i32
    %iota3A_352 = tpu.iota {dimensions = array<i32: 0>} : vector<16xi32>
    %add3A_353 = vector.broadcast %add3A_351 : i32 to vector<16xi32>
    %add3A_354 = arith.addi %add3A_353, %iota3A_352 : vector<16xi32>
    %swap3A_355 = arith.constant 64 : index
    %swap3A_356 = tpu.vector_load %arg9[%swap3A_355] {strides = array<i32>} : memref<128xi32, #tpu.memory_space<vmem>>, vector<16xi32>,
    %swap3A_357 = vector.shape_cast %swap3A_356 : vector<16xi32> to vector<16xi32>
    %swap3A_358 = vector.shape_cast %add3A_354 : vector<16xi32> to vector<16xi32>
    tpu.vector_store %arg9[%swap3A_355], %swap3A_358 {strides = array<i32>} : memref<128xi32, #tpu.memory_space<vmem>>, vector<16xi32>,
    %add3A_359 = arith.constant 80 : i32
    %add3A_360 = arith.addi %add3A_313, %add3A_359 : i32
    %iota3A_361 = tpu.iota {dimensions = array<i32: 0>} : vector<16xi32>
    %add3A_362 = vector.broadcast %add3A_360 : i32 to vector<16xi32>
    %add3A_363 = arith.addi %add3A_362, %iota3A_361 : vector<16xi32>
    %swap3A_364 = arith.constant 80 : index
    %swap3A_365 = tpu.vector_load %arg9[%swap3A_364] {strides = array<i32>} : memref<128xi32, #tpu.memory_space<vmem>>, vector<16xi32>,
    %swap3A_366 = vector.shape_cast %swap3A_365 : vector<16xi32> to vector<16xi32>
    %swap3A_367 = vector.shape_cast %add3A_363 : vector<16xi32> to vector<16xi32>
    tpu.vector_store %arg9[%swap3A_364], %swap3A_367 {strides = array<i32>} : memref<128xi32, #tpu.memory_space<vmem>>, vector<16xi32>,
    %add3A_368 = arith.constant 96 : i32
    %add3A_369 = arith.addi %add3A_313, %add3A_368 : i32
    %iota3A_370 = tpu.iota {dimensions = array<i32: 0>} : vector<16xi32>
    %add3A_371 = vector.broadcast %add3A_369 : i32 to vector<16xi32>
    %add3A_372 = arith.addi %add3A_371, %iota3A_370 : vector<16xi32>
    %swap3A_373 = arith.constant 96 : index
    %swap3A_374 = tpu.vector_load %arg9[%swap3A_373] {strides = array<i32>} : memref<128xi32, #tpu.memory_space<vmem>>, vector<16xi32>,
    %swap3A_375 = vector.shape_cast %swap3A_374 : vector<16xi32> to vector<16xi32>
    %swap3A_376 = vector.shape_cast %add3A_372 : vector<16xi32> to vector<16xi32>
    tpu.vector_store %arg9[%swap3A_373], %swap3A_376 {strides = array<i32>} : memref<128xi32, #tpu.memory_space<vmem>>, vector<16xi32>,
    %add3A_377 = arith.constant 112 : i32
    %add3A_378 = arith.addi %add3A_313, %add3A_377 : i32
    %iota3A_379 = tpu.iota {dimensions = array<i32: 0>} : vector<16xi32>
    %add3A_380 = vector.broadcast %add3A_378 : i32 to vector<16xi32>
    %add3A_381 = arith.addi %add3A_380, %iota3A_379 : vector<16xi32>
    %swap3A_382 = arith.constant 112 : index
    %swap3A_383 = tpu.vector_load %arg9[%swap3A_382] {strides = array<i32>} : memref<128xi32, #tpu.memory_space<vmem>>, vector<16xi32>,
    %swap3A_384 = vector.shape_cast %swap3A_383 : vector<16xi32> to vector<16xi32>
    %swap3A_385 = vector.shape_cast %add3A_381 : vector<16xi32> to vector<16xi32>
    tpu.vector_store %arg9[%swap3A_382], %swap3A_385 {strides = array<i32>} : memref<128xi32, #tpu.memory_space<vmem>>, vector<16xi32>,
    %dma_start3A = arith.constant 0 : i32
    %dma_start3A_386 = arith.constant 0 : i32
    %dma_start3A_387 = tpu.memref_slice %arg13[%dma_start3A, %dma_start3A_386] : memref<10112x128xf32, #tpu.memory_space<vmem_shared>> -> memref<10112x128xf32, #tpu.memory_space<vmem_shared>>
    tpu.enqueue_indirect_dma source(%dma_start3A_387 : memref<10112x128xf32, #tpu.memory_space<vmem_shared>>) target(%arg11 : memref<128x128xf32, #tpu.memory_space<vmem>>) offsets(%arg9 : memref<128xi32, #tpu.memory_space<vmem>>) semaphore(%arg14 : memref<!tpu.dma_semaphore, #tpu.memory_space<semaphore_mem>>)
    %dma_wait3A = arith.constant 0 : i32
    %dma_wait3A_388 = arith.constant 0 : i32
    %dma_wait3A_389 = tpu.memref_slice %arg13[%dma_wait3A, %dma_wait3A_388] : memref<10112x128xf32, #tpu.memory_space<vmem_shared>> -> memref<10112x128xf32, #tpu.memory_space<vmem_shared>>
    tpu.wait_indirect_dma semaphore(%arg14 : memref<!tpu.dma_semaphore, #tpu.memory_space<semaphore_mem>>) src(%dma_wait3A_389 : memref<10112x128xf32, #tpu.memory_space<vmem_shared>>) dst(%arg11 : memref<128x128xf32, #tpu.memory_space<vmem>>)
    %mul3A_390 = arith.constant 10112 : i32
    %mul3A_391 = arith.muli %arg0, %mul3A_390 : i32
    %add3A_392 = arith.addi %mul3A_391, %add3A_313 : i32
    "tpu.region"() ({
      %run_scoped3A = tpu.sem_alloc : memref<!tpu.dma_semaphore, #tpu.memory_space<semaphore_mem>>
      %dma_start3A_653 = arith.constant 0 : i32
      %dma_start3A_654 = tpu.memref_slice %arg7[%add3A_392, %dma_start3A_653] : memref<20224x128xf32, #tpu.memory_space<hbm>> -> memref<128x128xf32, #tpu.memory_space<hbm>>
      %dma_start3A_655 = arith.constant 0 : i32
      %dma_start3A_656 = tpu.memref_slice %arg7[%add3A_392, %dma_start3A_655] : memref<20224x128xf32, #tpu.memory_space<hbm>> -> memref<128x128xf32, #tpu.memory_space<hbm>>
      tpu.enqueue_dma source(%arg11 : memref<128x128xf32, #tpu.memory_space<vmem>>) target(%dma_start3A_656 : memref<128x128xf32, #tpu.memory_space<hbm>>) target_semaphore(%run_scoped3A : memref<!tpu.dma_semaphore, #tpu.memory_space<semaphore_mem>>)
      %dma_wait3A_657 = arith.constant 0 : i32
      %dma_wait3A_658 = tpu.memref_slice %arg7[%add3A_392, %dma_wait3A_657] : memref<20224x128xf32, #tpu.memory_space<hbm>> -> memref<128x128xf32, #tpu.memory_space<hbm>>
      %dma_wait3A_659 = arith.constant 0 : i32
      %dma_wait3A_660 = tpu.memref_slice %arg7[%add3A_392, %dma_wait3A_659] : memref<20224x128xf32, #tpu.memory_space<hbm>> -> memref<128x128xf32, #tpu.memory_space<hbm>>
      tpu.wait_dma2 semaphore(%run_scoped3A : memref<!tpu.dma_semaphore, #tpu.memory_space<semaphore_mem>>) src(%arg11 : memref<128x128xf32, #tpu.memory_space<vmem>>) dst(%dma_wait3A_660 : memref<128x128xf32, #tpu.memory_space<hbm>>)
      tpu.yield
    }) : () -> ()
    %mul3A_393 = arith.constant 640 : i32
    %mul3A_394 = arith.muli %arg1, %mul3A_393 : i32
    %add3A_395 = arith.constant 128 : i32
    %add3A_396 = arith.addi %mul3A_394, %add3A_395 : i32
    %add3A_397 = arith.constant 0 : i32
    %add3A_398 = arith.addi %add3A_396, %add3A_397 : i32
    %iota3A_399 = tpu.iota {dimensions = array<i32: 0>} : vector<16xi32>
    %add3A_400 = vector.broadcast %add3A_398 : i32 to vector<16xi32>
    %add3A_401 = arith.addi %add3A_400, %iota3A_399 : vector<16xi32>
    %swap3A_402 = arith.constant 0 : index
    %swap3A_403 = tpu.vector_load %arg9[%swap3A_402] {strides = array<i32>} : memref<128xi32, #tpu.memory_space<vmem>>, vector<16xi32>,
    %swap3A_404 = vector.shape_cast %swap3A_403 : vector<16xi32> to vector<16xi32>
    %swap3A_405 = vector.shape_cast %add3A_401 : vector<16xi32> to vector<16xi32>
    tpu.vector_store %arg9[%swap3A_402], %swap3A_405 {strides = array<i32>} : memref<128xi32, #tpu.memory_space<vmem>>, vector<16xi32>,
    %add3A_406 = arith.constant 16 : i32
    %add3A_407 = arith.addi %add3A_396, %add3A_406 : i32
    %iota3A_408 = tpu.iota {dimensions = array<i32: 0>} : vector<16xi32>
    %add3A_409 = vector.broadcast %add3A_407 : i32 to vector<16xi32>
    %add3A_410 = arith.addi %add3A_409, %iota3A_408 : vector<16xi32>
    %swap3A_411 = arith.constant 16 : index
    %swap3A_412 = tpu.vector_load %arg9[%swap3A_411] {strides = array<i32>} : memref<128xi32, #tpu.memory_space<vmem>>, vector<16xi32>,
    %swap3A_413 = vector.shape_cast %swap3A_412 : vector<16xi32> to vector<16xi32>
    %swap3A_414 = vector.shape_cast %add3A_410 : vector<16xi32> to vector<16xi32>
    tpu.vector_store %arg9[%swap3A_411], %swap3A_414 {strides = array<i32>} : memref<128xi32, #tpu.memory_space<vmem>>, vector<16xi32>,
    %add3A_415 = arith.constant 32 : i32
    %add3A_416 = arith.addi %add3A_396, %add3A_415 : i32
    %iota3A_417 = tpu.iota {dimensions = array<i32: 0>} : vector<16xi32>
    %add3A_418 = vector.broadcast %add3A_416 : i32 to vector<16xi32>
    %add3A_419 = arith.addi %add3A_418, %iota3A_417 : vector<16xi32>
    %swap3A_420 = arith.constant 32 : index
    %swap3A_421 = tpu.vector_load %arg9[%swap3A_420] {strides = array<i32>} : memref<128xi32, #tpu.memory_space<vmem>>, vector<16xi32>,
    %swap3A_422 = vector.shape_cast %swap3A_421 : vector<16xi32> to vector<16xi32>
    %swap3A_423 = vector.shape_cast %add3A_419 : vector<16xi32> to vector<16xi32>
    tpu.vector_store %arg9[%swap3A_420], %swap3A_423 {strides = array<i32>} : memref<128xi32, #tpu.memory_space<vmem>>, vector<16xi32>,
    %add3A_424 = arith.constant 48 : i32
    %add3A_425 = arith.addi %add3A_396, %add3A_424 : i32
    %iota3A_426 = tpu.iota {dimensions = array<i32: 0>} : vector<16xi32>
    %add3A_427 = vector.broadcast %add3A_425 : i32 to vector<16xi32>
    %add3A_428 = arith.addi %add3A_427, %iota3A_426 : vector<16xi32>
    %swap3A_429 = arith.constant 48 : index
    %swap3A_430 = tpu.vector_load %arg9[%swap3A_429] {strides = array<i32>} : memref<128xi32, #tpu.memory_space<vmem>>, vector<16xi32>,
    %swap3A_431 = vector.shape_cast %swap3A_430 : vector<16xi32> to vector<16xi32>
    %swap3A_432 = vector.shape_cast %add3A_428 : vector<16xi32> to vector<16xi32>
    tpu.vector_store %arg9[%swap3A_429], %swap3A_432 {strides = array<i32>} : memref<128xi32, #tpu.memory_space<vmem>>, vector<16xi32>,
    %add3A_433 = arith.constant 64 : i32
    %add3A_434 = arith.addi %add3A_396, %add3A_433 : i32
    %iota3A_435 = tpu.iota {dimensions = array<i32: 0>} : vector<16xi32>
    %add3A_436 = vector.broadcast %add3A_434 : i32 to vector<16xi32>
    %add3A_437 = arith.addi %add3A_436, %iota3A_435 : vector<16xi32>
    %swap3A_438 = arith.constant 64 : index
    %swap3A_439 = tpu.vector_load %arg9[%swap3A_438] {strides = array<i32>} : memref<128xi32, #tpu.memory_space<vmem>>, vector<16xi32>,
    %swap3A_440 = vector.shape_cast %swap3A_439 : vector<16xi32> to vector<16xi32>
    %swap3A_441 = vector.shape_cast %add3A_437 : vector<16xi32> to vector<16xi32>
    tpu.vector_store %arg9[%swap3A_438], %swap3A_441 {strides = array<i32>} : memref<128xi32, #tpu.memory_space<vmem>>, vector<16xi32>,
    %add3A_442 = arith.constant 80 : i32
    %add3A_443 = arith.addi %add3A_396, %add3A_442 : i32
    %iota3A_444 = tpu.iota {dimensions = array<i32: 0>} : vector<16xi32>
    %add3A_445 = vector.broadcast %add3A_443 : i32 to vector<16xi32>
    %add3A_446 = arith.addi %add3A_445, %iota3A_444 : vector<16xi32>
    %swap3A_447 = arith.constant 80 : index
    %swap3A_448 = tpu.vector_load %arg9[%swap3A_447] {strides = array<i32>} : memref<128xi32, #tpu.memory_space<vmem>>, vector<16xi32>,
    %swap3A_449 = vector.shape_cast %swap3A_448 : vector<16xi32> to vector<16xi32>
    %swap3A_450 = vector.shape_cast %add3A_446 : vector<16xi32> to vector<16xi32>
    tpu.vector_store %arg9[%swap3A_447], %swap3A_450 {strides = array<i32>} : memref<128xi32, #tpu.memory_space<vmem>>, vector<16xi32>,
    %add3A_451 = arith.constant 96 : i32
    %add3A_452 = arith.addi %add3A_396, %add3A_451 : i32
    %iota3A_453 = tpu.iota {dimensions = array<i32: 0>} : vector<16xi32>
    %add3A_454 = vector.broadcast %add3A_452 : i32 to vector<16xi32>
    %add3A_455 = arith.addi %add3A_454, %iota3A_453 : vector<16xi32>
    %swap3A_456 = arith.constant 96 : index
    %swap3A_457 = tpu.vector_load %arg9[%swap3A_456] {strides = array<i32>} : memref<128xi32, #tpu.memory_space<vmem>>, vector<16xi32>,
    %swap3A_458 = vector.shape_cast %swap3A_457 : vector<16xi32> to vector<16xi32>
    %swap3A_459 = vector.shape_cast %add3A_455 : vector<16xi32> to vector<16xi32>
    tpu.vector_store %arg9[%swap3A_456], %swap3A_459 {strides = array<i32>} : memref<128xi32, #tpu.memory_space<vmem>>, vector<16xi32>,
    %add3A_460 = arith.constant 112 : i32
    %add3A_461 = arith.addi %add3A_396, %add3A_460 : i32
    %iota3A_462 = tpu.iota {dimensions = array<i32: 0>} : vector<16xi32>
    %add3A_463 = vector.broadcast %add3A_461 : i32 to vector<16xi32>
    %add3A_464 = arith.addi %add3A_463, %iota3A_462 : vector<16xi32>
    %swap3A_465 = arith.constant 112 : index
    %swap3A_466 = tpu.vector_load %arg9[%swap3A_465] {strides = array<i32>} : memref<128xi32, #tpu.memory_space<vmem>>, vector<16xi32>,
    %swap3A_467 = vector.shape_cast %swap3A_466 : vector<16xi32> to vector<16xi32>
    %swap3A_468 = vector.shape_cast %add3A_464 : vector<16xi32> to vector<16xi32>
    tpu.vector_store %arg9[%swap3A_465], %swap3A_468 {strides = array<i32>} : memref<128xi32, #tpu.memory_space<vmem>>, vector<16xi32>,
    %dma_start3A_469 = arith.constant 0 : i32
    %dma_start3A_470 = arith.constant 0 : i32
    %dma_start3A_471 = tpu.memref_slice %arg13[%dma_start3A_469, %dma_start3A_470] : memref<10112x128xf32, #tpu.memory_space<vmem_shared>> -> memref<10112x128xf32, #tpu.memory_space<vmem_shared>>
    tpu.enqueue_indirect_dma source(%dma_start3A_471 : memref<10112x128xf32, #tpu.memory_space<vmem_shared>>) target(%arg11 : memref<128x128xf32, #tpu.memory_space<vmem>>) offsets(%arg9 : memref<128xi32, #tpu.memory_space<vmem>>) semaphore(%arg14 : memref<!tpu.dma_semaphore, #tpu.memory_space<semaphore_mem>>)
    %dma_wait3A_472 = arith.constant 0 : i32
    %dma_wait3A_473 = arith.constant 0 : i32
    %dma_wait3A_474 = tpu.memref_slice %arg13[%dma_wait3A_472, %dma_wait3A_473] : memref<10112x128xf32, #tpu.memory_space<vmem_shared>> -> memref<10112x128xf32, #tpu.memory_space<vmem_shared>>
    tpu.wait_indirect_dma semaphore(%arg14 : memref<!tpu.dma_semaphore, #tpu.memory_space<semaphore_mem>>) src(%dma_wait3A_474 : memref<10112x128xf32, #tpu.memory_space<vmem_shared>>) dst(%arg11 : memref<128x128xf32, #tpu.memory_space<vmem>>)
    %mul3A_475 = arith.constant 10112 : i32
    %mul3A_476 = arith.muli %arg0, %mul3A_475 : i32
    %add3A_477 = arith.addi %mul3A_476, %add3A_396 : i32
    "tpu.region"() ({
      %run_scoped3A = tpu.sem_alloc : memref<!tpu.dma_semaphore, #tpu.memory_space<semaphore_mem>>
      %dma_start3A_653 = arith.constant 0 : i32
      %dma_start3A_654 = tpu.memref_slice %arg7[%add3A_477, %dma_start3A_653] : memref<20224x128xf32, #tpu.memory_space<hbm>> -> memref<128x128xf32, #tpu.memory_space<hbm>>
      %dma_start3A_655 = arith.constant 0 : i32
      %dma_start3A_656 = tpu.memref_slice %arg7[%add3A_477, %dma_start3A_655] : memref<20224x128xf32, #tpu.memory_space<hbm>> -> memref<128x128xf32, #tpu.memory_space<hbm>>
      tpu.enqueue_dma source(%arg11 : memref<128x128xf32, #tpu.memory_space<vmem>>) target(%dma_start3A_656 : memref<128x128xf32, #tpu.memory_space<hbm>>) target_semaphore(%run_scoped3A : memref<!tpu.dma_semaphore, #tpu.memory_space<semaphore_mem>>)
      %dma_wait3A_657 = arith.constant 0 : i32
      %dma_wait3A_658 = tpu.memref_slice %arg7[%add3A_477, %dma_wait3A_657] : memref<20224x128xf32, #tpu.memory_space<hbm>> -> memref<128x128xf32, #tpu.memory_space<hbm>>
      %dma_wait3A_659 = arith.constant 0 : i32
      %dma_wait3A_660 = tpu.memref_slice %arg7[%add3A_477, %dma_wait3A_659] : memref<20224x128xf32, #tpu.memory_space<hbm>> -> memref<128x128xf32, #tpu.memory_space<hbm>>
      tpu.wait_dma2 semaphore(%run_scoped3A : memref<!tpu.dma_semaphore, #tpu.memory_space<semaphore_mem>>) src(%arg11 : memref<128x128xf32, #tpu.memory_space<vmem>>) dst(%dma_wait3A_660 : memref<128x128xf32, #tpu.memory_space<hbm>>)
      tpu.yield
    }) : () -> ()
    %mul3A_478 = arith.constant 640 : i32
    %mul3A_479 = arith.muli %arg1, %mul3A_478 : i32
    %add3A_480 = arith.constant 256 : i32
    %add3A_481 = arith.addi %mul3A_479, %add3A_480 : i32
    %add3A_482 = arith.constant 0 : i32
    %add3A_483 = arith.addi %add3A_481, %add3A_482 : i32
    %iota3A_484 = tpu.iota {dimensions = array<i32: 0>} : vector<16xi32>
    %add3A_485 = vector.broadcast %add3A_483 : i32 to vector<16xi32>
    %add3A_486 = arith.addi %add3A_485, %iota3A_484 : vector<16xi32>
    %swap3A_487 = arith.constant 0 : index
    %swap3A_488 = tpu.vector_load %arg9[%swap3A_487] {strides = array<i32>} : memref<128xi32, #tpu.memory_space<vmem>>, vector<16xi32>,
    %swap3A_489 = vector.shape_cast %swap3A_488 : vector<16xi32> to vector<16xi32>
    %swap3A_490 = vector.shape_cast %add3A_486 : vector<16xi32> to vector<16xi32>
    tpu.vector_store %arg9[%swap3A_487], %swap3A_490 {strides = array<i32>} : memref<128xi32, #tpu.memory_space<vmem>>, vector<16xi32>,
    %add3A_491 = arith.constant 16 : i32
    %add3A_492 = arith.addi %add3A_481, %add3A_491 : i32
    %iota3A_493 = tpu.iota {dimensions = array<i32: 0>} : vector<16xi32>
    %add3A_494 = vector.broadcast %add3A_492 : i32 to vector<16xi32>
    %add3A_495 = arith.addi %add3A_494, %iota3A_493 : vector<16xi32>
    %swap3A_496 = arith.constant 16 : index
    %swap3A_497 = tpu.vector_load %arg9[%swap3A_496] {strides = array<i32>} : memref<128xi32, #tpu.memory_space<vmem>>, vector<16xi32>,
    %swap3A_498 = vector.shape_cast %swap3A_497 : vector<16xi32> to vector<16xi32>
    %swap3A_499 = vector.shape_cast %add3A_495 : vector<16xi32> to vector<16xi32>
    tpu.vector_store %arg9[%swap3A_496], %swap3A_499 {strides = array<i32>} : memref<128xi32, #tpu.memory_space<vmem>>, vector<16xi32>,
    %add3A_500 = arith.constant 32 : i32
    %add3A_501 = arith.addi %add3A_481, %add3A_500 : i32
    %iota3A_502 = tpu.iota {dimensions = array<i32: 0>} : vector<16xi32>
    %add3A_503 = vector.broadcast %add3A_501 : i32 to vector<16xi32>
    %add3A_504 = arith.addi %add3A_503, %iota3A_502 : vector<16xi32>
    %swap3A_505 = arith.constant 32 : index
    %swap3A_506 = tpu.vector_load %arg9[%swap3A_505] {strides = array<i32>} : memref<128xi32, #tpu.memory_space<vmem>>, vector<16xi32>,
    %swap3A_507 = vector.shape_cast %swap3A_506 : vector<16xi32> to vector<16xi32>
    %swap3A_508 = vector.shape_cast %add3A_504 : vector<16xi32> to vector<16xi32>
    tpu.vector_store %arg9[%swap3A_505], %swap3A_508 {strides = array<i32>} : memref<128xi32, #tpu.memory_space<vmem>>, vector<16xi32>,
    %add3A_509 = arith.constant 48 : i32
    %add3A_510 = arith.addi %add3A_481, %add3A_509 : i32
    %iota3A_511 = tpu.iota {dimensions = array<i32: 0>} : vector<16xi32>
    %add3A_512 = vector.broadcast %add3A_510 : i32 to vector<16xi32>
    %add3A_513 = arith.addi %add3A_512, %iota3A_511 : vector<16xi32>
    %swap3A_514 = arith.constant 48 : index
    %swap3A_515 = tpu.vector_load %arg9[%swap3A_514] {strides = array<i32>} : memref<128xi32, #tpu.memory_space<vmem>>, vector<16xi32>,
    %swap3A_516 = vector.shape_cast %swap3A_515 : vector<16xi32> to vector<16xi32>
    %swap3A_517 = vector.shape_cast %add3A_513 : vector<16xi32> to vector<16xi32>
    tpu.vector_store %arg9[%swap3A_514], %swap3A_517 {strides = array<i32>} : memref<128xi32, #tpu.memory_space<vmem>>, vector<16xi32>,
    %add3A_518 = arith.constant 64 : i32
    %add3A_519 = arith.addi %add3A_481, %add3A_518 : i32
    %iota3A_520 = tpu.iota {dimensions = array<i32: 0>} : vector<16xi32>
    %add3A_521 = vector.broadcast %add3A_519 : i32 to vector<16xi32>
    %add3A_522 = arith.addi %add3A_521, %iota3A_520 : vector<16xi32>
    %swap3A_523 = arith.constant 64 : index
    %swap3A_524 = tpu.vector_load %arg9[%swap3A_523] {strides = array<i32>} : memref<128xi32, #tpu.memory_space<vmem>>, vector<16xi32>,
    %swap3A_525 = vector.shape_cast %swap3A_524 : vector<16xi32> to vector<16xi32>
    %swap3A_526 = vector.shape_cast %add3A_522 : vector<16xi32> to vector<16xi32>
    tpu.vector_store %arg9[%swap3A_523], %swap3A_526 {strides = array<i32>} : memref<128xi32, #tpu.memory_space<vmem>>, vector<16xi32>,
    %add3A_527 = arith.constant 80 : i32
    %add3A_528 = arith.addi %add3A_481, %add3A_527 : i32
    %iota3A_529 = tpu.iota {dimensions = array<i32: 0>} : vector<16xi32>
    %add3A_530 = vector.broadcast %add3A_528 : i32 to vector<16xi32>
    %add3A_531 = arith.addi %add3A_530, %iota3A_529 : vector<16xi32>
    %swap3A_532 = arith.constant 80 : index
    %swap3A_533 = tpu.vector_load %arg9[%swap3A_532] {strides = array<i32>} : memref<128xi32, #tpu.memory_space<vmem>>, vector<16xi32>,
    %swap3A_534 = vector.shape_cast %swap3A_533 : vector<16xi32> to vector<16xi32>
    %swap3A_535 = vector.shape_cast %add3A_531 : vector<16xi32> to vector<16xi32>
    tpu.vector_store %arg9[%swap3A_532], %swap3A_535 {strides = array<i32>} : memref<128xi32, #tpu.memory_space<vmem>>, vector<16xi32>,
    %add3A_536 = arith.constant 96 : i32
    %add3A_537 = arith.addi %add3A_481, %add3A_536 : i32
    %iota3A_538 = tpu.iota {dimensions = array<i32: 0>} : vector<16xi32>
    %add3A_539 = vector.broadcast %add3A_537 : i32 to vector<16xi32>
    %add3A_540 = arith.addi %add3A_539, %iota3A_538 : vector<16xi32>
    %swap3A_541 = arith.constant 96 : index
    %swap3A_542 = tpu.vector_load %arg9[%swap3A_541] {strides = array<i32>} : memref<128xi32, #tpu.memory_space<vmem>>, vector<16xi32>,
    %swap3A_543 = vector.shape_cast %swap3A_542 : vector<16xi32> to vector<16xi32>
    %swap3A_544 = vector.shape_cast %add3A_540 : vector<16xi32> to vector<16xi32>
    tpu.vector_store %arg9[%swap3A_541], %swap3A_544 {strides = array<i32>} : memref<128xi32, #tpu.memory_space<vmem>>, vector<16xi32>,
    %add3A_545 = arith.constant 112 : i32
    %add3A_546 = arith.addi %add3A_481, %add3A_545 : i32
    %iota3A_547 = tpu.iota {dimensions = array<i32: 0>} : vector<16xi32>
    %add3A_548 = vector.broadcast %add3A_546 : i32 to vector<16xi32>
    %add3A_549 = arith.addi %add3A_548, %iota3A_547 : vector<16xi32>
    %swap3A_550 = arith.constant 112 : index
    %swap3A_551 = tpu.vector_load %arg9[%swap3A_550] {strides = array<i32>} : memref<128xi32, #tpu.memory_space<vmem>>, vector<16xi32>,
    %swap3A_552 = vector.shape_cast %swap3A_551 : vector<16xi32> to vector<16xi32>
    %swap3A_553 = vector.shape_cast %add3A_549 : vector<16xi32> to vector<16xi32>
    tpu.vector_store %arg9[%swap3A_550], %swap3A_553 {strides = array<i32>} : memref<128xi32, #tpu.memory_space<vmem>>, vector<16xi32>,
    %dma_start3A_554 = arith.constant 0 : i32
    %dma_start3A_555 = arith.constant 0 : i32
    %dma_start3A_556 = tpu.memref_slice %arg13[%dma_start3A_554, %dma_start3A_555] : memref<10112x128xf32, #tpu.memory_space<vmem_shared>> -> memref<10112x128xf32, #tpu.memory_space<vmem_shared>>
    tpu.enqueue_indirect_dma source(%dma_start3A_556 : memref<10112x128xf32, #tpu.memory_space<vmem_shared>>) target(%arg11 : memref<128x128xf32, #tpu.memory_space<vmem>>) offsets(%arg9 : memref<128xi32, #tpu.memory_space<vmem>>) semaphore(%arg14 : memref<!tpu.dma_semaphore, #tpu.memory_space<semaphore_mem>>)
    %dma_wait3A_557 = arith.constant 0 : i32
    %dma_wait3A_558 = arith.constant 0 : i32
    %dma_wait3A_559 = tpu.memref_slice %arg13[%dma_wait3A_557, %dma_wait3A_558] : memref<10112x128xf32, #tpu.memory_space<vmem_shared>> -> memref<10112x128xf32, #tpu.memory_space<vmem_shared>>
    tpu.wait_indirect_dma semaphore(%arg14 : memref<!tpu.dma_semaphore, #tpu.memory_space<semaphore_mem>>) src(%dma_wait3A_559 : memref<10112x128xf32, #tpu.memory_space<vmem_shared>>) dst(%arg11 : memref<128x128xf32, #tpu.memory_space<vmem>>)
    %mul3A_560 = arith.constant 10112 : i32
    %mul3A_561 = arith.muli %arg0, %mul3A_560 : i32
    %add3A_562 = arith.addi %mul3A_561, %add3A_481 : i32
    "tpu.region"() ({
      %run_scoped3A = tpu.sem_alloc : memref<!tpu.dma_semaphore, #tpu.memory_space<semaphore_mem>>
      %dma_start3A_653 = arith.constant 0 : i32
      %dma_start3A_654 = tpu.memref_slice %arg7[%add3A_562, %dma_start3A_653] : memref<20224x128xf32, #tpu.memory_space<hbm>> -> memref<128x128xf32, #tpu.memory_space<hbm>>
      %dma_start3A_655 = arith.constant 0 : i32
      %dma_start3A_656 = tpu.memref_slice %arg7[%add3A_562, %dma_start3A_655] : memref<20224x128xf32, #tpu.memory_space<hbm>> -> memref<128x128xf32, #tpu.memory_space<hbm>>
      tpu.enqueue_dma source(%arg11 : memref<128x128xf32, #tpu.memory_space<vmem>>) target(%dma_start3A_656 : memref<128x128xf32, #tpu.memory_space<hbm>>) target_semaphore(%run_scoped3A : memref<!tpu.dma_semaphore, #tpu.memory_space<semaphore_mem>>)
      %dma_wait3A_657 = arith.constant 0 : i32
      %dma_wait3A_658 = tpu.memref_slice %arg7[%add3A_562, %dma_wait3A_657] : memref<20224x128xf32, #tpu.memory_space<hbm>> -> memref<128x128xf32, #tpu.memory_space<hbm>>
      %dma_wait3A_659 = arith.constant 0 : i32
      %dma_wait3A_660 = tpu.memref_slice %arg7[%add3A_562, %dma_wait3A_659] : memref<20224x128xf32, #tpu.memory_space<hbm>> -> memref<128x128xf32, #tpu.memory_space<hbm>>
      tpu.wait_dma2 semaphore(%run_scoped3A : memref<!tpu.dma_semaphore, #tpu.memory_space<semaphore_mem>>) src(%arg11 : memref<128x128xf32, #tpu.memory_space<vmem>>) dst(%dma_wait3A_660 : memref<128x128xf32, #tpu.memory_space<hbm>>)
      tpu.yield
    }) : () -> ()
    %mul3A_563 = arith.constant 640 : i32
    %mul3A_564 = arith.muli %arg1, %mul3A_563 : i32
    %add3A_565 = arith.constant 384 : i32
    %add3A_566 = arith.addi %mul3A_564, %add3A_565 : i32
    %add3A_567 = arith.constant 0 : i32
    %add3A_568 = arith.addi %add3A_566, %add3A_567 : i32
    %iota3A_569 = tpu.iota {dimensions = array<i32: 0>} : vector<16xi32>
    %add3A_570 = vector.broadcast %add3A_568 : i32 to vector<16xi32>
    %add3A_571 = arith.addi %add3A_570, %iota3A_569 : vector<16xi32>
    %swap3A_572 = arith.constant 0 : index
    %swap3A_573 = tpu.vector_load %arg9[%swap3A_572] {strides = array<i32>} : memref<128xi32, #tpu.memory_space<vmem>>, vector<16xi32>,
    %swap3A_574 = vector.shape_cast %swap3A_573 : vector<16xi32> to vector<16xi32>
    %swap3A_575 = vector.shape_cast %add3A_571 : vector<16xi32> to vector<16xi32>
    tpu.vector_store %arg9[%swap3A_572], %swap3A_575 {strides = array<i32>} : memref<128xi32, #tpu.memory_space<vmem>>, vector<16xi32>,
    %add3A_576 = arith.constant 16 : i32
    %add3A_577 = arith.addi %add3A_566, %add3A_576 : i32
    %iota3A_578 = tpu.iota {dimensions = array<i32: 0>} : vector<16xi32>
    %add3A_579 = vector.broadcast %add3A_577 : i32 to vector<16xi32>
    %add3A_580 = arith.addi %add3A_579, %iota3A_578 : vector<16xi32>
    %swap3A_581 = arith.constant 16 : index
    %swap3A_582 = tpu.vector_load %arg9[%swap3A_581] {strides = array<i32>} : memref<128xi32, #tpu.memory_space<vmem>>, vector<16xi32>,
    %swap3A_583 = vector.shape_cast %swap3A_582 : vector<16xi32> to vector<16xi32>
    %swap3A_584 = vector.shape_cast %add3A_580 : vector<16xi32> to vector<16xi32>
    tpu.vector_store %arg9[%swap3A_581], %swap3A_584 {strides = array<i32>} : memref<128xi32, #tpu.memory_space<vmem>>, vector<16xi32>,
    %add3A_585 = arith.constant 32 : i32
    %add3A_586 = arith.addi %add3A_566, %add3A_585 : i32
    %iota3A_587 = tpu.iota {dimensions = array<i32: 0>} : vector<16xi32>
    %add3A_588 = vector.broadcast %add3A_586 : i32 to vector<16xi32>
    %add3A_589 = arith.addi %add3A_588, %iota3A_587 : vector<16xi32>
    %swap3A_590 = arith.constant 32 : index
    %swap3A_591 = tpu.vector_load %arg9[%swap3A_590] {strides = array<i32>} : memref<128xi32, #tpu.memory_space<vmem>>, vector<16xi32>,
    %swap3A_592 = vector.shape_cast %swap3A_591 : vector<16xi32> to vector<16xi32>
    %swap3A_593 = vector.shape_cast %add3A_589 : vector<16xi32> to vector<16xi32>
    tpu.vector_store %arg9[%swap3A_590], %swap3A_593 {strides = array<i32>} : memref<128xi32, #tpu.memory_space<vmem>>, vector<16xi32>,
    %add3A_594 = arith.constant 48 : i32
    %add3A_595 = arith.addi %add3A_566, %add3A_594 : i32
    %iota3A_596 = tpu.iota {dimensions = array<i32: 0>} : vector<16xi32>
    %add3A_597 = vector.broadcast %add3A_595 : i32 to vector<16xi32>
    %add3A_598 = arith.addi %add3A_597, %iota3A_596 : vector<16xi32>
    %swap3A_599 = arith.constant 48 : index
    %swap3A_600 = tpu.vector_load %arg9[%swap3A_599] {strides = array<i32>} : memref<128xi32, #tpu.memory_space<vmem>>, vector<16xi32>,
    %swap3A_601 = vector.shape_cast %swap3A_600 : vector<16xi32> to vector<16xi32>
    %swap3A_602 = vector.shape_cast %add3A_598 : vector<16xi32> to vector<16xi32>
    tpu.vector_store %arg9[%swap3A_599], %swap3A_602 {strides = array<i32>} : memref<128xi32, #tpu.memory_space<vmem>>, vector<16xi32>,
    %add3A_603 = arith.constant 64 : i32
    %add3A_604 = arith.addi %add3A_566, %add3A_603 : i32
    %iota3A_605 = tpu.iota {dimensions = array<i32: 0>} : vector<16xi32>
    %add3A_606 = vector.broadcast %add3A_604 : i32 to vector<16xi32>
    %add3A_607 = arith.addi %add3A_606, %iota3A_605 : vector<16xi32>
    %swap3A_608 = arith.constant 64 : index
    %swap3A_609 = tpu.vector_load %arg9[%swap3A_608] {strides = array<i32>} : memref<128xi32, #tpu.memory_space<vmem>>, vector<16xi32>,
    %swap3A_610 = vector.shape_cast %swap3A_609 : vector<16xi32> to vector<16xi32>
    %swap3A_611 = vector.shape_cast %add3A_607 : vector<16xi32> to vector<16xi32>
    tpu.vector_store %arg9[%swap3A_608], %swap3A_611 {strides = array<i32>} : memref<128xi32, #tpu.memory_space<vmem>>, vector<16xi32>,
    %add3A_612 = arith.constant 80 : i32
    %add3A_613 = arith.addi %add3A_566, %add3A_612 : i32
    %iota3A_614 = tpu.iota {dimensions = array<i32: 0>} : vector<16xi32>
    %add3A_615 = vector.broadcast %add3A_613 : i32 to vector<16xi32>
    %add3A_616 = arith.addi %add3A_615, %iota3A_614 : vector<16xi32>
    %swap3A_617 = arith.constant 80 : index
    %swap3A_618 = tpu.vector_load %arg9[%swap3A_617] {strides = array<i32>} : memref<128xi32, #tpu.memory_space<vmem>>, vector<16xi32>,
    %swap3A_619 = vector.shape_cast %swap3A_618 : vector<16xi32> to vector<16xi32>
    %swap3A_620 = vector.shape_cast %add3A_616 : vector<16xi32> to vector<16xi32>
    tpu.vector_store %arg9[%swap3A_617], %swap3A_620 {strides = array<i32>} : memref<128xi32, #tpu.memory_space<vmem>>, vector<16xi32>,
    %add3A_621 = arith.constant 96 : i32
    %add3A_622 = arith.addi %add3A_566, %add3A_621 : i32
    %iota3A_623 = tpu.iota {dimensions = array<i32: 0>} : vector<16xi32>
    %add3A_624 = vector.broadcast %add3A_622 : i32 to vector<16xi32>
    %add3A_625 = arith.addi %add3A_624, %iota3A_623 : vector<16xi32>
    %swap3A_626 = arith.constant 96 : index
    %swap3A_627 = tpu.vector_load %arg9[%swap3A_626] {strides = array<i32>} : memref<128xi32, #tpu.memory_space<vmem>>, vector<16xi32>,
    %swap3A_628 = vector.shape_cast %swap3A_627 : vector<16xi32> to vector<16xi32>
    %swap3A_629 = vector.shape_cast %add3A_625 : vector<16xi32> to vector<16xi32>
    tpu.vector_store %arg9[%swap3A_626], %swap3A_629 {strides = array<i32>} : memref<128xi32, #tpu.memory_space<vmem>>, vector<16xi32>,
    %add3A_630 = arith.constant 112 : i32
    %add3A_631 = arith.addi %add3A_566, %add3A_630 : i32
    %iota3A_632 = tpu.iota {dimensions = array<i32: 0>} : vector<16xi32>
    %add3A_633 = vector.broadcast %add3A_631 : i32 to vector<16xi32>
    %add3A_634 = arith.addi %add3A_633, %iota3A_632 : vector<16xi32>
    %swap3A_635 = arith.constant 112 : index
    %swap3A_636 = tpu.vector_load %arg9[%swap3A_635] {strides = array<i32>} : memref<128xi32, #tpu.memory_space<vmem>>, vector<16xi32>,
    %swap3A_637 = vector.shape_cast %swap3A_636 : vector<16xi32> to vector<16xi32>
    %swap3A_638 = vector.shape_cast %add3A_634 : vector<16xi32> to vector<16xi32>
    tpu.vector_store %arg9[%swap3A_635], %swap3A_638 {strides = array<i32>} : memref<128xi32, #tpu.memory_space<vmem>>, vector<16xi32>,
    %dma_start3A_639 = arith.constant 0 : i32
    %dma_start3A_640 = arith.constant 0 : i32
    %dma_start3A_641 = tpu.memref_slice %arg13[%dma_start3A_639, %dma_start3A_640] : memref<10112x128xf32, #tpu.memory_space<vmem_shared>> -> memref<10112x128xf32, #tpu.memory_space<vmem_shared>>
    tpu.enqueue_indirect_dma source(%dma_start3A_641 : memref<10112x128xf32, #tpu.memory_space<vmem_shared>>) target(%arg11 : memref<128x128xf32, #tpu.memory_space<vmem>>) offsets(%arg9 : memref<128xi32, #tpu.memory_space<vmem>>) semaphore(%arg14 : memref<!tpu.dma_semaphore, #tpu.memory_space<semaphore_mem>>)
    %dma_wait3A_642 = arith.constant 0 : i32
    %dma_wait3A_643 = arith.constant 0 : i32
    %dma_wait3A_644 = tpu.memref_slice %arg13[%dma_wait3A_642, %dma_wait3A_643] : memref<10112x128xf32, #tpu.memory_space<vmem_shared>> -> memref<10112x128xf32, #tpu.memory_space<vmem_shared>>
    tpu.wait_indirect_dma semaphore(%arg14 : memref<!tpu.dma_semaphore, #tpu.memory_space<semaphore_mem>>) src(%dma_wait3A_644 : memref<10112x128xf32, #tpu.memory_space<vmem_shared>>) dst(%arg11 : memref<128x128xf32, #tpu.memory_space<vmem>>)
    %mul3A_645 = arith.constant 10112 : i32
    %mul3A_646 = arith.muli %arg0, %mul3A_645 : i32
    %add3A_647 = arith.addi %mul3A_646, %add3A_566 : i32
    "tpu.region"() ({
      %run_scoped3A = tpu.sem_alloc : memref<!tpu.dma_semaphore, #tpu.memory_space<semaphore_mem>>
      %dma_start3A_653 = arith.constant 0 : i32
      %dma_start3A_654 = tpu.memref_slice %arg7[%add3A_647, %dma_start3A_653] : memref<20224x128xf32, #tpu.memory_space<hbm>> -> memref<128x128xf32, #tpu.memory_space<hbm>>
      %dma_start3A_655 = arith.constant 0 : i32
      %dma_start3A_656 = tpu.memref_slice %arg7[%add3A_647, %dma_start3A_655] : memref<20224x128xf32, #tpu.memory_space<hbm>> -> memref<128x128xf32, #tpu.memory_space<hbm>>
      tpu.enqueue_dma source(%arg11 : memref<128x128xf32, #tpu.memory_space<vmem>>) target(%dma_start3A_656 : memref<128x128xf32, #tpu.memory_space<hbm>>) target_semaphore(%run_scoped3A : memref<!tpu.dma_semaphore, #tpu.memory_space<semaphore_mem>>)
      %dma_wait3A_657 = arith.constant 0 : i32
      %dma_wait3A_658 = tpu.memref_slice %arg7[%add3A_647, %dma_wait3A_657] : memref<20224x128xf32, #tpu.memory_space<hbm>> -> memref<128x128xf32, #tpu.memory_space<hbm>>
      %dma_wait3A_659 = arith.constant 0 : i32
      %dma_wait3A_660 = tpu.memref_slice %arg7[%add3A_647, %dma_wait3A_659] : memref<20224x128xf32, #tpu.memory_space<hbm>> -> memref<128x128xf32, #tpu.memory_space<hbm>>
      tpu.wait_dma2 semaphore(%run_scoped3A : memref<!tpu.dma_semaphore, #tpu.memory_space<semaphore_mem>>) src(%arg11 : memref<128x128xf32, #tpu.memory_space<vmem>>) dst(%dma_wait3A_660 : memref<128x128xf32, #tpu.memory_space<hbm>>)
      tpu.yield
    }) : () -> ()
    %lt3A_648 = arith.constant 15 : i32
    %lt3A_649 = arith.cmpi slt, %arg1, %lt3A_648 : i32
    %convert_element_type3A_650 = arith.extui %lt3A_649 : i1 to i32
    %cond3A_651 = arith.constant 0 : i32
    %cond3A_652 = arith.cmpi ne, %convert_element_type3A_650, %cond3A_651 : i32
    scf.if %cond3A_652 {
      %mul3A_653 = arith.constant 640 : i32
      %mul3A_654 = arith.muli %arg1, %mul3A_653 : i32
      %add3A_655 = arith.constant 512 : i32
      %add3A_656 = arith.addi %mul3A_654, %add3A_655 : i32
      %add3A_657 = arith.constant 0 : i32
      %add3A_658 = arith.addi %add3A_656, %add3A_657 : i32
      %iota3A_659 = tpu.iota {dimensions = array<i32: 0>} : vector<16xi32>
      %add3A_660 = vector.broadcast %add3A_658 : i32 to vector<16xi32>
      %add3A_661 = arith.addi %add3A_660, %iota3A_659 : vector<16xi32>
      %swap3A_662 = arith.constant 0 : index
      %swap3A_663 = tpu.vector_load %arg9[%swap3A_662] {strides = array<i32>} : memref<128xi32, #tpu.memory_space<vmem>>, vector<16xi32>,
      %swap3A_664 = vector.shape_cast %swap3A_663 : vector<16xi32> to vector<16xi32>
      %swap3A_665 = vector.shape_cast %add3A_661 : vector<16xi32> to vector<16xi32>
      tpu.vector_store %arg9[%swap3A_662], %swap3A_665 {strides = array<i32>} : memref<128xi32, #tpu.memory_space<vmem>>, vector<16xi32>,
      %add3A_666 = arith.constant 16 : i32
      %add3A_667 = arith.addi %add3A_656, %add3A_666 : i32
      %iota3A_668 = tpu.iota {dimensions = array<i32: 0>} : vector<16xi32>
      %add3A_669 = vector.broadcast %add3A_667 : i32 to vector<16xi32>
      %add3A_670 = arith.addi %add3A_669, %iota3A_668 : vector<16xi32>
      %swap3A_671 = arith.constant 16 : index
      %swap3A_672 = tpu.vector_load %arg9[%swap3A_671] {strides = array<i32>} : memref<128xi32, #tpu.memory_space<vmem>>, vector<16xi32>,
      %swap3A_673 = vector.shape_cast %swap3A_672 : vector<16xi32> to vector<16xi32>
      %swap3A_674 = vector.shape_cast %add3A_670 : vector<16xi32> to vector<16xi32>
      tpu.vector_store %arg9[%swap3A_671], %swap3A_674 {strides = array<i32>} : memref<128xi32, #tpu.memory_space<vmem>>, vector<16xi32>,
      %add3A_675 = arith.constant 32 : i32
      %add3A_676 = arith.addi %add3A_656, %add3A_675 : i32
      %iota3A_677 = tpu.iota {dimensions = array<i32: 0>} : vector<16xi32>
      %add3A_678 = vector.broadcast %add3A_676 : i32 to vector<16xi32>
      %add3A_679 = arith.addi %add3A_678, %iota3A_677 : vector<16xi32>
      %swap3A_680 = arith.constant 32 : index
      %swap3A_681 = tpu.vector_load %arg9[%swap3A_680] {strides = array<i32>} : memref<128xi32, #tpu.memory_space<vmem>>, vector<16xi32>,
      %swap3A_682 = vector.shape_cast %swap3A_681 : vector<16xi32> to vector<16xi32>
      %swap3A_683 = vector.shape_cast %add3A_679 : vector<16xi32> to vector<16xi32>
      tpu.vector_store %arg9[%swap3A_680], %swap3A_683 {strides = array<i32>} : memref<128xi32, #tpu.memory_space<vmem>>, vector<16xi32>,
      %add3A_684 = arith.constant 48 : i32
      %add3A_685 = arith.addi %add3A_656, %add3A_684 : i32
      %iota3A_686 = tpu.iota {dimensions = array<i32: 0>} : vector<16xi32>
      %add3A_687 = vector.broadcast %add3A_685 : i32 to vector<16xi32>
      %add3A_688 = arith.addi %add3A_687, %iota3A_686 : vector<16xi32>
      %swap3A_689 = arith.constant 48 : index
      %swap3A_690 = tpu.vector_load %arg9[%swap3A_689] {strides = array<i32>} : memref<128xi32, #tpu.memory_space<vmem>>, vector<16xi32>,
      %swap3A_691 = vector.shape_cast %swap3A_690 : vector<16xi32> to vector<16xi32>
      %swap3A_692 = vector.shape_cast %add3A_688 : vector<16xi32> to vector<16xi32>
      tpu.vector_store %arg9[%swap3A_689], %swap3A_692 {strides = array<i32>} : memref<128xi32, #tpu.memory_space<vmem>>, vector<16xi32>,
      %add3A_693 = arith.constant 64 : i32
      %add3A_694 = arith.addi %add3A_656, %add3A_693 : i32
      %iota3A_695 = tpu.iota {dimensions = array<i32: 0>} : vector<16xi32>
      %add3A_696 = vector.broadcast %add3A_694 : i32 to vector<16xi32>
      %add3A_697 = arith.addi %add3A_696, %iota3A_695 : vector<16xi32>
      %swap3A_698 = arith.constant 64 : index
      %swap3A_699 = tpu.vector_load %arg9[%swap3A_698] {strides = array<i32>} : memref<128xi32, #tpu.memory_space<vmem>>, vector<16xi32>,
      %swap3A_700 = vector.shape_cast %swap3A_699 : vector<16xi32> to vector<16xi32>
      %swap3A_701 = vector.shape_cast %add3A_697 : vector<16xi32> to vector<16xi32>
      tpu.vector_store %arg9[%swap3A_698], %swap3A_701 {strides = array<i32>} : memref<128xi32, #tpu.memory_space<vmem>>, vector<16xi32>,
      %add3A_702 = arith.constant 80 : i32
      %add3A_703 = arith.addi %add3A_656, %add3A_702 : i32
      %iota3A_704 = tpu.iota {dimensions = array<i32: 0>} : vector<16xi32>
      %add3A_705 = vector.broadcast %add3A_703 : i32 to vector<16xi32>
      %add3A_706 = arith.addi %add3A_705, %iota3A_704 : vector<16xi32>
      %swap3A_707 = arith.constant 80 : index
      %swap3A_708 = tpu.vector_load %arg9[%swap3A_707] {strides = array<i32>} : memref<128xi32, #tpu.memory_space<vmem>>, vector<16xi32>,
      %swap3A_709 = vector.shape_cast %swap3A_708 : vector<16xi32> to vector<16xi32>
      %swap3A_710 = vector.shape_cast %add3A_706 : vector<16xi32> to vector<16xi32>
      tpu.vector_store %arg9[%swap3A_707], %swap3A_710 {strides = array<i32>} : memref<128xi32, #tpu.memory_space<vmem>>, vector<16xi32>,
      %add3A_711 = arith.constant 96 : i32
      %add3A_712 = arith.addi %add3A_656, %add3A_711 : i32
      %iota3A_713 = tpu.iota {dimensions = array<i32: 0>} : vector<16xi32>
      %add3A_714 = vector.broadcast %add3A_712 : i32 to vector<16xi32>
      %add3A_715 = arith.addi %add3A_714, %iota3A_713 : vector<16xi32>
      %swap3A_716 = arith.constant 96 : index
      %swap3A_717 = tpu.vector_load %arg9[%swap3A_716] {strides = array<i32>} : memref<128xi32, #tpu.memory_space<vmem>>, vector<16xi32>,
      %swap3A_718 = vector.shape_cast %swap3A_717 : vector<16xi32> to vector<16xi32>
      %swap3A_719 = vector.shape_cast %add3A_715 : vector<16xi32> to vector<16xi32>
      tpu.vector_store %arg9[%swap3A_716], %swap3A_719 {strides = array<i32>} : memref<128xi32, #tpu.memory_space<vmem>>, vector<16xi32>,
      %add3A_720 = arith.constant 112 : i32
      %add3A_721 = arith.addi %add3A_656, %add3A_720 : i32
      %iota3A_722 = tpu.iota {dimensions = array<i32: 0>} : vector<16xi32>
      %add3A_723 = vector.broadcast %add3A_721 : i32 to vector<16xi32>
      %add3A_724 = arith.addi %add3A_723, %iota3A_722 : vector<16xi32>
      %swap3A_725 = arith.constant 112 : index
      %swap3A_726 = tpu.vector_load %arg9[%swap3A_725] {strides = array<i32>} : memref<128xi32, #tpu.memory_space<vmem>>, vector<16xi32>,
      %swap3A_727 = vector.shape_cast %swap3A_726 : vector<16xi32> to vector<16xi32>
      %swap3A_728 = vector.shape_cast %add3A_724 : vector<16xi32> to vector<16xi32>
      tpu.vector_store %arg9[%swap3A_725], %swap3A_728 {strides = array<i32>} : memref<128xi32, #tpu.memory_space<vmem>>, vector<16xi32>,
      %dma_start3A_729 = arith.constant 0 : i32
      %dma_start3A_730 = arith.constant 0 : i32
      %dma_start3A_731 = tpu.memref_slice %arg13[%dma_start3A_729, %dma_start3A_730] : memref<10112x128xf32, #tpu.memory_space<vmem_shared>> -> memref<10112x128xf32, #tpu.memory_space<vmem_shared>>
      tpu.enqueue_indirect_dma source(%dma_start3A_731 : memref<10112x128xf32, #tpu.memory_space<vmem_shared>>) target(%arg11 : memref<128x128xf32, #tpu.memory_space<vmem>>) offsets(%arg9 : memref<128xi32, #tpu.memory_space<vmem>>) semaphore(%arg14 : memref<!tpu.dma_semaphore, #tpu.memory_space<semaphore_mem>>)
      %dma_wait3A_732 = arith.constant 0 : i32
      %dma_wait3A_733 = arith.constant 0 : i32
      %dma_wait3A_734 = tpu.memref_slice %arg13[%dma_wait3A_732, %dma_wait3A_733] : memref<10112x128xf32, #tpu.memory_space<vmem_shared>> -> memref<10112x128xf32, #tpu.memory_space<vmem_shared>>
      tpu.wait_indirect_dma semaphore(%arg14 : memref<!tpu.dma_semaphore, #tpu.memory_space<semaphore_mem>>) src(%dma_wait3A_734 : memref<10112x128xf32, #tpu.memory_space<vmem_shared>>) dst(%arg11 : memref<128x128xf32, #tpu.memory_space<vmem>>)
      %mul3A_735 = arith.constant 10112 : i32
      %mul3A_736 = arith.muli %arg0, %mul3A_735 : i32
      %add3A_737 = arith.addi %mul3A_736, %add3A_656 : i32
      "tpu.region"() ({
        %run_scoped3A = tpu.sem_alloc : memref<!tpu.dma_semaphore, #tpu.memory_space<semaphore_mem>>
        %dma_start3A_738 = arith.constant 0 : i32
        %dma_start3A_739 = tpu.memref_slice %arg7[%add3A_737, %dma_start3A_738] : memref<20224x128xf32, #tpu.memory_space<hbm>> -> memref<128x128xf32, #tpu.memory_space<hbm>>
        %dma_start3A_740 = arith.constant 0 : i32
        %dma_start3A_741 = tpu.memref_slice %arg7[%add3A_737, %dma_start3A_740] : memref<20224x128xf32, #tpu.memory_space<hbm>> -> memref<128x128xf32, #tpu.memory_space<hbm>>
        tpu.enqueue_dma source(%arg11 : memref<128x128xf32, #tpu.memory_space<vmem>>) target(%dma_start3A_741 : memref<128x128xf32, #tpu.memory_space<hbm>>) target_semaphore(%run_scoped3A : memref<!tpu.dma_semaphore, #tpu.memory_space<semaphore_mem>>)
        %dma_wait3A_742 = arith.constant 0 : i32
        %dma_wait3A_743 = tpu.memref_slice %arg7[%add3A_737, %dma_wait3A_742] : memref<20224x128xf32, #tpu.memory_space<hbm>> -> memref<128x128xf32, #tpu.memory_space<hbm>>
        %dma_wait3A_744 = arith.constant 0 : i32
        %dma_wait3A_745 = tpu.memref_slice %arg7[%add3A_737, %dma_wait3A_744] : memref<20224x128xf32, #tpu.memory_space<hbm>> -> memref<128x128xf32, #tpu.memory_space<hbm>>
        tpu.wait_dma2 semaphore(%run_scoped3A : memref<!tpu.dma_semaphore, #tpu.memory_space<semaphore_mem>>) src(%arg11 : memref<128x128xf32, #tpu.memory_space<vmem>>) dst(%dma_wait3A_745 : memref<128x128xf32, #tpu.memory_space<hbm>>)
        tpu.yield
      }) : () -> ()
    } else {
    }
    return
  }
}

#map = affine_map<(d0, d1) -> (0, 0)>
#map1 = affine_map<(d0, d1) -> (0)>
module attributes {stable_mosaic.version = 14 : i64} {
  func.func @body(%arg0: i32, %arg1: i32, %arg2: memref<10000x128xf32, #tpu.memory_space<hbm>>, %arg3: memref<327680xi32, #tpu.memory_space<hbm>>, %arg4: memref<327680xi32, #tpu.memory_space<hbm>>, %arg5: memref<128x128xf32, #tpu.memory_space<hbm>>, %arg6: memref<128x128xf32, #tpu.memory_space<hbm>>, %arg7: memref<20224x128xf32, #tpu.memory_space<hbm>>, %arg8: memref<256xi32, #tpu.memory_space<vmem>>, %arg9: memref<128xi32, #tpu.memory_space<vmem>>, %arg10: memref<128xi32, #tpu.memory_space<vmem>>, %arg11: memref<128x128xf32, #tpu.memory_space<vmem>>, %arg12: memref<128x128xf32, #tpu.memory_space<vmem>>, %arg13: memref<10112x128xf32, #tpu.memory_space<vmem_shared>>, %arg14: memref<!tpu.dma_semaphore, #tpu.memory_space<semaphore_mem>>, %arg15: memref<!tpu.dma_semaphore, #tpu.memory_space<semaphore_mem>>) attributes {dimension_semantics = [#tpu.dimension_semantics<core_parallel>, #tpu.dimension_semantics<subcore_parallel>], iteration_bounds = array<i64: 2, 16>, scalar_prefetch = 0 : i64, scratch_operands = 8 : i64, tpu.core_type = #tpu.core_type<sc_vector_subcore>, window_params = [{transform_indices = #map}, {transform_indices = #map1}, {transform_indices = #map1}, {transform_indices = #map}, {transform_indices = #map}, {transform_indices = #map}]} {
    %mul3A = arith.constant 16 : i32
    %mul3A_0 = arith.muli %arg0, %mul3A : i32
    %add3A = arith.addi %mul3A_0, %arg1 : i32
    "tpu.region"() ({
      %run_scoped3A = tpu.sem_alloc : memref<!tpu.dma_semaphore, #tpu.memory_space<semaphore_mem>>
      tpu.enqueue_dma source(%arg5 : memref<128x128xf32, #tpu.memory_space<hbm>>) target(%arg11 : memref<128x128xf32, #tpu.memory_space<vmem>>) target_semaphore(%run_scoped3A : memref<!tpu.dma_semaphore, #tpu.memory_space<semaphore_mem>>)
      tpu.wait_dma2 semaphore(%run_scoped3A : memref<!tpu.dma_semaphore, #tpu.memory_space<semaphore_mem>>) src(%arg5 : memref<128x128xf32, #tpu.memory_space<hbm>>) dst(%arg11 : memref<128x128xf32, #tpu.memory_space<vmem>>)
      tpu.yield
    }) : () -> ()
    %mul3A_1 = arith.constant 640 : i32
    %mul3A_2 = arith.muli %arg1, %mul3A_1 : i32
    %add3A_3 = arith.constant 0 : i32
    %add3A_4 = arith.addi %mul3A_2, %add3A_3 : i32
    %add3A_5 = arith.constant 0 : i32
    %add3A_6 = arith.addi %add3A_4, %add3A_5 : i32
    %iota3A = tpu.iota {dimensions = array<i32: 0>} : vector<16xi32>
    %add3A_7 = vector.broadcast %add3A_6 : i32 to vector<16xi32>
    %add3A_8 = arith.addi %add3A_7, %iota3A : vector<16xi32>
    %swap3A = arith.constant 0 : index
    %swap3A_9 = tpu.vector_load %arg9[%swap3A] {strides = array<i32>} : memref<128xi32, #tpu.memory_space<vmem>>, vector<16xi32>,
    %swap3A_10 = vector.shape_cast %swap3A_9 : vector<16xi32> to vector<16xi32>
    %swap3A_11 = vector.shape_cast %add3A_8 : vector<16xi32> to vector<16xi32>
    tpu.vector_store %arg9[%swap3A], %swap3A_11 {strides = array<i32>} : memref<128xi32, #tpu.memory_space<vmem>>, vector<16xi32>,
    %add3A_12 = arith.constant 16 : i32
    %add3A_13 = arith.addi %add3A_4, %add3A_12 : i32
    %iota3A_14 = tpu.iota {dimensions = array<i32: 0>} : vector<16xi32>
    %add3A_15 = vector.broadcast %add3A_13 : i32 to vector<16xi32>
    %add3A_16 = arith.addi %add3A_15, %iota3A_14 : vector<16xi32>
    %swap3A_17 = arith.constant 16 : index
    %swap3A_18 = tpu.vector_load %arg9[%swap3A_17] {strides = array<i32>} : memref<128xi32, #tpu.memory_space<vmem>>, vector<16xi32>,
    %swap3A_19 = vector.shape_cast %swap3A_18 : vector<16xi32> to vector<16xi32>
    %swap3A_20 = vector.shape_cast %add3A_16 : vector<16xi32> to vector<16xi32>
    tpu.vector_store %arg9[%swap3A_17], %swap3A_20 {strides = array<i32>} : memref<128xi32, #tpu.memory_space<vmem>>, vector<16xi32>,
    %add3A_21 = arith.constant 32 : i32
    %add3A_22 = arith.addi %add3A_4, %add3A_21 : i32
    %iota3A_23 = tpu.iota {dimensions = array<i32: 0>} : vector<16xi32>
    %add3A_24 = vector.broadcast %add3A_22 : i32 to vector<16xi32>
    %add3A_25 = arith.addi %add3A_24, %iota3A_23 : vector<16xi32>
    %swap3A_26 = arith.constant 32 : index
    %swap3A_27 = tpu.vector_load %arg9[%swap3A_26] {strides = array<i32>} : memref<128xi32, #tpu.memory_space<vmem>>, vector<16xi32>,
    %swap3A_28 = vector.shape_cast %swap3A_27 : vector<16xi32> to vector<16xi32>
    %swap3A_29 = vector.shape_cast %add3A_25 : vector<16xi32> to vector<16xi32>
    tpu.vector_store %arg9[%swap3A_26], %swap3A_29 {strides = array<i32>} : memref<128xi32, #tpu.memory_space<vmem>>, vector<16xi32>,
    %add3A_30 = arith.constant 48 : i32
    %add3A_31 = arith.addi %add3A_4, %add3A_30 : i32
    %iota3A_32 = tpu.iota {dimensions = array<i32: 0>} : vector<16xi32>
    %add3A_33 = vector.broadcast %add3A_31 : i32 to vector<16xi32>
    %add3A_34 = arith.addi %add3A_33, %iota3A_32 : vector<16xi32>
    %swap3A_35 = arith.constant 48 : index
    %swap3A_36 = tpu.vector_load %arg9[%swap3A_35] {strides = array<i32>} : memref<128xi32, #tpu.memory_space<vmem>>, vector<16xi32>,
    %swap3A_37 = vector.shape_cast %swap3A_36 : vector<16xi32> to vector<16xi32>
    %swap3A_38 = vector.shape_cast %add3A_34 : vector<16xi32> to vector<16xi32>
    tpu.vector_store %arg9[%swap3A_35], %swap3A_38 {strides = array<i32>} : memref<128xi32, #tpu.memory_space<vmem>>, vector<16xi32>,
    %add3A_39 = arith.constant 64 : i32
    %add3A_40 = arith.addi %add3A_4, %add3A_39 : i32
    %iota3A_41 = tpu.iota {dimensions = array<i32: 0>} : vector<16xi32>
    %add3A_42 = vector.broadcast %add3A_40 : i32 to vector<16xi32>
    %add3A_43 = arith.addi %add3A_42, %iota3A_41 : vector<16xi32>
    %swap3A_44 = arith.constant 64 : index
    %swap3A_45 = tpu.vector_load %arg9[%swap3A_44] {strides = array<i32>} : memref<128xi32, #tpu.memory_space<vmem>>, vector<16xi32>,
    %swap3A_46 = vector.shape_cast %swap3A_45 : vector<16xi32> to vector<16xi32>
    %swap3A_47 = vector.shape_cast %add3A_43 : vector<16xi32> to vector<16xi32>
    tpu.vector_store %arg9[%swap3A_44], %swap3A_47 {strides = array<i32>} : memref<128xi32, #tpu.memory_space<vmem>>, vector<16xi32>,
    %add3A_48 = arith.constant 80 : i32
    %add3A_49 = arith.addi %add3A_4, %add3A_48 : i32
    %iota3A_50 = tpu.iota {dimensions = array<i32: 0>} : vector<16xi32>
    %add3A_51 = vector.broadcast %add3A_49 : i32 to vector<16xi32>
    %add3A_52 = arith.addi %add3A_51, %iota3A_50 : vector<16xi32>
    %swap3A_53 = arith.constant 80 : index
    %swap3A_54 = tpu.vector_load %arg9[%swap3A_53] {strides = array<i32>} : memref<128xi32, #tpu.memory_space<vmem>>, vector<16xi32>,
    %swap3A_55 = vector.shape_cast %swap3A_54 : vector<16xi32> to vector<16xi32>
    %swap3A_56 = vector.shape_cast %add3A_52 : vector<16xi32> to vector<16xi32>
    tpu.vector_store %arg9[%swap3A_53], %swap3A_56 {strides = array<i32>} : memref<128xi32, #tpu.memory_space<vmem>>, vector<16xi32>,
    %add3A_57 = arith.constant 96 : i32
    %add3A_58 = arith.addi %add3A_4, %add3A_57 : i32
    %iota3A_59 = tpu.iota {dimensions = array<i32: 0>} : vector<16xi32>
    %add3A_60 = vector.broadcast %add3A_58 : i32 to vector<16xi32>
    %add3A_61 = arith.addi %add3A_60, %iota3A_59 : vector<16xi32>
    %swap3A_62 = arith.constant 96 : index
    %swap3A_63 = tpu.vector_load %arg9[%swap3A_62] {strides = array<i32>} : memref<128xi32, #tpu.memory_space<vmem>>, vector<16xi32>,
    %swap3A_64 = vector.shape_cast %swap3A_63 : vector<16xi32> to vector<16xi32>
    %swap3A_65 = vector.shape_cast %add3A_61 : vector<16xi32> to vector<16xi32>
    tpu.vector_store %arg9[%swap3A_62], %swap3A_65 {strides = array<i32>} : memref<128xi32, #tpu.memory_space<vmem>>, vector<16xi32>,
    %add3A_66 = arith.constant 112 : i32
    %add3A_67 = arith.addi %add3A_4, %add3A_66 : i32
    %iota3A_68 = tpu.iota {dimensions = array<i32: 0>} : vector<16xi32>
    %add3A_69 = vector.broadcast %add3A_67 : i32 to vector<16xi32>
    %add3A_70 = arith.addi %add3A_69, %iota3A_68 : vector<16xi32>
    %swap3A_71 = arith.constant 112 : index
    %swap3A_72 = tpu.vector_load %arg9[%swap3A_71] {strides = array<i32>} : memref<128xi32, #tpu.memory_space<vmem>>, vector<16xi32>,
    %swap3A_73 = vector.shape_cast %swap3A_72 : vector<16xi32> to vector<16xi32>
    %swap3A_74 = vector.shape_cast %add3A_70 : vector<16xi32> to vector<16xi32>
    tpu.vector_store %arg9[%swap3A_71], %swap3A_74 {strides = array<i32>} : memref<128xi32, #tpu.memory_space<vmem>>, vector<16xi32>,
    "tpu.region"() ({
      %run_scoped3A = tpu.sem_alloc : memref<!tpu.dma_semaphore, #tpu.memory_space<semaphore_mem>>
      %dma_start3A_653 = arith.constant 0 : i32
      %dma_start3A_654 = arith.constant 0 : i32
      %dma_start3A_655 = tpu.memref_slice %arg13[%dma_start3A_653, %dma_start3A_654] : memref<10112x128xf32, #tpu.memory_space<vmem_shared>> -> memref<10112x128xf32, #tpu.memory_space<vmem_shared>>
      tpu.enqueue_indirect_dma source(%arg11 : memref<128x128xf32, #tpu.memory_space<vmem>>) target(%dma_start3A_655 : memref<10112x128xf32, #tpu.memory_space<vmem_shared>>) offsets(%arg9 : memref<128xi32, #tpu.memory_space<vmem>>) semaphore(%run_scoped3A : memref<!tpu.dma_semaphore, #tpu.memory_space<semaphore_mem>>)
      %dma_wait3A_656 = arith.constant 0 : i32
      %dma_wait3A_657 = arith.constant 0 : i32
      %dma_wait3A_658 = tpu.memref_slice %arg13[%dma_wait3A_656, %dma_wait3A_657] : memref<10112x128xf32, #tpu.memory_space<vmem_shared>> -> memref<10112x128xf32, #tpu.memory_space<vmem_shared>>
      tpu.wait_indirect_dma semaphore(%run_scoped3A : memref<!tpu.dma_semaphore, #tpu.memory_space<semaphore_mem>>) src(%arg11 : memref<128x128xf32, #tpu.memory_space<vmem>>) dst(%dma_wait3A_658 : memref<10112x128xf32, #tpu.memory_space<vmem_shared>>)
      tpu.yield
    }) : () -> ()
    %mul3A_75 = arith.constant 640 : i32
    %mul3A_76 = arith.muli %arg1, %mul3A_75 : i32
    %add3A_77 = arith.constant 128 : i32
    %add3A_78 = arith.addi %mul3A_76, %add3A_77 : i32
    %add3A_79 = arith.constant 0 : i32
    %add3A_80 = arith.addi %add3A_78, %add3A_79 : i32
    %iota3A_81 = tpu.iota {dimensions = array<i32: 0>} : vector<16xi32>
    %add3A_82 = vector.broadcast %add3A_80 : i32 to vector<16xi32>
    %add3A_83 = arith.addi %add3A_82, %iota3A_81 : vector<16xi32>
    %swap3A_84 = arith.constant 0 : index
    %swap3A_85 = tpu.vector_load %arg9[%swap3A_84] {strides = array<i32>} : memref<128xi32, #tpu.memory_space<vmem>>, vector<16xi32>,
    %swap3A_86 = vector.shape_cast %swap3A_85 : vector<16xi32> to vector<16xi32>
    %swap3A_87 = vector.shape_cast %add3A_83 : vector<16xi32> to vector<16xi32>
    tpu.vector_store %arg9[%swap3A_84], %swap3A_87 {strides = array<i32>} : memref<128xi32, #tpu.memory_space<vmem>>, vector<16xi32>,
    %add3A_88 = arith.constant 16 : i32
    %add3A_89 = arith.addi %add3A_78, %add3A_88 : i32
    %iota3A_90 = tpu.iota {dimensions = array<i32: 0>} : vector<16xi32>
    %add3A_91 = vector.broadcast %add3A_89 : i32 to vector<16xi32>
    %add3A_92 = arith.addi %add3A_91, %iota3A_90 : vector<16xi32>
    %swap3A_93 = arith.constant 16 : index
    %swap3A_94 = tpu.vector_load %arg9[%swap3A_93] {strides = array<i32>} : memref<128xi32, #tpu.memory_space<vmem>>, vector<16xi32>,
    %swap3A_95 = vector.shape_cast %swap3A_94 : vector<16xi32> to vector<16xi32>
    %swap3A_96 = vector.shape_cast %add3A_92 : vector<16xi32> to vector<16xi32>
    tpu.vector_store %arg9[%swap3A_93], %swap3A_96 {strides = array<i32>} : memref<128xi32, #tpu.memory_space<vmem>>, vector<16xi32>,
    %add3A_97 = arith.constant 32 : i32
    %add3A_98 = arith.addi %add3A_78, %add3A_97 : i32
    %iota3A_99 = tpu.iota {dimensions = array<i32: 0>} : vector<16xi32>
    %add3A_100 = vector.broadcast %add3A_98 : i32 to vector<16xi32>
    %add3A_101 = arith.addi %add3A_100, %iota3A_99 : vector<16xi32>
    %swap3A_102 = arith.constant 32 : index
    %swap3A_103 = tpu.vector_load %arg9[%swap3A_102] {strides = array<i32>} : memref<128xi32, #tpu.memory_space<vmem>>, vector<16xi32>,
    %swap3A_104 = vector.shape_cast %swap3A_103 : vector<16xi32> to vector<16xi32>
    %swap3A_105 = vector.shape_cast %add3A_101 : vector<16xi32> to vector<16xi32>
    tpu.vector_store %arg9[%swap3A_102], %swap3A_105 {strides = array<i32>} : memref<128xi32, #tpu.memory_space<vmem>>, vector<16xi32>,
    %add3A_106 = arith.constant 48 : i32
    %add3A_107 = arith.addi %add3A_78, %add3A_106 : i32
    %iota3A_108 = tpu.iota {dimensions = array<i32: 0>} : vector<16xi32>
    %add3A_109 = vector.broadcast %add3A_107 : i32 to vector<16xi32>
    %add3A_110 = arith.addi %add3A_109, %iota3A_108 : vector<16xi32>
    %swap3A_111 = arith.constant 48 : index
    %swap3A_112 = tpu.vector_load %arg9[%swap3A_111] {strides = array<i32>} : memref<128xi32, #tpu.memory_space<vmem>>, vector<16xi32>,
    %swap3A_113 = vector.shape_cast %swap3A_112 : vector<16xi32> to vector<16xi32>
    %swap3A_114 = vector.shape_cast %add3A_110 : vector<16xi32> to vector<16xi32>
    tpu.vector_store %arg9[%swap3A_111], %swap3A_114 {strides = array<i32>} : memref<128xi32, #tpu.memory_space<vmem>>, vector<16xi32>,
    %add3A_115 = arith.constant 64 : i32
    %add3A_116 = arith.addi %add3A_78, %add3A_115 : i32
    %iota3A_117 = tpu.iota {dimensions = array<i32: 0>} : vector<16xi32>
    %add3A_118 = vector.broadcast %add3A_116 : i32 to vector<16xi32>
    %add3A_119 = arith.addi %add3A_118, %iota3A_117 : vector<16xi32>
    %swap3A_120 = arith.constant 64 : index
    %swap3A_121 = tpu.vector_load %arg9[%swap3A_120] {strides = array<i32>} : memref<128xi32, #tpu.memory_space<vmem>>, vector<16xi32>,
    %swap3A_122 = vector.shape_cast %swap3A_121 : vector<16xi32> to vector<16xi32>
    %swap3A_123 = vector.shape_cast %add3A_119 : vector<16xi32> to vector<16xi32>
    tpu.vector_store %arg9[%swap3A_120], %swap3A_123 {strides = array<i32>} : memref<128xi32, #tpu.memory_space<vmem>>, vector<16xi32>,
    %add3A_124 = arith.constant 80 : i32
    %add3A_125 = arith.addi %add3A_78, %add3A_124 : i32
    %iota3A_126 = tpu.iota {dimensions = array<i32: 0>} : vector<16xi32>
    %add3A_127 = vector.broadcast %add3A_125 : i32 to vector<16xi32>
    %add3A_128 = arith.addi %add3A_127, %iota3A_126 : vector<16xi32>
    %swap3A_129 = arith.constant 80 : index
    %swap3A_130 = tpu.vector_load %arg9[%swap3A_129] {strides = array<i32>} : memref<128xi32, #tpu.memory_space<vmem>>, vector<16xi32>,
    %swap3A_131 = vector.shape_cast %swap3A_130 : vector<16xi32> to vector<16xi32>
    %swap3A_132 = vector.shape_cast %add3A_128 : vector<16xi32> to vector<16xi32>
    tpu.vector_store %arg9[%swap3A_129], %swap3A_132 {strides = array<i32>} : memref<128xi32, #tpu.memory_space<vmem>>, vector<16xi32>,
    %add3A_133 = arith.constant 96 : i32
    %add3A_134 = arith.addi %add3A_78, %add3A_133 : i32
    %iota3A_135 = tpu.iota {dimensions = array<i32: 0>} : vector<16xi32>
    %add3A_136 = vector.broadcast %add3A_134 : i32 to vector<16xi32>
    %add3A_137 = arith.addi %add3A_136, %iota3A_135 : vector<16xi32>
    %swap3A_138 = arith.constant 96 : index
    %swap3A_139 = tpu.vector_load %arg9[%swap3A_138] {strides = array<i32>} : memref<128xi32, #tpu.memory_space<vmem>>, vector<16xi32>,
    %swap3A_140 = vector.shape_cast %swap3A_139 : vector<16xi32> to vector<16xi32>
    %swap3A_141 = vector.shape_cast %add3A_137 : vector<16xi32> to vector<16xi32>
    tpu.vector_store %arg9[%swap3A_138], %swap3A_141 {strides = array<i32>} : memref<128xi32, #tpu.memory_space<vmem>>, vector<16xi32>,
    %add3A_142 = arith.constant 112 : i32
    %add3A_143 = arith.addi %add3A_78, %add3A_142 : i32
    %iota3A_144 = tpu.iota {dimensions = array<i32: 0>} : vector<16xi32>
    %add3A_145 = vector.broadcast %add3A_143 : i32 to vector<16xi32>
    %add3A_146 = arith.addi %add3A_145, %iota3A_144 : vector<16xi32>
    %swap3A_147 = arith.constant 112 : index
    %swap3A_148 = tpu.vector_load %arg9[%swap3A_147] {strides = array<i32>} : memref<128xi32, #tpu.memory_space<vmem>>, vector<16xi32>,
    %swap3A_149 = vector.shape_cast %swap3A_148 : vector<16xi32> to vector<16xi32>
    %swap3A_150 = vector.shape_cast %add3A_146 : vector<16xi32> to vector<16xi32>
    tpu.vector_store %arg9[%swap3A_147], %swap3A_150 {strides = array<i32>} : memref<128xi32, #tpu.memory_space<vmem>>, vector<16xi32>,
    "tpu.region"() ({
      %run_scoped3A = tpu.sem_alloc : memref<!tpu.dma_semaphore, #tpu.memory_space<semaphore_mem>>
      %dma_start3A_653 = arith.constant 0 : i32
      %dma_start3A_654 = arith.constant 0 : i32
      %dma_start3A_655 = tpu.memref_slice %arg13[%dma_start3A_653, %dma_start3A_654] : memref<10112x128xf32, #tpu.memory_space<vmem_shared>> -> memref<10112x128xf32, #tpu.memory_space<vmem_shared>>
      tpu.enqueue_indirect_dma source(%arg11 : memref<128x128xf32, #tpu.memory_space<vmem>>) target(%dma_start3A_655 : memref<10112x128xf32, #tpu.memory_space<vmem_shared>>) offsets(%arg9 : memref<128xi32, #tpu.memory_space<vmem>>) semaphore(%run_scoped3A : memref<!tpu.dma_semaphore, #tpu.memory_space<semaphore_mem>>)
      %dma_wait3A_656 = arith.constant 0 : i32
      %dma_wait3A_657 = arith.constant 0 : i32
      %dma_wait3A_658 = tpu.memref_slice %arg13[%dma_wait3A_656, %dma_wait3A_657] : memref<10112x128xf32, #tpu.memory_space<vmem_shared>> -> memref<10112x128xf32, #tpu.memory_space<vmem_shared>>
      tpu.wait_indirect_dma semaphore(%run_scoped3A : memref<!tpu.dma_semaphore, #tpu.memory_space<semaphore_mem>>) src(%arg11 : memref<128x128xf32, #tpu.memory_space<vmem>>) dst(%dma_wait3A_658 : memref<10112x128xf32, #tpu.memory_space<vmem_shared>>)
      tpu.yield
    }) : () -> ()
    %mul3A_151 = arith.constant 640 : i32
    %mul3A_152 = arith.muli %arg1, %mul3A_151 : i32
    %add3A_153 = arith.constant 256 : i32
    %add3A_154 = arith.addi %mul3A_152, %add3A_153 : i32
    %add3A_155 = arith.constant 0 : i32
    %add3A_156 = arith.addi %add3A_154, %add3A_155 : i32
    %iota3A_157 = tpu.iota {dimensions = array<i32: 0>} : vector<16xi32>
    %add3A_158 = vector.broadcast %add3A_156 : i32 to vector<16xi32>
    %add3A_159 = arith.addi %add3A_158, %iota3A_157 : vector<16xi32>
    %swap3A_160 = arith.constant 0 : index
    %swap3A_161 = tpu.vector_load %arg9[%swap3A_160] {strides = array<i32>} : memref<128xi32, #tpu.memory_space<vmem>>, vector<16xi32>,
    %swap3A_162 = vector.shape_cast %swap3A_161 : vector<16xi32> to vector<16xi32>
    %swap3A_163 = vector.shape_cast %add3A_159 : vector<16xi32> to vector<16xi32>
    tpu.vector_store %arg9[%swap3A_160], %swap3A_163 {strides = array<i32>} : memref<128xi32, #tpu.memory_space<vmem>>, vector<16xi32>,
    %add3A_164 = arith.constant 16 : i32
    %add3A_165 = arith.addi %add3A_154, %add3A_164 : i32
    %iota3A_166 = tpu.iota {dimensions = array<i32: 0>} : vector<16xi32>
    %add3A_167 = vector.broadcast %add3A_165 : i32 to vector<16xi32>
    %add3A_168 = arith.addi %add3A_167, %iota3A_166 : vector<16xi32>
    %swap3A_169 = arith.constant 16 : index
    %swap3A_170 = tpu.vector_load %arg9[%swap3A_169] {strides = array<i32>} : memref<128xi32, #tpu.memory_space<vmem>>, vector<16xi32>,
    %swap3A_171 = vector.shape_cast %swap3A_170 : vector<16xi32> to vector<16xi32>
    %swap3A_172 = vector.shape_cast %add3A_168 : vector<16xi32> to vector<16xi32>
    tpu.vector_store %arg9[%swap3A_169], %swap3A_172 {strides = array<i32>} : memref<128xi32, #tpu.memory_space<vmem>>, vector<16xi32>,
    %add3A_173 = arith.constant 32 : i32
    %add3A_174 = arith.addi %add3A_154, %add3A_173 : i32
    %iota3A_175 = tpu.iota {dimensions = array<i32: 0>} : vector<16xi32>
    %add3A_176 = vector.broadcast %add3A_174 : i32 to vector<16xi32>
    %add3A_177 = arith.addi %add3A_176, %iota3A_175 : vector<16xi32>
    %swap3A_178 = arith.constant 32 : index
    %swap3A_179 = tpu.vector_load %arg9[%swap3A_178] {strides = array<i32>} : memref<128xi32, #tpu.memory_space<vmem>>, vector<16xi32>,
    %swap3A_180 = vector.shape_cast %swap3A_179 : vector<16xi32> to vector<16xi32>
    %swap3A_181 = vector.shape_cast %add3A_177 : vector<16xi32> to vector<16xi32>
    tpu.vector_store %arg9[%swap3A_178], %swap3A_181 {strides = array<i32>} : memref<128xi32, #tpu.memory_space<vmem>>, vector<16xi32>,
    %add3A_182 = arith.constant 48 : i32
    %add3A_183 = arith.addi %add3A_154, %add3A_182 : i32
    %iota3A_184 = tpu.iota {dimensions = array<i32: 0>} : vector<16xi32>
    %add3A_185 = vector.broadcast %add3A_183 : i32 to vector<16xi32>
    %add3A_186 = arith.addi %add3A_185, %iota3A_184 : vector<16xi32>
    %swap3A_187 = arith.constant 48 : index
    %swap3A_188 = tpu.vector_load %arg9[%swap3A_187] {strides = array<i32>} : memref<128xi32, #tpu.memory_space<vmem>>, vector<16xi32>,
    %swap3A_189 = vector.shape_cast %swap3A_188 : vector<16xi32> to vector<16xi32>
    %swap3A_190 = vector.shape_cast %add3A_186 : vector<16xi32> to vector<16xi32>
    tpu.vector_store %arg9[%swap3A_187], %swap3A_190 {strides = array<i32>} : memref<128xi32, #tpu.memory_space<vmem>>, vector<16xi32>,
    %add3A_191 = arith.constant 64 : i32
    %add3A_192 = arith.addi %add3A_154, %add3A_191 : i32
    %iota3A_193 = tpu.iota {dimensions = array<i32: 0>} : vector<16xi32>
    %add3A_194 = vector.broadcast %add3A_192 : i32 to vector<16xi32>
    %add3A_195 = arith.addi %add3A_194, %iota3A_193 : vector<16xi32>
    %swap3A_196 = arith.constant 64 : index
    %swap3A_197 = tpu.vector_load %arg9[%swap3A_196] {strides = array<i32>} : memref<128xi32, #tpu.memory_space<vmem>>, vector<16xi32>,
    %swap3A_198 = vector.shape_cast %swap3A_197 : vector<16xi32> to vector<16xi32>
    %swap3A_199 = vector.shape_cast %add3A_195 : vector<16xi32> to vector<16xi32>
    tpu.vector_store %arg9[%swap3A_196], %swap3A_199 {strides = array<i32>} : memref<128xi32, #tpu.memory_space<vmem>>, vector<16xi32>,
    %add3A_200 = arith.constant 80 : i32
    %add3A_201 = arith.addi %add3A_154, %add3A_200 : i32
    %iota3A_202 = tpu.iota {dimensions = array<i32: 0>} : vector<16xi32>
    %add3A_203 = vector.broadcast %add3A_201 : i32 to vector<16xi32>
    %add3A_204 = arith.addi %add3A_203, %iota3A_202 : vector<16xi32>
    %swap3A_205 = arith.constant 80 : index
    %swap3A_206 = tpu.vector_load %arg9[%swap3A_205] {strides = array<i32>} : memref<128xi32, #tpu.memory_space<vmem>>, vector<16xi32>,
    %swap3A_207 = vector.shape_cast %swap3A_206 : vector<16xi32> to vector<16xi32>
    %swap3A_208 = vector.shape_cast %add3A_204 : vector<16xi32> to vector<16xi32>
    tpu.vector_store %arg9[%swap3A_205], %swap3A_208 {strides = array<i32>} : memref<128xi32, #tpu.memory_space<vmem>>, vector<16xi32>,
    %add3A_209 = arith.constant 96 : i32
    %add3A_210 = arith.addi %add3A_154, %add3A_209 : i32
    %iota3A_211 = tpu.iota {dimensions = array<i32: 0>} : vector<16xi32>
    %add3A_212 = vector.broadcast %add3A_210 : i32 to vector<16xi32>
    %add3A_213 = arith.addi %add3A_212, %iota3A_211 : vector<16xi32>
    %swap3A_214 = arith.constant 96 : index
    %swap3A_215 = tpu.vector_load %arg9[%swap3A_214] {strides = array<i32>} : memref<128xi32, #tpu.memory_space<vmem>>, vector<16xi32>,
    %swap3A_216 = vector.shape_cast %swap3A_215 : vector<16xi32> to vector<16xi32>
    %swap3A_217 = vector.shape_cast %add3A_213 : vector<16xi32> to vector<16xi32>
    tpu.vector_store %arg9[%swap3A_214], %swap3A_217 {strides = array<i32>} : memref<128xi32, #tpu.memory_space<vmem>>, vector<16xi32>,
    %add3A_218 = arith.constant 112 : i32
    %add3A_219 = arith.addi %add3A_154, %add3A_218 : i32
    %iota3A_220 = tpu.iota {dimensions = array<i32: 0>} : vector<16xi32>
    %add3A_221 = vector.broadcast %add3A_219 : i32 to vector<16xi32>
    %add3A_222 = arith.addi %add3A_221, %iota3A_220 : vector<16xi32>
    %swap3A_223 = arith.constant 112 : index
    %swap3A_224 = tpu.vector_load %arg9[%swap3A_223] {strides = array<i32>} : memref<128xi32, #tpu.memory_space<vmem>>, vector<16xi32>,
    %swap3A_225 = vector.shape_cast %swap3A_224 : vector<16xi32> to vector<16xi32>
    %swap3A_226 = vector.shape_cast %add3A_222 : vector<16xi32> to vector<16xi32>
    tpu.vector_store %arg9[%swap3A_223], %swap3A_226 {strides = array<i32>} : memref<128xi32, #tpu.memory_space<vmem>>, vector<16xi32>,
    "tpu.region"() ({
      %run_scoped3A = tpu.sem_alloc : memref<!tpu.dma_semaphore, #tpu.memory_space<semaphore_mem>>
      %dma_start3A_653 = arith.constant 0 : i32
      %dma_start3A_654 = arith.constant 0 : i32
      %dma_start3A_655 = tpu.memref_slice %arg13[%dma_start3A_653, %dma_start3A_654] : memref<10112x128xf32, #tpu.memory_space<vmem_shared>> -> memref<10112x128xf32, #tpu.memory_space<vmem_shared>>
      tpu.enqueue_indirect_dma source(%arg11 : memref<128x128xf32, #tpu.memory_space<vmem>>) target(%dma_start3A_655 : memref<10112x128xf32, #tpu.memory_space<vmem_shared>>) offsets(%arg9 : memref<128xi32, #tpu.memory_space<vmem>>) semaphore(%run_scoped3A : memref<!tpu.dma_semaphore, #tpu.memory_space<semaphore_mem>>)
      %dma_wait3A_656 = arith.constant 0 : i32
      %dma_wait3A_657 = arith.constant 0 : i32
      %dma_wait3A_658 = tpu.memref_slice %arg13[%dma_wait3A_656, %dma_wait3A_657] : memref<10112x128xf32, #tpu.memory_space<vmem_shared>> -> memref<10112x128xf32, #tpu.memory_space<vmem_shared>>
      tpu.wait_indirect_dma semaphore(%run_scoped3A : memref<!tpu.dma_semaphore, #tpu.memory_space<semaphore_mem>>) src(%arg11 : memref<128x128xf32, #tpu.memory_space<vmem>>) dst(%dma_wait3A_658 : memref<10112x128xf32, #tpu.memory_space<vmem_shared>>)
      tpu.yield
    }) : () -> ()
    %mul3A_227 = arith.constant 640 : i32
    %mul3A_228 = arith.muli %arg1, %mul3A_227 : i32
    %add3A_229 = arith.constant 384 : i32
    %add3A_230 = arith.addi %mul3A_228, %add3A_229 : i32
    %add3A_231 = arith.constant 0 : i32
    %add3A_232 = arith.addi %add3A_230, %add3A_231 : i32
    %iota3A_233 = tpu.iota {dimensions = array<i32: 0>} : vector<16xi32>
    %add3A_234 = vector.broadcast %add3A_232 : i32 to vector<16xi32>
    %add3A_235 = arith.addi %add3A_234, %iota3A_233 : vector<16xi32>
    %swap3A_236 = arith.constant 0 : index
    %swap3A_237 = tpu.vector_load %arg9[%swap3A_236] {strides = array<i32>} : memref<128xi32, #tpu.memory_space<vmem>>, vector<16xi32>,
    %swap3A_238 = vector.shape_cast %swap3A_237 : vector<16xi32> to vector<16xi32>
    %swap3A_239 = vector.shape_cast %add3A_235 : vector<16xi32> to vector<16xi32>
    tpu.vector_store %arg9[%swap3A_236], %swap3A_239 {strides = array<i32>} : memref<128xi32, #tpu.memory_space<vmem>>, vector<16xi32>,
    %add3A_240 = arith.constant 16 : i32
    %add3A_241 = arith.addi %add3A_230, %add3A_240 : i32
    %iota3A_242 = tpu.iota {dimensions = array<i32: 0>} : vector<16xi32>
    %add3A_243 = vector.broadcast %add3A_241 : i32 to vector<16xi32>
    %add3A_244 = arith.addi %add3A_243, %iota3A_242 : vector<16xi32>
    %swap3A_245 = arith.constant 16 : index
    %swap3A_246 = tpu.vector_load %arg9[%swap3A_245] {strides = array<i32>} : memref<128xi32, #tpu.memory_space<vmem>>, vector<16xi32>,
    %swap3A_247 = vector.shape_cast %swap3A_246 : vector<16xi32> to vector<16xi32>
    %swap3A_248 = vector.shape_cast %add3A_244 : vector<16xi32> to vector<16xi32>
    tpu.vector_store %arg9[%swap3A_245], %swap3A_248 {strides = array<i32>} : memref<128xi32, #tpu.memory_space<vmem>>, vector<16xi32>,
    %add3A_249 = arith.constant 32 : i32
    %add3A_250 = arith.addi %add3A_230, %add3A_249 : i32
    %iota3A_251 = tpu.iota {dimensions = array<i32: 0>} : vector<16xi32>
    %add3A_252 = vector.broadcast %add3A_250 : i32 to vector<16xi32>
    %add3A_253 = arith.addi %add3A_252, %iota3A_251 : vector<16xi32>
    %swap3A_254 = arith.constant 32 : index
    %swap3A_255 = tpu.vector_load %arg9[%swap3A_254] {strides = array<i32>} : memref<128xi32, #tpu.memory_space<vmem>>, vector<16xi32>,
    %swap3A_256 = vector.shape_cast %swap3A_255 : vector<16xi32> to vector<16xi32>
    %swap3A_257 = vector.shape_cast %add3A_253 : vector<16xi32> to vector<16xi32>
    tpu.vector_store %arg9[%swap3A_254], %swap3A_257 {strides = array<i32>} : memref<128xi32, #tpu.memory_space<vmem>>, vector<16xi32>,
    %add3A_258 = arith.constant 48 : i32
    %add3A_259 = arith.addi %add3A_230, %add3A_258 : i32
    %iota3A_260 = tpu.iota {dimensions = array<i32: 0>} : vector<16xi32>
    %add3A_261 = vector.broadcast %add3A_259 : i32 to vector<16xi32>
    %add3A_262 = arith.addi %add3A_261, %iota3A_260 : vector<16xi32>
    %swap3A_263 = arith.constant 48 : index
    %swap3A_264 = tpu.vector_load %arg9[%swap3A_263] {strides = array<i32>} : memref<128xi32, #tpu.memory_space<vmem>>, vector<16xi32>,
    %swap3A_265 = vector.shape_cast %swap3A_264 : vector<16xi32> to vector<16xi32>
    %swap3A_266 = vector.shape_cast %add3A_262 : vector<16xi32> to vector<16xi32>
    tpu.vector_store %arg9[%swap3A_263], %swap3A_266 {strides = array<i32>} : memref<128xi32, #tpu.memory_space<vmem>>, vector<16xi32>,
    %add3A_267 = arith.constant 64 : i32
    %add3A_268 = arith.addi %add3A_230, %add3A_267 : i32
    %iota3A_269 = tpu.iota {dimensions = array<i32: 0>} : vector<16xi32>
    %add3A_270 = vector.broadcast %add3A_268 : i32 to vector<16xi32>
    %add3A_271 = arith.addi %add3A_270, %iota3A_269 : vector<16xi32>
    %swap3A_272 = arith.constant 64 : index
    %swap3A_273 = tpu.vector_load %arg9[%swap3A_272] {strides = array<i32>} : memref<128xi32, #tpu.memory_space<vmem>>, vector<16xi32>,
    %swap3A_274 = vector.shape_cast %swap3A_273 : vector<16xi32> to vector<16xi32>
    %swap3A_275 = vector.shape_cast %add3A_271 : vector<16xi32> to vector<16xi32>
    tpu.vector_store %arg9[%swap3A_272], %swap3A_275 {strides = array<i32>} : memref<128xi32, #tpu.memory_space<vmem>>, vector<16xi32>,
    %add3A_276 = arith.constant 80 : i32
    %add3A_277 = arith.addi %add3A_230, %add3A_276 : i32
    %iota3A_278 = tpu.iota {dimensions = array<i32: 0>} : vector<16xi32>
    %add3A_279 = vector.broadcast %add3A_277 : i32 to vector<16xi32>
    %add3A_280 = arith.addi %add3A_279, %iota3A_278 : vector<16xi32>
    %swap3A_281 = arith.constant 80 : index
    %swap3A_282 = tpu.vector_load %arg9[%swap3A_281] {strides = array<i32>} : memref<128xi32, #tpu.memory_space<vmem>>, vector<16xi32>,
    %swap3A_283 = vector.shape_cast %swap3A_282 : vector<16xi32> to vector<16xi32>
    %swap3A_284 = vector.shape_cast %add3A_280 : vector<16xi32> to vector<16xi32>
    tpu.vector_store %arg9[%swap3A_281], %swap3A_284 {strides = array<i32>} : memref<128xi32, #tpu.memory_space<vmem>>, vector<16xi32>,
    %add3A_285 = arith.constant 96 : i32
    %add3A_286 = arith.addi %add3A_230, %add3A_285 : i32
    %iota3A_287 = tpu.iota {dimensions = array<i32: 0>} : vector<16xi32>
    %add3A_288 = vector.broadcast %add3A_286 : i32 to vector<16xi32>
    %add3A_289 = arith.addi %add3A_288, %iota3A_287 : vector<16xi32>
    %swap3A_290 = arith.constant 96 : index
    %swap3A_291 = tpu.vector_load %arg9[%swap3A_290] {strides = array<i32>} : memref<128xi32, #tpu.memory_space<vmem>>, vector<16xi32>,
    %swap3A_292 = vector.shape_cast %swap3A_291 : vector<16xi32> to vector<16xi32>
    %swap3A_293 = vector.shape_cast %add3A_289 : vector<16xi32> to vector<16xi32>
    tpu.vector_store %arg9[%swap3A_290], %swap3A_293 {strides = array<i32>} : memref<128xi32, #tpu.memory_space<vmem>>, vector<16xi32>,
    %add3A_294 = arith.constant 112 : i32
    %add3A_295 = arith.addi %add3A_230, %add3A_294 : i32
    %iota3A_296 = tpu.iota {dimensions = array<i32: 0>} : vector<16xi32>
    %add3A_297 = vector.broadcast %add3A_295 : i32 to vector<16xi32>
    %add3A_298 = arith.addi %add3A_297, %iota3A_296 : vector<16xi32>
    %swap3A_299 = arith.constant 112 : index
    %swap3A_300 = tpu.vector_load %arg9[%swap3A_299] {strides = array<i32>} : memref<128xi32, #tpu.memory_space<vmem>>, vector<16xi32>,
    %swap3A_301 = vector.shape_cast %swap3A_300 : vector<16xi32> to vector<16xi32>
    %swap3A_302 = vector.shape_cast %add3A_298 : vector<16xi32> to vector<16xi32>
    tpu.vector_store %arg9[%swap3A_299], %swap3A_302 {strides = array<i32>} : memref<128xi32, #tpu.memory_space<vmem>>, vector<16xi32>,
    "tpu.region"() ({
      %run_scoped3A = tpu.sem_alloc : memref<!tpu.dma_semaphore, #tpu.memory_space<semaphore_mem>>
      %dma_start3A_653 = arith.constant 0 : i32
      %dma_start3A_654 = arith.constant 0 : i32
      %dma_start3A_655 = tpu.memref_slice %arg13[%dma_start3A_653, %dma_start3A_654] : memref<10112x128xf32, #tpu.memory_space<vmem_shared>> -> memref<10112x128xf32, #tpu.memory_space<vmem_shared>>
      tpu.enqueue_indirect_dma source(%arg11 : memref<128x128xf32, #tpu.memory_space<vmem>>) target(%dma_start3A_655 : memref<10112x128xf32, #tpu.memory_space<vmem_shared>>) offsets(%arg9 : memref<128xi32, #tpu.memory_space<vmem>>) semaphore(%run_scoped3A : memref<!tpu.dma_semaphore, #tpu.memory_space<semaphore_mem>>)
      %dma_wait3A_656 = arith.constant 0 : i32
      %dma_wait3A_657 = arith.constant 0 : i32
      %dma_wait3A_658 = tpu.memref_slice %arg13[%dma_wait3A_656, %dma_wait3A_657] : memref<10112x128xf32, #tpu.memory_space<vmem_shared>> -> memref<10112x128xf32, #tpu.memory_space<vmem_shared>>
      tpu.wait_indirect_dma semaphore(%run_scoped3A : memref<!tpu.dma_semaphore, #tpu.memory_space<semaphore_mem>>) src(%arg11 : memref<128x128xf32, #tpu.memory_space<vmem>>) dst(%dma_wait3A_658 : memref<10112x128xf32, #tpu.memory_space<vmem_shared>>)
      tpu.yield
    }) : () -> ()
    %lt3A = arith.constant 15 : i32
    %lt3A_303 = arith.cmpi slt, %arg1, %lt3A : i32
    %convert_element_type3A = arith.extui %lt3A_303 : i1 to i32
    %cond3A = arith.constant 0 : i32
    %cond3A_304 = arith.cmpi ne, %convert_element_type3A, %cond3A : i32
    scf.if %cond3A_304 {
      %mul3A_653 = arith.constant 640 : i32
      %mul3A_654 = arith.muli %arg1, %mul3A_653 : i32
      %add3A_655 = arith.constant 512 : i32
      %add3A_656 = arith.addi %mul3A_654, %add3A_655 : i32
      %add3A_657 = arith.constant 0 : i32
      %add3A_658 = arith.addi %add3A_656, %add3A_657 : i32
      %iota3A_659 = tpu.iota {dimensions = array<i32: 0>} : vector<16xi32>
      %add3A_660 = vector.broadcast %add3A_658 : i32 to vector<16xi32>
      %add3A_661 = arith.addi %add3A_660, %iota3A_659 : vector<16xi32>
      %swap3A_662 = arith.constant 0 : index
      %swap3A_663 = tpu.vector_load %arg9[%swap3A_662] {strides = array<i32>} : memref<128xi32, #tpu.memory_space<vmem>>, vector<16xi32>,
      %swap3A_664 = vector.shape_cast %swap3A_663 : vector<16xi32> to vector<16xi32>
      %swap3A_665 = vector.shape_cast %add3A_661 : vector<16xi32> to vector<16xi32>
      tpu.vector_store %arg9[%swap3A_662], %swap3A_665 {strides = array<i32>} : memref<128xi32, #tpu.memory_space<vmem>>, vector<16xi32>,
      %add3A_666 = arith.constant 16 : i32
      %add3A_667 = arith.addi %add3A_656, %add3A_666 : i32
      %iota3A_668 = tpu.iota {dimensions = array<i32: 0>} : vector<16xi32>
      %add3A_669 = vector.broadcast %add3A_667 : i32 to vector<16xi32>
      %add3A_670 = arith.addi %add3A_669, %iota3A_668 : vector<16xi32>
      %swap3A_671 = arith.constant 16 : index
      %swap3A_672 = tpu.vector_load %arg9[%swap3A_671] {strides = array<i32>} : memref<128xi32, #tpu.memory_space<vmem>>, vector<16xi32>,
      %swap3A_673 = vector.shape_cast %swap3A_672 : vector<16xi32> to vector<16xi32>
      %swap3A_674 = vector.shape_cast %add3A_670 : vector<16xi32> to vector<16xi32>
      tpu.vector_store %arg9[%swap3A_671], %swap3A_674 {strides = array<i32>} : memref<128xi32, #tpu.memory_space<vmem>>, vector<16xi32>,
      %add3A_675 = arith.constant 32 : i32
      %add3A_676 = arith.addi %add3A_656, %add3A_675 : i32
      %iota3A_677 = tpu.iota {dimensions = array<i32: 0>} : vector<16xi32>
      %add3A_678 = vector.broadcast %add3A_676 : i32 to vector<16xi32>
      %add3A_679 = arith.addi %add3A_678, %iota3A_677 : vector<16xi32>
      %swap3A_680 = arith.constant 32 : index
      %swap3A_681 = tpu.vector_load %arg9[%swap3A_680] {strides = array<i32>} : memref<128xi32, #tpu.memory_space<vmem>>, vector<16xi32>,
      %swap3A_682 = vector.shape_cast %swap3A_681 : vector<16xi32> to vector<16xi32>
      %swap3A_683 = vector.shape_cast %add3A_679 : vector<16xi32> to vector<16xi32>
      tpu.vector_store %arg9[%swap3A_680], %swap3A_683 {strides = array<i32>} : memref<128xi32, #tpu.memory_space<vmem>>, vector<16xi32>,
      %add3A_684 = arith.constant 48 : i32
      %add3A_685 = arith.addi %add3A_656, %add3A_684 : i32
      %iota3A_686 = tpu.iota {dimensions = array<i32: 0>} : vector<16xi32>
      %add3A_687 = vector.broadcast %add3A_685 : i32 to vector<16xi32>
      %add3A_688 = arith.addi %add3A_687, %iota3A_686 : vector<16xi32>
      %swap3A_689 = arith.constant 48 : index
      %swap3A_690 = tpu.vector_load %arg9[%swap3A_689] {strides = array<i32>} : memref<128xi32, #tpu.memory_space<vmem>>, vector<16xi32>,
      %swap3A_691 = vector.shape_cast %swap3A_690 : vector<16xi32> to vector<16xi32>
      %swap3A_692 = vector.shape_cast %add3A_688 : vector<16xi32> to vector<16xi32>
      tpu.vector_store %arg9[%swap3A_689], %swap3A_692 {strides = array<i32>} : memref<128xi32, #tpu.memory_space<vmem>>, vector<16xi32>,
      %add3A_693 = arith.constant 64 : i32
      %add3A_694 = arith.addi %add3A_656, %add3A_693 : i32
      %iota3A_695 = tpu.iota {dimensions = array<i32: 0>} : vector<16xi32>
      %add3A_696 = vector.broadcast %add3A_694 : i32 to vector<16xi32>
      %add3A_697 = arith.addi %add3A_696, %iota3A_695 : vector<16xi32>
      %swap3A_698 = arith.constant 64 : index
      %swap3A_699 = tpu.vector_load %arg9[%swap3A_698] {strides = array<i32>} : memref<128xi32, #tpu.memory_space<vmem>>, vector<16xi32>,
      %swap3A_700 = vector.shape_cast %swap3A_699 : vector<16xi32> to vector<16xi32>
      %swap3A_701 = vector.shape_cast %add3A_697 : vector<16xi32> to vector<16xi32>
      tpu.vector_store %arg9[%swap3A_698], %swap3A_701 {strides = array<i32>} : memref<128xi32, #tpu.memory_space<vmem>>, vector<16xi32>,
      %add3A_702 = arith.constant 80 : i32
      %add3A_703 = arith.addi %add3A_656, %add3A_702 : i32
      %iota3A_704 = tpu.iota {dimensions = array<i32: 0>} : vector<16xi32>
      %add3A_705 = vector.broadcast %add3A_703 : i32 to vector<16xi32>
      %add3A_706 = arith.addi %add3A_705, %iota3A_704 : vector<16xi32>
      %swap3A_707 = arith.constant 80 : index
      %swap3A_708 = tpu.vector_load %arg9[%swap3A_707] {strides = array<i32>} : memref<128xi32, #tpu.memory_space<vmem>>, vector<16xi32>,
      %swap3A_709 = vector.shape_cast %swap3A_708 : vector<16xi32> to vector<16xi32>
      %swap3A_710 = vector.shape_cast %add3A_706 : vector<16xi32> to vector<16xi32>
      tpu.vector_store %arg9[%swap3A_707], %swap3A_710 {strides = array<i32>} : memref<128xi32, #tpu.memory_space<vmem>>, vector<16xi32>,
      %add3A_711 = arith.constant 96 : i32
      %add3A_712 = arith.addi %add3A_656, %add3A_711 : i32
      %iota3A_713 = tpu.iota {dimensions = array<i32: 0>} : vector<16xi32>
      %add3A_714 = vector.broadcast %add3A_712 : i32 to vector<16xi32>
      %add3A_715 = arith.addi %add3A_714, %iota3A_713 : vector<16xi32>
      %swap3A_716 = arith.constant 96 : index
      %swap3A_717 = tpu.vector_load %arg9[%swap3A_716] {strides = array<i32>} : memref<128xi32, #tpu.memory_space<vmem>>, vector<16xi32>,
      %swap3A_718 = vector.shape_cast %swap3A_717 : vector<16xi32> to vector<16xi32>
      %swap3A_719 = vector.shape_cast %add3A_715 : vector<16xi32> to vector<16xi32>
      tpu.vector_store %arg9[%swap3A_716], %swap3A_719 {strides = array<i32>} : memref<128xi32, #tpu.memory_space<vmem>>, vector<16xi32>,
      %add3A_720 = arith.constant 112 : i32
      %add3A_721 = arith.addi %add3A_656, %add3A_720 : i32
      %iota3A_722 = tpu.iota {dimensions = array<i32: 0>} : vector<16xi32>
      %add3A_723 = vector.broadcast %add3A_721 : i32 to vector<16xi32>
      %add3A_724 = arith.addi %add3A_723, %iota3A_722 : vector<16xi32>
      %swap3A_725 = arith.constant 112 : index
      %swap3A_726 = tpu.vector_load %arg9[%swap3A_725] {strides = array<i32>} : memref<128xi32, #tpu.memory_space<vmem>>, vector<16xi32>,
      %swap3A_727 = vector.shape_cast %swap3A_726 : vector<16xi32> to vector<16xi32>
      %swap3A_728 = vector.shape_cast %add3A_724 : vector<16xi32> to vector<16xi32>
      tpu.vector_store %arg9[%swap3A_725], %swap3A_728 {strides = array<i32>} : memref<128xi32, #tpu.memory_space<vmem>>, vector<16xi32>,
      "tpu.region"() ({
        %run_scoped3A = tpu.sem_alloc : memref<!tpu.dma_semaphore, #tpu.memory_space<semaphore_mem>>
        %dma_start3A_729 = arith.constant 0 : i32
        %dma_start3A_730 = arith.constant 0 : i32
        %dma_start3A_731 = tpu.memref_slice %arg13[%dma_start3A_729, %dma_start3A_730] : memref<10112x128xf32, #tpu.memory_space<vmem_shared>> -> memref<10112x128xf32, #tpu.memory_space<vmem_shared>>
        tpu.enqueue_indirect_dma source(%arg11 : memref<128x128xf32, #tpu.memory_space<vmem>>) target(%dma_start3A_731 : memref<10112x128xf32, #tpu.memory_space<vmem_shared>>) offsets(%arg9 : memref<128xi32, #tpu.memory_space<vmem>>) semaphore(%run_scoped3A : memref<!tpu.dma_semaphore, #tpu.memory_space<semaphore_mem>>)
        %dma_wait3A_732 = arith.constant 0 : i32
        %dma_wait3A_733 = arith.constant 0 : i32
        %dma_wait3A_734 = tpu.memref_slice %arg13[%dma_wait3A_732, %dma_wait3A_733] : memref<10112x128xf32, #tpu.memory_space<vmem_shared>> -> memref<10112x128xf32, #tpu.memory_space<vmem_shared>>
        tpu.wait_indirect_dma semaphore(%run_scoped3A : memref<!tpu.dma_semaphore, #tpu.memory_space<semaphore_mem>>) src(%arg11 : memref<128x128xf32, #tpu.memory_space<vmem>>) dst(%dma_wait3A_734 : memref<10112x128xf32, #tpu.memory_space<vmem_shared>>)
        tpu.yield
      }) : () -> ()
    } else {
    }
    %barrier3A = arith.constant 0 : index
    tpu.barrier barrier_id(%barrier3A)
    %scan3A = arith.constant 0 : i32
    %scan3A_305 = arith.constant 40 : i32
    %scan3A_306 = arith.addi %scan3A, %scan3A_305 : i32
    %scan3A_307 = arith.constant 1 : i32
    scf.for %scan3A_653 = %scan3A to %scan3A_306 step %scan3A_307  : i32 {
      %mul3A_654 = arith.constant 40 : i32
      %mul3A_655 = arith.muli %add3A, %mul3A_654 : i32
      %add3A_656 = arith.addi %mul3A_655, %scan3A_653 : i32
      %mul3A_657 = arith.constant 256 : i32
      %mul3A_658 = arith.muli %add3A_656, %mul3A_657 : i32
      "tpu.region"() ({
        %run_scoped3A = tpu.sem_alloc : memref<!tpu.dma_semaphore, #tpu.memory_space<semaphore_mem>>
        %dma_start3A_681 = tpu.memref_slice %arg4[%mul3A_658] : memref<327680xi32, #tpu.memory_space<hbm>> -> memref<128xi32, #tpu.memory_space<hbm>>
        %dma_start3A_682 = tpu.memref_slice %arg4[%mul3A_658] : memref<327680xi32, #tpu.memory_space<hbm>> -> memref<128xi32, #tpu.memory_space<hbm>>
        tpu.enqueue_dma source(%dma_start3A_682 : memref<128xi32, #tpu.memory_space<hbm>>) target(%arg9 : memref<128xi32, #tpu.memory_space<vmem>>) target_semaphore(%run_scoped3A : memref<!tpu.dma_semaphore, #tpu.memory_space<semaphore_mem>>)
        %dma_wait3A_683 = tpu.memref_slice %arg4[%mul3A_658] : memref<327680xi32, #tpu.memory_space<hbm>> -> memref<128xi32, #tpu.memory_space<hbm>>
        %dma_wait3A_684 = tpu.memref_slice %arg4[%mul3A_658] : memref<327680xi32, #tpu.memory_space<hbm>> -> memref<128xi32, #tpu.memory_space<hbm>>
        tpu.wait_dma2 semaphore(%run_scoped3A : memref<!tpu.dma_semaphore, #tpu.memory_space<semaphore_mem>>) src(%dma_wait3A_684 : memref<128xi32, #tpu.memory_space<hbm>>) dst(%arg9 : memref<128xi32, #tpu.memory_space<vmem>>)
        tpu.yield
      }) : () -> ()
      %add3A_659 = arith.constant 128 : i32
      %add3A_660 = arith.addi %mul3A_658, %add3A_659 : i32
      "tpu.region"() ({
        %run_scoped3A = tpu.sem_alloc : memref<!tpu.dma_semaphore, #tpu.memory_space<semaphore_mem>>
        %dma_start3A_681 = tpu.memref_slice %arg4[%add3A_660] : memref<327680xi32, #tpu.memory_space<hbm>> -> memref<128xi32, #tpu.memory_space<hbm>>
        %dma_start3A_682 = tpu.memref_slice %arg4[%add3A_660] : memref<327680xi32, #tpu.memory_space<hbm>> -> memref<128xi32, #tpu.memory_space<hbm>>
        tpu.enqueue_dma source(%dma_start3A_682 : memref<128xi32, #tpu.memory_space<hbm>>) target(%arg10 : memref<128xi32, #tpu.memory_space<vmem>>) target_semaphore(%run_scoped3A : memref<!tpu.dma_semaphore, #tpu.memory_space<semaphore_mem>>)
        %dma_wait3A_683 = tpu.memref_slice %arg4[%add3A_660] : memref<327680xi32, #tpu.memory_space<hbm>> -> memref<128xi32, #tpu.memory_space<hbm>>
        %dma_wait3A_684 = tpu.memref_slice %arg4[%add3A_660] : memref<327680xi32, #tpu.memory_space<hbm>> -> memref<128xi32, #tpu.memory_space<hbm>>
        tpu.wait_dma2 semaphore(%run_scoped3A : memref<!tpu.dma_semaphore, #tpu.memory_space<semaphore_mem>>) src(%dma_wait3A_684 : memref<128xi32, #tpu.memory_space<hbm>>) dst(%arg10 : memref<128xi32, #tpu.memory_space<vmem>>)
        tpu.yield
      }) : () -> ()
      "tpu.region"() ({
        %run_scoped3A = tpu.sem_alloc : memref<!tpu.dma_semaphore, #tpu.memory_space<semaphore_mem>>
        %dma_start3A_681 = tpu.memref_slice %arg3[%mul3A_658] : memref<327680xi32, #tpu.memory_space<hbm>> -> memref<256xi32, #tpu.memory_space<hbm>>
        %dma_start3A_682 = tpu.memref_slice %arg3[%mul3A_658] : memref<327680xi32, #tpu.memory_space<hbm>> -> memref<256xi32, #tpu.memory_space<hbm>>
        tpu.enqueue_dma source(%dma_start3A_682 : memref<256xi32, #tpu.memory_space<hbm>>) target(%arg8 : memref<256xi32, #tpu.memory_space<vmem>>) target_semaphore(%run_scoped3A : memref<!tpu.dma_semaphore, #tpu.memory_space<semaphore_mem>>)
        %dma_wait3A_683 = tpu.memref_slice %arg3[%mul3A_658] : memref<327680xi32, #tpu.memory_space<hbm>> -> memref<256xi32, #tpu.memory_space<hbm>>
        %dma_wait3A_684 = tpu.memref_slice %arg3[%mul3A_658] : memref<327680xi32, #tpu.memory_space<hbm>> -> memref<256xi32, #tpu.memory_space<hbm>>
        tpu.wait_dma2 semaphore(%run_scoped3A : memref<!tpu.dma_semaphore, #tpu.memory_space<semaphore_mem>>) src(%dma_wait3A_684 : memref<256xi32, #tpu.memory_space<hbm>>) dst(%arg8 : memref<256xi32, #tpu.memory_space<vmem>>)
        tpu.yield
      }) : () -> ()
      %dma_start3A_661 = arith.constant 0 : i32
      %dma_start3A_662 = tpu.memref_slice %arg8[%dma_start3A_661] : memref<256xi32, #tpu.memory_space<vmem>> -> memref<128xi32, #tpu.memory_space<vmem>>
      %dma_start3A_663 = arith.constant 0 : i32
      %dma_start3A_664 = arith.constant 0 : i32
      %dma_start3A_665 = tpu.memref_slice %arg2[%dma_start3A_663, %dma_start3A_664] : memref<10000x128xf32, #tpu.memory_space<hbm>> -> memref<10000x128xf32, #tpu.memory_space<hbm>>
      tpu.enqueue_indirect_dma source(%dma_start3A_665 : memref<10000x128xf32, #tpu.memory_space<hbm>>) target(%arg11 : memref<128x128xf32, #tpu.memory_space<vmem>>) offsets(%dma_start3A_662 : memref<128xi32, #tpu.memory_space<vmem>>) semaphore(%arg14 : memref<!tpu.dma_semaphore, #tpu.memory_space<semaphore_mem>>)
      %dma_start3A_666 = arith.constant 128 : i32
      %dma_start3A_667 = tpu.memref_slice %arg8[%dma_start3A_666] : memref<256xi32, #tpu.memory_space<vmem>> -> memref<128xi32, #tpu.memory_space<vmem>>
      %dma_start3A_668 = arith.constant 0 : i32
      %dma_start3A_669 = arith.constant 0 : i32
      %dma_start3A_670 = tpu.memref_slice %arg2[%dma_start3A_668, %dma_start3A_669] : memref<10000x128xf32, #tpu.memory_space<hbm>> -> memref<10000x128xf32, #tpu.memory_space<hbm>>
      tpu.enqueue_indirect_dma source(%dma_start3A_670 : memref<10000x128xf32, #tpu.memory_space<hbm>>) target(%arg12 : memref<128x128xf32, #tpu.memory_space<vmem>>) offsets(%dma_start3A_667 : memref<128xi32, #tpu.memory_space<vmem>>) semaphore(%arg15 : memref<!tpu.dma_semaphore, #tpu.memory_space<semaphore_mem>>)
      %dma_wait3A_671 = arith.constant 0 : i32
      %dma_wait3A_672 = tpu.memref_slice %arg8[%dma_wait3A_671] : memref<256xi32, #tpu.memory_space<vmem>> -> memref<128xi32, #tpu.memory_space<vmem>>
      %dma_wait3A_673 = arith.constant 0 : i32
      %dma_wait3A_674 = arith.constant 0 : i32
      %dma_wait3A_675 = tpu.memref_slice %arg2[%dma_wait3A_673, %dma_wait3A_674] : memref<10000x128xf32, #tpu.memory_space<hbm>> -> memref<10000x128xf32, #tpu.memory_space<hbm>>
      tpu.wait_indirect_dma semaphore(%arg14 : memref<!tpu.dma_semaphore, #tpu.memory_space<semaphore_mem>>) src(%dma_wait3A_675 : memref<10000x128xf32, #tpu.memory_space<hbm>>) dst(%arg11 : memref<128x128xf32, #tpu.memory_space<vmem>>)
      "tpu.region"() ({
        %run_scoped3A = tpu.sem_alloc : memref<!tpu.dma_semaphore, #tpu.memory_space<semaphore_mem>>
        %dma_start3A_681 = arith.constant 0 : i32
        %dma_start3A_682 = arith.constant 0 : i32
        %dma_start3A_683 = tpu.memref_slice %arg13[%dma_start3A_681, %dma_start3A_682] : memref<10112x128xf32, #tpu.memory_space<vmem_shared>> -> memref<10112x128xf32, #tpu.memory_space<vmem_shared>>
        tpu.enqueue_indirect_dma source(%arg11 : memref<128x128xf32, #tpu.memory_space<vmem>>) target(%dma_start3A_683 : memref<10112x128xf32, #tpu.memory_space<vmem_shared>>) offsets(%arg9 : memref<128xi32, #tpu.memory_space<vmem>>) semaphore(%run_scoped3A : memref<!tpu.dma_semaphore, #tpu.memory_space<semaphore_mem>>) {add = true}
        %dma_wait3A_684 = arith.constant 0 : i32
        %dma_wait3A_685 = arith.constant 0 : i32
        %dma_wait3A_686 = tpu.memref_slice %arg13[%dma_wait3A_684, %dma_wait3A_685] : memref<10112x128xf32, #tpu.memory_space<vmem_shared>> -> memref<10112x128xf32, #tpu.memory_space<vmem_shared>>
        tpu.wait_indirect_dma semaphore(%run_scoped3A : memref<!tpu.dma_semaphore, #tpu.memory_space<semaphore_mem>>) src(%arg11 : memref<128x128xf32, #tpu.memory_space<vmem>>) dst(%dma_wait3A_686 : memref<10112x128xf32, #tpu.memory_space<vmem_shared>>)
        tpu.yield
      }) : () -> ()
      %dma_wait3A_676 = arith.constant 128 : i32
      %dma_wait3A_677 = tpu.memref_slice %arg8[%dma_wait3A_676] : memref<256xi32, #tpu.memory_space<vmem>> -> memref<128xi32, #tpu.memory_space<vmem>>
      %dma_wait3A_678 = arith.constant 0 : i32
      %dma_wait3A_679 = arith.constant 0 : i32
      %dma_wait3A_680 = tpu.memref_slice %arg2[%dma_wait3A_678, %dma_wait3A_679] : memref<10000x128xf32, #tpu.memory_space<hbm>> -> memref<10000x128xf32, #tpu.memory_space<hbm>>
      tpu.wait_indirect_dma semaphore(%arg15 : memref<!tpu.dma_semaphore, #tpu.memory_space<semaphore_mem>>) src(%dma_wait3A_680 : memref<10000x128xf32, #tpu.memory_space<hbm>>) dst(%arg12 : memref<128x128xf32, #tpu.memory_space<vmem>>)
      "tpu.region"() ({
        %run_scoped3A = tpu.sem_alloc : memref<!tpu.dma_semaphore, #tpu.memory_space<semaphore_mem>>
        %dma_start3A_681 = arith.constant 0 : i32
        %dma_start3A_682 = arith.constant 0 : i32
        %dma_start3A_683 = tpu.memref_slice %arg13[%dma_start3A_681, %dma_start3A_682] : memref<10112x128xf32, #tpu.memory_space<vmem_shared>> -> memref<10112x128xf32, #tpu.memory_space<vmem_shared>>
        tpu.enqueue_indirect_dma source(%arg12 : memref<128x128xf32, #tpu.memory_space<vmem>>) target(%dma_start3A_683 : memref<10112x128xf32, #tpu.memory_space<vmem_shared>>) offsets(%arg10 : memref<128xi32, #tpu.memory_space<vmem>>) semaphore(%run_scoped3A : memref<!tpu.dma_semaphore, #tpu.memory_space<semaphore_mem>>) {add = true}
        %dma_wait3A_684 = arith.constant 0 : i32
        %dma_wait3A_685 = arith.constant 0 : i32
        %dma_wait3A_686 = tpu.memref_slice %arg13[%dma_wait3A_684, %dma_wait3A_685] : memref<10112x128xf32, #tpu.memory_space<vmem_shared>> -> memref<10112x128xf32, #tpu.memory_space<vmem_shared>>
        tpu.wait_indirect_dma semaphore(%run_scoped3A : memref<!tpu.dma_semaphore, #tpu.memory_space<semaphore_mem>>) src(%arg12 : memref<128x128xf32, #tpu.memory_space<vmem>>) dst(%dma_wait3A_686 : memref<10112x128xf32, #tpu.memory_space<vmem_shared>>)
        tpu.yield
      }) : () -> ()
    }
    %scan3A_308 = arith.constant 40 : i32
    %barrier3A_309 = arith.constant 0 : index
    tpu.barrier barrier_id(%barrier3A_309)
    %mul3A_310 = arith.constant 640 : i32
    %mul3A_311 = arith.muli %arg1, %mul3A_310 : i32
    %add3A_312 = arith.constant 0 : i32
    %add3A_313 = arith.addi %mul3A_311, %add3A_312 : i32
    %add3A_314 = arith.constant 0 : i32
    %add3A_315 = arith.addi %add3A_313, %add3A_314 : i32
    %iota3A_316 = tpu.iota {dimensions = array<i32: 0>} : vector<16xi32>
    %add3A_317 = vector.broadcast %add3A_315 : i32 to vector<16xi32>
    %add3A_318 = arith.addi %add3A_317, %iota3A_316 : vector<16xi32>
    %swap3A_319 = arith.constant 0 : index
    %swap3A_320 = tpu.vector_load %arg9[%swap3A_319] {strides = array<i32>} : memref<128xi32, #tpu.memory_space<vmem>>, vector<16xi32>,
    %swap3A_321 = vector.shape_cast %swap3A_320 : vector<16xi32> to vector<16xi32>
    %swap3A_322 = vector.shape_cast %add3A_318 : vector<16xi32> to vector<16xi32>
    tpu.vector_store %arg9[%swap3A_319], %swap3A_322 {strides = array<i32>} : memref<128xi32, #tpu.memory_space<vmem>>, vector<16xi32>,
    %add3A_323 = arith.constant 16 : i32
    %add3A_324 = arith.addi %add3A_313, %add3A_323 : i32
    %iota3A_325 = tpu.iota {dimensions = array<i32: 0>} : vector<16xi32>
    %add3A_326 = vector.broadcast %add3A_324 : i32 to vector<16xi32>
    %add3A_327 = arith.addi %add3A_326, %iota3A_325 : vector<16xi32>
    %swap3A_328 = arith.constant 16 : index
    %swap3A_329 = tpu.vector_load %arg9[%swap3A_328] {strides = array<i32>} : memref<128xi32, #tpu.memory_space<vmem>>, vector<16xi32>,
    %swap3A_330 = vector.shape_cast %swap3A_329 : vector<16xi32> to vector<16xi32>
    %swap3A_331 = vector.shape_cast %add3A_327 : vector<16xi32> to vector<16xi32>
    tpu.vector_store %arg9[%swap3A_328], %swap3A_331 {strides = array<i32>} : memref<128xi32, #tpu.memory_space<vmem>>, vector<16xi32>,
    %add3A_332 = arith.constant 32 : i32
    %add3A_333 = arith.addi %add3A_313, %add3A_332 : i32
    %iota3A_334 = tpu.iota {dimensions = array<i32: 0>} : vector<16xi32>
    %add3A_335 = vector.broadcast %add3A_333 : i32 to vector<16xi32>
    %add3A_336 = arith.addi %add3A_335, %iota3A_334 : vector<16xi32>
    %swap3A_337 = arith.constant 32 : index
    %swap3A_338 = tpu.vector_load %arg9[%swap3A_337] {strides = array<i32>} : memref<128xi32, #tpu.memory_space<vmem>>, vector<16xi32>,
    %swap3A_339 = vector.shape_cast %swap3A_338 : vector<16xi32> to vector<16xi32>
    %swap3A_340 = vector.shape_cast %add3A_336 : vector<16xi32> to vector<16xi32>
    tpu.vector_store %arg9[%swap3A_337], %swap3A_340 {strides = array<i32>} : memref<128xi32, #tpu.memory_space<vmem>>, vector<16xi32>,
    %add3A_341 = arith.constant 48 : i32
    %add3A_342 = arith.addi %add3A_313, %add3A_341 : i32
    %iota3A_343 = tpu.iota {dimensions = array<i32: 0>} : vector<16xi32>
    %add3A_344 = vector.broadcast %add3A_342 : i32 to vector<16xi32>
    %add3A_345 = arith.addi %add3A_344, %iota3A_343 : vector<16xi32>
    %swap3A_346 = arith.constant 48 : index
    %swap3A_347 = tpu.vector_load %arg9[%swap3A_346] {strides = array<i32>} : memref<128xi32, #tpu.memory_space<vmem>>, vector<16xi32>,
    %swap3A_348 = vector.shape_cast %swap3A_347 : vector<16xi32> to vector<16xi32>
    %swap3A_349 = vector.shape_cast %add3A_345 : vector<16xi32> to vector<16xi32>
    tpu.vector_store %arg9[%swap3A_346], %swap3A_349 {strides = array<i32>} : memref<128xi32, #tpu.memory_space<vmem>>, vector<16xi32>,
    %add3A_350 = arith.constant 64 : i32
    %add3A_351 = arith.addi %add3A_313, %add3A_350 : i32
    %iota3A_352 = tpu.iota {dimensions = array<i32: 0>} : vector<16xi32>
    %add3A_353 = vector.broadcast %add3A_351 : i32 to vector<16xi32>
    %add3A_354 = arith.addi %add3A_353, %iota3A_352 : vector<16xi32>
    %swap3A_355 = arith.constant 64 : index
    %swap3A_356 = tpu.vector_load %arg9[%swap3A_355] {strides = array<i32>} : memref<128xi32, #tpu.memory_space<vmem>>, vector<16xi32>,
    %swap3A_357 = vector.shape_cast %swap3A_356 : vector<16xi32> to vector<16xi32>
    %swap3A_358 = vector.shape_cast %add3A_354 : vector<16xi32> to vector<16xi32>
    tpu.vector_store %arg9[%swap3A_355], %swap3A_358 {strides = array<i32>} : memref<128xi32, #tpu.memory_space<vmem>>, vector<16xi32>,
    %add3A_359 = arith.constant 80 : i32
    %add3A_360 = arith.addi %add3A_313, %add3A_359 : i32
    %iota3A_361 = tpu.iota {dimensions = array<i32: 0>} : vector<16xi32>
    %add3A_362 = vector.broadcast %add3A_360 : i32 to vector<16xi32>
    %add3A_363 = arith.addi %add3A_362, %iota3A_361 : vector<16xi32>
    %swap3A_364 = arith.constant 80 : index
    %swap3A_365 = tpu.vector_load %arg9[%swap3A_364] {strides = array<i32>} : memref<128xi32, #tpu.memory_space<vmem>>, vector<16xi32>,
    %swap3A_366 = vector.shape_cast %swap3A_365 : vector<16xi32> to vector<16xi32>
    %swap3A_367 = vector.shape_cast %add3A_363 : vector<16xi32> to vector<16xi32>
    tpu.vector_store %arg9[%swap3A_364], %swap3A_367 {strides = array<i32>} : memref<128xi32, #tpu.memory_space<vmem>>, vector<16xi32>,
    %add3A_368 = arith.constant 96 : i32
    %add3A_369 = arith.addi %add3A_313, %add3A_368 : i32
    %iota3A_370 = tpu.iota {dimensions = array<i32: 0>} : vector<16xi32>
    %add3A_371 = vector.broadcast %add3A_369 : i32 to vector<16xi32>
    %add3A_372 = arith.addi %add3A_371, %iota3A_370 : vector<16xi32>
    %swap3A_373 = arith.constant 96 : index
    %swap3A_374 = tpu.vector_load %arg9[%swap3A_373] {strides = array<i32>} : memref<128xi32, #tpu.memory_space<vmem>>, vector<16xi32>,
    %swap3A_375 = vector.shape_cast %swap3A_374 : vector<16xi32> to vector<16xi32>
    %swap3A_376 = vector.shape_cast %add3A_372 : vector<16xi32> to vector<16xi32>
    tpu.vector_store %arg9[%swap3A_373], %swap3A_376 {strides = array<i32>} : memref<128xi32, #tpu.memory_space<vmem>>, vector<16xi32>,
    %add3A_377 = arith.constant 112 : i32
    %add3A_378 = arith.addi %add3A_313, %add3A_377 : i32
    %iota3A_379 = tpu.iota {dimensions = array<i32: 0>} : vector<16xi32>
    %add3A_380 = vector.broadcast %add3A_378 : i32 to vector<16xi32>
    %add3A_381 = arith.addi %add3A_380, %iota3A_379 : vector<16xi32>
    %swap3A_382 = arith.constant 112 : index
    %swap3A_383 = tpu.vector_load %arg9[%swap3A_382] {strides = array<i32>} : memref<128xi32, #tpu.memory_space<vmem>>, vector<16xi32>,
    %swap3A_384 = vector.shape_cast %swap3A_383 : vector<16xi32> to vector<16xi32>
    %swap3A_385 = vector.shape_cast %add3A_381 : vector<16xi32> to vector<16xi32>
    tpu.vector_store %arg9[%swap3A_382], %swap3A_385 {strides = array<i32>} : memref<128xi32, #tpu.memory_space<vmem>>, vector<16xi32>,
    %dma_start3A = arith.constant 0 : i32
    %dma_start3A_386 = arith.constant 0 : i32
    %dma_start3A_387 = tpu.memref_slice %arg13[%dma_start3A, %dma_start3A_386] : memref<10112x128xf32, #tpu.memory_space<vmem_shared>> -> memref<10112x128xf32, #tpu.memory_space<vmem_shared>>
    tpu.enqueue_indirect_dma source(%dma_start3A_387 : memref<10112x128xf32, #tpu.memory_space<vmem_shared>>) target(%arg11 : memref<128x128xf32, #tpu.memory_space<vmem>>) offsets(%arg9 : memref<128xi32, #tpu.memory_space<vmem>>) semaphore(%arg14 : memref<!tpu.dma_semaphore, #tpu.memory_space<semaphore_mem>>)
    %dma_wait3A = arith.constant 0 : i32
    %dma_wait3A_388 = arith.constant 0 : i32
    %dma_wait3A_389 = tpu.memref_slice %arg13[%dma_wait3A, %dma_wait3A_388] : memref<10112x128xf32, #tpu.memory_space<vmem_shared>> -> memref<10112x128xf32, #tpu.memory_space<vmem_shared>>
    tpu.wait_indirect_dma semaphore(%arg14 : memref<!tpu.dma_semaphore, #tpu.memory_space<semaphore_mem>>) src(%dma_wait3A_389 : memref<10112x128xf32, #tpu.memory_space<vmem_shared>>) dst(%arg11 : memref<128x128xf32, #tpu.memory_space<vmem>>)
    %mul3A_390 = arith.constant 10112 : i32
    %mul3A_391 = arith.muli %arg0, %mul3A_390 : i32
    %add3A_392 = arith.addi %mul3A_391, %add3A_313 : i32
    "tpu.region"() ({
      %run_scoped3A = tpu.sem_alloc : memref<!tpu.dma_semaphore, #tpu.memory_space<semaphore_mem>>
      %dma_start3A_653 = arith.constant 0 : i32
      %dma_start3A_654 = tpu.memref_slice %arg7[%add3A_392, %dma_start3A_653] : memref<20224x128xf32, #tpu.memory_space<hbm>> -> memref<128x128xf32, #tpu.memory_space<hbm>>
      %dma_start3A_655 = arith.constant 0 : i32
      %dma_start3A_656 = tpu.memref_slice %arg7[%add3A_392, %dma_start3A_655] : memref<20224x128xf32, #tpu.memory_space<hbm>> -> memref<128x128xf32, #tpu.memory_space<hbm>>
      tpu.enqueue_dma source(%arg11 : memref<128x128xf32, #tpu.memory_space<vmem>>) target(%dma_start3A_656 : memref<128x128xf32, #tpu.memory_space<hbm>>) target_semaphore(%run_scoped3A : memref<!tpu.dma_semaphore, #tpu.memory_space<semaphore_mem>>)
      %dma_wait3A_657 = arith.constant 0 : i32
      %dma_wait3A_658 = tpu.memref_slice %arg7[%add3A_392, %dma_wait3A_657] : memref<20224x128xf32, #tpu.memory_space<hbm>> -> memref<128x128xf32, #tpu.memory_space<hbm>>
      %dma_wait3A_659 = arith.constant 0 : i32
      %dma_wait3A_660 = tpu.memref_slice %arg7[%add3A_392, %dma_wait3A_659] : memref<20224x128xf32, #tpu.memory_space<hbm>> -> memref<128x128xf32, #tpu.memory_space<hbm>>
      tpu.wait_dma2 semaphore(%run_scoped3A : memref<!tpu.dma_semaphore, #tpu.memory_space<semaphore_mem>>) src(%arg11 : memref<128x128xf32, #tpu.memory_space<vmem>>) dst(%dma_wait3A_660 : memref<128x128xf32, #tpu.memory_space<hbm>>)
      tpu.yield
    }) : () -> ()
    %mul3A_393 = arith.constant 640 : i32
    %mul3A_394 = arith.muli %arg1, %mul3A_393 : i32
    %add3A_395 = arith.constant 128 : i32
    %add3A_396 = arith.addi %mul3A_394, %add3A_395 : i32
    %add3A_397 = arith.constant 0 : i32
    %add3A_398 = arith.addi %add3A_396, %add3A_397 : i32
    %iota3A_399 = tpu.iota {dimensions = array<i32: 0>} : vector<16xi32>
    %add3A_400 = vector.broadcast %add3A_398 : i32 to vector<16xi32>
    %add3A_401 = arith.addi %add3A_400, %iota3A_399 : vector<16xi32>
    %swap3A_402 = arith.constant 0 : index
    %swap3A_403 = tpu.vector_load %arg9[%swap3A_402] {strides = array<i32>} : memref<128xi32, #tpu.memory_space<vmem>>, vector<16xi32>,
    %swap3A_404 = vector.shape_cast %swap3A_403 : vector<16xi32> to vector<16xi32>
    %swap3A_405 = vector.shape_cast %add3A_401 : vector<16xi32> to vector<16xi32>
    tpu.vector_store %arg9[%swap3A_402], %swap3A_405 {strides = array<i32>} : memref<128xi32, #tpu.memory_space<vmem>>, vector<16xi32>,
    %add3A_406 = arith.constant 16 : i32
    %add3A_407 = arith.addi %add3A_396, %add3A_406 : i32
    %iota3A_408 = tpu.iota {dimensions = array<i32: 0>} : vector<16xi32>
    %add3A_409 = vector.broadcast %add3A_407 : i32 to vector<16xi32>
    %add3A_410 = arith.addi %add3A_409, %iota3A_408 : vector<16xi32>
    %swap3A_411 = arith.constant 16 : index
    %swap3A_412 = tpu.vector_load %arg9[%swap3A_411] {strides = array<i32>} : memref<128xi32, #tpu.memory_space<vmem>>, vector<16xi32>,
    %swap3A_413 = vector.shape_cast %swap3A_412 : vector<16xi32> to vector<16xi32>
    %swap3A_414 = vector.shape_cast %add3A_410 : vector<16xi32> to vector<16xi32>
    tpu.vector_store %arg9[%swap3A_411], %swap3A_414 {strides = array<i32>} : memref<128xi32, #tpu.memory_space<vmem>>, vector<16xi32>,
    %add3A_415 = arith.constant 32 : i32
    %add3A_416 = arith.addi %add3A_396, %add3A_415 : i32
    %iota3A_417 = tpu.iota {dimensions = array<i32: 0>} : vector<16xi32>
    %add3A_418 = vector.broadcast %add3A_416 : i32 to vector<16xi32>
    %add3A_419 = arith.addi %add3A_418, %iota3A_417 : vector<16xi32>
    %swap3A_420 = arith.constant 32 : index
    %swap3A_421 = tpu.vector_load %arg9[%swap3A_420] {strides = array<i32>} : memref<128xi32, #tpu.memory_space<vmem>>, vector<16xi32>,
    %swap3A_422 = vector.shape_cast %swap3A_421 : vector<16xi32> to vector<16xi32>
    %swap3A_423 = vector.shape_cast %add3A_419 : vector<16xi32> to vector<16xi32>
    tpu.vector_store %arg9[%swap3A_420], %swap3A_423 {strides = array<i32>} : memref<128xi32, #tpu.memory_space<vmem>>, vector<16xi32>,
    %add3A_424 = arith.constant 48 : i32
    %add3A_425 = arith.addi %add3A_396, %add3A_424 : i32
    %iota3A_426 = tpu.iota {dimensions = array<i32: 0>} : vector<16xi32>
    %add3A_427 = vector.broadcast %add3A_425 : i32 to vector<16xi32>
    %add3A_428 = arith.addi %add3A_427, %iota3A_426 : vector<16xi32>
    %swap3A_429 = arith.constant 48 : index
    %swap3A_430 = tpu.vector_load %arg9[%swap3A_429] {strides = array<i32>} : memref<128xi32, #tpu.memory_space<vmem>>, vector<16xi32>,
    %swap3A_431 = vector.shape_cast %swap3A_430 : vector<16xi32> to vector<16xi32>
    %swap3A_432 = vector.shape_cast %add3A_428 : vector<16xi32> to vector<16xi32>
    tpu.vector_store %arg9[%swap3A_429], %swap3A_432 {strides = array<i32>} : memref<128xi32, #tpu.memory_space<vmem>>, vector<16xi32>,
    %add3A_433 = arith.constant 64 : i32
    %add3A_434 = arith.addi %add3A_396, %add3A_433 : i32
    %iota3A_435 = tpu.iota {dimensions = array<i32: 0>} : vector<16xi32>
    %add3A_436 = vector.broadcast %add3A_434 : i32 to vector<16xi32>
    %add3A_437 = arith.addi %add3A_436, %iota3A_435 : vector<16xi32>
    %swap3A_438 = arith.constant 64 : index
    %swap3A_439 = tpu.vector_load %arg9[%swap3A_438] {strides = array<i32>} : memref<128xi32, #tpu.memory_space<vmem>>, vector<16xi32>,
    %swap3A_440 = vector.shape_cast %swap3A_439 : vector<16xi32> to vector<16xi32>
    %swap3A_441 = vector.shape_cast %add3A_437 : vector<16xi32> to vector<16xi32>
    tpu.vector_store %arg9[%swap3A_438], %swap3A_441 {strides = array<i32>} : memref<128xi32, #tpu.memory_space<vmem>>, vector<16xi32>,
    %add3A_442 = arith.constant 80 : i32
    %add3A_443 = arith.addi %add3A_396, %add3A_442 : i32
    %iota3A_444 = tpu.iota {dimensions = array<i32: 0>} : vector<16xi32>
    %add3A_445 = vector.broadcast %add3A_443 : i32 to vector<16xi32>
    %add3A_446 = arith.addi %add3A_445, %iota3A_444 : vector<16xi32>
    %swap3A_447 = arith.constant 80 : index
    %swap3A_448 = tpu.vector_load %arg9[%swap3A_447] {strides = array<i32>} : memref<128xi32, #tpu.memory_space<vmem>>, vector<16xi32>,
    %swap3A_449 = vector.shape_cast %swap3A_448 : vector<16xi32> to vector<16xi32>
    %swap3A_450 = vector.shape_cast %add3A_446 : vector<16xi32> to vector<16xi32>
    tpu.vector_store %arg9[%swap3A_447], %swap3A_450 {strides = array<i32>} : memref<128xi32, #tpu.memory_space<vmem>>, vector<16xi32>,
    %add3A_451 = arith.constant 96 : i32
    %add3A_452 = arith.addi %add3A_396, %add3A_451 : i32
    %iota3A_453 = tpu.iota {dimensions = array<i32: 0>} : vector<16xi32>
    %add3A_454 = vector.broadcast %add3A_452 : i32 to vector<16xi32>
    %add3A_455 = arith.addi %add3A_454, %iota3A_453 : vector<16xi32>
    %swap3A_456 = arith.constant 96 : index
    %swap3A_457 = tpu.vector_load %arg9[%swap3A_456] {strides = array<i32>} : memref<128xi32, #tpu.memory_space<vmem>>, vector<16xi32>,
    %swap3A_458 = vector.shape_cast %swap3A_457 : vector<16xi32> to vector<16xi32>
    %swap3A_459 = vector.shape_cast %add3A_455 : vector<16xi32> to vector<16xi32>
    tpu.vector_store %arg9[%swap3A_456], %swap3A_459 {strides = array<i32>} : memref<128xi32, #tpu.memory_space<vmem>>, vector<16xi32>,
    %add3A_460 = arith.constant 112 : i32
    %add3A_461 = arith.addi %add3A_396, %add3A_460 : i32
    %iota3A_462 = tpu.iota {dimensions = array<i32: 0>} : vector<16xi32>
    %add3A_463 = vector.broadcast %add3A_461 : i32 to vector<16xi32>
    %add3A_464 = arith.addi %add3A_463, %iota3A_462 : vector<16xi32>
    %swap3A_465 = arith.constant 112 : index
    %swap3A_466 = tpu.vector_load %arg9[%swap3A_465] {strides = array<i32>} : memref<128xi32, #tpu.memory_space<vmem>>, vector<16xi32>,
    %swap3A_467 = vector.shape_cast %swap3A_466 : vector<16xi32> to vector<16xi32>
    %swap3A_468 = vector.shape_cast %add3A_464 : vector<16xi32> to vector<16xi32>
    tpu.vector_store %arg9[%swap3A_465], %swap3A_468 {strides = array<i32>} : memref<128xi32, #tpu.memory_space<vmem>>, vector<16xi32>,
    %dma_start3A_469 = arith.constant 0 : i32
    %dma_start3A_470 = arith.constant 0 : i32
    %dma_start3A_471 = tpu.memref_slice %arg13[%dma_start3A_469, %dma_start3A_470] : memref<10112x128xf32, #tpu.memory_space<vmem_shared>> -> memref<10112x128xf32, #tpu.memory_space<vmem_shared>>
    tpu.enqueue_indirect_dma source(%dma_start3A_471 : memref<10112x128xf32, #tpu.memory_space<vmem_shared>>) target(%arg11 : memref<128x128xf32, #tpu.memory_space<vmem>>) offsets(%arg9 : memref<128xi32, #tpu.memory_space<vmem>>) semaphore(%arg14 : memref<!tpu.dma_semaphore, #tpu.memory_space<semaphore_mem>>)
    %dma_wait3A_472 = arith.constant 0 : i32
    %dma_wait3A_473 = arith.constant 0 : i32
    %dma_wait3A_474 = tpu.memref_slice %arg13[%dma_wait3A_472, %dma_wait3A_473] : memref<10112x128xf32, #tpu.memory_space<vmem_shared>> -> memref<10112x128xf32, #tpu.memory_space<vmem_shared>>
    tpu.wait_indirect_dma semaphore(%arg14 : memref<!tpu.dma_semaphore, #tpu.memory_space<semaphore_mem>>) src(%dma_wait3A_474 : memref<10112x128xf32, #tpu.memory_space<vmem_shared>>) dst(%arg11 : memref<128x128xf32, #tpu.memory_space<vmem>>)
    %mul3A_475 = arith.constant 10112 : i32
    %mul3A_476 = arith.muli %arg0, %mul3A_475 : i32
    %add3A_477 = arith.addi %mul3A_476, %add3A_396 : i32
    "tpu.region"() ({
      %run_scoped3A = tpu.sem_alloc : memref<!tpu.dma_semaphore, #tpu.memory_space<semaphore_mem>>
      %dma_start3A_653 = arith.constant 0 : i32
      %dma_start3A_654 = tpu.memref_slice %arg7[%add3A_477, %dma_start3A_653] : memref<20224x128xf32, #tpu.memory_space<hbm>> -> memref<128x128xf32, #tpu.memory_space<hbm>>
      %dma_start3A_655 = arith.constant 0 : i32
      %dma_start3A_656 = tpu.memref_slice %arg7[%add3A_477, %dma_start3A_655] : memref<20224x128xf32, #tpu.memory_space<hbm>> -> memref<128x128xf32, #tpu.memory_space<hbm>>
      tpu.enqueue_dma source(%arg11 : memref<128x128xf32, #tpu.memory_space<vmem>>) target(%dma_start3A_656 : memref<128x128xf32, #tpu.memory_space<hbm>>) target_semaphore(%run_scoped3A : memref<!tpu.dma_semaphore, #tpu.memory_space<semaphore_mem>>)
      %dma_wait3A_657 = arith.constant 0 : i32
      %dma_wait3A_658 = tpu.memref_slice %arg7[%add3A_477, %dma_wait3A_657] : memref<20224x128xf32, #tpu.memory_space<hbm>> -> memref<128x128xf32, #tpu.memory_space<hbm>>
      %dma_wait3A_659 = arith.constant 0 : i32
      %dma_wait3A_660 = tpu.memref_slice %arg7[%add3A_477, %dma_wait3A_659] : memref<20224x128xf32, #tpu.memory_space<hbm>> -> memref<128x128xf32, #tpu.memory_space<hbm>>
      tpu.wait_dma2 semaphore(%run_scoped3A : memref<!tpu.dma_semaphore, #tpu.memory_space<semaphore_mem>>) src(%arg11 : memref<128x128xf32, #tpu.memory_space<vmem>>) dst(%dma_wait3A_660 : memref<128x128xf32, #tpu.memory_space<hbm>>)
      tpu.yield
    }) : () -> ()
    %mul3A_478 = arith.constant 640 : i32
    %mul3A_479 = arith.muli %arg1, %mul3A_478 : i32
    %add3A_480 = arith.constant 256 : i32
    %add3A_481 = arith.addi %mul3A_479, %add3A_480 : i32
    %add3A_482 = arith.constant 0 : i32
    %add3A_483 = arith.addi %add3A_481, %add3A_482 : i32
    %iota3A_484 = tpu.iota {dimensions = array<i32: 0>} : vector<16xi32>
    %add3A_485 = vector.broadcast %add3A_483 : i32 to vector<16xi32>
    %add3A_486 = arith.addi %add3A_485, %iota3A_484 : vector<16xi32>
    %swap3A_487 = arith.constant 0 : index
    %swap3A_488 = tpu.vector_load %arg9[%swap3A_487] {strides = array<i32>} : memref<128xi32, #tpu.memory_space<vmem>>, vector<16xi32>,
    %swap3A_489 = vector.shape_cast %swap3A_488 : vector<16xi32> to vector<16xi32>
    %swap3A_490 = vector.shape_cast %add3A_486 : vector<16xi32> to vector<16xi32>
    tpu.vector_store %arg9[%swap3A_487], %swap3A_490 {strides = array<i32>} : memref<128xi32, #tpu.memory_space<vmem>>, vector<16xi32>,
    %add3A_491 = arith.constant 16 : i32
    %add3A_492 = arith.addi %add3A_481, %add3A_491 : i32
    %iota3A_493 = tpu.iota {dimensions = array<i32: 0>} : vector<16xi32>
    %add3A_494 = vector.broadcast %add3A_492 : i32 to vector<16xi32>
    %add3A_495 = arith.addi %add3A_494, %iota3A_493 : vector<16xi32>
    %swap3A_496 = arith.constant 16 : index
    %swap3A_497 = tpu.vector_load %arg9[%swap3A_496] {strides = array<i32>} : memref<128xi32, #tpu.memory_space<vmem>>, vector<16xi32>,
    %swap3A_498 = vector.shape_cast %swap3A_497 : vector<16xi32> to vector<16xi32>
    %swap3A_499 = vector.shape_cast %add3A_495 : vector<16xi32> to vector<16xi32>
    tpu.vector_store %arg9[%swap3A_496], %swap3A_499 {strides = array<i32>} : memref<128xi32, #tpu.memory_space<vmem>>, vector<16xi32>,
    %add3A_500 = arith.constant 32 : i32
    %add3A_501 = arith.addi %add3A_481, %add3A_500 : i32
    %iota3A_502 = tpu.iota {dimensions = array<i32: 0>} : vector<16xi32>
    %add3A_503 = vector.broadcast %add3A_501 : i32 to vector<16xi32>
    %add3A_504 = arith.addi %add3A_503, %iota3A_502 : vector<16xi32>
    %swap3A_505 = arith.constant 32 : index
    %swap3A_506 = tpu.vector_load %arg9[%swap3A_505] {strides = array<i32>} : memref<128xi32, #tpu.memory_space<vmem>>, vector<16xi32>,
    %swap3A_507 = vector.shape_cast %swap3A_506 : vector<16xi32> to vector<16xi32>
    %swap3A_508 = vector.shape_cast %add3A_504 : vector<16xi32> to vector<16xi32>
    tpu.vector_store %arg9[%swap3A_505], %swap3A_508 {strides = array<i32>} : memref<128xi32, #tpu.memory_space<vmem>>, vector<16xi32>,
    %add3A_509 = arith.constant 48 : i32
    %add3A_510 = arith.addi %add3A_481, %add3A_509 : i32
    %iota3A_511 = tpu.iota {dimensions = array<i32: 0>} : vector<16xi32>
    %add3A_512 = vector.broadcast %add3A_510 : i32 to vector<16xi32>
    %add3A_513 = arith.addi %add3A_512, %iota3A_511 : vector<16xi32>
    %swap3A_514 = arith.constant 48 : index
    %swap3A_515 = tpu.vector_load %arg9[%swap3A_514] {strides = array<i32>} : memref<128xi32, #tpu.memory_space<vmem>>, vector<16xi32>,
    %swap3A_516 = vector.shape_cast %swap3A_515 : vector<16xi32> to vector<16xi32>
    %swap3A_517 = vector.shape_cast %add3A_513 : vector<16xi32> to vector<16xi32>
    tpu.vector_store %arg9[%swap3A_514], %swap3A_517 {strides = array<i32>} : memref<128xi32, #tpu.memory_space<vmem>>, vector<16xi32>,
    %add3A_518 = arith.constant 64 : i32
    %add3A_519 = arith.addi %add3A_481, %add3A_518 : i32
    %iota3A_520 = tpu.iota {dimensions = array<i32: 0>} : vector<16xi32>
    %add3A_521 = vector.broadcast %add3A_519 : i32 to vector<16xi32>
    %add3A_522 = arith.addi %add3A_521, %iota3A_520 : vector<16xi32>
    %swap3A_523 = arith.constant 64 : index
    %swap3A_524 = tpu.vector_load %arg9[%swap3A_523] {strides = array<i32>} : memref<128xi32, #tpu.memory_space<vmem>>, vector<16xi32>,
    %swap3A_525 = vector.shape_cast %swap3A_524 : vector<16xi32> to vector<16xi32>
    %swap3A_526 = vector.shape_cast %add3A_522 : vector<16xi32> to vector<16xi32>
    tpu.vector_store %arg9[%swap3A_523], %swap3A_526 {strides = array<i32>} : memref<128xi32, #tpu.memory_space<vmem>>, vector<16xi32>,
    %add3A_527 = arith.constant 80 : i32
    %add3A_528 = arith.addi %add3A_481, %add3A_527 : i32
    %iota3A_529 = tpu.iota {dimensions = array<i32: 0>} : vector<16xi32>
    %add3A_530 = vector.broadcast %add3A_528 : i32 to vector<16xi32>
    %add3A_531 = arith.addi %add3A_530, %iota3A_529 : vector<16xi32>
    %swap3A_532 = arith.constant 80 : index
    %swap3A_533 = tpu.vector_load %arg9[%swap3A_532] {strides = array<i32>} : memref<128xi32, #tpu.memory_space<vmem>>, vector<16xi32>,
    %swap3A_534 = vector.shape_cast %swap3A_533 : vector<16xi32> to vector<16xi32>
    %swap3A_535 = vector.shape_cast %add3A_531 : vector<16xi32> to vector<16xi32>
    tpu.vector_store %arg9[%swap3A_532], %swap3A_535 {strides = array<i32>} : memref<128xi32, #tpu.memory_space<vmem>>, vector<16xi32>,
    %add3A_536 = arith.constant 96 : i32
    %add3A_537 = arith.addi %add3A_481, %add3A_536 : i32
    %iota3A_538 = tpu.iota {dimensions = array<i32: 0>} : vector<16xi32>
    %add3A_539 = vector.broadcast %add3A_537 : i32 to vector<16xi32>
    %add3A_540 = arith.addi %add3A_539, %iota3A_538 : vector<16xi32>
    %swap3A_541 = arith.constant 96 : index
    %swap3A_542 = tpu.vector_load %arg9[%swap3A_541] {strides = array<i32>} : memref<128xi32, #tpu.memory_space<vmem>>, vector<16xi32>,
    %swap3A_543 = vector.shape_cast %swap3A_542 : vector<16xi32> to vector<16xi32>
    %swap3A_544 = vector.shape_cast %add3A_540 : vector<16xi32> to vector<16xi32>
    tpu.vector_store %arg9[%swap3A_541], %swap3A_544 {strides = array<i32>} : memref<128xi32, #tpu.memory_space<vmem>>, vector<16xi32>,
    %add3A_545 = arith.constant 112 : i32
    %add3A_546 = arith.addi %add3A_481, %add3A_545 : i32
    %iota3A_547 = tpu.iota {dimensions = array<i32: 0>} : vector<16xi32>
    %add3A_548 = vector.broadcast %add3A_546 : i32 to vector<16xi32>
    %add3A_549 = arith.addi %add3A_548, %iota3A_547 : vector<16xi32>
    %swap3A_550 = arith.constant 112 : index
    %swap3A_551 = tpu.vector_load %arg9[%swap3A_550] {strides = array<i32>} : memref<128xi32, #tpu.memory_space<vmem>>, vector<16xi32>,
    %swap3A_552 = vector.shape_cast %swap3A_551 : vector<16xi32> to vector<16xi32>
    %swap3A_553 = vector.shape_cast %add3A_549 : vector<16xi32> to vector<16xi32>
    tpu.vector_store %arg9[%swap3A_550], %swap3A_553 {strides = array<i32>} : memref<128xi32, #tpu.memory_space<vmem>>, vector<16xi32>,
    %dma_start3A_554 = arith.constant 0 : i32
    %dma_start3A_555 = arith.constant 0 : i32
    %dma_start3A_556 = tpu.memref_slice %arg13[%dma_start3A_554, %dma_start3A_555] : memref<10112x128xf32, #tpu.memory_space<vmem_shared>> -> memref<10112x128xf32, #tpu.memory_space<vmem_shared>>
    tpu.enqueue_indirect_dma source(%dma_start3A_556 : memref<10112x128xf32, #tpu.memory_space<vmem_shared>>) target(%arg11 : memref<128x128xf32, #tpu.memory_space<vmem>>) offsets(%arg9 : memref<128xi32, #tpu.memory_space<vmem>>) semaphore(%arg14 : memref<!tpu.dma_semaphore, #tpu.memory_space<semaphore_mem>>)
    %dma_wait3A_557 = arith.constant 0 : i32
    %dma_wait3A_558 = arith.constant 0 : i32
    %dma_wait3A_559 = tpu.memref_slice %arg13[%dma_wait3A_557, %dma_wait3A_558] : memref<10112x128xf32, #tpu.memory_space<vmem_shared>> -> memref<10112x128xf32, #tpu.memory_space<vmem_shared>>
    tpu.wait_indirect_dma semaphore(%arg14 : memref<!tpu.dma_semaphore, #tpu.memory_space<semaphore_mem>>) src(%dma_wait3A_559 : memref<10112x128xf32, #tpu.memory_space<vmem_shared>>) dst(%arg11 : memref<128x128xf32, #tpu.memory_space<vmem>>)
    %mul3A_560 = arith.constant 10112 : i32
    %mul3A_561 = arith.muli %arg0, %mul3A_560 : i32
    %add3A_562 = arith.addi %mul3A_561, %add3A_481 : i32
    "tpu.region"() ({
      %run_scoped3A = tpu.sem_alloc : memref<!tpu.dma_semaphore, #tpu.memory_space<semaphore_mem>>
      %dma_start3A_653 = arith.constant 0 : i32
      %dma_start3A_654 = tpu.memref_slice %arg7[%add3A_562, %dma_start3A_653] : memref<20224x128xf32, #tpu.memory_space<hbm>> -> memref<128x128xf32, #tpu.memory_space<hbm>>
      %dma_start3A_655 = arith.constant 0 : i32
      %dma_start3A_656 = tpu.memref_slice %arg7[%add3A_562, %dma_start3A_655] : memref<20224x128xf32, #tpu.memory_space<hbm>> -> memref<128x128xf32, #tpu.memory_space<hbm>>
      tpu.enqueue_dma source(%arg11 : memref<128x128xf32, #tpu.memory_space<vmem>>) target(%dma_start3A_656 : memref<128x128xf32, #tpu.memory_space<hbm>>) target_semaphore(%run_scoped3A : memref<!tpu.dma_semaphore, #tpu.memory_space<semaphore_mem>>)
      %dma_wait3A_657 = arith.constant 0 : i32
      %dma_wait3A_658 = tpu.memref_slice %arg7[%add3A_562, %dma_wait3A_657] : memref<20224x128xf32, #tpu.memory_space<hbm>> -> memref<128x128xf32, #tpu.memory_space<hbm>>
      %dma_wait3A_659 = arith.constant 0 : i32
      %dma_wait3A_660 = tpu.memref_slice %arg7[%add3A_562, %dma_wait3A_659] : memref<20224x128xf32, #tpu.memory_space<hbm>> -> memref<128x128xf32, #tpu.memory_space<hbm>>
      tpu.wait_dma2 semaphore(%run_scoped3A : memref<!tpu.dma_semaphore, #tpu.memory_space<semaphore_mem>>) src(%arg11 : memref<128x128xf32, #tpu.memory_space<vmem>>) dst(%dma_wait3A_660 : memref<128x128xf32, #tpu.memory_space<hbm>>)
      tpu.yield
    }) : () -> ()
    %mul3A_563 = arith.constant 640 : i32
    %mul3A_564 = arith.muli %arg1, %mul3A_563 : i32
    %add3A_565 = arith.constant 384 : i32
    %add3A_566 = arith.addi %mul3A_564, %add3A_565 : i32
    %add3A_567 = arith.constant 0 : i32
    %add3A_568 = arith.addi %add3A_566, %add3A_567 : i32
    %iota3A_569 = tpu.iota {dimensions = array<i32: 0>} : vector<16xi32>
    %add3A_570 = vector.broadcast %add3A_568 : i32 to vector<16xi32>
    %add3A_571 = arith.addi %add3A_570, %iota3A_569 : vector<16xi32>
    %swap3A_572 = arith.constant 0 : index
    %swap3A_573 = tpu.vector_load %arg9[%swap3A_572] {strides = array<i32>} : memref<128xi32, #tpu.memory_space<vmem>>, vector<16xi32>,
    %swap3A_574 = vector.shape_cast %swap3A_573 : vector<16xi32> to vector<16xi32>
    %swap3A_575 = vector.shape_cast %add3A_571 : vector<16xi32> to vector<16xi32>
    tpu.vector_store %arg9[%swap3A_572], %swap3A_575 {strides = array<i32>} : memref<128xi32, #tpu.memory_space<vmem>>, vector<16xi32>,
    %add3A_576 = arith.constant 16 : i32
    %add3A_577 = arith.addi %add3A_566, %add3A_576 : i32
    %iota3A_578 = tpu.iota {dimensions = array<i32: 0>} : vector<16xi32>
    %add3A_579 = vector.broadcast %add3A_577 : i32 to vector<16xi32>
    %add3A_580 = arith.addi %add3A_579, %iota3A_578 : vector<16xi32>
    %swap3A_581 = arith.constant 16 : index
    %swap3A_582 = tpu.vector_load %arg9[%swap3A_581] {strides = array<i32>} : memref<128xi32, #tpu.memory_space<vmem>>, vector<16xi32>,
    %swap3A_583 = vector.shape_cast %swap3A_582 : vector<16xi32> to vector<16xi32>
    %swap3A_584 = vector.shape_cast %add3A_580 : vector<16xi32> to vector<16xi32>
    tpu.vector_store %arg9[%swap3A_581], %swap3A_584 {strides = array<i32>} : memref<128xi32, #tpu.memory_space<vmem>>, vector<16xi32>,
    %add3A_585 = arith.constant 32 : i32
    %add3A_586 = arith.addi %add3A_566, %add3A_585 : i32
    %iota3A_587 = tpu.iota {dimensions = array<i32: 0>} : vector<16xi32>
    %add3A_588 = vector.broadcast %add3A_586 : i32 to vector<16xi32>
    %add3A_589 = arith.addi %add3A_588, %iota3A_587 : vector<16xi32>
    %swap3A_590 = arith.constant 32 : index
    %swap3A_591 = tpu.vector_load %arg9[%swap3A_590] {strides = array<i32>} : memref<128xi32, #tpu.memory_space<vmem>>, vector<16xi32>,
    %swap3A_592 = vector.shape_cast %swap3A_591 : vector<16xi32> to vector<16xi32>
    %swap3A_593 = vector.shape_cast %add3A_589 : vector<16xi32> to vector<16xi32>
    tpu.vector_store %arg9[%swap3A_590], %swap3A_593 {strides = array<i32>} : memref<128xi32, #tpu.memory_space<vmem>>, vector<16xi32>,
    %add3A_594 = arith.constant 48 : i32
    %add3A_595 = arith.addi %add3A_566, %add3A_594 : i32
    %iota3A_596 = tpu.iota {dimensions = array<i32: 0>} : vector<16xi32>
    %add3A_597 = vector.broadcast %add3A_595 : i32 to vector<16xi32>
    %add3A_598 = arith.addi %add3A_597, %iota3A_596 : vector<16xi32>
    %swap3A_599 = arith.constant 48 : index
    %swap3A_600 = tpu.vector_load %arg9[%swap3A_599] {strides = array<i32>} : memref<128xi32, #tpu.memory_space<vmem>>, vector<16xi32>,
    %swap3A_601 = vector.shape_cast %swap3A_600 : vector<16xi32> to vector<16xi32>
    %swap3A_602 = vector.shape_cast %add3A_598 : vector<16xi32> to vector<16xi32>
    tpu.vector_store %arg9[%swap3A_599], %swap3A_602 {strides = array<i32>} : memref<128xi32, #tpu.memory_space<vmem>>, vector<16xi32>,
    %add3A_603 = arith.constant 64 : i32
    %add3A_604 = arith.addi %add3A_566, %add3A_603 : i32
    %iota3A_605 = tpu.iota {dimensions = array<i32: 0>} : vector<16xi32>
    %add3A_606 = vector.broadcast %add3A_604 : i32 to vector<16xi32>
    %add3A_607 = arith.addi %add3A_606, %iota3A_605 : vector<16xi32>
    %swap3A_608 = arith.constant 64 : index
    %swap3A_609 = tpu.vector_load %arg9[%swap3A_608] {strides = array<i32>} : memref<128xi32, #tpu.memory_space<vmem>>, vector<16xi32>,
    %swap3A_610 = vector.shape_cast %swap3A_609 : vector<16xi32> to vector<16xi32>
    %swap3A_611 = vector.shape_cast %add3A_607 : vector<16xi32> to vector<16xi32>
    tpu.vector_store %arg9[%swap3A_608], %swap3A_611 {strides = array<i32>} : memref<128xi32, #tpu.memory_space<vmem>>, vector<16xi32>,
    %add3A_612 = arith.constant 80 : i32
    %add3A_613 = arith.addi %add3A_566, %add3A_612 : i32
    %iota3A_614 = tpu.iota {dimensions = array<i32: 0>} : vector<16xi32>
    %add3A_615 = vector.broadcast %add3A_613 : i32 to vector<16xi32>
    %add3A_616 = arith.addi %add3A_615, %iota3A_614 : vector<16xi32>
    %swap3A_617 = arith.constant 80 : index
    %swap3A_618 = tpu.vector_load %arg9[%swap3A_617] {strides = array<i32>} : memref<128xi32, #tpu.memory_space<vmem>>, vector<16xi32>,
    %swap3A_619 = vector.shape_cast %swap3A_618 : vector<16xi32> to vector<16xi32>
    %swap3A_620 = vector.shape_cast %add3A_616 : vector<16xi32> to vector<16xi32>
    tpu.vector_store %arg9[%swap3A_617], %swap3A_620 {strides = array<i32>} : memref<128xi32, #tpu.memory_space<vmem>>, vector<16xi32>,
    %add3A_621 = arith.constant 96 : i32
    %add3A_622 = arith.addi %add3A_566, %add3A_621 : i32
    %iota3A_623 = tpu.iota {dimensions = array<i32: 0>} : vector<16xi32>
    %add3A_624 = vector.broadcast %add3A_622 : i32 to vector<16xi32>
    %add3A_625 = arith.addi %add3A_624, %iota3A_623 : vector<16xi32>
    %swap3A_626 = arith.constant 96 : index
    %swap3A_627 = tpu.vector_load %arg9[%swap3A_626] {strides = array<i32>} : memref<128xi32, #tpu.memory_space<vmem>>, vector<16xi32>,
    %swap3A_628 = vector.shape_cast %swap3A_627 : vector<16xi32> to vector<16xi32>
    %swap3A_629 = vector.shape_cast %add3A_625 : vector<16xi32> to vector<16xi32>
    tpu.vector_store %arg9[%swap3A_626], %swap3A_629 {strides = array<i32>} : memref<128xi32, #tpu.memory_space<vmem>>, vector<16xi32>,
    %add3A_630 = arith.constant 112 : i32
    %add3A_631 = arith.addi %add3A_566, %add3A_630 : i32
    %iota3A_632 = tpu.iota {dimensions = array<i32: 0>} : vector<16xi32>
    %add3A_633 = vector.broadcast %add3A_631 : i32 to vector<16xi32>
    %add3A_634 = arith.addi %add3A_633, %iota3A_632 : vector<16xi32>
    %swap3A_635 = arith.constant 112 : index
    %swap3A_636 = tpu.vector_load %arg9[%swap3A_635] {strides = array<i32>} : memref<128xi32, #tpu.memory_space<vmem>>, vector<16xi32>,
    %swap3A_637 = vector.shape_cast %swap3A_636 : vector<16xi32> to vector<16xi32>
    %swap3A_638 = vector.shape_cast %add3A_634 : vector<16xi32> to vector<16xi32>
    tpu.vector_store %arg9[%swap3A_635], %swap3A_638 {strides = array<i32>} : memref<128xi32, #tpu.memory_space<vmem>>, vector<16xi32>,
    %dma_start3A_639 = arith.constant 0 : i32
    %dma_start3A_640 = arith.constant 0 : i32
    %dma_start3A_641 = tpu.memref_slice %arg13[%dma_start3A_639, %dma_start3A_640] : memref<10112x128xf32, #tpu.memory_space<vmem_shared>> -> memref<10112x128xf32, #tpu.memory_space<vmem_shared>>
    tpu.enqueue_indirect_dma source(%dma_start3A_641 : memref<10112x128xf32, #tpu.memory_space<vmem_shared>>) target(%arg11 : memref<128x128xf32, #tpu.memory_space<vmem>>) offsets(%arg9 : memref<128xi32, #tpu.memory_space<vmem>>) semaphore(%arg14 : memref<!tpu.dma_semaphore, #tpu.memory_space<semaphore_mem>>)
    %dma_wait3A_642 = arith.constant 0 : i32
    %dma_wait3A_643 = arith.constant 0 : i32
    %dma_wait3A_644 = tpu.memref_slice %arg13[%dma_wait3A_642, %dma_wait3A_643] : memref<10112x128xf32, #tpu.memory_space<vmem_shared>> -> memref<10112x128xf32, #tpu.memory_space<vmem_shared>>
    tpu.wait_indirect_dma semaphore(%arg14 : memref<!tpu.dma_semaphore, #tpu.memory_space<semaphore_mem>>) src(%dma_wait3A_644 : memref<10112x128xf32, #tpu.memory_space<vmem_shared>>) dst(%arg11 : memref<128x128xf32, #tpu.memory_space<vmem>>)
    %mul3A_645 = arith.constant 10112 : i32
    %mul3A_646 = arith.muli %arg0, %mul3A_645 : i32
    %add3A_647 = arith.addi %mul3A_646, %add3A_566 : i32
    "tpu.region"() ({
      %run_scoped3A = tpu.sem_alloc : memref<!tpu.dma_semaphore, #tpu.memory_space<semaphore_mem>>
      %dma_start3A_653 = arith.constant 0 : i32
      %dma_start3A_654 = tpu.memref_slice %arg7[%add3A_647, %dma_start3A_653] : memref<20224x128xf32, #tpu.memory_space<hbm>> -> memref<128x128xf32, #tpu.memory_space<hbm>>
      %dma_start3A_655 = arith.constant 0 : i32
      %dma_start3A_656 = tpu.memref_slice %arg7[%add3A_647, %dma_start3A_655] : memref<20224x128xf32, #tpu.memory_space<hbm>> -> memref<128x128xf32, #tpu.memory_space<hbm>>
      tpu.enqueue_dma source(%arg11 : memref<128x128xf32, #tpu.memory_space<vmem>>) target(%dma_start3A_656 : memref<128x128xf32, #tpu.memory_space<hbm>>) target_semaphore(%run_scoped3A : memref<!tpu.dma_semaphore, #tpu.memory_space<semaphore_mem>>)
      %dma_wait3A_657 = arith.constant 0 : i32
      %dma_wait3A_658 = tpu.memref_slice %arg7[%add3A_647, %dma_wait3A_657] : memref<20224x128xf32, #tpu.memory_space<hbm>> -> memref<128x128xf32, #tpu.memory_space<hbm>>
      %dma_wait3A_659 = arith.constant 0 : i32
      %dma_wait3A_660 = tpu.memref_slice %arg7[%add3A_647, %dma_wait3A_659] : memref<20224x128xf32, #tpu.memory_space<hbm>> -> memref<128x128xf32, #tpu.memory_space<hbm>>
      tpu.wait_dma2 semaphore(%run_scoped3A : memref<!tpu.dma_semaphore, #tpu.memory_space<semaphore_mem>>) src(%arg11 : memref<128x128xf32, #tpu.memory_space<vmem>>) dst(%dma_wait3A_660 : memref<128x128xf32, #tpu.memory_space<hbm>>)
      tpu.yield
    }) : () -> ()
    %lt3A_648 = arith.constant 15 : i32
    %lt3A_649 = arith.cmpi slt, %arg1, %lt3A_648 : i32
    %convert_element_type3A_650 = arith.extui %lt3A_649 : i1 to i32
    %cond3A_651 = arith.constant 0 : i32
    %cond3A_652 = arith.cmpi ne, %convert_element_type3A_650, %cond3A_651 : i32
    scf.if %cond3A_652 {
      %mul3A_653 = arith.constant 640 : i32
      %mul3A_654 = arith.muli %arg1, %mul3A_653 : i32
      %add3A_655 = arith.constant 512 : i32
      %add3A_656 = arith.addi %mul3A_654, %add3A_655 : i32
      %add3A_657 = arith.constant 0 : i32
      %add3A_658 = arith.addi %add3A_656, %add3A_657 : i32
      %iota3A_659 = tpu.iota {dimensions = array<i32: 0>} : vector<16xi32>
      %add3A_660 = vector.broadcast %add3A_658 : i32 to vector<16xi32>
      %add3A_661 = arith.addi %add3A_660, %iota3A_659 : vector<16xi32>
      %swap3A_662 = arith.constant 0 : index
      %swap3A_663 = tpu.vector_load %arg9[%swap3A_662] {strides = array<i32>} : memref<128xi32, #tpu.memory_space<vmem>>, vector<16xi32>,
      %swap3A_664 = vector.shape_cast %swap3A_663 : vector<16xi32> to vector<16xi32>
      %swap3A_665 = vector.shape_cast %add3A_661 : vector<16xi32> to vector<16xi32>
      tpu.vector_store %arg9[%swap3A_662], %swap3A_665 {strides = array<i32>} : memref<128xi32, #tpu.memory_space<vmem>>, vector<16xi32>,
      %add3A_666 = arith.constant 16 : i32
      %add3A_667 = arith.addi %add3A_656, %add3A_666 : i32
      %iota3A_668 = tpu.iota {dimensions = array<i32: 0>} : vector<16xi32>
      %add3A_669 = vector.broadcast %add3A_667 : i32 to vector<16xi32>
      %add3A_670 = arith.addi %add3A_669, %iota3A_668 : vector<16xi32>
      %swap3A_671 = arith.constant 16 : index
      %swap3A_672 = tpu.vector_load %arg9[%swap3A_671] {strides = array<i32>} : memref<128xi32, #tpu.memory_space<vmem>>, vector<16xi32>,
      %swap3A_673 = vector.shape_cast %swap3A_672 : vector<16xi32> to vector<16xi32>
      %swap3A_674 = vector.shape_cast %add3A_670 : vector<16xi32> to vector<16xi32>
      tpu.vector_store %arg9[%swap3A_671], %swap3A_674 {strides = array<i32>} : memref<128xi32, #tpu.memory_space<vmem>>, vector<16xi32>,
      %add3A_675 = arith.constant 32 : i32
      %add3A_676 = arith.addi %add3A_656, %add3A_675 : i32
      %iota3A_677 = tpu.iota {dimensions = array<i32: 0>} : vector<16xi32>
      %add3A_678 = vector.broadcast %add3A_676 : i32 to vector<16xi32>
      %add3A_679 = arith.addi %add3A_678, %iota3A_677 : vector<16xi32>
      %swap3A_680 = arith.constant 32 : index
      %swap3A_681 = tpu.vector_load %arg9[%swap3A_680] {strides = array<i32>} : memref<128xi32, #tpu.memory_space<vmem>>, vector<16xi32>,
      %swap3A_682 = vector.shape_cast %swap3A_681 : vector<16xi32> to vector<16xi32>
      %swap3A_683 = vector.shape_cast %add3A_679 : vector<16xi32> to vector<16xi32>
      tpu.vector_store %arg9[%swap3A_680], %swap3A_683 {strides = array<i32>} : memref<128xi32, #tpu.memory_space<vmem>>, vector<16xi32>,
      %add3A_684 = arith.constant 48 : i32
      %add3A_685 = arith.addi %add3A_656, %add3A_684 : i32
      %iota3A_686 = tpu.iota {dimensions = array<i32: 0>} : vector<16xi32>
      %add3A_687 = vector.broadcast %add3A_685 : i32 to vector<16xi32>
      %add3A_688 = arith.addi %add3A_687, %iota3A_686 : vector<16xi32>
      %swap3A_689 = arith.constant 48 : index
      %swap3A_690 = tpu.vector_load %arg9[%swap3A_689] {strides = array<i32>} : memref<128xi32, #tpu.memory_space<vmem>>, vector<16xi32>,
      %swap3A_691 = vector.shape_cast %swap3A_690 : vector<16xi32> to vector<16xi32>
      %swap3A_692 = vector.shape_cast %add3A_688 : vector<16xi32> to vector<16xi32>
      tpu.vector_store %arg9[%swap3A_689], %swap3A_692 {strides = array<i32>} : memref<128xi32, #tpu.memory_space<vmem>>, vector<16xi32>,
      %add3A_693 = arith.constant 64 : i32
      %add3A_694 = arith.addi %add3A_656, %add3A_693 : i32
      %iota3A_695 = tpu.iota {dimensions = array<i32: 0>} : vector<16xi32>
      %add3A_696 = vector.broadcast %add3A_694 : i32 to vector<16xi32>
      %add3A_697 = arith.addi %add3A_696, %iota3A_695 : vector<16xi32>
      %swap3A_698 = arith.constant 64 : index
      %swap3A_699 = tpu.vector_load %arg9[%swap3A_698] {strides = array<i32>} : memref<128xi32, #tpu.memory_space<vmem>>, vector<16xi32>,
      %swap3A_700 = vector.shape_cast %swap3A_699 : vector<16xi32> to vector<16xi32>
      %swap3A_701 = vector.shape_cast %add3A_697 : vector<16xi32> to vector<16xi32>
      tpu.vector_store %arg9[%swap3A_698], %swap3A_701 {strides = array<i32>} : memref<128xi32, #tpu.memory_space<vmem>>, vector<16xi32>,
      %add3A_702 = arith.constant 80 : i32
      %add3A_703 = arith.addi %add3A_656, %add3A_702 : i32
      %iota3A_704 = tpu.iota {dimensions = array<i32: 0>} : vector<16xi32>
      %add3A_705 = vector.broadcast %add3A_703 : i32 to vector<16xi32>
      %add3A_706 = arith.addi %add3A_705, %iota3A_704 : vector<16xi32>
      %swap3A_707 = arith.constant 80 : index
      %swap3A_708 = tpu.vector_load %arg9[%swap3A_707] {strides = array<i32>} : memref<128xi32, #tpu.memory_space<vmem>>, vector<16xi32>,
      %swap3A_709 = vector.shape_cast %swap3A_708 : vector<16xi32> to vector<16xi32>
      %swap3A_710 = vector.shape_cast %add3A_706 : vector<16xi32> to vector<16xi32>
      tpu.vector_store %arg9[%swap3A_707], %swap3A_710 {strides = array<i32>} : memref<128xi32, #tpu.memory_space<vmem>>, vector<16xi32>,
      %add3A_711 = arith.constant 96 : i32
      %add3A_712 = arith.addi %add3A_656, %add3A_711 : i32
      %iota3A_713 = tpu.iota {dimensions = array<i32: 0>} : vector<16xi32>
      %add3A_714 = vector.broadcast %add3A_712 : i32 to vector<16xi32>
      %add3A_715 = arith.addi %add3A_714, %iota3A_713 : vector<16xi32>
      %swap3A_716 = arith.constant 96 : index
      %swap3A_717 = tpu.vector_load %arg9[%swap3A_716] {strides = array<i32>} : memref<128xi32, #tpu.memory_space<vmem>>, vector<16xi32>,
      %swap3A_718 = vector.shape_cast %swap3A_717 : vector<16xi32> to vector<16xi32>
      %swap3A_719 = vector.shape_cast %add3A_715 : vector<16xi32> to vector<16xi32>
      tpu.vector_store %arg9[%swap3A_716], %swap3A_719 {strides = array<i32>} : memref<128xi32, #tpu.memory_space<vmem>>, vector<16xi32>,
      %add3A_720 = arith.constant 112 : i32
      %add3A_721 = arith.addi %add3A_656, %add3A_720 : i32
      %iota3A_722 = tpu.iota {dimensions = array<i32: 0>} : vector<16xi32>
      %add3A_723 = vector.broadcast %add3A_721 : i32 to vector<16xi32>
      %add3A_724 = arith.addi %add3A_723, %iota3A_722 : vector<16xi32>
      %swap3A_725 = arith.constant 112 : index
      %swap3A_726 = tpu.vector_load %arg9[%swap3A_725] {strides = array<i32>} : memref<128xi32, #tpu.memory_space<vmem>>, vector<16xi32>,
      %swap3A_727 = vector.shape_cast %swap3A_726 : vector<16xi32> to vector<16xi32>
      %swap3A_728 = vector.shape_cast %add3A_724 : vector<16xi32> to vector<16xi32>
      tpu.vector_store %arg9[%swap3A_725], %swap3A_728 {strides = array<i32>} : memref<128xi32, #tpu.memory_space<vmem>>, vector<16xi32>,
      %dma_start3A_729 = arith.constant 0 : i32
      %dma_start3A_730 = arith.constant 0 : i32
      %dma_start3A_731 = tpu.memref_slice %arg13[%dma_start3A_729, %dma_start3A_730] : memref<10112x128xf32, #tpu.memory_space<vmem_shared>> -> memref<10112x128xf32, #tpu.memory_space<vmem_shared>>
      tpu.enqueue_indirect_dma source(%dma_start3A_731 : memref<10112x128xf32, #tpu.memory_space<vmem_shared>>) target(%arg11 : memref<128x128xf32, #tpu.memory_space<vmem>>) offsets(%arg9 : memref<128xi32, #tpu.memory_space<vmem>>) semaphore(%arg14 : memref<!tpu.dma_semaphore, #tpu.memory_space<semaphore_mem>>)
      %dma_wait3A_732 = arith.constant 0 : i32
      %dma_wait3A_733 = arith.constant 0 : i32
      %dma_wait3A_734 = tpu.memref_slice %arg13[%dma_wait3A_732, %dma_wait3A_733] : memref<10112x128xf32, #tpu.memory_space<vmem_shared>> -> memref<10112x128xf32, #tpu.memory_space<vmem_shared>>
      tpu.wait_indirect_dma semaphore(%arg14 : memref<!tpu.dma_semaphore, #tpu.memory_space<semaphore_mem>>) src(%dma_wait3A_734 : memref<10112x128xf32, #tpu.memory_space<vmem_shared>>) dst(%arg11 : memref<128x128xf32, #tpu.memory_space<vmem>>)
      %mul3A_735 = arith.constant 10112 : i32
      %mul3A_736 = arith.muli %arg0, %mul3A_735 : i32
      %add3A_737 = arith.addi %mul3A_736, %add3A_656 : i32
      "tpu.region"() ({
        %run_scoped3A = tpu.sem_alloc : memref<!tpu.dma_semaphore, #tpu.memory_space<semaphore_mem>>
        %dma_start3A_738 = arith.constant 0 : i32
        %dma_start3A_739 = tpu.memref_slice %arg7[%add3A_737, %dma_start3A_738] : memref<20224x128xf32, #tpu.memory_space<hbm>> -> memref<128x128xf32, #tpu.memory_space<hbm>>
        %dma_start3A_740 = arith.constant 0 : i32
        %dma_start3A_741 = tpu.memref_slice %arg7[%add3A_737, %dma_start3A_740] : memref<20224x128xf32, #tpu.memory_space<hbm>> -> memref<128x128xf32, #tpu.memory_space<hbm>>
        tpu.enqueue_dma source(%arg11 : memref<128x128xf32, #tpu.memory_space<vmem>>) target(%dma_start3A_741 : memref<128x128xf32, #tpu.memory_space<hbm>>) target_semaphore(%run_scoped3A : memref<!tpu.dma_semaphore, #tpu.memory_space<semaphore_mem>>)
        %dma_wait3A_742 = arith.constant 0 : i32
        %dma_wait3A_743 = tpu.memref_slice %arg7[%add3A_737, %dma_wait3A_742] : memref<20224x128xf32, #tpu.memory_space<hbm>> -> memref<128x128xf32, #tpu.memory_space<hbm>>
        %dma_wait3A_744 = arith.constant 0 : i32
        %dma_wait3A_745 = tpu.memref_slice %arg7[%add3A_737, %dma_wait3A_744] : memref<20224x128xf32, #tpu.memory_space<hbm>> -> memref<128x128xf32, #tpu.memory_space<hbm>>
        tpu.wait_dma2 semaphore(%run_scoped3A : memref<!tpu.dma_semaphore, #tpu.memory_space<semaphore_mem>>) src(%arg11 : memref<128x128xf32, #tpu.memory_space<vmem>>) dst(%dma_wait3A_745 : memref<128x128xf32, #tpu.memory_space<hbm>>)
        tpu.yield
      }) : () -> ()
    } else {
    }
    return
  }
}

#map = affine_map<(d0, d1) -> (0, 0)>
#map1 = affine_map<(d0, d1) -> (0)>
module attributes {stable_mosaic.version = 14 : i64} {
  func.func @body(%arg0: i32, %arg1: i32, %arg2: memref<10000x128xf32, #tpu.memory_space<hbm>>, %arg3: memref<327680xi32, #tpu.memory_space<hbm>>, %arg4: memref<327680xi32, #tpu.memory_space<hbm>>, %arg5: memref<128x128xf32, #tpu.memory_space<hbm>>, %arg6: memref<128x128xf32, #tpu.memory_space<hbm>>, %arg7: memref<20224x128xf32, #tpu.memory_space<hbm>>, %arg8: memref<256xi32, #tpu.memory_space<vmem>>, %arg9: memref<128xi32, #tpu.memory_space<vmem>>, %arg10: memref<128xi32, #tpu.memory_space<vmem>>, %arg11: memref<128x128xf32, #tpu.memory_space<vmem>>, %arg12: memref<128x128xf32, #tpu.memory_space<vmem>>, %arg13: memref<10112x128xf32, #tpu.memory_space<vmem_shared>>, %arg14: memref<!tpu.dma_semaphore, #tpu.memory_space<semaphore_mem>>, %arg15: memref<!tpu.dma_semaphore, #tpu.memory_space<semaphore_mem>>) attributes {dimension_semantics = [#tpu.dimension_semantics<core_parallel>, #tpu.dimension_semantics<subcore_parallel>], iteration_bounds = array<i64: 2, 16>, scalar_prefetch = 0 : i64, scratch_operands = 8 : i64, tpu.core_type = #tpu.core_type<sc_vector_subcore>, window_params = [{transform_indices = #map}, {transform_indices = #map1}, {transform_indices = #map1}, {transform_indices = #map}, {transform_indices = #map}, {transform_indices = #map}]} {
    %mul3A = arith.constant 16 : i32
    %mul3A_0 = arith.muli %arg0, %mul3A : i32
    %add3A = arith.addi %mul3A_0, %arg1 : i32
    "tpu.region"() ({
      %run_scoped3A = tpu.sem_alloc : memref<!tpu.dma_semaphore, #tpu.memory_space<semaphore_mem>>
      tpu.enqueue_dma source(%arg5 : memref<128x128xf32, #tpu.memory_space<hbm>>) target(%arg11 : memref<128x128xf32, #tpu.memory_space<vmem>>) target_semaphore(%run_scoped3A : memref<!tpu.dma_semaphore, #tpu.memory_space<semaphore_mem>>)
      tpu.wait_dma2 semaphore(%run_scoped3A : memref<!tpu.dma_semaphore, #tpu.memory_space<semaphore_mem>>) src(%arg5 : memref<128x128xf32, #tpu.memory_space<hbm>>) dst(%arg11 : memref<128x128xf32, #tpu.memory_space<vmem>>)
      tpu.yield
    }) : () -> ()
    %mul3A_1 = arith.constant 640 : i32
    %mul3A_2 = arith.muli %arg1, %mul3A_1 : i32
    %add3A_3 = arith.constant 0 : i32
    %add3A_4 = arith.addi %mul3A_2, %add3A_3 : i32
    %add3A_5 = arith.constant 0 : i32
    %add3A_6 = arith.addi %add3A_4, %add3A_5 : i32
    %iota3A = tpu.iota {dimensions = array<i32: 0>} : vector<16xi32>
    %add3A_7 = vector.broadcast %add3A_6 : i32 to vector<16xi32>
    %add3A_8 = arith.addi %add3A_7, %iota3A : vector<16xi32>
    %swap3A = arith.constant 0 : index
    %swap3A_9 = tpu.vector_load %arg9[%swap3A] {strides = array<i32>} : memref<128xi32, #tpu.memory_space<vmem>>, vector<16xi32>,
    %swap3A_10 = vector.shape_cast %swap3A_9 : vector<16xi32> to vector<16xi32>
    %swap3A_11 = vector.shape_cast %add3A_8 : vector<16xi32> to vector<16xi32>
    tpu.vector_store %arg9[%swap3A], %swap3A_11 {strides = array<i32>} : memref<128xi32, #tpu.memory_space<vmem>>, vector<16xi32>,
    %add3A_12 = arith.constant 16 : i32
    %add3A_13 = arith.addi %add3A_4, %add3A_12 : i32
    %iota3A_14 = tpu.iota {dimensions = array<i32: 0>} : vector<16xi32>
    %add3A_15 = vector.broadcast %add3A_13 : i32 to vector<16xi32>
    %add3A_16 = arith.addi %add3A_15, %iota3A_14 : vector<16xi32>
    %swap3A_17 = arith.constant 16 : index
    %swap3A_18 = tpu.vector_load %arg9[%swap3A_17] {strides = array<i32>} : memref<128xi32, #tpu.memory_space<vmem>>, vector<16xi32>,
    %swap3A_19 = vector.shape_cast %swap3A_18 : vector<16xi32> to vector<16xi32>
    %swap3A_20 = vector.shape_cast %add3A_16 : vector<16xi32> to vector<16xi32>
    tpu.vector_store %arg9[%swap3A_17], %swap3A_20 {strides = array<i32>} : memref<128xi32, #tpu.memory_space<vmem>>, vector<16xi32>,
    %add3A_21 = arith.constant 32 : i32
    %add3A_22 = arith.addi %add3A_4, %add3A_21 : i32
    %iota3A_23 = tpu.iota {dimensions = array<i32: 0>} : vector<16xi32>
    %add3A_24 = vector.broadcast %add3A_22 : i32 to vector<16xi32>
    %add3A_25 = arith.addi %add3A_24, %iota3A_23 : vector<16xi32>
    %swap3A_26 = arith.constant 32 : index
    %swap3A_27 = tpu.vector_load %arg9[%swap3A_26] {strides = array<i32>} : memref<128xi32, #tpu.memory_space<vmem>>, vector<16xi32>,
    %swap3A_28 = vector.shape_cast %swap3A_27 : vector<16xi32> to vector<16xi32>
    %swap3A_29 = vector.shape_cast %add3A_25 : vector<16xi32> to vector<16xi32>
    tpu.vector_store %arg9[%swap3A_26], %swap3A_29 {strides = array<i32>} : memref<128xi32, #tpu.memory_space<vmem>>, vector<16xi32>,
    %add3A_30 = arith.constant 48 : i32
    %add3A_31 = arith.addi %add3A_4, %add3A_30 : i32
    %iota3A_32 = tpu.iota {dimensions = array<i32: 0>} : vector<16xi32>
    %add3A_33 = vector.broadcast %add3A_31 : i32 to vector<16xi32>
    %add3A_34 = arith.addi %add3A_33, %iota3A_32 : vector<16xi32>
    %swap3A_35 = arith.constant 48 : index
    %swap3A_36 = tpu.vector_load %arg9[%swap3A_35] {strides = array<i32>} : memref<128xi32, #tpu.memory_space<vmem>>, vector<16xi32>,
    %swap3A_37 = vector.shape_cast %swap3A_36 : vector<16xi32> to vector<16xi32>
    %swap3A_38 = vector.shape_cast %add3A_34 : vector<16xi32> to vector<16xi32>
    tpu.vector_store %arg9[%swap3A_35], %swap3A_38 {strides = array<i32>} : memref<128xi32, #tpu.memory_space<vmem>>, vector<16xi32>,
    %add3A_39 = arith.constant 64 : i32
    %add3A_40 = arith.addi %add3A_4, %add3A_39 : i32
    %iota3A_41 = tpu.iota {dimensions = array<i32: 0>} : vector<16xi32>
    %add3A_42 = vector.broadcast %add3A_40 : i32 to vector<16xi32>
    %add3A_43 = arith.addi %add3A_42, %iota3A_41 : vector<16xi32>
    %swap3A_44 = arith.constant 64 : index
    %swap3A_45 = tpu.vector_load %arg9[%swap3A_44] {strides = array<i32>} : memref<128xi32, #tpu.memory_space<vmem>>, vector<16xi32>,
    %swap3A_46 = vector.shape_cast %swap3A_45 : vector<16xi32> to vector<16xi32>
    %swap3A_47 = vector.shape_cast %add3A_43 : vector<16xi32> to vector<16xi32>
    tpu.vector_store %arg9[%swap3A_44], %swap3A_47 {strides = array<i32>} : memref<128xi32, #tpu.memory_space<vmem>>, vector<16xi32>,
    %add3A_48 = arith.constant 80 : i32
    %add3A_49 = arith.addi %add3A_4, %add3A_48 : i32
    %iota3A_50 = tpu.iota {dimensions = array<i32: 0>} : vector<16xi32>
    %add3A_51 = vector.broadcast %add3A_49 : i32 to vector<16xi32>
    %add3A_52 = arith.addi %add3A_51, %iota3A_50 : vector<16xi32>
    %swap3A_53 = arith.constant 80 : index
    %swap3A_54 = tpu.vector_load %arg9[%swap3A_53] {strides = array<i32>} : memref<128xi32, #tpu.memory_space<vmem>>, vector<16xi32>,
    %swap3A_55 = vector.shape_cast %swap3A_54 : vector<16xi32> to vector<16xi32>
    %swap3A_56 = vector.shape_cast %add3A_52 : vector<16xi32> to vector<16xi32>
    tpu.vector_store %arg9[%swap3A_53], %swap3A_56 {strides = array<i32>} : memref<128xi32, #tpu.memory_space<vmem>>, vector<16xi32>,
    %add3A_57 = arith.constant 96 : i32
    %add3A_58 = arith.addi %add3A_4, %add3A_57 : i32
    %iota3A_59 = tpu.iota {dimensions = array<i32: 0>} : vector<16xi32>
    %add3A_60 = vector.broadcast %add3A_58 : i32 to vector<16xi32>
    %add3A_61 = arith.addi %add3A_60, %iota3A_59 : vector<16xi32>
    %swap3A_62 = arith.constant 96 : index
    %swap3A_63 = tpu.vector_load %arg9[%swap3A_62] {strides = array<i32>} : memref<128xi32, #tpu.memory_space<vmem>>, vector<16xi32>,
    %swap3A_64 = vector.shape_cast %swap3A_63 : vector<16xi32> to vector<16xi32>
    %swap3A_65 = vector.shape_cast %add3A_61 : vector<16xi32> to vector<16xi32>
    tpu.vector_store %arg9[%swap3A_62], %swap3A_65 {strides = array<i32>} : memref<128xi32, #tpu.memory_space<vmem>>, vector<16xi32>,
    %add3A_66 = arith.constant 112 : i32
    %add3A_67 = arith.addi %add3A_4, %add3A_66 : i32
    %iota3A_68 = tpu.iota {dimensions = array<i32: 0>} : vector<16xi32>
    %add3A_69 = vector.broadcast %add3A_67 : i32 to vector<16xi32>
    %add3A_70 = arith.addi %add3A_69, %iota3A_68 : vector<16xi32>
    %swap3A_71 = arith.constant 112 : index
    %swap3A_72 = tpu.vector_load %arg9[%swap3A_71] {strides = array<i32>} : memref<128xi32, #tpu.memory_space<vmem>>, vector<16xi32>,
    %swap3A_73 = vector.shape_cast %swap3A_72 : vector<16xi32> to vector<16xi32>
    %swap3A_74 = vector.shape_cast %add3A_70 : vector<16xi32> to vector<16xi32>
    tpu.vector_store %arg9[%swap3A_71], %swap3A_74 {strides = array<i32>} : memref<128xi32, #tpu.memory_space<vmem>>, vector<16xi32>,
    "tpu.region"() ({
      %run_scoped3A = tpu.sem_alloc : memref<!tpu.dma_semaphore, #tpu.memory_space<semaphore_mem>>
      %dma_start3A_653 = arith.constant 0 : i32
      %dma_start3A_654 = arith.constant 0 : i32
      %dma_start3A_655 = tpu.memref_slice %arg13[%dma_start3A_653, %dma_start3A_654] : memref<10112x128xf32, #tpu.memory_space<vmem_shared>> -> memref<10112x128xf32, #tpu.memory_space<vmem_shared>>
      tpu.enqueue_indirect_dma source(%arg11 : memref<128x128xf32, #tpu.memory_space<vmem>>) target(%dma_start3A_655 : memref<10112x128xf32, #tpu.memory_space<vmem_shared>>) offsets(%arg9 : memref<128xi32, #tpu.memory_space<vmem>>) semaphore(%run_scoped3A : memref<!tpu.dma_semaphore, #tpu.memory_space<semaphore_mem>>)
      %dma_wait3A_656 = arith.constant 0 : i32
      %dma_wait3A_657 = arith.constant 0 : i32
      %dma_wait3A_658 = tpu.memref_slice %arg13[%dma_wait3A_656, %dma_wait3A_657] : memref<10112x128xf32, #tpu.memory_space<vmem_shared>> -> memref<10112x128xf32, #tpu.memory_space<vmem_shared>>
      tpu.wait_indirect_dma semaphore(%run_scoped3A : memref<!tpu.dma_semaphore, #tpu.memory_space<semaphore_mem>>) src(%arg11 : memref<128x128xf32, #tpu.memory_space<vmem>>) dst(%dma_wait3A_658 : memref<10112x128xf32, #tpu.memory_space<vmem_shared>>)
      tpu.yield
    }) : () -> ()
    %mul3A_75 = arith.constant 640 : i32
    %mul3A_76 = arith.muli %arg1, %mul3A_75 : i32
    %add3A_77 = arith.constant 128 : i32
    %add3A_78 = arith.addi %mul3A_76, %add3A_77 : i32
    %add3A_79 = arith.constant 0 : i32
    %add3A_80 = arith.addi %add3A_78, %add3A_79 : i32
    %iota3A_81 = tpu.iota {dimensions = array<i32: 0>} : vector<16xi32>
    %add3A_82 = vector.broadcast %add3A_80 : i32 to vector<16xi32>
    %add3A_83 = arith.addi %add3A_82, %iota3A_81 : vector<16xi32>
    %swap3A_84 = arith.constant 0 : index
    %swap3A_85 = tpu.vector_load %arg9[%swap3A_84] {strides = array<i32>} : memref<128xi32, #tpu.memory_space<vmem>>, vector<16xi32>,
    %swap3A_86 = vector.shape_cast %swap3A_85 : vector<16xi32> to vector<16xi32>
    %swap3A_87 = vector.shape_cast %add3A_83 : vector<16xi32> to vector<16xi32>
    tpu.vector_store %arg9[%swap3A_84], %swap3A_87 {strides = array<i32>} : memref<128xi32, #tpu.memory_space<vmem>>, vector<16xi32>,
    %add3A_88 = arith.constant 16 : i32
    %add3A_89 = arith.addi %add3A_78, %add3A_88 : i32
    %iota3A_90 = tpu.iota {dimensions = array<i32: 0>} : vector<16xi32>
    %add3A_91 = vector.broadcast %add3A_89 : i32 to vector<16xi32>
    %add3A_92 = arith.addi %add3A_91, %iota3A_90 : vector<16xi32>
    %swap3A_93 = arith.constant 16 : index
    %swap3A_94 = tpu.vector_load %arg9[%swap3A_93] {strides = array<i32>} : memref<128xi32, #tpu.memory_space<vmem>>, vector<16xi32>,
    %swap3A_95 = vector.shape_cast %swap3A_94 : vector<16xi32> to vector<16xi32>
    %swap3A_96 = vector.shape_cast %add3A_92 : vector<16xi32> to vector<16xi32>
    tpu.vector_store %arg9[%swap3A_93], %swap3A_96 {strides = array<i32>} : memref<128xi32, #tpu.memory_space<vmem>>, vector<16xi32>,
    %add3A_97 = arith.constant 32 : i32
    %add3A_98 = arith.addi %add3A_78, %add3A_97 : i32
    %iota3A_99 = tpu.iota {dimensions = array<i32: 0>} : vector<16xi32>
    %add3A_100 = vector.broadcast %add3A_98 : i32 to vector<16xi32>
    %add3A_101 = arith.addi %add3A_100, %iota3A_99 : vector<16xi32>
    %swap3A_102 = arith.constant 32 : index
    %swap3A_103 = tpu.vector_load %arg9[%swap3A_102] {strides = array<i32>} : memref<128xi32, #tpu.memory_space<vmem>>, vector<16xi32>,
    %swap3A_104 = vector.shape_cast %swap3A_103 : vector<16xi32> to vector<16xi32>
    %swap3A_105 = vector.shape_cast %add3A_101 : vector<16xi32> to vector<16xi32>
    tpu.vector_store %arg9[%swap3A_102], %swap3A_105 {strides = array<i32>} : memref<128xi32, #tpu.memory_space<vmem>>, vector<16xi32>,
    %add3A_106 = arith.constant 48 : i32
    %add3A_107 = arith.addi %add3A_78, %add3A_106 : i32
    %iota3A_108 = tpu.iota {dimensions = array<i32: 0>} : vector<16xi32>
    %add3A_109 = vector.broadcast %add3A_107 : i32 to vector<16xi32>
    %add3A_110 = arith.addi %add3A_109, %iota3A_108 : vector<16xi32>
    %swap3A_111 = arith.constant 48 : index
    %swap3A_112 = tpu.vector_load %arg9[%swap3A_111] {strides = array<i32>} : memref<128xi32, #tpu.memory_space<vmem>>, vector<16xi32>,
    %swap3A_113 = vector.shape_cast %swap3A_112 : vector<16xi32> to vector<16xi32>
    %swap3A_114 = vector.shape_cast %add3A_110 : vector<16xi32> to vector<16xi32>
    tpu.vector_store %arg9[%swap3A_111], %swap3A_114 {strides = array<i32>} : memref<128xi32, #tpu.memory_space<vmem>>, vector<16xi32>,
    %add3A_115 = arith.constant 64 : i32
    %add3A_116 = arith.addi %add3A_78, %add3A_115 : i32
    %iota3A_117 = tpu.iota {dimensions = array<i32: 0>} : vector<16xi32>
    %add3A_118 = vector.broadcast %add3A_116 : i32 to vector<16xi32>
    %add3A_119 = arith.addi %add3A_118, %iota3A_117 : vector<16xi32>
    %swap3A_120 = arith.constant 64 : index
    %swap3A_121 = tpu.vector_load %arg9[%swap3A_120] {strides = array<i32>} : memref<128xi32, #tpu.memory_space<vmem>>, vector<16xi32>,
    %swap3A_122 = vector.shape_cast %swap3A_121 : vector<16xi32> to vector<16xi32>
    %swap3A_123 = vector.shape_cast %add3A_119 : vector<16xi32> to vector<16xi32>
    tpu.vector_store %arg9[%swap3A_120], %swap3A_123 {strides = array<i32>} : memref<128xi32, #tpu.memory_space<vmem>>, vector<16xi32>,
    %add3A_124 = arith.constant 80 : i32
    %add3A_125 = arith.addi %add3A_78, %add3A_124 : i32
    %iota3A_126 = tpu.iota {dimensions = array<i32: 0>} : vector<16xi32>
    %add3A_127 = vector.broadcast %add3A_125 : i32 to vector<16xi32>
    %add3A_128 = arith.addi %add3A_127, %iota3A_126 : vector<16xi32>
    %swap3A_129 = arith.constant 80 : index
    %swap3A_130 = tpu.vector_load %arg9[%swap3A_129] {strides = array<i32>} : memref<128xi32, #tpu.memory_space<vmem>>, vector<16xi32>,
    %swap3A_131 = vector.shape_cast %swap3A_130 : vector<16xi32> to vector<16xi32>
    %swap3A_132 = vector.shape_cast %add3A_128 : vector<16xi32> to vector<16xi32>
    tpu.vector_store %arg9[%swap3A_129], %swap3A_132 {strides = array<i32>} : memref<128xi32, #tpu.memory_space<vmem>>, vector<16xi32>,
    %add3A_133 = arith.constant 96 : i32
    %add3A_134 = arith.addi %add3A_78, %add3A_133 : i32
    %iota3A_135 = tpu.iota {dimensions = array<i32: 0>} : vector<16xi32>
    %add3A_136 = vector.broadcast %add3A_134 : i32 to vector<16xi32>
    %add3A_137 = arith.addi %add3A_136, %iota3A_135 : vector<16xi32>
    %swap3A_138 = arith.constant 96 : index
    %swap3A_139 = tpu.vector_load %arg9[%swap3A_138] {strides = array<i32>} : memref<128xi32, #tpu.memory_space<vmem>>, vector<16xi32>,
    %swap3A_140 = vector.shape_cast %swap3A_139 : vector<16xi32> to vector<16xi32>
    %swap3A_141 = vector.shape_cast %add3A_137 : vector<16xi32> to vector<16xi32>
    tpu.vector_store %arg9[%swap3A_138], %swap3A_141 {strides = array<i32>} : memref<128xi32, #tpu.memory_space<vmem>>, vector<16xi32>,
    %add3A_142 = arith.constant 112 : i32
    %add3A_143 = arith.addi %add3A_78, %add3A_142 : i32
    %iota3A_144 = tpu.iota {dimensions = array<i32: 0>} : vector<16xi32>
    %add3A_145 = vector.broadcast %add3A_143 : i32 to vector<16xi32>
    %add3A_146 = arith.addi %add3A_145, %iota3A_144 : vector<16xi32>
    %swap3A_147 = arith.constant 112 : index
    %swap3A_148 = tpu.vector_load %arg9[%swap3A_147] {strides = array<i32>} : memref<128xi32, #tpu.memory_space<vmem>>, vector<16xi32>,
    %swap3A_149 = vector.shape_cast %swap3A_148 : vector<16xi32> to vector<16xi32>
    %swap3A_150 = vector.shape_cast %add3A_146 : vector<16xi32> to vector<16xi32>
    tpu.vector_store %arg9[%swap3A_147], %swap3A_150 {strides = array<i32>} : memref<128xi32, #tpu.memory_space<vmem>>, vector<16xi32>,
    "tpu.region"() ({
      %run_scoped3A = tpu.sem_alloc : memref<!tpu.dma_semaphore, #tpu.memory_space<semaphore_mem>>
      %dma_start3A_653 = arith.constant 0 : i32
      %dma_start3A_654 = arith.constant 0 : i32
      %dma_start3A_655 = tpu.memref_slice %arg13[%dma_start3A_653, %dma_start3A_654] : memref<10112x128xf32, #tpu.memory_space<vmem_shared>> -> memref<10112x128xf32, #tpu.memory_space<vmem_shared>>
      tpu.enqueue_indirect_dma source(%arg11 : memref<128x128xf32, #tpu.memory_space<vmem>>) target(%dma_start3A_655 : memref<10112x128xf32, #tpu.memory_space<vmem_shared>>) offsets(%arg9 : memref<128xi32, #tpu.memory_space<vmem>>) semaphore(%run_scoped3A : memref<!tpu.dma_semaphore, #tpu.memory_space<semaphore_mem>>)
      %dma_wait3A_656 = arith.constant 0 : i32
      %dma_wait3A_657 = arith.constant 0 : i32
      %dma_wait3A_658 = tpu.memref_slice %arg13[%dma_wait3A_656, %dma_wait3A_657] : memref<10112x128xf32, #tpu.memory_space<vmem_shared>> -> memref<10112x128xf32, #tpu.memory_space<vmem_shared>>
      tpu.wait_indirect_dma semaphore(%run_scoped3A : memref<!tpu.dma_semaphore, #tpu.memory_space<semaphore_mem>>) src(%arg11 : memref<128x128xf32, #tpu.memory_space<vmem>>) dst(%dma_wait3A_658 : memref<10112x128xf32, #tpu.memory_space<vmem_shared>>)
      tpu.yield
    }) : () -> ()
    %mul3A_151 = arith.constant 640 : i32
    %mul3A_152 = arith.muli %arg1, %mul3A_151 : i32
    %add3A_153 = arith.constant 256 : i32
    %add3A_154 = arith.addi %mul3A_152, %add3A_153 : i32
    %add3A_155 = arith.constant 0 : i32
    %add3A_156 = arith.addi %add3A_154, %add3A_155 : i32
    %iota3A_157 = tpu.iota {dimensions = array<i32: 0>} : vector<16xi32>
    %add3A_158 = vector.broadcast %add3A_156 : i32 to vector<16xi32>
    %add3A_159 = arith.addi %add3A_158, %iota3A_157 : vector<16xi32>
    %swap3A_160 = arith.constant 0 : index
    %swap3A_161 = tpu.vector_load %arg9[%swap3A_160] {strides = array<i32>} : memref<128xi32, #tpu.memory_space<vmem>>, vector<16xi32>,
    %swap3A_162 = vector.shape_cast %swap3A_161 : vector<16xi32> to vector<16xi32>
    %swap3A_163 = vector.shape_cast %add3A_159 : vector<16xi32> to vector<16xi32>
    tpu.vector_store %arg9[%swap3A_160], %swap3A_163 {strides = array<i32>} : memref<128xi32, #tpu.memory_space<vmem>>, vector<16xi32>,
    %add3A_164 = arith.constant 16 : i32
    %add3A_165 = arith.addi %add3A_154, %add3A_164 : i32
    %iota3A_166 = tpu.iota {dimensions = array<i32: 0>} : vector<16xi32>
    %add3A_167 = vector.broadcast %add3A_165 : i32 to vector<16xi32>
    %add3A_168 = arith.addi %add3A_167, %iota3A_166 : vector<16xi32>
    %swap3A_169 = arith.constant 16 : index
    %swap3A_170 = tpu.vector_load %arg9[%swap3A_169] {strides = array<i32>} : memref<128xi32, #tpu.memory_space<vmem>>, vector<16xi32>,
    %swap3A_171 = vector.shape_cast %swap3A_170 : vector<16xi32> to vector<16xi32>
    %swap3A_172 = vector.shape_cast %add3A_168 : vector<16xi32> to vector<16xi32>
    tpu.vector_store %arg9[%swap3A_169], %swap3A_172 {strides = array<i32>} : memref<128xi32, #tpu.memory_space<vmem>>, vector<16xi32>,
    %add3A_173 = arith.constant 32 : i32
    %add3A_174 = arith.addi %add3A_154, %add3A_173 : i32
    %iota3A_175 = tpu.iota {dimensions = array<i32: 0>} : vector<16xi32>
    %add3A_176 = vector.broadcast %add3A_174 : i32 to vector<16xi32>
    %add3A_177 = arith.addi %add3A_176, %iota3A_175 : vector<16xi32>
    %swap3A_178 = arith.constant 32 : index
    %swap3A_179 = tpu.vector_load %arg9[%swap3A_178] {strides = array<i32>} : memref<128xi32, #tpu.memory_space<vmem>>, vector<16xi32>,
    %swap3A_180 = vector.shape_cast %swap3A_179 : vector<16xi32> to vector<16xi32>
    %swap3A_181 = vector.shape_cast %add3A_177 : vector<16xi32> to vector<16xi32>
    tpu.vector_store %arg9[%swap3A_178], %swap3A_181 {strides = array<i32>} : memref<128xi32, #tpu.memory_space<vmem>>, vector<16xi32>,
    %add3A_182 = arith.constant 48 : i32
    %add3A_183 = arith.addi %add3A_154, %add3A_182 : i32
    %iota3A_184 = tpu.iota {dimensions = array<i32: 0>} : vector<16xi32>
    %add3A_185 = vector.broadcast %add3A_183 : i32 to vector<16xi32>
    %add3A_186 = arith.addi %add3A_185, %iota3A_184 : vector<16xi32>
    %swap3A_187 = arith.constant 48 : index
    %swap3A_188 = tpu.vector_load %arg9[%swap3A_187] {strides = array<i32>} : memref<128xi32, #tpu.memory_space<vmem>>, vector<16xi32>,
    %swap3A_189 = vector.shape_cast %swap3A_188 : vector<16xi32> to vector<16xi32>
    %swap3A_190 = vector.shape_cast %add3A_186 : vector<16xi32> to vector<16xi32>
    tpu.vector_store %arg9[%swap3A_187], %swap3A_190 {strides = array<i32>} : memref<128xi32, #tpu.memory_space<vmem>>, vector<16xi32>,
    %add3A_191 = arith.constant 64 : i32
    %add3A_192 = arith.addi %add3A_154, %add3A_191 : i32
    %iota3A_193 = tpu.iota {dimensions = array<i32: 0>} : vector<16xi32>
    %add3A_194 = vector.broadcast %add3A_192 : i32 to vector<16xi32>
    %add3A_195 = arith.addi %add3A_194, %iota3A_193 : vector<16xi32>
    %swap3A_196 = arith.constant 64 : index
    %swap3A_197 = tpu.vector_load %arg9[%swap3A_196] {strides = array<i32>} : memref<128xi32, #tpu.memory_space<vmem>>, vector<16xi32>,
    %swap3A_198 = vector.shape_cast %swap3A_197 : vector<16xi32> to vector<16xi32>
    %swap3A_199 = vector.shape_cast %add3A_195 : vector<16xi32> to vector<16xi32>
    tpu.vector_store %arg9[%swap3A_196], %swap3A_199 {strides = array<i32>} : memref<128xi32, #tpu.memory_space<vmem>>, vector<16xi32>,
    %add3A_200 = arith.constant 80 : i32
    %add3A_201 = arith.addi %add3A_154, %add3A_200 : i32
    %iota3A_202 = tpu.iota {dimensions = array<i32: 0>} : vector<16xi32>
    %add3A_203 = vector.broadcast %add3A_201 : i32 to vector<16xi32>
    %add3A_204 = arith.addi %add3A_203, %iota3A_202 : vector<16xi32>
    %swap3A_205 = arith.constant 80 : index
    %swap3A_206 = tpu.vector_load %arg9[%swap3A_205] {strides = array<i32>} : memref<128xi32, #tpu.memory_space<vmem>>, vector<16xi32>,
    %swap3A_207 = vector.shape_cast %swap3A_206 : vector<16xi32> to vector<16xi32>
    %swap3A_208 = vector.shape_cast %add3A_204 : vector<16xi32> to vector<16xi32>
    tpu.vector_store %arg9[%swap3A_205], %swap3A_208 {strides = array<i32>} : memref<128xi32, #tpu.memory_space<vmem>>, vector<16xi32>,
    %add3A_209 = arith.constant 96 : i32
    %add3A_210 = arith.addi %add3A_154, %add3A_209 : i32
    %iota3A_211 = tpu.iota {dimensions = array<i32: 0>} : vector<16xi32>
    %add3A_212 = vector.broadcast %add3A_210 : i32 to vector<16xi32>
    %add3A_213 = arith.addi %add3A_212, %iota3A_211 : vector<16xi32>
    %swap3A_214 = arith.constant 96 : index
    %swap3A_215 = tpu.vector_load %arg9[%swap3A_214] {strides = array<i32>} : memref<128xi32, #tpu.memory_space<vmem>>, vector<16xi32>,
    %swap3A_216 = vector.shape_cast %swap3A_215 : vector<16xi32> to vector<16xi32>
    %swap3A_217 = vector.shape_cast %add3A_213 : vector<16xi32> to vector<16xi32>
    tpu.vector_store %arg9[%swap3A_214], %swap3A_217 {strides = array<i32>} : memref<128xi32, #tpu.memory_space<vmem>>, vector<16xi32>,
    %add3A_218 = arith.constant 112 : i32
    %add3A_219 = arith.addi %add3A_154, %add3A_218 : i32
    %iota3A_220 = tpu.iota {dimensions = array<i32: 0>} : vector<16xi32>
    %add3A_221 = vector.broadcast %add3A_219 : i32 to vector<16xi32>
    %add3A_222 = arith.addi %add3A_221, %iota3A_220 : vector<16xi32>
    %swap3A_223 = arith.constant 112 : index
    %swap3A_224 = tpu.vector_load %arg9[%swap3A_223] {strides = array<i32>} : memref<128xi32, #tpu.memory_space<vmem>>, vector<16xi32>,
    %swap3A_225 = vector.shape_cast %swap3A_224 : vector<16xi32> to vector<16xi32>
    %swap3A_226 = vector.shape_cast %add3A_222 : vector<16xi32> to vector<16xi32>
    tpu.vector_store %arg9[%swap3A_223], %swap3A_226 {strides = array<i32>} : memref<128xi32, #tpu.memory_space<vmem>>, vector<16xi32>,
    "tpu.region"() ({
      %run_scoped3A = tpu.sem_alloc : memref<!tpu.dma_semaphore, #tpu.memory_space<semaphore_mem>>
      %dma_start3A_653 = arith.constant 0 : i32
      %dma_start3A_654 = arith.constant 0 : i32
      %dma_start3A_655 = tpu.memref_slice %arg13[%dma_start3A_653, %dma_start3A_654] : memref<10112x128xf32, #tpu.memory_space<vmem_shared>> -> memref<10112x128xf32, #tpu.memory_space<vmem_shared>>
      tpu.enqueue_indirect_dma source(%arg11 : memref<128x128xf32, #tpu.memory_space<vmem>>) target(%dma_start3A_655 : memref<10112x128xf32, #tpu.memory_space<vmem_shared>>) offsets(%arg9 : memref<128xi32, #tpu.memory_space<vmem>>) semaphore(%run_scoped3A : memref<!tpu.dma_semaphore, #tpu.memory_space<semaphore_mem>>)
      %dma_wait3A_656 = arith.constant 0 : i32
      %dma_wait3A_657 = arith.constant 0 : i32
      %dma_wait3A_658 = tpu.memref_slice %arg13[%dma_wait3A_656, %dma_wait3A_657] : memref<10112x128xf32, #tpu.memory_space<vmem_shared>> -> memref<10112x128xf32, #tpu.memory_space<vmem_shared>>
      tpu.wait_indirect_dma semaphore(%run_scoped3A : memref<!tpu.dma_semaphore, #tpu.memory_space<semaphore_mem>>) src(%arg11 : memref<128x128xf32, #tpu.memory_space<vmem>>) dst(%dma_wait3A_658 : memref<10112x128xf32, #tpu.memory_space<vmem_shared>>)
      tpu.yield
    }) : () -> ()
    %mul3A_227 = arith.constant 640 : i32
    %mul3A_228 = arith.muli %arg1, %mul3A_227 : i32
    %add3A_229 = arith.constant 384 : i32
    %add3A_230 = arith.addi %mul3A_228, %add3A_229 : i32
    %add3A_231 = arith.constant 0 : i32
    %add3A_232 = arith.addi %add3A_230, %add3A_231 : i32
    %iota3A_233 = tpu.iota {dimensions = array<i32: 0>} : vector<16xi32>
    %add3A_234 = vector.broadcast %add3A_232 : i32 to vector<16xi32>
    %add3A_235 = arith.addi %add3A_234, %iota3A_233 : vector<16xi32>
    %swap3A_236 = arith.constant 0 : index
    %swap3A_237 = tpu.vector_load %arg9[%swap3A_236] {strides = array<i32>} : memref<128xi32, #tpu.memory_space<vmem>>, vector<16xi32>,
    %swap3A_238 = vector.shape_cast %swap3A_237 : vector<16xi32> to vector<16xi32>
    %swap3A_239 = vector.shape_cast %add3A_235 : vector<16xi32> to vector<16xi32>
    tpu.vector_store %arg9[%swap3A_236], %swap3A_239 {strides = array<i32>} : memref<128xi32, #tpu.memory_space<vmem>>, vector<16xi32>,
    %add3A_240 = arith.constant 16 : i32
    %add3A_241 = arith.addi %add3A_230, %add3A_240 : i32
    %iota3A_242 = tpu.iota {dimensions = array<i32: 0>} : vector<16xi32>
    %add3A_243 = vector.broadcast %add3A_241 : i32 to vector<16xi32>
    %add3A_244 = arith.addi %add3A_243, %iota3A_242 : vector<16xi32>
    %swap3A_245 = arith.constant 16 : index
    %swap3A_246 = tpu.vector_load %arg9[%swap3A_245] {strides = array<i32>} : memref<128xi32, #tpu.memory_space<vmem>>, vector<16xi32>,
    %swap3A_247 = vector.shape_cast %swap3A_246 : vector<16xi32> to vector<16xi32>
    %swap3A_248 = vector.shape_cast %add3A_244 : vector<16xi32> to vector<16xi32>
    tpu.vector_store %arg9[%swap3A_245], %swap3A_248 {strides = array<i32>} : memref<128xi32, #tpu.memory_space<vmem>>, vector<16xi32>,
    %add3A_249 = arith.constant 32 : i32
    %add3A_250 = arith.addi %add3A_230, %add3A_249 : i32
    %iota3A_251 = tpu.iota {dimensions = array<i32: 0>} : vector<16xi32>
    %add3A_252 = vector.broadcast %add3A_250 : i32 to vector<16xi32>
    %add3A_253 = arith.addi %add3A_252, %iota3A_251 : vector<16xi32>
    %swap3A_254 = arith.constant 32 : index
    %swap3A_255 = tpu.vector_load %arg9[%swap3A_254] {strides = array<i32>} : memref<128xi32, #tpu.memory_space<vmem>>, vector<16xi32>,
    %swap3A_256 = vector.shape_cast %swap3A_255 : vector<16xi32> to vector<16xi32>
    %swap3A_257 = vector.shape_cast %add3A_253 : vector<16xi32> to vector<16xi32>
    tpu.vector_store %arg9[%swap3A_254], %swap3A_257 {strides = array<i32>} : memref<128xi32, #tpu.memory_space<vmem>>, vector<16xi32>,
    %add3A_258 = arith.constant 48 : i32
    %add3A_259 = arith.addi %add3A_230, %add3A_258 : i32
    %iota3A_260 = tpu.iota {dimensions = array<i32: 0>} : vector<16xi32>
    %add3A_261 = vector.broadcast %add3A_259 : i32 to vector<16xi32>
    %add3A_262 = arith.addi %add3A_261, %iota3A_260 : vector<16xi32>
    %swap3A_263 = arith.constant 48 : index
    %swap3A_264 = tpu.vector_load %arg9[%swap3A_263] {strides = array<i32>} : memref<128xi32, #tpu.memory_space<vmem>>, vector<16xi32>,
    %swap3A_265 = vector.shape_cast %swap3A_264 : vector<16xi32> to vector<16xi32>
    %swap3A_266 = vector.shape_cast %add3A_262 : vector<16xi32> to vector<16xi32>
    tpu.vector_store %arg9[%swap3A_263], %swap3A_266 {strides = array<i32>} : memref<128xi32, #tpu.memory_space<vmem>>, vector<16xi32>,
    %add3A_267 = arith.constant 64 : i32
    %add3A_268 = arith.addi %add3A_230, %add3A_267 : i32
    %iota3A_269 = tpu.iota {dimensions = array<i32: 0>} : vector<16xi32>
    %add3A_270 = vector.broadcast %add3A_268 : i32 to vector<16xi32>
    %add3A_271 = arith.addi %add3A_270, %iota3A_269 : vector<16xi32>
    %swap3A_272 = arith.constant 64 : index
    %swap3A_273 = tpu.vector_load %arg9[%swap3A_272] {strides = array<i32>} : memref<128xi32, #tpu.memory_space<vmem>>, vector<16xi32>,
    %swap3A_274 = vector.shape_cast %swap3A_273 : vector<16xi32> to vector<16xi32>
    %swap3A_275 = vector.shape_cast %add3A_271 : vector<16xi32> to vector<16xi32>
    tpu.vector_store %arg9[%swap3A_272], %swap3A_275 {strides = array<i32>} : memref<128xi32, #tpu.memory_space<vmem>>, vector<16xi32>,
    %add3A_276 = arith.constant 80 : i32
    %add3A_277 = arith.addi %add3A_230, %add3A_276 : i32
    %iota3A_278 = tpu.iota {dimensions = array<i32: 0>} : vector<16xi32>
    %add3A_279 = vector.broadcast %add3A_277 : i32 to vector<16xi32>
    %add3A_280 = arith.addi %add3A_279, %iota3A_278 : vector<16xi32>
    %swap3A_281 = arith.constant 80 : index
    %swap3A_282 = tpu.vector_load %arg9[%swap3A_281] {strides = array<i32>} : memref<128xi32, #tpu.memory_space<vmem>>, vector<16xi32>,
    %swap3A_283 = vector.shape_cast %swap3A_282 : vector<16xi32> to vector<16xi32>
    %swap3A_284 = vector.shape_cast %add3A_280 : vector<16xi32> to vector<16xi32>
    tpu.vector_store %arg9[%swap3A_281], %swap3A_284 {strides = array<i32>} : memref<128xi32, #tpu.memory_space<vmem>>, vector<16xi32>,
    %add3A_285 = arith.constant 96 : i32
    %add3A_286 = arith.addi %add3A_230, %add3A_285 : i32
    %iota3A_287 = tpu.iota {dimensions = array<i32: 0>} : vector<16xi32>
    %add3A_288 = vector.broadcast %add3A_286 : i32 to vector<16xi32>
    %add3A_289 = arith.addi %add3A_288, %iota3A_287 : vector<16xi32>
    %swap3A_290 = arith.constant 96 : index
    %swap3A_291 = tpu.vector_load %arg9[%swap3A_290] {strides = array<i32>} : memref<128xi32, #tpu.memory_space<vmem>>, vector<16xi32>,
    %swap3A_292 = vector.shape_cast %swap3A_291 : vector<16xi32> to vector<16xi32>
    %swap3A_293 = vector.shape_cast %add3A_289 : vector<16xi32> to vector<16xi32>
    tpu.vector_store %arg9[%swap3A_290], %swap3A_293 {strides = array<i32>} : memref<128xi32, #tpu.memory_space<vmem>>, vector<16xi32>,
    %add3A_294 = arith.constant 112 : i32
    %add3A_295 = arith.addi %add3A_230, %add3A_294 : i32
    %iota3A_296 = tpu.iota {dimensions = array<i32: 0>} : vector<16xi32>
    %add3A_297 = vector.broadcast %add3A_295 : i32 to vector<16xi32>
    %add3A_298 = arith.addi %add3A_297, %iota3A_296 : vector<16xi32>
    %swap3A_299 = arith.constant 112 : index
    %swap3A_300 = tpu.vector_load %arg9[%swap3A_299] {strides = array<i32>} : memref<128xi32, #tpu.memory_space<vmem>>, vector<16xi32>,
    %swap3A_301 = vector.shape_cast %swap3A_300 : vector<16xi32> to vector<16xi32>
    %swap3A_302 = vector.shape_cast %add3A_298 : vector<16xi32> to vector<16xi32>
    tpu.vector_store %arg9[%swap3A_299], %swap3A_302 {strides = array<i32>} : memref<128xi32, #tpu.memory_space<vmem>>, vector<16xi32>,
    "tpu.region"() ({
      %run_scoped3A = tpu.sem_alloc : memref<!tpu.dma_semaphore, #tpu.memory_space<semaphore_mem>>
      %dma_start3A_653 = arith.constant 0 : i32
      %dma_start3A_654 = arith.constant 0 : i32
      %dma_start3A_655 = tpu.memref_slice %arg13[%dma_start3A_653, %dma_start3A_654] : memref<10112x128xf32, #tpu.memory_space<vmem_shared>> -> memref<10112x128xf32, #tpu.memory_space<vmem_shared>>
      tpu.enqueue_indirect_dma source(%arg11 : memref<128x128xf32, #tpu.memory_space<vmem>>) target(%dma_start3A_655 : memref<10112x128xf32, #tpu.memory_space<vmem_shared>>) offsets(%arg9 : memref<128xi32, #tpu.memory_space<vmem>>) semaphore(%run_scoped3A : memref<!tpu.dma_semaphore, #tpu.memory_space<semaphore_mem>>)
      %dma_wait3A_656 = arith.constant 0 : i32
      %dma_wait3A_657 = arith.constant 0 : i32
      %dma_wait3A_658 = tpu.memref_slice %arg13[%dma_wait3A_656, %dma_wait3A_657] : memref<10112x128xf32, #tpu.memory_space<vmem_shared>> -> memref<10112x128xf32, #tpu.memory_space<vmem_shared>>
      tpu.wait_indirect_dma semaphore(%run_scoped3A : memref<!tpu.dma_semaphore, #tpu.memory_space<semaphore_mem>>) src(%arg11 : memref<128x128xf32, #tpu.memory_space<vmem>>) dst(%dma_wait3A_658 : memref<10112x128xf32, #tpu.memory_space<vmem_shared>>)
      tpu.yield
    }) : () -> ()
    %lt3A = arith.constant 15 : i32
    %lt3A_303 = arith.cmpi slt, %arg1, %lt3A : i32
    %convert_element_type3A = arith.extui %lt3A_303 : i1 to i32
    %cond3A = arith.constant 0 : i32
    %cond3A_304 = arith.cmpi ne, %convert_element_type3A, %cond3A : i32
    scf.if %cond3A_304 {
      %mul3A_653 = arith.constant 640 : i32
      %mul3A_654 = arith.muli %arg1, %mul3A_653 : i32
      %add3A_655 = arith.constant 512 : i32
      %add3A_656 = arith.addi %mul3A_654, %add3A_655 : i32
      %add3A_657 = arith.constant 0 : i32
      %add3A_658 = arith.addi %add3A_656, %add3A_657 : i32
      %iota3A_659 = tpu.iota {dimensions = array<i32: 0>} : vector<16xi32>
      %add3A_660 = vector.broadcast %add3A_658 : i32 to vector<16xi32>
      %add3A_661 = arith.addi %add3A_660, %iota3A_659 : vector<16xi32>
      %swap3A_662 = arith.constant 0 : index
      %swap3A_663 = tpu.vector_load %arg9[%swap3A_662] {strides = array<i32>} : memref<128xi32, #tpu.memory_space<vmem>>, vector<16xi32>,
      %swap3A_664 = vector.shape_cast %swap3A_663 : vector<16xi32> to vector<16xi32>
      %swap3A_665 = vector.shape_cast %add3A_661 : vector<16xi32> to vector<16xi32>
      tpu.vector_store %arg9[%swap3A_662], %swap3A_665 {strides = array<i32>} : memref<128xi32, #tpu.memory_space<vmem>>, vector<16xi32>,
      %add3A_666 = arith.constant 16 : i32
      %add3A_667 = arith.addi %add3A_656, %add3A_666 : i32
      %iota3A_668 = tpu.iota {dimensions = array<i32: 0>} : vector<16xi32>
      %add3A_669 = vector.broadcast %add3A_667 : i32 to vector<16xi32>
      %add3A_670 = arith.addi %add3A_669, %iota3A_668 : vector<16xi32>
      %swap3A_671 = arith.constant 16 : index
      %swap3A_672 = tpu.vector_load %arg9[%swap3A_671] {strides = array<i32>} : memref<128xi32, #tpu.memory_space<vmem>>, vector<16xi32>,
      %swap3A_673 = vector.shape_cast %swap3A_672 : vector<16xi32> to vector<16xi32>
      %swap3A_674 = vector.shape_cast %add3A_670 : vector<16xi32> to vector<16xi32>
      tpu.vector_store %arg9[%swap3A_671], %swap3A_674 {strides = array<i32>} : memref<128xi32, #tpu.memory_space<vmem>>, vector<16xi32>,
      %add3A_675 = arith.constant 32 : i32
      %add3A_676 = arith.addi %add3A_656, %add3A_675 : i32
      %iota3A_677 = tpu.iota {dimensions = array<i32: 0>} : vector<16xi32>
      %add3A_678 = vector.broadcast %add3A_676 : i32 to vector<16xi32>
      %add3A_679 = arith.addi %add3A_678, %iota3A_677 : vector<16xi32>
      %swap3A_680 = arith.constant 32 : index
      %swap3A_681 = tpu.vector_load %arg9[%swap3A_680] {strides = array<i32>} : memref<128xi32, #tpu.memory_space<vmem>>, vector<16xi32>,
      %swap3A_682 = vector.shape_cast %swap3A_681 : vector<16xi32> to vector<16xi32>
      %swap3A_683 = vector.shape_cast %add3A_679 : vector<16xi32> to vector<16xi32>
      tpu.vector_store %arg9[%swap3A_680], %swap3A_683 {strides = array<i32>} : memref<128xi32, #tpu.memory_space<vmem>>, vector<16xi32>,
      %add3A_684 = arith.constant 48 : i32
      %add3A_685 = arith.addi %add3A_656, %add3A_684 : i32
      %iota3A_686 = tpu.iota {dimensions = array<i32: 0>} : vector<16xi32>
      %add3A_687 = vector.broadcast %add3A_685 : i32 to vector<16xi32>
      %add3A_688 = arith.addi %add3A_687, %iota3A_686 : vector<16xi32>
      %swap3A_689 = arith.constant 48 : index
      %swap3A_690 = tpu.vector_load %arg9[%swap3A_689] {strides = array<i32>} : memref<128xi32, #tpu.memory_space<vmem>>, vector<16xi32>,
      %swap3A_691 = vector.shape_cast %swap3A_690 : vector<16xi32> to vector<16xi32>
      %swap3A_692 = vector.shape_cast %add3A_688 : vector<16xi32> to vector<16xi32>
      tpu.vector_store %arg9[%swap3A_689], %swap3A_692 {strides = array<i32>} : memref<128xi32, #tpu.memory_space<vmem>>, vector<16xi32>,
      %add3A_693 = arith.constant 64 : i32
      %add3A_694 = arith.addi %add3A_656, %add3A_693 : i32
      %iota3A_695 = tpu.iota {dimensions = array<i32: 0>} : vector<16xi32>
      %add3A_696 = vector.broadcast %add3A_694 : i32 to vector<16xi32>
      %add3A_697 = arith.addi %add3A_696, %iota3A_695 : vector<16xi32>
      %swap3A_698 = arith.constant 64 : index
      %swap3A_699 = tpu.vector_load %arg9[%swap3A_698] {strides = array<i32>} : memref<128xi32, #tpu.memory_space<vmem>>, vector<16xi32>,
      %swap3A_700 = vector.shape_cast %swap3A_699 : vector<16xi32> to vector<16xi32>
      %swap3A_701 = vector.shape_cast %add3A_697 : vector<16xi32> to vector<16xi32>
      tpu.vector_store %arg9[%swap3A_698], %swap3A_701 {strides = array<i32>} : memref<128xi32, #tpu.memory_space<vmem>>, vector<16xi32>,
      %add3A_702 = arith.constant 80 : i32
      %add3A_703 = arith.addi %add3A_656, %add3A_702 : i32
      %iota3A_704 = tpu.iota {dimensions = array<i32: 0>} : vector<16xi32>
      %add3A_705 = vector.broadcast %add3A_703 : i32 to vector<16xi32>
      %add3A_706 = arith.addi %add3A_705, %iota3A_704 : vector<16xi32>
      %swap3A_707 = arith.constant 80 : index
      %swap3A_708 = tpu.vector_load %arg9[%swap3A_707] {strides = array<i32>} : memref<128xi32, #tpu.memory_space<vmem>>, vector<16xi32>,
      %swap3A_709 = vector.shape_cast %swap3A_708 : vector<16xi32> to vector<16xi32>
      %swap3A_710 = vector.shape_cast %add3A_706 : vector<16xi32> to vector<16xi32>
      tpu.vector_store %arg9[%swap3A_707], %swap3A_710 {strides = array<i32>} : memref<128xi32, #tpu.memory_space<vmem>>, vector<16xi32>,
      %add3A_711 = arith.constant 96 : i32
      %add3A_712 = arith.addi %add3A_656, %add3A_711 : i32
      %iota3A_713 = tpu.iota {dimensions = array<i32: 0>} : vector<16xi32>
      %add3A_714 = vector.broadcast %add3A_712 : i32 to vector<16xi32>
      %add3A_715 = arith.addi %add3A_714, %iota3A_713 : vector<16xi32>
      %swap3A_716 = arith.constant 96 : index
      %swap3A_717 = tpu.vector_load %arg9[%swap3A_716] {strides = array<i32>} : memref<128xi32, #tpu.memory_space<vmem>>, vector<16xi32>,
      %swap3A_718 = vector.shape_cast %swap3A_717 : vector<16xi32> to vector<16xi32>
      %swap3A_719 = vector.shape_cast %add3A_715 : vector<16xi32> to vector<16xi32>
      tpu.vector_store %arg9[%swap3A_716], %swap3A_719 {strides = array<i32>} : memref<128xi32, #tpu.memory_space<vmem>>, vector<16xi32>,
      %add3A_720 = arith.constant 112 : i32
      %add3A_721 = arith.addi %add3A_656, %add3A_720 : i32
      %iota3A_722 = tpu.iota {dimensions = array<i32: 0>} : vector<16xi32>
      %add3A_723 = vector.broadcast %add3A_721 : i32 to vector<16xi32>
      %add3A_724 = arith.addi %add3A_723, %iota3A_722 : vector<16xi32>
      %swap3A_725 = arith.constant 112 : index
      %swap3A_726 = tpu.vector_load %arg9[%swap3A_725] {strides = array<i32>} : memref<128xi32, #tpu.memory_space<vmem>>, vector<16xi32>,
      %swap3A_727 = vector.shape_cast %swap3A_726 : vector<16xi32> to vector<16xi32>
      %swap3A_728 = vector.shape_cast %add3A_724 : vector<16xi32> to vector<16xi32>
      tpu.vector_store %arg9[%swap3A_725], %swap3A_728 {strides = array<i32>} : memref<128xi32, #tpu.memory_space<vmem>>, vector<16xi32>,
      "tpu.region"() ({
        %run_scoped3A = tpu.sem_alloc : memref<!tpu.dma_semaphore, #tpu.memory_space<semaphore_mem>>
        %dma_start3A_729 = arith.constant 0 : i32
        %dma_start3A_730 = arith.constant 0 : i32
        %dma_start3A_731 = tpu.memref_slice %arg13[%dma_start3A_729, %dma_start3A_730] : memref<10112x128xf32, #tpu.memory_space<vmem_shared>> -> memref<10112x128xf32, #tpu.memory_space<vmem_shared>>
        tpu.enqueue_indirect_dma source(%arg11 : memref<128x128xf32, #tpu.memory_space<vmem>>) target(%dma_start3A_731 : memref<10112x128xf32, #tpu.memory_space<vmem_shared>>) offsets(%arg9 : memref<128xi32, #tpu.memory_space<vmem>>) semaphore(%run_scoped3A : memref<!tpu.dma_semaphore, #tpu.memory_space<semaphore_mem>>)
        %dma_wait3A_732 = arith.constant 0 : i32
        %dma_wait3A_733 = arith.constant 0 : i32
        %dma_wait3A_734 = tpu.memref_slice %arg13[%dma_wait3A_732, %dma_wait3A_733] : memref<10112x128xf32, #tpu.memory_space<vmem_shared>> -> memref<10112x128xf32, #tpu.memory_space<vmem_shared>>
        tpu.wait_indirect_dma semaphore(%run_scoped3A : memref<!tpu.dma_semaphore, #tpu.memory_space<semaphore_mem>>) src(%arg11 : memref<128x128xf32, #tpu.memory_space<vmem>>) dst(%dma_wait3A_734 : memref<10112x128xf32, #tpu.memory_space<vmem_shared>>)
        tpu.yield
      }) : () -> ()
    } else {
    }
    %barrier3A = arith.constant 0 : index
    tpu.barrier barrier_id(%barrier3A)
    %scan3A = arith.constant 0 : i32
    %scan3A_305 = arith.constant 40 : i32
    %scan3A_306 = arith.addi %scan3A, %scan3A_305 : i32
    %scan3A_307 = arith.constant 1 : i32
    scf.for %scan3A_653 = %scan3A to %scan3A_306 step %scan3A_307  : i32 {
      %mul3A_654 = arith.constant 40 : i32
      %mul3A_655 = arith.muli %add3A, %mul3A_654 : i32
      %add3A_656 = arith.addi %mul3A_655, %scan3A_653 : i32
      %mul3A_657 = arith.constant 256 : i32
      %mul3A_658 = arith.muli %add3A_656, %mul3A_657 : i32
      "tpu.region"() ({
        %run_scoped3A = tpu.sem_alloc : memref<!tpu.dma_semaphore, #tpu.memory_space<semaphore_mem>>
        %dma_start3A_681 = tpu.memref_slice %arg4[%mul3A_658] : memref<327680xi32, #tpu.memory_space<hbm>> -> memref<128xi32, #tpu.memory_space<hbm>>
        %dma_start3A_682 = tpu.memref_slice %arg4[%mul3A_658] : memref<327680xi32, #tpu.memory_space<hbm>> -> memref<128xi32, #tpu.memory_space<hbm>>
        tpu.enqueue_dma source(%dma_start3A_682 : memref<128xi32, #tpu.memory_space<hbm>>) target(%arg9 : memref<128xi32, #tpu.memory_space<vmem>>) target_semaphore(%run_scoped3A : memref<!tpu.dma_semaphore, #tpu.memory_space<semaphore_mem>>)
        %dma_wait3A_683 = tpu.memref_slice %arg4[%mul3A_658] : memref<327680xi32, #tpu.memory_space<hbm>> -> memref<128xi32, #tpu.memory_space<hbm>>
        %dma_wait3A_684 = tpu.memref_slice %arg4[%mul3A_658] : memref<327680xi32, #tpu.memory_space<hbm>> -> memref<128xi32, #tpu.memory_space<hbm>>
        tpu.wait_dma2 semaphore(%run_scoped3A : memref<!tpu.dma_semaphore, #tpu.memory_space<semaphore_mem>>) src(%dma_wait3A_684 : memref<128xi32, #tpu.memory_space<hbm>>) dst(%arg9 : memref<128xi32, #tpu.memory_space<vmem>>)
        tpu.yield
      }) : () -> ()
      %add3A_659 = arith.constant 128 : i32
      %add3A_660 = arith.addi %mul3A_658, %add3A_659 : i32
      "tpu.region"() ({
        %run_scoped3A = tpu.sem_alloc : memref<!tpu.dma_semaphore, #tpu.memory_space<semaphore_mem>>
        %dma_start3A_681 = tpu.memref_slice %arg4[%add3A_660] : memref<327680xi32, #tpu.memory_space<hbm>> -> memref<128xi32, #tpu.memory_space<hbm>>
        %dma_start3A_682 = tpu.memref_slice %arg4[%add3A_660] : memref<327680xi32, #tpu.memory_space<hbm>> -> memref<128xi32, #tpu.memory_space<hbm>>
        tpu.enqueue_dma source(%dma_start3A_682 : memref<128xi32, #tpu.memory_space<hbm>>) target(%arg10 : memref<128xi32, #tpu.memory_space<vmem>>) target_semaphore(%run_scoped3A : memref<!tpu.dma_semaphore, #tpu.memory_space<semaphore_mem>>)
        %dma_wait3A_683 = tpu.memref_slice %arg4[%add3A_660] : memref<327680xi32, #tpu.memory_space<hbm>> -> memref<128xi32, #tpu.memory_space<hbm>>
        %dma_wait3A_684 = tpu.memref_slice %arg4[%add3A_660] : memref<327680xi32, #tpu.memory_space<hbm>> -> memref<128xi32, #tpu.memory_space<hbm>>
        tpu.wait_dma2 semaphore(%run_scoped3A : memref<!tpu.dma_semaphore, #tpu.memory_space<semaphore_mem>>) src(%dma_wait3A_684 : memref<128xi32, #tpu.memory_space<hbm>>) dst(%arg10 : memref<128xi32, #tpu.memory_space<vmem>>)
        tpu.yield
      }) : () -> ()
      "tpu.region"() ({
        %run_scoped3A = tpu.sem_alloc : memref<!tpu.dma_semaphore, #tpu.memory_space<semaphore_mem>>
        %dma_start3A_681 = tpu.memref_slice %arg3[%mul3A_658] : memref<327680xi32, #tpu.memory_space<hbm>> -> memref<256xi32, #tpu.memory_space<hbm>>
        %dma_start3A_682 = tpu.memref_slice %arg3[%mul3A_658] : memref<327680xi32, #tpu.memory_space<hbm>> -> memref<256xi32, #tpu.memory_space<hbm>>
        tpu.enqueue_dma source(%dma_start3A_682 : memref<256xi32, #tpu.memory_space<hbm>>) target(%arg8 : memref<256xi32, #tpu.memory_space<vmem>>) target_semaphore(%run_scoped3A : memref<!tpu.dma_semaphore, #tpu.memory_space<semaphore_mem>>)
        %dma_wait3A_683 = tpu.memref_slice %arg3[%mul3A_658] : memref<327680xi32, #tpu.memory_space<hbm>> -> memref<256xi32, #tpu.memory_space<hbm>>
        %dma_wait3A_684 = tpu.memref_slice %arg3[%mul3A_658] : memref<327680xi32, #tpu.memory_space<hbm>> -> memref<256xi32, #tpu.memory_space<hbm>>
        tpu.wait_dma2 semaphore(%run_scoped3A : memref<!tpu.dma_semaphore, #tpu.memory_space<semaphore_mem>>) src(%dma_wait3A_684 : memref<256xi32, #tpu.memory_space<hbm>>) dst(%arg8 : memref<256xi32, #tpu.memory_space<vmem>>)
        tpu.yield
      }) : () -> ()
      %dma_start3A_661 = arith.constant 0 : i32
      %dma_start3A_662 = tpu.memref_slice %arg8[%dma_start3A_661] : memref<256xi32, #tpu.memory_space<vmem>> -> memref<128xi32, #tpu.memory_space<vmem>>
      %dma_start3A_663 = arith.constant 0 : i32
      %dma_start3A_664 = arith.constant 0 : i32
      %dma_start3A_665 = tpu.memref_slice %arg2[%dma_start3A_663, %dma_start3A_664] : memref<10000x128xf32, #tpu.memory_space<hbm>> -> memref<10000x128xf32, #tpu.memory_space<hbm>>
      tpu.enqueue_indirect_dma source(%dma_start3A_665 : memref<10000x128xf32, #tpu.memory_space<hbm>>) target(%arg11 : memref<128x128xf32, #tpu.memory_space<vmem>>) offsets(%dma_start3A_662 : memref<128xi32, #tpu.memory_space<vmem>>) semaphore(%arg14 : memref<!tpu.dma_semaphore, #tpu.memory_space<semaphore_mem>>)
      %dma_start3A_666 = arith.constant 128 : i32
      %dma_start3A_667 = tpu.memref_slice %arg8[%dma_start3A_666] : memref<256xi32, #tpu.memory_space<vmem>> -> memref<128xi32, #tpu.memory_space<vmem>>
      %dma_start3A_668 = arith.constant 0 : i32
      %dma_start3A_669 = arith.constant 0 : i32
      %dma_start3A_670 = tpu.memref_slice %arg2[%dma_start3A_668, %dma_start3A_669] : memref<10000x128xf32, #tpu.memory_space<hbm>> -> memref<10000x128xf32, #tpu.memory_space<hbm>>
      tpu.enqueue_indirect_dma source(%dma_start3A_670 : memref<10000x128xf32, #tpu.memory_space<hbm>>) target(%arg12 : memref<128x128xf32, #tpu.memory_space<vmem>>) offsets(%dma_start3A_667 : memref<128xi32, #tpu.memory_space<vmem>>) semaphore(%arg15 : memref<!tpu.dma_semaphore, #tpu.memory_space<semaphore_mem>>)
      %dma_wait3A_671 = arith.constant 0 : i32
      %dma_wait3A_672 = tpu.memref_slice %arg8[%dma_wait3A_671] : memref<256xi32, #tpu.memory_space<vmem>> -> memref<128xi32, #tpu.memory_space<vmem>>
      %dma_wait3A_673 = arith.constant 0 : i32
      %dma_wait3A_674 = arith.constant 0 : i32
      %dma_wait3A_675 = tpu.memref_slice %arg2[%dma_wait3A_673, %dma_wait3A_674] : memref<10000x128xf32, #tpu.memory_space<hbm>> -> memref<10000x128xf32, #tpu.memory_space<hbm>>
      tpu.wait_indirect_dma semaphore(%arg14 : memref<!tpu.dma_semaphore, #tpu.memory_space<semaphore_mem>>) src(%dma_wait3A_675 : memref<10000x128xf32, #tpu.memory_space<hbm>>) dst(%arg11 : memref<128x128xf32, #tpu.memory_space<vmem>>)
      "tpu.region"() ({
        %run_scoped3A = tpu.sem_alloc : memref<!tpu.dma_semaphore, #tpu.memory_space<semaphore_mem>>
        %dma_start3A_681 = arith.constant 0 : i32
        %dma_start3A_682 = arith.constant 0 : i32
        %dma_start3A_683 = tpu.memref_slice %arg13[%dma_start3A_681, %dma_start3A_682] : memref<10112x128xf32, #tpu.memory_space<vmem_shared>> -> memref<10112x128xf32, #tpu.memory_space<vmem_shared>>
        tpu.enqueue_indirect_dma source(%arg11 : memref<128x128xf32, #tpu.memory_space<vmem>>) target(%dma_start3A_683 : memref<10112x128xf32, #tpu.memory_space<vmem_shared>>) offsets(%arg9 : memref<128xi32, #tpu.memory_space<vmem>>) semaphore(%run_scoped3A : memref<!tpu.dma_semaphore, #tpu.memory_space<semaphore_mem>>) {add = true}
        %dma_wait3A_684 = arith.constant 0 : i32
        %dma_wait3A_685 = arith.constant 0 : i32
        %dma_wait3A_686 = tpu.memref_slice %arg13[%dma_wait3A_684, %dma_wait3A_685] : memref<10112x128xf32, #tpu.memory_space<vmem_shared>> -> memref<10112x128xf32, #tpu.memory_space<vmem_shared>>
        tpu.wait_indirect_dma semaphore(%run_scoped3A : memref<!tpu.dma_semaphore, #tpu.memory_space<semaphore_mem>>) src(%arg11 : memref<128x128xf32, #tpu.memory_space<vmem>>) dst(%dma_wait3A_686 : memref<10112x128xf32, #tpu.memory_space<vmem_shared>>)
        tpu.yield
      }) : () -> ()
      %dma_wait3A_676 = arith.constant 128 : i32
      %dma_wait3A_677 = tpu.memref_slice %arg8[%dma_wait3A_676] : memref<256xi32, #tpu.memory_space<vmem>> -> memref<128xi32, #tpu.memory_space<vmem>>
      %dma_wait3A_678 = arith.constant 0 : i32
      %dma_wait3A_679 = arith.constant 0 : i32
      %dma_wait3A_680 = tpu.memref_slice %arg2[%dma_wait3A_678, %dma_wait3A_679] : memref<10000x128xf32, #tpu.memory_space<hbm>> -> memref<10000x128xf32, #tpu.memory_space<hbm>>
      tpu.wait_indirect_dma semaphore(%arg15 : memref<!tpu.dma_semaphore, #tpu.memory_space<semaphore_mem>>) src(%dma_wait3A_680 : memref<10000x128xf32, #tpu.memory_space<hbm>>) dst(%arg12 : memref<128x128xf32, #tpu.memory_space<vmem>>)
      "tpu.region"() ({
        %run_scoped3A = tpu.sem_alloc : memref<!tpu.dma_semaphore, #tpu.memory_space<semaphore_mem>>
        %dma_start3A_681 = arith.constant 0 : i32
        %dma_start3A_682 = arith.constant 0 : i32
        %dma_start3A_683 = tpu.memref_slice %arg13[%dma_start3A_681, %dma_start3A_682] : memref<10112x128xf32, #tpu.memory_space<vmem_shared>> -> memref<10112x128xf32, #tpu.memory_space<vmem_shared>>
        tpu.enqueue_indirect_dma source(%arg12 : memref<128x128xf32, #tpu.memory_space<vmem>>) target(%dma_start3A_683 : memref<10112x128xf32, #tpu.memory_space<vmem_shared>>) offsets(%arg10 : memref<128xi32, #tpu.memory_space<vmem>>) semaphore(%run_scoped3A : memref<!tpu.dma_semaphore, #tpu.memory_space<semaphore_mem>>) {add = true}
        %dma_wait3A_684 = arith.constant 0 : i32
        %dma_wait3A_685 = arith.constant 0 : i32
        %dma_wait3A_686 = tpu.memref_slice %arg13[%dma_wait3A_684, %dma_wait3A_685] : memref<10112x128xf32, #tpu.memory_space<vmem_shared>> -> memref<10112x128xf32, #tpu.memory_space<vmem_shared>>
        tpu.wait_indirect_dma semaphore(%run_scoped3A : memref<!tpu.dma_semaphore, #tpu.memory_space<semaphore_mem>>) src(%arg12 : memref<128x128xf32, #tpu.memory_space<vmem>>) dst(%dma_wait3A_686 : memref<10112x128xf32, #tpu.memory_space<vmem_shared>>)
        tpu.yield
      }) : () -> ()
    }
    %scan3A_308 = arith.constant 40 : i32
    %barrier3A_309 = arith.constant 0 : index
    tpu.barrier barrier_id(%barrier3A_309)
    %mul3A_310 = arith.constant 640 : i32
    %mul3A_311 = arith.muli %arg1, %mul3A_310 : i32
    %add3A_312 = arith.constant 0 : i32
    %add3A_313 = arith.addi %mul3A_311, %add3A_312 : i32
    %add3A_314 = arith.constant 0 : i32
    %add3A_315 = arith.addi %add3A_313, %add3A_314 : i32
    %iota3A_316 = tpu.iota {dimensions = array<i32: 0>} : vector<16xi32>
    %add3A_317 = vector.broadcast %add3A_315 : i32 to vector<16xi32>
    %add3A_318 = arith.addi %add3A_317, %iota3A_316 : vector<16xi32>
    %swap3A_319 = arith.constant 0 : index
    %swap3A_320 = tpu.vector_load %arg9[%swap3A_319] {strides = array<i32>} : memref<128xi32, #tpu.memory_space<vmem>>, vector<16xi32>,
    %swap3A_321 = vector.shape_cast %swap3A_320 : vector<16xi32> to vector<16xi32>
    %swap3A_322 = vector.shape_cast %add3A_318 : vector<16xi32> to vector<16xi32>
    tpu.vector_store %arg9[%swap3A_319], %swap3A_322 {strides = array<i32>} : memref<128xi32, #tpu.memory_space<vmem>>, vector<16xi32>,
    %add3A_323 = arith.constant 16 : i32
    %add3A_324 = arith.addi %add3A_313, %add3A_323 : i32
    %iota3A_325 = tpu.iota {dimensions = array<i32: 0>} : vector<16xi32>
    %add3A_326 = vector.broadcast %add3A_324 : i32 to vector<16xi32>
    %add3A_327 = arith.addi %add3A_326, %iota3A_325 : vector<16xi32>
    %swap3A_328 = arith.constant 16 : index
    %swap3A_329 = tpu.vector_load %arg9[%swap3A_328] {strides = array<i32>} : memref<128xi32, #tpu.memory_space<vmem>>, vector<16xi32>,
    %swap3A_330 = vector.shape_cast %swap3A_329 : vector<16xi32> to vector<16xi32>
    %swap3A_331 = vector.shape_cast %add3A_327 : vector<16xi32> to vector<16xi32>
    tpu.vector_store %arg9[%swap3A_328], %swap3A_331 {strides = array<i32>} : memref<128xi32, #tpu.memory_space<vmem>>, vector<16xi32>,
    %add3A_332 = arith.constant 32 : i32
    %add3A_333 = arith.addi %add3A_313, %add3A_332 : i32
    %iota3A_334 = tpu.iota {dimensions = array<i32: 0>} : vector<16xi32>
    %add3A_335 = vector.broadcast %add3A_333 : i32 to vector<16xi32>
    %add3A_336 = arith.addi %add3A_335, %iota3A_334 : vector<16xi32>
    %swap3A_337 = arith.constant 32 : index
    %swap3A_338 = tpu.vector_load %arg9[%swap3A_337] {strides = array<i32>} : memref<128xi32, #tpu.memory_space<vmem>>, vector<16xi32>,
    %swap3A_339 = vector.shape_cast %swap3A_338 : vector<16xi32> to vector<16xi32>
    %swap3A_340 = vector.shape_cast %add3A_336 : vector<16xi32> to vector<16xi32>
    tpu.vector_store %arg9[%swap3A_337], %swap3A_340 {strides = array<i32>} : memref<128xi32, #tpu.memory_space<vmem>>, vector<16xi32>,
    %add3A_341 = arith.constant 48 : i32
    %add3A_342 = arith.addi %add3A_313, %add3A_341 : i32
    %iota3A_343 = tpu.iota {dimensions = array<i32: 0>} : vector<16xi32>
    %add3A_344 = vector.broadcast %add3A_342 : i32 to vector<16xi32>
    %add3A_345 = arith.addi %add3A_344, %iota3A_343 : vector<16xi32>
    %swap3A_346 = arith.constant 48 : index
    %swap3A_347 = tpu.vector_load %arg9[%swap3A_346] {strides = array<i32>} : memref<128xi32, #tpu.memory_space<vmem>>, vector<16xi32>,
    %swap3A_348 = vector.shape_cast %swap3A_347 : vector<16xi32> to vector<16xi32>
    %swap3A_349 = vector.shape_cast %add3A_345 : vector<16xi32> to vector<16xi32>
    tpu.vector_store %arg9[%swap3A_346], %swap3A_349 {strides = array<i32>} : memref<128xi32, #tpu.memory_space<vmem>>, vector<16xi32>,
    %add3A_350 = arith.constant 64 : i32
    %add3A_351 = arith.addi %add3A_313, %add3A_350 : i32
    %iota3A_352 = tpu.iota {dimensions = array<i32: 0>} : vector<16xi32>
    %add3A_353 = vector.broadcast %add3A_351 : i32 to vector<16xi32>
    %add3A_354 = arith.addi %add3A_353, %iota3A_352 : vector<16xi32>
    %swap3A_355 = arith.constant 64 : index
    %swap3A_356 = tpu.vector_load %arg9[%swap3A_355] {strides = array<i32>} : memref<128xi32, #tpu.memory_space<vmem>>, vector<16xi32>,
    %swap3A_357 = vector.shape_cast %swap3A_356 : vector<16xi32> to vector<16xi32>
    %swap3A_358 = vector.shape_cast %add3A_354 : vector<16xi32> to vector<16xi32>
    tpu.vector_store %arg9[%swap3A_355], %swap3A_358 {strides = array<i32>} : memref<128xi32, #tpu.memory_space<vmem>>, vector<16xi32>,
    %add3A_359 = arith.constant 80 : i32
    %add3A_360 = arith.addi %add3A_313, %add3A_359 : i32
    %iota3A_361 = tpu.iota {dimensions = array<i32: 0>} : vector<16xi32>
    %add3A_362 = vector.broadcast %add3A_360 : i32 to vector<16xi32>
    %add3A_363 = arith.addi %add3A_362, %iota3A_361 : vector<16xi32>
    %swap3A_364 = arith.constant 80 : index
    %swap3A_365 = tpu.vector_load %arg9[%swap3A_364] {strides = array<i32>} : memref<128xi32, #tpu.memory_space<vmem>>, vector<16xi32>,
    %swap3A_366 = vector.shape_cast %swap3A_365 : vector<16xi32> to vector<16xi32>
    %swap3A_367 = vector.shape_cast %add3A_363 : vector<16xi32> to vector<16xi32>
    tpu.vector_store %arg9[%swap3A_364], %swap3A_367 {strides = array<i32>} : memref<128xi32, #tpu.memory_space<vmem>>, vector<16xi32>,
    %add3A_368 = arith.constant 96 : i32
    %add3A_369 = arith.addi %add3A_313, %add3A_368 : i32
    %iota3A_370 = tpu.iota {dimensions = array<i32: 0>} : vector<16xi32>
    %add3A_371 = vector.broadcast %add3A_369 : i32 to vector<16xi32>
    %add3A_372 = arith.addi %add3A_371, %iota3A_370 : vector<16xi32>
    %swap3A_373 = arith.constant 96 : index
    %swap3A_374 = tpu.vector_load %arg9[%swap3A_373] {strides = array<i32>} : memref<128xi32, #tpu.memory_space<vmem>>, vector<16xi32>,
    %swap3A_375 = vector.shape_cast %swap3A_374 : vector<16xi32> to vector<16xi32>
    %swap3A_376 = vector.shape_cast %add3A_372 : vector<16xi32> to vector<16xi32>
    tpu.vector_store %arg9[%swap3A_373], %swap3A_376 {strides = array<i32>} : memref<128xi32, #tpu.memory_space<vmem>>, vector<16xi32>,
    %add3A_377 = arith.constant 112 : i32
    %add3A_378 = arith.addi %add3A_313, %add3A_377 : i32
    %iota3A_379 = tpu.iota {dimensions = array<i32: 0>} : vector<16xi32>
    %add3A_380 = vector.broadcast %add3A_378 : i32 to vector<16xi32>
    %add3A_381 = arith.addi %add3A_380, %iota3A_379 : vector<16xi32>
    %swap3A_382 = arith.constant 112 : index
    %swap3A_383 = tpu.vector_load %arg9[%swap3A_382] {strides = array<i32>} : memref<128xi32, #tpu.memory_space<vmem>>, vector<16xi32>,
    %swap3A_384 = vector.shape_cast %swap3A_383 : vector<16xi32> to vector<16xi32>
    %swap3A_385 = vector.shape_cast %add3A_381 : vector<16xi32> to vector<16xi32>
    tpu.vector_store %arg9[%swap3A_382], %swap3A_385 {strides = array<i32>} : memref<128xi32, #tpu.memory_space<vmem>>, vector<16xi32>,
    %dma_start3A = arith.constant 0 : i32
    %dma_start3A_386 = arith.constant 0 : i32
    %dma_start3A_387 = tpu.memref_slice %arg13[%dma_start3A, %dma_start3A_386] : memref<10112x128xf32, #tpu.memory_space<vmem_shared>> -> memref<10112x128xf32, #tpu.memory_space<vmem_shared>>
    tpu.enqueue_indirect_dma source(%dma_start3A_387 : memref<10112x128xf32, #tpu.memory_space<vmem_shared>>) target(%arg11 : memref<128x128xf32, #tpu.memory_space<vmem>>) offsets(%arg9 : memref<128xi32, #tpu.memory_space<vmem>>) semaphore(%arg14 : memref<!tpu.dma_semaphore, #tpu.memory_space<semaphore_mem>>)
    %dma_wait3A = arith.constant 0 : i32
    %dma_wait3A_388 = arith.constant 0 : i32
    %dma_wait3A_389 = tpu.memref_slice %arg13[%dma_wait3A, %dma_wait3A_388] : memref<10112x128xf32, #tpu.memory_space<vmem_shared>> -> memref<10112x128xf32, #tpu.memory_space<vmem_shared>>
    tpu.wait_indirect_dma semaphore(%arg14 : memref<!tpu.dma_semaphore, #tpu.memory_space<semaphore_mem>>) src(%dma_wait3A_389 : memref<10112x128xf32, #tpu.memory_space<vmem_shared>>) dst(%arg11 : memref<128x128xf32, #tpu.memory_space<vmem>>)
    %mul3A_390 = arith.constant 10112 : i32
    %mul3A_391 = arith.muli %arg0, %mul3A_390 : i32
    %add3A_392 = arith.addi %mul3A_391, %add3A_313 : i32
    "tpu.region"() ({
      %run_scoped3A = tpu.sem_alloc : memref<!tpu.dma_semaphore, #tpu.memory_space<semaphore_mem>>
      %dma_start3A_653 = arith.constant 0 : i32
      %dma_start3A_654 = tpu.memref_slice %arg7[%add3A_392, %dma_start3A_653] : memref<20224x128xf32, #tpu.memory_space<hbm>> -> memref<128x128xf32, #tpu.memory_space<hbm>>
      %dma_start3A_655 = arith.constant 0 : i32
      %dma_start3A_656 = tpu.memref_slice %arg7[%add3A_392, %dma_start3A_655] : memref<20224x128xf32, #tpu.memory_space<hbm>> -> memref<128x128xf32, #tpu.memory_space<hbm>>
      tpu.enqueue_dma source(%arg11 : memref<128x128xf32, #tpu.memory_space<vmem>>) target(%dma_start3A_656 : memref<128x128xf32, #tpu.memory_space<hbm>>) target_semaphore(%run_scoped3A : memref<!tpu.dma_semaphore, #tpu.memory_space<semaphore_mem>>)
      %dma_wait3A_657 = arith.constant 0 : i32
      %dma_wait3A_658 = tpu.memref_slice %arg7[%add3A_392, %dma_wait3A_657] : memref<20224x128xf32, #tpu.memory_space<hbm>> -> memref<128x128xf32, #tpu.memory_space<hbm>>
      %dma_wait3A_659 = arith.constant 0 : i32
      %dma_wait3A_660 = tpu.memref_slice %arg7[%add3A_392, %dma_wait3A_659] : memref<20224x128xf32, #tpu.memory_space<hbm>> -> memref<128x128xf32, #tpu.memory_space<hbm>>
      tpu.wait_dma2 semaphore(%run_scoped3A : memref<!tpu.dma_semaphore, #tpu.memory_space<semaphore_mem>>) src(%arg11 : memref<128x128xf32, #tpu.memory_space<vmem>>) dst(%dma_wait3A_660 : memref<128x128xf32, #tpu.memory_space<hbm>>)
      tpu.yield
    }) : () -> ()
    %mul3A_393 = arith.constant 640 : i32
    %mul3A_394 = arith.muli %arg1, %mul3A_393 : i32
    %add3A_395 = arith.constant 128 : i32
    %add3A_396 = arith.addi %mul3A_394, %add3A_395 : i32
    %add3A_397 = arith.constant 0 : i32
    %add3A_398 = arith.addi %add3A_396, %add3A_397 : i32
    %iota3A_399 = tpu.iota {dimensions = array<i32: 0>} : vector<16xi32>
    %add3A_400 = vector.broadcast %add3A_398 : i32 to vector<16xi32>
    %add3A_401 = arith.addi %add3A_400, %iota3A_399 : vector<16xi32>
    %swap3A_402 = arith.constant 0 : index
    %swap3A_403 = tpu.vector_load %arg9[%swap3A_402] {strides = array<i32>} : memref<128xi32, #tpu.memory_space<vmem>>, vector<16xi32>,
    %swap3A_404 = vector.shape_cast %swap3A_403 : vector<16xi32> to vector<16xi32>
    %swap3A_405 = vector.shape_cast %add3A_401 : vector<16xi32> to vector<16xi32>
    tpu.vector_store %arg9[%swap3A_402], %swap3A_405 {strides = array<i32>} : memref<128xi32, #tpu.memory_space<vmem>>, vector<16xi32>,
    %add3A_406 = arith.constant 16 : i32
    %add3A_407 = arith.addi %add3A_396, %add3A_406 : i32
    %iota3A_408 = tpu.iota {dimensions = array<i32: 0>} : vector<16xi32>
    %add3A_409 = vector.broadcast %add3A_407 : i32 to vector<16xi32>
    %add3A_410 = arith.addi %add3A_409, %iota3A_408 : vector<16xi32>
    %swap3A_411 = arith.constant 16 : index
    %swap3A_412 = tpu.vector_load %arg9[%swap3A_411] {strides = array<i32>} : memref<128xi32, #tpu.memory_space<vmem>>, vector<16xi32>,
    %swap3A_413 = vector.shape_cast %swap3A_412 : vector<16xi32> to vector<16xi32>
    %swap3A_414 = vector.shape_cast %add3A_410 : vector<16xi32> to vector<16xi32>
    tpu.vector_store %arg9[%swap3A_411], %swap3A_414 {strides = array<i32>} : memref<128xi32, #tpu.memory_space<vmem>>, vector<16xi32>,
    %add3A_415 = arith.constant 32 : i32
    %add3A_416 = arith.addi %add3A_396, %add3A_415 : i32
    %iota3A_417 = tpu.iota {dimensions = array<i32: 0>} : vector<16xi32>
    %add3A_418 = vector.broadcast %add3A_416 : i32 to vector<16xi32>
    %add3A_419 = arith.addi %add3A_418, %iota3A_417 : vector<16xi32>
    %swap3A_420 = arith.constant 32 : index
    %swap3A_421 = tpu.vector_load %arg9[%swap3A_420] {strides = array<i32>} : memref<128xi32, #tpu.memory_space<vmem>>, vector<16xi32>,
    %swap3A_422 = vector.shape_cast %swap3A_421 : vector<16xi32> to vector<16xi32>
    %swap3A_423 = vector.shape_cast %add3A_419 : vector<16xi32> to vector<16xi32>
    tpu.vector_store %arg9[%swap3A_420], %swap3A_423 {strides = array<i32>} : memref<128xi32, #tpu.memory_space<vmem>>, vector<16xi32>,
    %add3A_424 = arith.constant 48 : i32
    %add3A_425 = arith.addi %add3A_396, %add3A_424 : i32
    %iota3A_426 = tpu.iota {dimensions = array<i32: 0>} : vector<16xi32>
    %add3A_427 = vector.broadcast %add3A_425 : i32 to vector<16xi32>
    %add3A_428 = arith.addi %add3A_427, %iota3A_426 : vector<16xi32>
    %swap3A_429 = arith.constant 48 : index
    %swap3A_430 = tpu.vector_load %arg9[%swap3A_429] {strides = array<i32>} : memref<128xi32, #tpu.memory_space<vmem>>, vector<16xi32>,
    %swap3A_431 = vector.shape_cast %swap3A_430 : vector<16xi32> to vector<16xi32>
    %swap3A_432 = vector.shape_cast %add3A_428 : vector<16xi32> to vector<16xi32>
    tpu.vector_store %arg9[%swap3A_429], %swap3A_432 {strides = array<i32>} : memref<128xi32, #tpu.memory_space<vmem>>, vector<16xi32>,
    %add3A_433 = arith.constant 64 : i32
    %add3A_434 = arith.addi %add3A_396, %add3A_433 : i32
    %iota3A_435 = tpu.iota {dimensions = array<i32: 0>} : vector<16xi32>
    %add3A_436 = vector.broadcast %add3A_434 : i32 to vector<16xi32>
    %add3A_437 = arith.addi %add3A_436, %iota3A_435 : vector<16xi32>
    %swap3A_438 = arith.constant 64 : index
    %swap3A_439 = tpu.vector_load %arg9[%swap3A_438] {strides = array<i32>} : memref<128xi32, #tpu.memory_space<vmem>>, vector<16xi32>,
    %swap3A_440 = vector.shape_cast %swap3A_439 : vector<16xi32> to vector<16xi32>
    %swap3A_441 = vector.shape_cast %add3A_437 : vector<16xi32> to vector<16xi32>
    tpu.vector_store %arg9[%swap3A_438], %swap3A_441 {strides = array<i32>} : memref<128xi32, #tpu.memory_space<vmem>>, vector<16xi32>,
    %add3A_442 = arith.constant 80 : i32
    %add3A_443 = arith.addi %add3A_396, %add3A_442 : i32
    %iota3A_444 = tpu.iota {dimensions = array<i32: 0>} : vector<16xi32>
    %add3A_445 = vector.broadcast %add3A_443 : i32 to vector<16xi32>
    %add3A_446 = arith.addi %add3A_445, %iota3A_444 : vector<16xi32>
    %swap3A_447 = arith.constant 80 : index
    %swap3A_448 = tpu.vector_load %arg9[%swap3A_447] {strides = array<i32>} : memref<128xi32, #tpu.memory_space<vmem>>, vector<16xi32>,
    %swap3A_449 = vector.shape_cast %swap3A_448 : vector<16xi32> to vector<16xi32>
    %swap3A_450 = vector.shape_cast %add3A_446 : vector<16xi32> to vector<16xi32>
    tpu.vector_store %arg9[%swap3A_447], %swap3A_450 {strides = array<i32>} : memref<128xi32, #tpu.memory_space<vmem>>, vector<16xi32>,
    %add3A_451 = arith.constant 96 : i32
    %add3A_452 = arith.addi %add3A_396, %add3A_451 : i32
    %iota3A_453 = tpu.iota {dimensions = array<i32: 0>} : vector<16xi32>
    %add3A_454 = vector.broadcast %add3A_452 : i32 to vector<16xi32>
    %add3A_455 = arith.addi %add3A_454, %iota3A_453 : vector<16xi32>
    %swap3A_456 = arith.constant 96 : index
    %swap3A_457 = tpu.vector_load %arg9[%swap3A_456] {strides = array<i32>} : memref<128xi32, #tpu.memory_space<vmem>>, vector<16xi32>,
    %swap3A_458 = vector.shape_cast %swap3A_457 : vector<16xi32> to vector<16xi32>
    %swap3A_459 = vector.shape_cast %add3A_455 : vector<16xi32> to vector<16xi32>
    tpu.vector_store %arg9[%swap3A_456], %swap3A_459 {strides = array<i32>} : memref<128xi32, #tpu.memory_space<vmem>>, vector<16xi32>,
    %add3A_460 = arith.constant 112 : i32
    %add3A_461 = arith.addi %add3A_396, %add3A_460 : i32
    %iota3A_462 = tpu.iota {dimensions = array<i32: 0>} : vector<16xi32>
    %add3A_463 = vector.broadcast %add3A_461 : i32 to vector<16xi32>
    %add3A_464 = arith.addi %add3A_463, %iota3A_462 : vector<16xi32>
    %swap3A_465 = arith.constant 112 : index
    %swap3A_466 = tpu.vector_load %arg9[%swap3A_465] {strides = array<i32>} : memref<128xi32, #tpu.memory_space<vmem>>, vector<16xi32>,
    %swap3A_467 = vector.shape_cast %swap3A_466 : vector<16xi32> to vector<16xi32>
    %swap3A_468 = vector.shape_cast %add3A_464 : vector<16xi32> to vector<16xi32>
    tpu.vector_store %arg9[%swap3A_465], %swap3A_468 {strides = array<i32>} : memref<128xi32, #tpu.memory_space<vmem>>, vector<16xi32>,
    %dma_start3A_469 = arith.constant 0 : i32
    %dma_start3A_470 = arith.constant 0 : i32
    %dma_start3A_471 = tpu.memref_slice %arg13[%dma_start3A_469, %dma_start3A_470] : memref<10112x128xf32, #tpu.memory_space<vmem_shared>> -> memref<10112x128xf32, #tpu.memory_space<vmem_shared>>
    tpu.enqueue_indirect_dma source(%dma_start3A_471 : memref<10112x128xf32, #tpu.memory_space<vmem_shared>>) target(%arg11 : memref<128x128xf32, #tpu.memory_space<vmem>>) offsets(%arg9 : memref<128xi32, #tpu.memory_space<vmem>>) semaphore(%arg14 : memref<!tpu.dma_semaphore, #tpu.memory_space<semaphore_mem>>)
    %dma_wait3A_472 = arith.constant 0 : i32
    %dma_wait3A_473 = arith.constant 0 : i32
    %dma_wait3A_474 = tpu.memref_slice %arg13[%dma_wait3A_472, %dma_wait3A_473] : memref<10112x128xf32, #tpu.memory_space<vmem_shared>> -> memref<10112x128xf32, #tpu.memory_space<vmem_shared>>
    tpu.wait_indirect_dma semaphore(%arg14 : memref<!tpu.dma_semaphore, #tpu.memory_space<semaphore_mem>>) src(%dma_wait3A_474 : memref<10112x128xf32, #tpu.memory_space<vmem_shared>>) dst(%arg11 : memref<128x128xf32, #tpu.memory_space<vmem>>)
    %mul3A_475 = arith.constant 10112 : i32
    %mul3A_476 = arith.muli %arg0, %mul3A_475 : i32
    %add3A_477 = arith.addi %mul3A_476, %add3A_396 : i32
    "tpu.region"() ({
      %run_scoped3A = tpu.sem_alloc : memref<!tpu.dma_semaphore, #tpu.memory_space<semaphore_mem>>
      %dma_start3A_653 = arith.constant 0 : i32
      %dma_start3A_654 = tpu.memref_slice %arg7[%add3A_477, %dma_start3A_653] : memref<20224x128xf32, #tpu.memory_space<hbm>> -> memref<128x128xf32, #tpu.memory_space<hbm>>
      %dma_start3A_655 = arith.constant 0 : i32
      %dma_start3A_656 = tpu.memref_slice %arg7[%add3A_477, %dma_start3A_655] : memref<20224x128xf32, #tpu.memory_space<hbm>> -> memref<128x128xf32, #tpu.memory_space<hbm>>
      tpu.enqueue_dma source(%arg11 : memref<128x128xf32, #tpu.memory_space<vmem>>) target(%dma_start3A_656 : memref<128x128xf32, #tpu.memory_space<hbm>>) target_semaphore(%run_scoped3A : memref<!tpu.dma_semaphore, #tpu.memory_space<semaphore_mem>>)
      %dma_wait3A_657 = arith.constant 0 : i32
      %dma_wait3A_658 = tpu.memref_slice %arg7[%add3A_477, %dma_wait3A_657] : memref<20224x128xf32, #tpu.memory_space<hbm>> -> memref<128x128xf32, #tpu.memory_space<hbm>>
      %dma_wait3A_659 = arith.constant 0 : i32
      %dma_wait3A_660 = tpu.memref_slice %arg7[%add3A_477, %dma_wait3A_659] : memref<20224x128xf32, #tpu.memory_space<hbm>> -> memref<128x128xf32, #tpu.memory_space<hbm>>
      tpu.wait_dma2 semaphore(%run_scoped3A : memref<!tpu.dma_semaphore, #tpu.memory_space<semaphore_mem>>) src(%arg11 : memref<128x128xf32, #tpu.memory_space<vmem>>) dst(%dma_wait3A_660 : memref<128x128xf32, #tpu.memory_space<hbm>>)
      tpu.yield
    }) : () -> ()
    %mul3A_478 = arith.constant 640 : i32
    %mul3A_479 = arith.muli %arg1, %mul3A_478 : i32
    %add3A_480 = arith.constant 256 : i32
    %add3A_481 = arith.addi %mul3A_479, %add3A_480 : i32
    %add3A_482 = arith.constant 0 : i32
    %add3A_483 = arith.addi %add3A_481, %add3A_482 : i32
    %iota3A_484 = tpu.iota {dimensions = array<i32: 0>} : vector<16xi32>
    %add3A_485 = vector.broadcast %add3A_483 : i32 to vector<16xi32>
    %add3A_486 = arith.addi %add3A_485, %iota3A_484 : vector<16xi32>
    %swap3A_487 = arith.constant 0 : index
    %swap3A_488 = tpu.vector_load %arg9[%swap3A_487] {strides = array<i32>} : memref<128xi32, #tpu.memory_space<vmem>>, vector<16xi32>,
    %swap3A_489 = vector.shape_cast %swap3A_488 : vector<16xi32> to vector<16xi32>
    %swap3A_490 = vector.shape_cast %add3A_486 : vector<16xi32> to vector<16xi32>
    tpu.vector_store %arg9[%swap3A_487], %swap3A_490 {strides = array<i32>} : memref<128xi32, #tpu.memory_space<vmem>>, vector<16xi32>,
    %add3A_491 = arith.constant 16 : i32
    %add3A_492 = arith.addi %add3A_481, %add3A_491 : i32
    %iota3A_493 = tpu.iota {dimensions = array<i32: 0>} : vector<16xi32>
    %add3A_494 = vector.broadcast %add3A_492 : i32 to vector<16xi32>
    %add3A_495 = arith.addi %add3A_494, %iota3A_493 : vector<16xi32>
    %swap3A_496 = arith.constant 16 : index
    %swap3A_497 = tpu.vector_load %arg9[%swap3A_496] {strides = array<i32>} : memref<128xi32, #tpu.memory_space<vmem>>, vector<16xi32>,
    %swap3A_498 = vector.shape_cast %swap3A_497 : vector<16xi32> to vector<16xi32>
    %swap3A_499 = vector.shape_cast %add3A_495 : vector<16xi32> to vector<16xi32>
    tpu.vector_store %arg9[%swap3A_496], %swap3A_499 {strides = array<i32>} : memref<128xi32, #tpu.memory_space<vmem>>, vector<16xi32>,
    %add3A_500 = arith.constant 32 : i32
    %add3A_501 = arith.addi %add3A_481, %add3A_500 : i32
    %iota3A_502 = tpu.iota {dimensions = array<i32: 0>} : vector<16xi32>
    %add3A_503 = vector.broadcast %add3A_501 : i32 to vector<16xi32>
    %add3A_504 = arith.addi %add3A_503, %iota3A_502 : vector<16xi32>
    %swap3A_505 = arith.constant 32 : index
    %swap3A_506 = tpu.vector_load %arg9[%swap3A_505] {strides = array<i32>} : memref<128xi32, #tpu.memory_space<vmem>>, vector<16xi32>,
    %swap3A_507 = vector.shape_cast %swap3A_506 : vector<16xi32> to vector<16xi32>
    %swap3A_508 = vector.shape_cast %add3A_504 : vector<16xi32> to vector<16xi32>
    tpu.vector_store %arg9[%swap3A_505], %swap3A_508 {strides = array<i32>} : memref<128xi32, #tpu.memory_space<vmem>>, vector<16xi32>,
    %add3A_509 = arith.constant 48 : i32
    %add3A_510 = arith.addi %add3A_481, %add3A_509 : i32
    %iota3A_511 = tpu.iota {dimensions = array<i32: 0>} : vector<16xi32>
    %add3A_512 = vector.broadcast %add3A_510 : i32 to vector<16xi32>
    %add3A_513 = arith.addi %add3A_512, %iota3A_511 : vector<16xi32>
    %swap3A_514 = arith.constant 48 : index
    %swap3A_515 = tpu.vector_load %arg9[%swap3A_514] {strides = array<i32>} : memref<128xi32, #tpu.memory_space<vmem>>, vector<16xi32>,
    %swap3A_516 = vector.shape_cast %swap3A_515 : vector<16xi32> to vector<16xi32>
    %swap3A_517 = vector.shape_cast %add3A_513 : vector<16xi32> to vector<16xi32>
    tpu.vector_store %arg9[%swap3A_514], %swap3A_517 {strides = array<i32>} : memref<128xi32, #tpu.memory_space<vmem>>, vector<16xi32>,
    %add3A_518 = arith.constant 64 : i32
    %add3A_519 = arith.addi %add3A_481, %add3A_518 : i32
    %iota3A_520 = tpu.iota {dimensions = array<i32: 0>} : vector<16xi32>
    %add3A_521 = vector.broadcast %add3A_519 : i32 to vector<16xi32>
    %add3A_522 = arith.addi %add3A_521, %iota3A_520 : vector<16xi32>
    %swap3A_523 = arith.constant 64 : index
    %swap3A_524 = tpu.vector_load %arg9[%swap3A_523] {strides = array<i32>} : memref<128xi32, #tpu.memory_space<vmem>>, vector<16xi32>,
    %swap3A_525 = vector.shape_cast %swap3A_524 : vector<16xi32> to vector<16xi32>
    %swap3A_526 = vector.shape_cast %add3A_522 : vector<16xi32> to vector<16xi32>
    tpu.vector_store %arg9[%swap3A_523], %swap3A_526 {strides = array<i32>} : memref<128xi32, #tpu.memory_space<vmem>>, vector<16xi32>,
    %add3A_527 = arith.constant 80 : i32
    %add3A_528 = arith.addi %add3A_481, %add3A_527 : i32
    %iota3A_529 = tpu.iota {dimensions = array<i32: 0>} : vector<16xi32>
    %add3A_530 = vector.broadcast %add3A_528 : i32 to vector<16xi32>
    %add3A_531 = arith.addi %add3A_530, %iota3A_529 : vector<16xi32>
    %swap3A_532 = arith.constant 80 : index
    %swap3A_533 = tpu.vector_load %arg9[%swap3A_532] {strides = array<i32>} : memref<128xi32, #tpu.memory_space<vmem>>, vector<16xi32>,
    %swap3A_534 = vector.shape_cast %swap3A_533 : vector<16xi32> to vector<16xi32>
    %swap3A_535 = vector.shape_cast %add3A_531 : vector<16xi32> to vector<16xi32>
    tpu.vector_store %arg9[%swap3A_532], %swap3A_535 {strides = array<i32>} : memref<128xi32, #tpu.memory_space<vmem>>, vector<16xi32>,
    %add3A_536 = arith.constant 96 : i32
    %add3A_537 = arith.addi %add3A_481, %add3A_536 : i32
    %iota3A_538 = tpu.iota {dimensions = array<i32: 0>} : vector<16xi32>
    %add3A_539 = vector.broadcast %add3A_537 : i32 to vector<16xi32>
    %add3A_540 = arith.addi %add3A_539, %iota3A_538 : vector<16xi32>
    %swap3A_541 = arith.constant 96 : index
    %swap3A_542 = tpu.vector_load %arg9[%swap3A_541] {strides = array<i32>} : memref<128xi32, #tpu.memory_space<vmem>>, vector<16xi32>,
    %swap3A_543 = vector.shape_cast %swap3A_542 : vector<16xi32> to vector<16xi32>
    %swap3A_544 = vector.shape_cast %add3A_540 : vector<16xi32> to vector<16xi32>
    tpu.vector_store %arg9[%swap3A_541], %swap3A_544 {strides = array<i32>} : memref<128xi32, #tpu.memory_space<vmem>>, vector<16xi32>,
    %add3A_545 = arith.constant 112 : i32
    %add3A_546 = arith.addi %add3A_481, %add3A_545 : i32
    %iota3A_547 = tpu.iota {dimensions = array<i32: 0>} : vector<16xi32>
    %add3A_548 = vector.broadcast %add3A_546 : i32 to vector<16xi32>
    %add3A_549 = arith.addi %add3A_548, %iota3A_547 : vector<16xi32>
    %swap3A_550 = arith.constant 112 : index
    %swap3A_551 = tpu.vector_load %arg9[%swap3A_550] {strides = array<i32>} : memref<128xi32, #tpu.memory_space<vmem>>, vector<16xi32>,
    %swap3A_552 = vector.shape_cast %swap3A_551 : vector<16xi32> to vector<16xi32>
    %swap3A_553 = vector.shape_cast %add3A_549 : vector<16xi32> to vector<16xi32>
    tpu.vector_store %arg9[%swap3A_550], %swap3A_553 {strides = array<i32>} : memref<128xi32, #tpu.memory_space<vmem>>, vector<16xi32>,
    %dma_start3A_554 = arith.constant 0 : i32
    %dma_start3A_555 = arith.constant 0 : i32
    %dma_start3A_556 = tpu.memref_slice %arg13[%dma_start3A_554, %dma_start3A_555] : memref<10112x128xf32, #tpu.memory_space<vmem_shared>> -> memref<10112x128xf32, #tpu.memory_space<vmem_shared>>
    tpu.enqueue_indirect_dma source(%dma_start3A_556 : memref<10112x128xf32, #tpu.memory_space<vmem_shared>>) target(%arg11 : memref<128x128xf32, #tpu.memory_space<vmem>>) offsets(%arg9 : memref<128xi32, #tpu.memory_space<vmem>>) semaphore(%arg14 : memref<!tpu.dma_semaphore, #tpu.memory_space<semaphore_mem>>)
    %dma_wait3A_557 = arith.constant 0 : i32
    %dma_wait3A_558 = arith.constant 0 : i32
    %dma_wait3A_559 = tpu.memref_slice %arg13[%dma_wait3A_557, %dma_wait3A_558] : memref<10112x128xf32, #tpu.memory_space<vmem_shared>> -> memref<10112x128xf32, #tpu.memory_space<vmem_shared>>
    tpu.wait_indirect_dma semaphore(%arg14 : memref<!tpu.dma_semaphore, #tpu.memory_space<semaphore_mem>>) src(%dma_wait3A_559 : memref<10112x128xf32, #tpu.memory_space<vmem_shared>>) dst(%arg11 : memref<128x128xf32, #tpu.memory_space<vmem>>)
    %mul3A_560 = arith.constant 10112 : i32
    %mul3A_561 = arith.muli %arg0, %mul3A_560 : i32
    %add3A_562 = arith.addi %mul3A_561, %add3A_481 : i32
    "tpu.region"() ({
      %run_scoped3A = tpu.sem_alloc : memref<!tpu.dma_semaphore, #tpu.memory_space<semaphore_mem>>
      %dma_start3A_653 = arith.constant 0 : i32
      %dma_start3A_654 = tpu.memref_slice %arg7[%add3A_562, %dma_start3A_653] : memref<20224x128xf32, #tpu.memory_space<hbm>> -> memref<128x128xf32, #tpu.memory_space<hbm>>
      %dma_start3A_655 = arith.constant 0 : i32
      %dma_start3A_656 = tpu.memref_slice %arg7[%add3A_562, %dma_start3A_655] : memref<20224x128xf32, #tpu.memory_space<hbm>> -> memref<128x128xf32, #tpu.memory_space<hbm>>
      tpu.enqueue_dma source(%arg11 : memref<128x128xf32, #tpu.memory_space<vmem>>) target(%dma_start3A_656 : memref<128x128xf32, #tpu.memory_space<hbm>>) target_semaphore(%run_scoped3A : memref<!tpu.dma_semaphore, #tpu.memory_space<semaphore_mem>>)
      %dma_wait3A_657 = arith.constant 0 : i32
      %dma_wait3A_658 = tpu.memref_slice %arg7[%add3A_562, %dma_wait3A_657] : memref<20224x128xf32, #tpu.memory_space<hbm>> -> memref<128x128xf32, #tpu.memory_space<hbm>>
      %dma_wait3A_659 = arith.constant 0 : i32
      %dma_wait3A_660 = tpu.memref_slice %arg7[%add3A_562, %dma_wait3A_659] : memref<20224x128xf32, #tpu.memory_space<hbm>> -> memref<128x128xf32, #tpu.memory_space<hbm>>
      tpu.wait_dma2 semaphore(%run_scoped3A : memref<!tpu.dma_semaphore, #tpu.memory_space<semaphore_mem>>) src(%arg11 : memref<128x128xf32, #tpu.memory_space<vmem>>) dst(%dma_wait3A_660 : memref<128x128xf32, #tpu.memory_space<hbm>>)
      tpu.yield
    }) : () -> ()
    %mul3A_563 = arith.constant 640 : i32
    %mul3A_564 = arith.muli %arg1, %mul3A_563 : i32
    %add3A_565 = arith.constant 384 : i32
    %add3A_566 = arith.addi %mul3A_564, %add3A_565 : i32
    %add3A_567 = arith.constant 0 : i32
    %add3A_568 = arith.addi %add3A_566, %add3A_567 : i32
    %iota3A_569 = tpu.iota {dimensions = array<i32: 0>} : vector<16xi32>
    %add3A_570 = vector.broadcast %add3A_568 : i32 to vector<16xi32>
    %add3A_571 = arith.addi %add3A_570, %iota3A_569 : vector<16xi32>
    %swap3A_572 = arith.constant 0 : index
    %swap3A_573 = tpu.vector_load %arg9[%swap3A_572] {strides = array<i32>} : memref<128xi32, #tpu.memory_space<vmem>>, vector<16xi32>,
    %swap3A_574 = vector.shape_cast %swap3A_573 : vector<16xi32> to vector<16xi32>
    %swap3A_575 = vector.shape_cast %add3A_571 : vector<16xi32> to vector<16xi32>
    tpu.vector_store %arg9[%swap3A_572], %swap3A_575 {strides = array<i32>} : memref<128xi32, #tpu.memory_space<vmem>>, vector<16xi32>,
    %add3A_576 = arith.constant 16 : i32
    %add3A_577 = arith.addi %add3A_566, %add3A_576 : i32
    %iota3A_578 = tpu.iota {dimensions = array<i32: 0>} : vector<16xi32>
    %add3A_579 = vector.broadcast %add3A_577 : i32 to vector<16xi32>
    %add3A_580 = arith.addi %add3A_579, %iota3A_578 : vector<16xi32>
    %swap3A_581 = arith.constant 16 : index
    %swap3A_582 = tpu.vector_load %arg9[%swap3A_581] {strides = array<i32>} : memref<128xi32, #tpu.memory_space<vmem>>, vector<16xi32>,
    %swap3A_583 = vector.shape_cast %swap3A_582 : vector<16xi32> to vector<16xi32>
    %swap3A_584 = vector.shape_cast %add3A_580 : vector<16xi32> to vector<16xi32>
    tpu.vector_store %arg9[%swap3A_581], %swap3A_584 {strides = array<i32>} : memref<128xi32, #tpu.memory_space<vmem>>, vector<16xi32>,
    %add3A_585 = arith.constant 32 : i32
    %add3A_586 = arith.addi %add3A_566, %add3A_585 : i32
    %iota3A_587 = tpu.iota {dimensions = array<i32: 0>} : vector<16xi32>
    %add3A_588 = vector.broadcast %add3A_586 : i32 to vector<16xi32>
    %add3A_589 = arith.addi %add3A_588, %iota3A_587 : vector<16xi32>
    %swap3A_590 = arith.constant 32 : index
    %swap3A_591 = tpu.vector_load %arg9[%swap3A_590] {strides = array<i32>} : memref<128xi32, #tpu.memory_space<vmem>>, vector<16xi32>,
    %swap3A_592 = vector.shape_cast %swap3A_591 : vector<16xi32> to vector<16xi32>
    %swap3A_593 = vector.shape_cast %add3A_589 : vector<16xi32> to vector<16xi32>
    tpu.vector_store %arg9[%swap3A_590], %swap3A_593 {strides = array<i32>} : memref<128xi32, #tpu.memory_space<vmem>>, vector<16xi32>,
    %add3A_594 = arith.constant 48 : i32
    %add3A_595 = arith.addi %add3A_566, %add3A_594 : i32
    %iota3A_596 = tpu.iota {dimensions = array<i32: 0>} : vector<16xi32>
    %add3A_597 = vector.broadcast %add3A_595 : i32 to vector<16xi32>
    %add3A_598 = arith.addi %add3A_597, %iota3A_596 : vector<16xi32>
    %swap3A_599 = arith.constant 48 : index
    %swap3A_600 = tpu.vector_load %arg9[%swap3A_599] {strides = array<i32>} : memref<128xi32, #tpu.memory_space<vmem>>, vector<16xi32>,
    %swap3A_601 = vector.shape_cast %swap3A_600 : vector<16xi32> to vector<16xi32>
    %swap3A_602 = vector.shape_cast %add3A_598 : vector<16xi32> to vector<16xi32>
    tpu.vector_store %arg9[%swap3A_599], %swap3A_602 {strides = array<i32>} : memref<128xi32, #tpu.memory_space<vmem>>, vector<16xi32>,
    %add3A_603 = arith.constant 64 : i32
    %add3A_604 = arith.addi %add3A_566, %add3A_603 : i32
    %iota3A_605 = tpu.iota {dimensions = array<i32: 0>} : vector<16xi32>
    %add3A_606 = vector.broadcast %add3A_604 : i32 to vector<16xi32>
    %add3A_607 = arith.addi %add3A_606, %iota3A_605 : vector<16xi32>
    %swap3A_608 = arith.constant 64 : index
    %swap3A_609 = tpu.vector_load %arg9[%swap3A_608] {strides = array<i32>} : memref<128xi32, #tpu.memory_space<vmem>>, vector<16xi32>,
    %swap3A_610 = vector.shape_cast %swap3A_609 : vector<16xi32> to vector<16xi32>
    %swap3A_611 = vector.shape_cast %add3A_607 : vector<16xi32> to vector<16xi32>
    tpu.vector_store %arg9[%swap3A_608], %swap3A_611 {strides = array<i32>} : memref<128xi32, #tpu.memory_space<vmem>>, vector<16xi32>,
    %add3A_612 = arith.constant 80 : i32
    %add3A_613 = arith.addi %add3A_566, %add3A_612 : i32
    %iota3A_614 = tpu.iota {dimensions = array<i32: 0>} : vector<16xi32>
    %add3A_615 = vector.broadcast %add3A_613 : i32 to vector<16xi32>
    %add3A_616 = arith.addi %add3A_615, %iota3A_614 : vector<16xi32>
    %swap3A_617 = arith.constant 80 : index
    %swap3A_618 = tpu.vector_load %arg9[%swap3A_617] {strides = array<i32>} : memref<128xi32, #tpu.memory_space<vmem>>, vector<16xi32>,
    %swap3A_619 = vector.shape_cast %swap3A_618 : vector<16xi32> to vector<16xi32>
    %swap3A_620 = vector.shape_cast %add3A_616 : vector<16xi32> to vector<16xi32>
    tpu.vector_store %arg9[%swap3A_617], %swap3A_620 {strides = array<i32>} : memref<128xi32, #tpu.memory_space<vmem>>, vector<16xi32>,
    %add3A_621 = arith.constant 96 : i32
    %add3A_622 = arith.addi %add3A_566, %add3A_621 : i32
    %iota3A_623 = tpu.iota {dimensions = array<i32: 0>} : vector<16xi32>
    %add3A_624 = vector.broadcast %add3A_622 : i32 to vector<16xi32>
    %add3A_625 = arith.addi %add3A_624, %iota3A_623 : vector<16xi32>
    %swap3A_626 = arith.constant 96 : index
    %swap3A_627 = tpu.vector_load %arg9[%swap3A_626] {strides = array<i32>} : memref<128xi32, #tpu.memory_space<vmem>>, vector<16xi32>,
    %swap3A_628 = vector.shape_cast %swap3A_627 : vector<16xi32> to vector<16xi32>
    %swap3A_629 = vector.shape_cast %add3A_625 : vector<16xi32> to vector<16xi32>
    tpu.vector_store %arg9[%swap3A_626], %swap3A_629 {strides = array<i32>} : memref<128xi32, #tpu.memory_space<vmem>>, vector<16xi32>,
    %add3A_630 = arith.constant 112 : i32
    %add3A_631 = arith.addi %add3A_566, %add3A_630 : i32
    %iota3A_632 = tpu.iota {dimensions = array<i32: 0>} : vector<16xi32>
    %add3A_633 = vector.broadcast %add3A_631 : i32 to vector<16xi32>
    %add3A_634 = arith.addi %add3A_633, %iota3A_632 : vector<16xi32>
    %swap3A_635 = arith.constant 112 : index
    %swap3A_636 = tpu.vector_load %arg9[%swap3A_635] {strides = array<i32>} : memref<128xi32, #tpu.memory_space<vmem>>, vector<16xi32>,
    %swap3A_637 = vector.shape_cast %swap3A_636 : vector<16xi32> to vector<16xi32>
    %swap3A_638 = vector.shape_cast %add3A_634 : vector<16xi32> to vector<16xi32>
    tpu.vector_store %arg9[%swap3A_635], %swap3A_638 {strides = array<i32>} : memref<128xi32, #tpu.memory_space<vmem>>, vector<16xi32>,
    %dma_start3A_639 = arith.constant 0 : i32
    %dma_start3A_640 = arith.constant 0 : i32
    %dma_start3A_641 = tpu.memref_slice %arg13[%dma_start3A_639, %dma_start3A_640] : memref<10112x128xf32, #tpu.memory_space<vmem_shared>> -> memref<10112x128xf32, #tpu.memory_space<vmem_shared>>
    tpu.enqueue_indirect_dma source(%dma_start3A_641 : memref<10112x128xf32, #tpu.memory_space<vmem_shared>>) target(%arg11 : memref<128x128xf32, #tpu.memory_space<vmem>>) offsets(%arg9 : memref<128xi32, #tpu.memory_space<vmem>>) semaphore(%arg14 : memref<!tpu.dma_semaphore, #tpu.memory_space<semaphore_mem>>)
    %dma_wait3A_642 = arith.constant 0 : i32
    %dma_wait3A_643 = arith.constant 0 : i32
    %dma_wait3A_644 = tpu.memref_slice %arg13[%dma_wait3A_642, %dma_wait3A_643] : memref<10112x128xf32, #tpu.memory_space<vmem_shared>> -> memref<10112x128xf32, #tpu.memory_space<vmem_shared>>
    tpu.wait_indirect_dma semaphore(%arg14 : memref<!tpu.dma_semaphore, #tpu.memory_space<semaphore_mem>>) src(%dma_wait3A_644 : memref<10112x128xf32, #tpu.memory_space<vmem_shared>>) dst(%arg11 : memref<128x128xf32, #tpu.memory_space<vmem>>)
    %mul3A_645 = arith.constant 10112 : i32
    %mul3A_646 = arith.muli %arg0, %mul3A_645 : i32
    %add3A_647 = arith.addi %mul3A_646, %add3A_566 : i32
    "tpu.region"() ({
      %run_scoped3A = tpu.sem_alloc : memref<!tpu.dma_semaphore, #tpu.memory_space<semaphore_mem>>
      %dma_start3A_653 = arith.constant 0 : i32
      %dma_start3A_654 = tpu.memref_slice %arg7[%add3A_647, %dma_start3A_653] : memref<20224x128xf32, #tpu.memory_space<hbm>> -> memref<128x128xf32, #tpu.memory_space<hbm>>
      %dma_start3A_655 = arith.constant 0 : i32
      %dma_start3A_656 = tpu.memref_slice %arg7[%add3A_647, %dma_start3A_655] : memref<20224x128xf32, #tpu.memory_space<hbm>> -> memref<128x128xf32, #tpu.memory_space<hbm>>
      tpu.enqueue_dma source(%arg11 : memref<128x128xf32, #tpu.memory_space<vmem>>) target(%dma_start3A_656 : memref<128x128xf32, #tpu.memory_space<hbm>>) target_semaphore(%run_scoped3A : memref<!tpu.dma_semaphore, #tpu.memory_space<semaphore_mem>>)
      %dma_wait3A_657 = arith.constant 0 : i32
      %dma_wait3A_658 = tpu.memref_slice %arg7[%add3A_647, %dma_wait3A_657] : memref<20224x128xf32, #tpu.memory_space<hbm>> -> memref<128x128xf32, #tpu.memory_space<hbm>>
      %dma_wait3A_659 = arith.constant 0 : i32
      %dma_wait3A_660 = tpu.memref_slice %arg7[%add3A_647, %dma_wait3A_659] : memref<20224x128xf32, #tpu.memory_space<hbm>> -> memref<128x128xf32, #tpu.memory_space<hbm>>
      tpu.wait_dma2 semaphore(%run_scoped3A : memref<!tpu.dma_semaphore, #tpu.memory_space<semaphore_mem>>) src(%arg11 : memref<128x128xf32, #tpu.memory_space<vmem>>) dst(%dma_wait3A_660 : memref<128x128xf32, #tpu.memory_space<hbm>>)
      tpu.yield
    }) : () -> ()
    %lt3A_648 = arith.constant 15 : i32
    %lt3A_649 = arith.cmpi slt, %arg1, %lt3A_648 : i32
    %convert_element_type3A_650 = arith.extui %lt3A_649 : i1 to i32
    %cond3A_651 = arith.constant 0 : i32
    %cond3A_652 = arith.cmpi ne, %convert_element_type3A_650, %cond3A_651 : i32
    scf.if %cond3A_652 {
      %mul3A_653 = arith.constant 640 : i32
      %mul3A_654 = arith.muli %arg1, %mul3A_653 : i32
      %add3A_655 = arith.constant 512 : i32
      %add3A_656 = arith.addi %mul3A_654, %add3A_655 : i32
      %add3A_657 = arith.constant 0 : i32
      %add3A_658 = arith.addi %add3A_656, %add3A_657 : i32
      %iota3A_659 = tpu.iota {dimensions = array<i32: 0>} : vector<16xi32>
      %add3A_660 = vector.broadcast %add3A_658 : i32 to vector<16xi32>
      %add3A_661 = arith.addi %add3A_660, %iota3A_659 : vector<16xi32>
      %swap3A_662 = arith.constant 0 : index
      %swap3A_663 = tpu.vector_load %arg9[%swap3A_662] {strides = array<i32>} : memref<128xi32, #tpu.memory_space<vmem>>, vector<16xi32>,
      %swap3A_664 = vector.shape_cast %swap3A_663 : vector<16xi32> to vector<16xi32>
      %swap3A_665 = vector.shape_cast %add3A_661 : vector<16xi32> to vector<16xi32>
      tpu.vector_store %arg9[%swap3A_662], %swap3A_665 {strides = array<i32>} : memref<128xi32, #tpu.memory_space<vmem>>, vector<16xi32>,
      %add3A_666 = arith.constant 16 : i32
      %add3A_667 = arith.addi %add3A_656, %add3A_666 : i32
      %iota3A_668 = tpu.iota {dimensions = array<i32: 0>} : vector<16xi32>
      %add3A_669 = vector.broadcast %add3A_667 : i32 to vector<16xi32>
      %add3A_670 = arith.addi %add3A_669, %iota3A_668 : vector<16xi32>
      %swap3A_671 = arith.constant 16 : index
      %swap3A_672 = tpu.vector_load %arg9[%swap3A_671] {strides = array<i32>} : memref<128xi32, #tpu.memory_space<vmem>>, vector<16xi32>,
      %swap3A_673 = vector.shape_cast %swap3A_672 : vector<16xi32> to vector<16xi32>
      %swap3A_674 = vector.shape_cast %add3A_670 : vector<16xi32> to vector<16xi32>
      tpu.vector_store %arg9[%swap3A_671], %swap3A_674 {strides = array<i32>} : memref<128xi32, #tpu.memory_space<vmem>>, vector<16xi32>,
      %add3A_675 = arith.constant 32 : i32
      %add3A_676 = arith.addi %add3A_656, %add3A_675 : i32
      %iota3A_677 = tpu.iota {dimensions = array<i32: 0>} : vector<16xi32>
      %add3A_678 = vector.broadcast %add3A_676 : i32 to vector<16xi32>
      %add3A_679 = arith.addi %add3A_678, %iota3A_677 : vector<16xi32>
      %swap3A_680 = arith.constant 32 : index
      %swap3A_681 = tpu.vector_load %arg9[%swap3A_680] {strides = array<i32>} : memref<128xi32, #tpu.memory_space<vmem>>, vector<16xi32>,
      %swap3A_682 = vector.shape_cast %swap3A_681 : vector<16xi32> to vector<16xi32>
      %swap3A_683 = vector.shape_cast %add3A_679 : vector<16xi32> to vector<16xi32>
      tpu.vector_store %arg9[%swap3A_680], %swap3A_683 {strides = array<i32>} : memref<128xi32, #tpu.memory_space<vmem>>, vector<16xi32>,
      %add3A_684 = arith.constant 48 : i32
      %add3A_685 = arith.addi %add3A_656, %add3A_684 : i32
      %iota3A_686 = tpu.iota {dimensions = array<i32: 0>} : vector<16xi32>
      %add3A_687 = vector.broadcast %add3A_685 : i32 to vector<16xi32>
      %add3A_688 = arith.addi %add3A_687, %iota3A_686 : vector<16xi32>
      %swap3A_689 = arith.constant 48 : index
      %swap3A_690 = tpu.vector_load %arg9[%swap3A_689] {strides = array<i32>} : memref<128xi32, #tpu.memory_space<vmem>>, vector<16xi32>,
      %swap3A_691 = vector.shape_cast %swap3A_690 : vector<16xi32> to vector<16xi32>
      %swap3A_692 = vector.shape_cast %add3A_688 : vector<16xi32> to vector<16xi32>
      tpu.vector_store %arg9[%swap3A_689], %swap3A_692 {strides = array<i32>} : memref<128xi32, #tpu.memory_space<vmem>>, vector<16xi32>,
      %add3A_693 = arith.constant 64 : i32
      %add3A_694 = arith.addi %add3A_656, %add3A_693 : i32
      %iota3A_695 = tpu.iota {dimensions = array<i32: 0>} : vector<16xi32>
      %add3A_696 = vector.broadcast %add3A_694 : i32 to vector<16xi32>
      %add3A_697 = arith.addi %add3A_696, %iota3A_695 : vector<16xi32>
      %swap3A_698 = arith.constant 64 : index
      %swap3A_699 = tpu.vector_load %arg9[%swap3A_698] {strides = array<i32>} : memref<128xi32, #tpu.memory_space<vmem>>, vector<16xi32>,
      %swap3A_700 = vector.shape_cast %swap3A_699 : vector<16xi32> to vector<16xi32>
      %swap3A_701 = vector.shape_cast %add3A_697 : vector<16xi32> to vector<16xi32>
      tpu.vector_store %arg9[%swap3A_698], %swap3A_701 {strides = array<i32>} : memref<128xi32, #tpu.memory_space<vmem>>, vector<16xi32>,
      %add3A_702 = arith.constant 80 : i32
      %add3A_703 = arith.addi %add3A_656, %add3A_702 : i32
      %iota3A_704 = tpu.iota {dimensions = array<i32: 0>} : vector<16xi32>
      %add3A_705 = vector.broadcast %add3A_703 : i32 to vector<16xi32>
      %add3A_706 = arith.addi %add3A_705, %iota3A_704 : vector<16xi32>
      %swap3A_707 = arith.constant 80 : index
      %swap3A_708 = tpu.vector_load %arg9[%swap3A_707] {strides = array<i32>} : memref<128xi32, #tpu.memory_space<vmem>>, vector<16xi32>,
      %swap3A_709 = vector.shape_cast %swap3A_708 : vector<16xi32> to vector<16xi32>
      %swap3A_710 = vector.shape_cast %add3A_706 : vector<16xi32> to vector<16xi32>
      tpu.vector_store %arg9[%swap3A_707], %swap3A_710 {strides = array<i32>} : memref<128xi32, #tpu.memory_space<vmem>>, vector<16xi32>,
      %add3A_711 = arith.constant 96 : i32
      %add3A_712 = arith.addi %add3A_656, %add3A_711 : i32
      %iota3A_713 = tpu.iota {dimensions = array<i32: 0>} : vector<16xi32>
      %add3A_714 = vector.broadcast %add3A_712 : i32 to vector<16xi32>
      %add3A_715 = arith.addi %add3A_714, %iota3A_713 : vector<16xi32>
      %swap3A_716 = arith.constant 96 : index
      %swap3A_717 = tpu.vector_load %arg9[%swap3A_716] {strides = array<i32>} : memref<128xi32, #tpu.memory_space<vmem>>, vector<16xi32>,
      %swap3A_718 = vector.shape_cast %swap3A_717 : vector<16xi32> to vector<16xi32>
      %swap3A_719 = vector.shape_cast %add3A_715 : vector<16xi32> to vector<16xi32>
      tpu.vector_store %arg9[%swap3A_716], %swap3A_719 {strides = array<i32>} : memref<128xi32, #tpu.memory_space<vmem>>, vector<16xi32>,
      %add3A_720 = arith.constant 112 : i32
      %add3A_721 = arith.addi %add3A_656, %add3A_720 : i32
      %iota3A_722 = tpu.iota {dimensions = array<i32: 0>} : vector<16xi32>
      %add3A_723 = vector.broadcast %add3A_721 : i32 to vector<16xi32>
      %add3A_724 = arith.addi %add3A_723, %iota3A_722 : vector<16xi32>
      %swap3A_725 = arith.constant 112 : index
      %swap3A_726 = tpu.vector_load %arg9[%swap3A_725] {strides = array<i32>} : memref<128xi32, #tpu.memory_space<vmem>>, vector<16xi32>,
      %swap3A_727 = vector.shape_cast %swap3A_726 : vector<16xi32> to vector<16xi32>
      %swap3A_728 = vector.shape_cast %add3A_724 : vector<16xi32> to vector<16xi32>
      tpu.vector_store %arg9[%swap3A_725], %swap3A_728 {strides = array<i32>} : memref<128xi32, #tpu.memory_space<vmem>>, vector<16xi32>,
      %dma_start3A_729 = arith.constant 0 : i32
      %dma_start3A_730 = arith.constant 0 : i32
      %dma_start3A_731 = tpu.memref_slice %arg13[%dma_start3A_729, %dma_start3A_730] : memref<10112x128xf32, #tpu.memory_space<vmem_shared>> -> memref<10112x128xf32, #tpu.memory_space<vmem_shared>>
      tpu.enqueue_indirect_dma source(%dma_start3A_731 : memref<10112x128xf32, #tpu.memory_space<vmem_shared>>) target(%arg11 : memref<128x128xf32, #tpu.memory_space<vmem>>) offsets(%arg9 : memref<128xi32, #tpu.memory_space<vmem>>) semaphore(%arg14 : memref<!tpu.dma_semaphore, #tpu.memory_space<semaphore_mem>>)
      %dma_wait3A_732 = arith.constant 0 : i32
      %dma_wait3A_733 = arith.constant 0 : i32
      %dma_wait3A_734 = tpu.memref_slice %arg13[%dma_wait3A_732, %dma_wait3A_733] : memref<10112x128xf32, #tpu.memory_space<vmem_shared>> -> memref<10112x128xf32, #tpu.memory_space<vmem_shared>>
      tpu.wait_indirect_dma semaphore(%arg14 : memref<!tpu.dma_semaphore, #tpu.memory_space<semaphore_mem>>) src(%dma_wait3A_734 : memref<10112x128xf32, #tpu.memory_space<vmem_shared>>) dst(%arg11 : memref<128x128xf32, #tpu.memory_space<vmem>>)
      %mul3A_735 = arith.constant 10112 : i32
      %mul3A_736 = arith.muli %arg0, %mul3A_735 : i32
      %add3A_737 = arith.addi %mul3A_736, %add3A_656 : i32
      "tpu.region"() ({
        %run_scoped3A = tpu.sem_alloc : memref<!tpu.dma_semaphore, #tpu.memory_space<semaphore_mem>>
        %dma_start3A_738 = arith.constant 0 : i32
        %dma_start3A_739 = tpu.memref_slice %arg7[%add3A_737, %dma_start3A_738] : memref<20224x128xf32, #tpu.memory_space<hbm>> -> memref<128x128xf32, #tpu.memory_space<hbm>>
        %dma_start3A_740 = arith.constant 0 : i32
        %dma_start3A_741 = tpu.memref_slice %arg7[%add3A_737, %dma_start3A_740] : memref<20224x128xf32, #tpu.memory_space<hbm>> -> memref<128x128xf32, #tpu.memory_space<hbm>>
        tpu.enqueue_dma source(%arg11 : memref<128x128xf32, #tpu.memory_space<vmem>>) target(%dma_start3A_741 : memref<128x128xf32, #tpu.memory_space<hbm>>) target_semaphore(%run_scoped3A : memref<!tpu.dma_semaphore, #tpu.memory_space<semaphore_mem>>)
        %dma_wait3A_742 = arith.constant 0 : i32
        %dma_wait3A_743 = tpu.memref_slice %arg7[%add3A_737, %dma_wait3A_742] : memref<20224x128xf32, #tpu.memory_space<hbm>> -> memref<128x128xf32, #tpu.memory_space<hbm>>
        %dma_wait3A_744 = arith.constant 0 : i32
        %dma_wait3A_745 = tpu.memref_slice %arg7[%add3A_737, %dma_wait3A_744] : memref<20224x128xf32, #tpu.memory_space<hbm>> -> memref<128x128xf32, #tpu.memory_space<hbm>>
        tpu.wait_dma2 semaphore(%run_scoped3A : memref<!tpu.dma_semaphore, #tpu.memory_space<semaphore_mem>>) src(%arg11 : memref<128x128xf32, #tpu.memory_space<vmem>>) dst(%dma_wait3A_745 : memref<128x128xf32, #tpu.memory_space<hbm>>)
        tpu.yield
      }) : () -> ()
    } else {
    }
    return
  }
}

module attributes {stable_mosaic.version = 14 : i64} {
  func.func @_ffn_body(%arg0: memref<10000x128xf32, #tpu.memory_space<vmem>>, %arg1: memref<128x128xf32, #tpu.memory_space<vmem>>, %arg2: memref<128xf32, #tpu.memory_space<vmem>>, %arg3: memref<128xf32, #tpu.memory_space<vmem>>, %arg4: memref<128xf32, #tpu.memory_space<vmem>>, %arg5: memref<128x128xf32, #tpu.memory_space<vmem>>, %arg6: memref<128xf32, #tpu.memory_space<vmem>>, %arg7: memref<128xf32, #tpu.memory_space<vmem>>, %arg8: memref<128xf32, #tpu.memory_space<vmem>>, %arg9: memref<10000x128xf32, #tpu.memory_space<vmem>>) attributes {dimension_semantics = [], scalar_prefetch = 0 : i64, scratch_operands = 0 : i64, tpu.core_type = #tpu.core_type<tc>} {
    %get3A = arith.constant 0 : index
    %get3A_0 = arith.constant 0 : index
    %get3A_1 = vector.load %arg0[%get3A, %get3A_0] : memref<10000x128xf32, #tpu.memory_space<vmem>>, vector<10000x128xf32>
    %get3A_2 = arith.constant 0 : index
    %get3A_3 = arith.constant 0 : index
    %get3A_4 = vector.load %arg1[%get3A_2, %get3A_3] : memref<128x128xf32, #tpu.memory_space<vmem>>, vector<128x128xf32>
    %dot_general3A = arith.constant dense<0.000000e+00> : vector<10000x128xf32>
    %dot_general3A_5 = tpu.matmul %get3A_1, %get3A_4, %dot_general3A {dimension_numbers = #tpu.dot_dimension_numbers<[1], [1], [0], [0], [0, 0, 1, 0], [], []>, transpose_lhs_hint = false} : vector<10000x128xf32>, vector<128x128xf32>, vector<10000x128xf32> -> vector<10000x128xf32>
    %get3A_6 = arith.constant 0 : index
    %get3A_7 = vector.load %arg2[%get3A_6] : memref<128xf32, #tpu.memory_space<vmem>>, vector<128xf32>
    %broadcast_in_dim3A = vector.shape_cast %get3A_7 : vector<128xf32> to vector<1x128xf32>
    %add3A = vector.broadcast %broadcast_in_dim3A : vector<1x128xf32> to vector<10000x128xf32>
    %add3A_8 = arith.addf %dot_general3A_5, %add3A : vector<10000x128xf32>
    %get3A_9 = arith.constant 0 : index
    %get3A_10 = vector.load %arg3[%get3A_9] : memref<128xf32, #tpu.memory_space<vmem>>, vector<128xf32>
    %get3A_11 = arith.constant 0 : index
    %get3A_12 = vector.load %arg4[%get3A_11] : memref<128xf32, #tpu.memory_space<vmem>>, vector<128xf32>
    %reduce_sum3A = arith.constant dense<0.000000e+00> : vector<128xf32>
    %reduce_sum3A_13 = vector.multi_reduction <add>, %add3A_8, %reduce_sum3A [0] : vector<10000x128xf32> to vector<128xf32>
    %broadcast_in_dim3A_14 = vector.shape_cast %reduce_sum3A_13 : vector<128xf32> to vector<1x128xf32>
    %div3A = arith.constant 1.000000e+04 : f32
    %div3A_15 = vector.broadcast %div3A : f32 to vector<1x128xf32>
    %div3A_16 = arith.divf %broadcast_in_dim3A_14, %div3A_15 : vector<1x128xf32>
    %sub3A = vector.broadcast %div3A_16 : vector<1x128xf32> to vector<10000x128xf32>
    %sub3A_17 = arith.subf %add3A_8, %sub3A : vector<10000x128xf32>
    %sub3A_18 = vector.broadcast %div3A_16 : vector<1x128xf32> to vector<10000x128xf32>
    %sub3A_19 = arith.subf %add3A_8, %sub3A_18 : vector<10000x128xf32>
    %mul3A = arith.mulf %sub3A_17, %sub3A_19 : vector<10000x128xf32>
    %reduce_sum3A_20 = arith.constant dense<0.000000e+00> : vector<128xf32>
    %reduce_sum3A_21 = vector.multi_reduction <add>, %mul3A, %reduce_sum3A_20 [0] : vector<10000x128xf32> to vector<128xf32>
    %broadcast_in_dim3A_22 = vector.shape_cast %reduce_sum3A_21 : vector<128xf32> to vector<1x128xf32>
    %div3A_23 = arith.constant 1.000000e+04 : f32
    %div3A_24 = vector.broadcast %div3A_23 : f32 to vector<1x128xf32>
    %div3A_25 = arith.divf %broadcast_in_dim3A_22, %div3A_24 : vector<1x128xf32>
    %sub3A_26 = vector.broadcast %div3A_16 : vector<1x128xf32> to vector<10000x128xf32>
    %sub3A_27 = arith.subf %add3A_8, %sub3A_26 : vector<10000x128xf32>
    %broadcast_in_dim3A_28 = vector.shape_cast %get3A_10 : vector<128xf32> to vector<1x128xf32>
    %mul3A_29 = vector.broadcast %broadcast_in_dim3A_28 : vector<1x128xf32> to vector<10000x128xf32>
    %mul3A_30 = arith.mulf %mul3A_29, %sub3A_27 : vector<10000x128xf32>
    %add3A_31 = arith.constant 9.99999974E-6 : f32
    %add3A_32 = vector.broadcast %add3A_31 : f32 to vector<1x128xf32>
    %add3A_33 = arith.addf %div3A_25, %add3A_32 : vector<1x128xf32>
    %rsqrt3A = math.rsqrt %add3A_33 : vector<1x128xf32>
    %mul3A_34 = vector.broadcast %rsqrt3A : vector<1x128xf32> to vector<10000x128xf32>
    %mul3A_35 = arith.mulf %mul3A_30, %mul3A_34 : vector<10000x128xf32>
    %broadcast_in_dim3A_36 = vector.shape_cast %get3A_12 : vector<128xf32> to vector<1x128xf32>
    %add3A_37 = vector.broadcast %broadcast_in_dim3A_36 : vector<1x128xf32> to vector<10000x128xf32>
    %add3A_38 = arith.addf %mul3A_35, %add3A_37 : vector<10000x128xf32>
    %max3A = arith.constant 0.000000e+00 : f32
    %max3A_39 = vector.broadcast %max3A : f32 to vector<10000x128xf32>
    %max3A_40 = arith.maximumf %add3A_38, %max3A_39 : vector<10000x128xf32>
    %get3A_41 = arith.constant 0 : index
    %get3A_42 = arith.constant 0 : index
    %get3A_43 = vector.load %arg5[%get3A_41, %get3A_42] : memref<128x128xf32, #tpu.memory_space<vmem>>, vector<128x128xf32>
    %dot_general3A_44 = arith.constant dense<0.000000e+00> : vector<10000x128xf32>
    %dot_general3A_45 = tpu.matmul %max3A_40, %get3A_43, %dot_general3A_44 {dimension_numbers = #tpu.dot_dimension_numbers<[1], [1], [0], [0], [0, 0, 1, 0], [], []>, transpose_lhs_hint = false} : vector<10000x128xf32>, vector<128x128xf32>, vector<10000x128xf32> -> vector<10000x128xf32>
    %get3A_46 = arith.constant 0 : index
    %get3A_47 = vector.load %arg6[%get3A_46] : memref<128xf32, #tpu.memory_space<vmem>>, vector<128xf32>
    %broadcast_in_dim3A_48 = vector.shape_cast %get3A_47 : vector<128xf32> to vector<1x128xf32>
    %add3A_49 = vector.broadcast %broadcast_in_dim3A_48 : vector<1x128xf32> to vector<10000x128xf32>
    %add3A_50 = arith.addf %dot_general3A_45, %add3A_49 : vector<10000x128xf32>
    %get3A_51 = arith.constant 0 : index
    %get3A_52 = vector.load %arg7[%get3A_51] : memref<128xf32, #tpu.memory_space<vmem>>, vector<128xf32>
    %get3A_53 = arith.constant 0 : index
    %get3A_54 = vector.load %arg8[%get3A_53] : memref<128xf32, #tpu.memory_space<vmem>>, vector<128xf32>
    %reduce_sum3A_55 = arith.constant dense<0.000000e+00> : vector<128xf32>
    %reduce_sum3A_56 = vector.multi_reduction <add>, %add3A_50, %reduce_sum3A_55 [0] : vector<10000x128xf32> to vector<128xf32>
    %broadcast_in_dim3A_57 = vector.shape_cast %reduce_sum3A_56 : vector<128xf32> to vector<1x128xf32>
    %div3A_58 = arith.constant 1.000000e+04 : f32
    %div3A_59 = vector.broadcast %div3A_58 : f32 to vector<1x128xf32>
    %div3A_60 = arith.divf %broadcast_in_dim3A_57, %div3A_59 : vector<1x128xf32>
    %sub3A_61 = vector.broadcast %div3A_60 : vector<1x128xf32> to vector<10000x128xf32>
    %sub3A_62 = arith.subf %add3A_50, %sub3A_61 : vector<10000x128xf32>
    %sub3A_63 = vector.broadcast %div3A_60 : vector<1x128xf32> to vector<10000x128xf32>
    %sub3A_64 = arith.subf %add3A_50, %sub3A_63 : vector<10000x128xf32>
    %mul3A_65 = arith.mulf %sub3A_62, %sub3A_64 : vector<10000x128xf32>
    %reduce_sum3A_66 = arith.constant dense<0.000000e+00> : vector<128xf32>
    %reduce_sum3A_67 = vector.multi_reduction <add>, %mul3A_65, %reduce_sum3A_66 [0] : vector<10000x128xf32> to vector<128xf32>
    %broadcast_in_dim3A_68 = vector.shape_cast %reduce_sum3A_67 : vector<128xf32> to vector<1x128xf32>
    %div3A_69 = arith.constant 1.000000e+04 : f32
    %div3A_70 = vector.broadcast %div3A_69 : f32 to vector<1x128xf32>
    %div3A_71 = arith.divf %broadcast_in_dim3A_68, %div3A_70 : vector<1x128xf32>
    %sub3A_72 = vector.broadcast %div3A_60 : vector<1x128xf32> to vector<10000x128xf32>
    %sub3A_73 = arith.subf %add3A_50, %sub3A_72 : vector<10000x128xf32>
    %broadcast_in_dim3A_74 = vector.shape_cast %get3A_52 : vector<128xf32> to vector<1x128xf32>
    %mul3A_75 = vector.broadcast %broadcast_in_dim3A_74 : vector<1x128xf32> to vector<10000x128xf32>
    %mul3A_76 = arith.mulf %mul3A_75, %sub3A_73 : vector<10000x128xf32>
    %add3A_77 = arith.constant 9.99999974E-6 : f32
    %add3A_78 = vector.broadcast %add3A_77 : f32 to vector<1x128xf32>
    %add3A_79 = arith.addf %div3A_71, %add3A_78 : vector<1x128xf32>
    %rsqrt3A_80 = math.rsqrt %add3A_79 : vector<1x128xf32>
    %mul3A_81 = vector.broadcast %rsqrt3A_80 : vector<1x128xf32> to vector<10000x128xf32>
    %mul3A_82 = arith.mulf %mul3A_76, %mul3A_81 : vector<10000x128xf32>
    %broadcast_in_dim3A_83 = vector.shape_cast %get3A_54 : vector<128xf32> to vector<1x128xf32>
    %add3A_84 = vector.broadcast %broadcast_in_dim3A_83 : vector<1x128xf32> to vector<10000x128xf32>
    %add3A_85 = arith.addf %mul3A_82, %add3A_84 : vector<10000x128xf32>
    %max3A_86 = arith.constant 0.000000e+00 : f32
    %max3A_87 = vector.broadcast %max3A_86 : f32 to vector<10000x128xf32>
    %max3A_88 = arith.maximumf %add3A_85, %max3A_87 : vector<10000x128xf32>
    %swap3A = arith.constant 0 : index
    %swap3A_89 = arith.constant 0 : index
    %swap3A_90 = vector.load %arg9[%swap3A, %swap3A_89] : memref<10000x128xf32, #tpu.memory_space<vmem>>, vector<10000x128xf32>
    tpu.vector_store %arg9[%swap3A, %swap3A_89], %max3A_88 {strides = array<i32>} : memref<10000x128xf32, #tpu.memory_space<vmem>>, vector<10000x128xf32>,
    return
  }
}

module attributes {stable_mosaic.version = 14 : i64} {
  func.func @_sage_body(%arg0: memref<10000x128xf32, #tpu.memory_space<vmem>>, %arg1: memref<20224x128xf32, #tpu.memory_space<vmem>>, %arg2: memref<20224x128xf32, #tpu.memory_space<vmem>>, %arg3: memref<128x128xf32, #tpu.memory_space<vmem>>, %arg4: memref<128xf32, #tpu.memory_space<vmem>>, %arg5: memref<128x128xf32, #tpu.memory_space<vmem>>, %arg6: memref<128xf32, #tpu.memory_space<vmem>>, %arg7: memref<128xf32, #tpu.memory_space<vmem>>, %arg8: memref<10000x128xf32, #tpu.memory_space<vmem>>) attributes {dimension_semantics = [], scalar_prefetch = 0 : i64, scratch_operands = 0 : i64, tpu.core_type = #tpu.core_type<tc>} {
    %get3A = arith.constant 0 : index
    %get3A_0 = arith.constant 0 : index
    %get3A_1 = vector.load %arg1[%get3A, %get3A_0] : memref<20224x128xf32, #tpu.memory_space<vmem>>, vector<10000x128xf32>
    %get3A_2 = arith.constant 10112 : index
    %get3A_3 = arith.constant 0 : index
    %get3A_4 = vector.load %arg1[%get3A_2, %get3A_3] : memref<20224x128xf32, #tpu.memory_space<vmem>>, vector<10000x128xf32>
    %add3A = arith.addf %get3A_1, %get3A_4 : vector<10000x128xf32>
    %get3A_5 = arith.constant 0 : index
    %get3A_6 = arith.constant 0 : index
    %get3A_7 = vector.load %arg2[%get3A_5, %get3A_6] : memref<20224x128xf32, #tpu.memory_space<vmem>>, vector<10000x1xf32>
    %get3A_8 = arith.constant 10112 : index
    %get3A_9 = arith.constant 0 : index
    %get3A_10 = vector.load %arg2[%get3A_8, %get3A_9] : memref<20224x128xf32, #tpu.memory_space<vmem>>, vector<10000x1xf32>
    %add3A_11 = arith.addf %get3A_7, %get3A_10 : vector<10000x1xf32>
    %max3A = arith.constant 1.000000e+00 : f32
    %max3A_12 = vector.broadcast %max3A : f32 to vector<10000x1xf32>
    %max3A_13 = arith.maximumf %add3A_11, %max3A_12 : vector<10000x1xf32>
    %div3A = arith.constant 1.000000e+00 : f32
    %div3A_14 = vector.broadcast %div3A : f32 to vector<10000x1xf32>
    %div3A_15 = arith.divf %div3A_14, %max3A_13 : vector<10000x1xf32>
    %mul3A = vector.broadcast %div3A_15 : vector<10000x1xf32> to vector<10000x128xf32>
    %mul3A_16 = arith.mulf %add3A, %mul3A : vector<10000x128xf32>
    %get3A_17 = arith.constant 0 : index
    %get3A_18 = arith.constant 0 : index
    %get3A_19 = vector.load %arg0[%get3A_17, %get3A_18] : memref<10000x128xf32, #tpu.memory_space<vmem>>, vector<10000x128xf32>
    %get3A_20 = arith.constant 0 : index
    %get3A_21 = arith.constant 0 : index
    %get3A_22 = vector.load %arg3[%get3A_20, %get3A_21] : memref<128x128xf32, #tpu.memory_space<vmem>>, vector<128x128xf32>
    %dot_general3A = arith.constant dense<0.000000e+00> : vector<10000x128xf32>
    %dot_general3A_23 = tpu.matmul %get3A_19, %get3A_22, %dot_general3A {dimension_numbers = #tpu.dot_dimension_numbers<[1], [1], [0], [0], [0, 0, 1, 0], [], []>, transpose_lhs_hint = false} : vector<10000x128xf32>, vector<128x128xf32>, vector<10000x128xf32> -> vector<10000x128xf32>
    %get3A_24 = arith.constant 0 : index
    %get3A_25 = vector.load %arg4[%get3A_24] : memref<128xf32, #tpu.memory_space<vmem>>, vector<128xf32>
    %broadcast_in_dim3A = vector.shape_cast %get3A_25 : vector<128xf32> to vector<1x128xf32>
    %add3A_26 = vector.broadcast %broadcast_in_dim3A : vector<1x128xf32> to vector<10000x128xf32>
    %add3A_27 = arith.addf %dot_general3A_23, %add3A_26 : vector<10000x128xf32>
    %get3A_28 = arith.constant 0 : index
    %get3A_29 = arith.constant 0 : index
    %get3A_30 = vector.load %arg5[%get3A_28, %get3A_29] : memref<128x128xf32, #tpu.memory_space<vmem>>, vector<128x128xf32>
    %dot_general3A_31 = arith.constant dense<0.000000e+00> : vector<10000x128xf32>
    %dot_general3A_32 = tpu.matmul %mul3A_16, %get3A_30, %dot_general3A_31 {dimension_numbers = #tpu.dot_dimension_numbers<[1], [1], [0], [0], [0, 0, 1, 0], [], []>, transpose_lhs_hint = false} : vector<10000x128xf32>, vector<128x128xf32>, vector<10000x128xf32> -> vector<10000x128xf32>
    %add3A_33 = arith.addf %add3A_27, %dot_general3A_32 : vector<10000x128xf32>
    %get3A_34 = arith.constant 0 : index
    %get3A_35 = vector.load %arg6[%get3A_34] : memref<128xf32, #tpu.memory_space<vmem>>, vector<128xf32>
    %get3A_36 = arith.constant 0 : index
    %get3A_37 = vector.load %arg7[%get3A_36] : memref<128xf32, #tpu.memory_space<vmem>>, vector<128xf32>
    %reduce_sum3A = arith.constant dense<0.000000e+00> : vector<128xf32>
    %reduce_sum3A_38 = vector.multi_reduction <add>, %add3A_33, %reduce_sum3A [0] : vector<10000x128xf32> to vector<128xf32>
    %broadcast_in_dim3A_39 = vector.shape_cast %reduce_sum3A_38 : vector<128xf32> to vector<1x128xf32>
    %div3A_40 = arith.constant 1.000000e+04 : f32
    %div3A_41 = vector.broadcast %div3A_40 : f32 to vector<1x128xf32>
    %div3A_42 = arith.divf %broadcast_in_dim3A_39, %div3A_41 : vector<1x128xf32>
    %sub3A = vector.broadcast %div3A_42 : vector<1x128xf32> to vector<10000x128xf32>
    %sub3A_43 = arith.subf %add3A_33, %sub3A : vector<10000x128xf32>
    %sub3A_44 = vector.broadcast %div3A_42 : vector<1x128xf32> to vector<10000x128xf32>
    %sub3A_45 = arith.subf %add3A_33, %sub3A_44 : vector<10000x128xf32>
    %mul3A_46 = arith.mulf %sub3A_43, %sub3A_45 : vector<10000x128xf32>
    %reduce_sum3A_47 = arith.constant dense<0.000000e+00> : vector<128xf32>
    %reduce_sum3A_48 = vector.multi_reduction <add>, %mul3A_46, %reduce_sum3A_47 [0] : vector<10000x128xf32> to vector<128xf32>
    %broadcast_in_dim3A_49 = vector.shape_cast %reduce_sum3A_48 : vector<128xf32> to vector<1x128xf32>
    %div3A_50 = arith.constant 1.000000e+04 : f32
    %div3A_51 = vector.broadcast %div3A_50 : f32 to vector<1x128xf32>
    %div3A_52 = arith.divf %broadcast_in_dim3A_49, %div3A_51 : vector<1x128xf32>
    %sub3A_53 = vector.broadcast %div3A_42 : vector<1x128xf32> to vector<10000x128xf32>
    %sub3A_54 = arith.subf %add3A_33, %sub3A_53 : vector<10000x128xf32>
    %broadcast_in_dim3A_55 = vector.shape_cast %get3A_35 : vector<128xf32> to vector<1x128xf32>
    %mul3A_56 = vector.broadcast %broadcast_in_dim3A_55 : vector<1x128xf32> to vector<10000x128xf32>
    %mul3A_57 = arith.mulf %mul3A_56, %sub3A_54 : vector<10000x128xf32>
    %add3A_58 = arith.constant 9.99999974E-6 : f32
    %add3A_59 = vector.broadcast %add3A_58 : f32 to vector<1x128xf32>
    %add3A_60 = arith.addf %div3A_52, %add3A_59 : vector<1x128xf32>
    %rsqrt3A = math.rsqrt %add3A_60 : vector<1x128xf32>
    %mul3A_61 = vector.broadcast %rsqrt3A : vector<1x128xf32> to vector<10000x128xf32>
    %mul3A_62 = arith.mulf %mul3A_57, %mul3A_61 : vector<10000x128xf32>
    %broadcast_in_dim3A_63 = vector.shape_cast %get3A_37 : vector<128xf32> to vector<1x128xf32>
    %add3A_64 = vector.broadcast %broadcast_in_dim3A_63 : vector<1x128xf32> to vector<10000x128xf32>
    %add3A_65 = arith.addf %mul3A_62, %add3A_64 : vector<10000x128xf32>
    %ge3A = arith.constant 0.000000e+00 : f32
    %ge3A_66 = vector.broadcast %ge3A : f32 to vector<10000x128xf32>
    %ge3A_67 = arith.cmpf oge, %add3A_65, %ge3A_66 : vector<10000x128xf32>
    %mul3A_68 = arith.constant 0.00999999977 : f32
    %mul3A_69 = vector.broadcast %mul3A_68 : f32 to vector<10000x128xf32>
    %mul3A_70 = arith.mulf %mul3A_69, %add3A_65 : vector<10000x128xf32>
    %select_n3A = arith.select %ge3A_67, %add3A_65, %mul3A_70 : vector<10000x128xi1>, vector<10000x128xf32>
    %swap3A = arith.constant 0 : index
    %swap3A_71 = arith.constant 0 : index
    %swap3A_72 = vector.load %arg8[%swap3A, %swap3A_71] : memref<10000x128xf32, #tpu.memory_space<vmem>>, vector<10000x128xf32>
    tpu.vector_store %arg8[%swap3A, %swap3A_71], %select_n3A {strides = array<i32>} : memref<10000x128xf32, #tpu.memory_space<vmem>>, vector<10000x128xf32>,
    return
  }
}

module attributes {stable_mosaic.version = 14 : i64} {
  func.func @_sage_body(%arg0: memref<10000x128xf32, #tpu.memory_space<vmem>>, %arg1: memref<20224x128xf32, #tpu.memory_space<vmem>>, %arg2: memref<20224x128xf32, #tpu.memory_space<vmem>>, %arg3: memref<128x128xf32, #tpu.memory_space<vmem>>, %arg4: memref<128xf32, #tpu.memory_space<vmem>>, %arg5: memref<128x128xf32, #tpu.memory_space<vmem>>, %arg6: memref<128xf32, #tpu.memory_space<vmem>>, %arg7: memref<128xf32, #tpu.memory_space<vmem>>, %arg8: memref<10000x128xf32, #tpu.memory_space<vmem>>) attributes {dimension_semantics = [], scalar_prefetch = 0 : i64, scratch_operands = 0 : i64, tpu.core_type = #tpu.core_type<tc>} {
    %get3A = arith.constant 0 : index
    %get3A_0 = arith.constant 0 : index
    %get3A_1 = vector.load %arg1[%get3A, %get3A_0] : memref<20224x128xf32, #tpu.memory_space<vmem>>, vector<10000x128xf32>
    %get3A_2 = arith.constant 10112 : index
    %get3A_3 = arith.constant 0 : index
    %get3A_4 = vector.load %arg1[%get3A_2, %get3A_3] : memref<20224x128xf32, #tpu.memory_space<vmem>>, vector<10000x128xf32>
    %add3A = arith.addf %get3A_1, %get3A_4 : vector<10000x128xf32>
    %get3A_5 = arith.constant 0 : index
    %get3A_6 = arith.constant 0 : index
    %get3A_7 = vector.load %arg2[%get3A_5, %get3A_6] : memref<20224x128xf32, #tpu.memory_space<vmem>>, vector<10000x1xf32>
    %get3A_8 = arith.constant 10112 : index
    %get3A_9 = arith.constant 0 : index
    %get3A_10 = vector.load %arg2[%get3A_8, %get3A_9] : memref<20224x128xf32, #tpu.memory_space<vmem>>, vector<10000x1xf32>
    %add3A_11 = arith.addf %get3A_7, %get3A_10 : vector<10000x1xf32>
    %max3A = arith.constant 1.000000e+00 : f32
    %max3A_12 = vector.broadcast %max3A : f32 to vector<10000x1xf32>
    %max3A_13 = arith.maximumf %add3A_11, %max3A_12 : vector<10000x1xf32>
    %div3A = arith.constant 1.000000e+00 : f32
    %div3A_14 = vector.broadcast %div3A : f32 to vector<10000x1xf32>
    %div3A_15 = arith.divf %div3A_14, %max3A_13 : vector<10000x1xf32>
    %mul3A = vector.broadcast %div3A_15 : vector<10000x1xf32> to vector<10000x128xf32>
    %mul3A_16 = arith.mulf %add3A, %mul3A : vector<10000x128xf32>
    %get3A_17 = arith.constant 0 : index
    %get3A_18 = arith.constant 0 : index
    %get3A_19 = vector.load %arg0[%get3A_17, %get3A_18] : memref<10000x128xf32, #tpu.memory_space<vmem>>, vector<10000x128xf32>
    %get3A_20 = arith.constant 0 : index
    %get3A_21 = arith.constant 0 : index
    %get3A_22 = vector.load %arg3[%get3A_20, %get3A_21] : memref<128x128xf32, #tpu.memory_space<vmem>>, vector<128x128xf32>
    %dot_general3A = arith.constant dense<0.000000e+00> : vector<10000x128xf32>
    %dot_general3A_23 = tpu.matmul %get3A_19, %get3A_22, %dot_general3A {dimension_numbers = #tpu.dot_dimension_numbers<[1], [1], [0], [0], [0, 0, 1, 0], [], []>, transpose_lhs_hint = false} : vector<10000x128xf32>, vector<128x128xf32>, vector<10000x128xf32> -> vector<10000x128xf32>
    %get3A_24 = arith.constant 0 : index
    %get3A_25 = vector.load %arg4[%get3A_24] : memref<128xf32, #tpu.memory_space<vmem>>, vector<128xf32>
    %broadcast_in_dim3A = vector.shape_cast %get3A_25 : vector<128xf32> to vector<1x128xf32>
    %add3A_26 = vector.broadcast %broadcast_in_dim3A : vector<1x128xf32> to vector<10000x128xf32>
    %add3A_27 = arith.addf %dot_general3A_23, %add3A_26 : vector<10000x128xf32>
    %get3A_28 = arith.constant 0 : index
    %get3A_29 = arith.constant 0 : index
    %get3A_30 = vector.load %arg5[%get3A_28, %get3A_29] : memref<128x128xf32, #tpu.memory_space<vmem>>, vector<128x128xf32>
    %dot_general3A_31 = arith.constant dense<0.000000e+00> : vector<10000x128xf32>
    %dot_general3A_32 = tpu.matmul %mul3A_16, %get3A_30, %dot_general3A_31 {dimension_numbers = #tpu.dot_dimension_numbers<[1], [1], [0], [0], [0, 0, 1, 0], [], []>, transpose_lhs_hint = false} : vector<10000x128xf32>, vector<128x128xf32>, vector<10000x128xf32> -> vector<10000x128xf32>
    %add3A_33 = arith.addf %add3A_27, %dot_general3A_32 : vector<10000x128xf32>
    %get3A_34 = arith.constant 0 : index
    %get3A_35 = vector.load %arg6[%get3A_34] : memref<128xf32, #tpu.memory_space<vmem>>, vector<128xf32>
    %get3A_36 = arith.constant 0 : index
    %get3A_37 = vector.load %arg7[%get3A_36] : memref<128xf32, #tpu.memory_space<vmem>>, vector<128xf32>
    %reduce_sum3A = arith.constant dense<0.000000e+00> : vector<128xf32>
    %reduce_sum3A_38 = vector.multi_reduction <add>, %add3A_33, %reduce_sum3A [0] : vector<10000x128xf32> to vector<128xf32>
    %broadcast_in_dim3A_39 = vector.shape_cast %reduce_sum3A_38 : vector<128xf32> to vector<1x128xf32>
    %div3A_40 = arith.constant 1.000000e+04 : f32
    %div3A_41 = vector.broadcast %div3A_40 : f32 to vector<1x128xf32>
    %div3A_42 = arith.divf %broadcast_in_dim3A_39, %div3A_41 : vector<1x128xf32>
    %sub3A = vector.broadcast %div3A_42 : vector<1x128xf32> to vector<10000x128xf32>
    %sub3A_43 = arith.subf %add3A_33, %sub3A : vector<10000x128xf32>
    %sub3A_44 = vector.broadcast %div3A_42 : vector<1x128xf32> to vector<10000x128xf32>
    %sub3A_45 = arith.subf %add3A_33, %sub3A_44 : vector<10000x128xf32>
    %mul3A_46 = arith.mulf %sub3A_43, %sub3A_45 : vector<10000x128xf32>
    %reduce_sum3A_47 = arith.constant dense<0.000000e+00> : vector<128xf32>
    %reduce_sum3A_48 = vector.multi_reduction <add>, %mul3A_46, %reduce_sum3A_47 [0] : vector<10000x128xf32> to vector<128xf32>
    %broadcast_in_dim3A_49 = vector.shape_cast %reduce_sum3A_48 : vector<128xf32> to vector<1x128xf32>
    %div3A_50 = arith.constant 1.000000e+04 : f32
    %div3A_51 = vector.broadcast %div3A_50 : f32 to vector<1x128xf32>
    %div3A_52 = arith.divf %broadcast_in_dim3A_49, %div3A_51 : vector<1x128xf32>
    %sub3A_53 = vector.broadcast %div3A_42 : vector<1x128xf32> to vector<10000x128xf32>
    %sub3A_54 = arith.subf %add3A_33, %sub3A_53 : vector<10000x128xf32>
    %broadcast_in_dim3A_55 = vector.shape_cast %get3A_35 : vector<128xf32> to vector<1x128xf32>
    %mul3A_56 = vector.broadcast %broadcast_in_dim3A_55 : vector<1x128xf32> to vector<10000x128xf32>
    %mul3A_57 = arith.mulf %mul3A_56, %sub3A_54 : vector<10000x128xf32>
    %add3A_58 = arith.constant 9.99999974E-6 : f32
    %add3A_59 = vector.broadcast %add3A_58 : f32 to vector<1x128xf32>
    %add3A_60 = arith.addf %div3A_52, %add3A_59 : vector<1x128xf32>
    %rsqrt3A = math.rsqrt %add3A_60 : vector<1x128xf32>
    %mul3A_61 = vector.broadcast %rsqrt3A : vector<1x128xf32> to vector<10000x128xf32>
    %mul3A_62 = arith.mulf %mul3A_57, %mul3A_61 : vector<10000x128xf32>
    %broadcast_in_dim3A_63 = vector.shape_cast %get3A_37 : vector<128xf32> to vector<1x128xf32>
    %add3A_64 = vector.broadcast %broadcast_in_dim3A_63 : vector<1x128xf32> to vector<10000x128xf32>
    %add3A_65 = arith.addf %mul3A_62, %add3A_64 : vector<10000x128xf32>
    %ge3A = arith.constant 0.000000e+00 : f32
    %ge3A_66 = vector.broadcast %ge3A : f32 to vector<10000x128xf32>
    %ge3A_67 = arith.cmpf oge, %add3A_65, %ge3A_66 : vector<10000x128xf32>
    %mul3A_68 = arith.constant 0.00999999977 : f32
    %mul3A_69 = vector.broadcast %mul3A_68 : f32 to vector<10000x128xf32>
    %mul3A_70 = arith.mulf %mul3A_69, %add3A_65 : vector<10000x128xf32>
    %select_n3A = arith.select %ge3A_67, %add3A_65, %mul3A_70 : vector<10000x128xi1>, vector<10000x128xf32>
    %swap3A = arith.constant 0 : index
    %swap3A_71 = arith.constant 0 : index
    %swap3A_72 = vector.load %arg8[%swap3A, %swap3A_71] : memref<10000x128xf32, #tpu.memory_space<vmem>>, vector<10000x128xf32>
    tpu.vector_store %arg8[%swap3A, %swap3A_71], %select_n3A {strides = array<i32>} : memref<10000x128xf32, #tpu.memory_space<vmem>>, vector<10000x128xf32>,
    return
  }
}

</mosaic_0001>

<sc_bundles>
// kernel: kernel.11.cloned.1.call-start
scs
__scs_entry_jumppad:
0x0: {  	(pc) =	sbr.rel $0x88, $3  }
0x1: {  	(tag) =	ssettag $0x0;
	lr =	simm.s32 $0x1  }
0x2: {  	[smem:$0x3F8D] =	sst lr;
	_ =	strace $0xD0000000  }
0x3: {  	_ = 	snop  }
0x4: {  	_ = 	snop  }
0x5: {  	_ = 	snop  }
0x6: {  	_ = 	snop  }
0x7: {  	_ = 	snop  }
__scs_overlays_trampoline_lowered:
0x8: {  	[smem:$0x3F9C] =	sst s0  }
0x9: {  	[smem:$0x3F9D] =	sst s1  }
0xa: {  	[smem:$0x3F9E] =	sst s2  }
0xb: {  	[smem:$0x3F9F] =	sst s3  }
0xc: {  	[smem:$0x3FA0] =	sst s4  }
0xd: {  	[smem:$0x3FA1] =	sst s5  }
0xe: {  	[smem:$0x3FA2] =	sst s6  }
0xf: {  	[smem:$0x3FA3] =	sst s7  }
0x10: {  	[smem:$0x3FA4] =	sst s8  }
0x11: {  	[smem:$0x3FA5] =	sst s9;
	s0 =	simm.s32 @!p0 $0x0  }
0x12: {  	s1 =	sld [smem:$0x3F8B];
	s0 =	simm.s32 @p0 $0x1  }
0x13: {  	[smem:$0x3FA6] =	sst s0;
	s0 =	simm.s32 @!p1 $0x0  }
0x14: {  	s2 =	sld [smem:$0x3F8A];
	s0 =	simm.s32 @p1 $0x1  }
0x15: {  	[smem:$0x3FA7] =	sst s0;
	s0 =	simm.s32 @!p2 $0x0  }
0x16: {  	s3 =	sld [smem:$0x3FDB];
	s0 =	simm.s32 @p2 $0x1  }
0x17: {  	s4 =	simm.s32 $0x1BF5;
	[smem:$0x3FA9] =	sst s0  }
0x18: {  	s0 =	sld [smem:$0x3F8C];
	_ =	swait.ge [sflag:s4], $0x0  }
0x19: {  	s7 =	sld [smem:$0x3F8D]  }
0x1a: {  	s8 =	sadd.s32 $0xFFFFE003, lr  }
0x1b: {  	s9 =	sadd.s32 $0xFFFFFEF7, lr;
	s5 =	simm.s32 $0xFFFFFFFF;
	p2 =	slt.u32 s8, $0xFFFFF086  }
0x1c: {  	p1 =	slt.u32 s9, $0xF7A;
	s5 =	simm.s32 @!p2 $0x0  }
0x1d: {  	s5 =	simm.s32 @p1 $0x1;
	p0 =	seq.s32 s7, s2  }
0x1e: {  	s7 =	smul.u32 @!p0 $0xF7A, s2;
	p2 =	seq.s32 @!p0 s5, $0x0  }
0x1f: {  	s9 =	smul.u32 $0xF7A, s1;
	s8 =	simm.s32 @!p0 $0x1BF5;
	p2 =	por !p2, p0  }
0x20: {  	[sflag:s8] =	ssyncset.s32 @!p0 $0xFFFFF086;
	s6 =	sadd.s32 @!p0 s3, s7;
	s7 =	simm.s32 @!p0 $0x108  }
0x21: {  	s3 =	sadd.s32 s3, s9;
	s6 =	sadd.s32 @!p0 $0x88, s6;
	s7 =	simm.s32 @p2 $0x1082  }
0x22: {  	[simem:s7], [sflag:s8] =	dma.local @!p0 [hbm:s6], $0xF7A  }
0x23: {  	s9 =	sor.u32 $0xD0000000, s2;
	s6 =	simm.s32 $0x108;
	_ =	swait.ge @!p0 [sflag:s8], $0x0  }
0x24: {  	s3 =	sadd.s32 $0x88, s3;
	s6 =	simm.s32 @!p1 $0x1082;
	[sflag:s4] =	ssyncset.s32 $0xFFFFF086  }
0x25: {  	[simem:s6], [sflag:s4] =	dma.local [hbm:s3], $0xF7A  }
0x26: {  	[smem:$0x3F8D] =	sst s1;
	(tag) =	ssettag s2;
	_ =	strace s9  }
0x27: {  	s1 =	sld [smem:$0x3F9D]  }
0x28: {  	s2 =	sld [smem:$0x3F9E]  }
0x29: {  	s4 =	sld [smem:$0x3FA0]  }
0x2a: {  	p0 =	seq.s32 s5, $0x0;
	s5 =	sld [smem:$0x3FA1]  }
0x2b: {  	s6 =	sld [smem:$0x3FA2]  }
0x2c: {  	s7 =	sld [smem:$0x3FA3]  }
0x2d: {  	s3 =	simm.s32 $0x108;
	s8 =	sld [smem:$0x3FA4]  }
0x2e: {  	s3 =	simm.s32 @!p0 $0x1082;
	s9 =	sld [smem:$0x3FA5]  }
0x2f: {  	lr =	sadd.s32 s0, s3;
	s0 =	sld [smem:$0x3F9C]  }
0x30: {  	s3 =	sld [smem:$0x3F9F]  }
0x31: {  	[smem:$0x3FA8] =	sst s10  }
0x32: {  	s10 =	sld [smem:$0x3FA6];
	_ =	sdelay $0x3  }
0x33: {  	p0 =	seq.s32 s10, $0x1;
	s10 =	sld [smem:$0x3FA8];
	_ =	sdelay $0x3  }
0x34: {  	[smem:$0x3FA8] =	sst s10  }
0x35: {  	s10 =	sld [smem:$0x3FA7];
	_ =	sdelay $0x3  }
0x36: {  	p1 =	seq.s32 s10, $0x1;
	s10 =	sld [smem:$0x3FA8];
	_ =	sdelay $0x3  }
0x37: {  	[smem:$0x3FA8] =	sst s10  }
0x38: {  	s10 =	sld [smem:$0x3FA9]  }
0x39: {  	_ = 	snop;
	(pc) =	sbr.ind lr, $3  }
0x3a: {  	_ = 	snop  }
0x3b: {  	_ = 	snop  }
0x3c: {  	p2 =	seq.s32 s10, $0x1;
	s10 =	sld [smem:$0x3FA8]  }
0x3d: {  	_ =	shalt  }
0x3e: {  	_ =	shalt  }
0x3f: {  	_ =	shalt  }
0x40: {  	_ =	shalt  }
0x41: {  	_ =	shalt  }
0x42: {  	_ =	shalt  }
0x43: {  	_ =	shalt  }
0x44: {  	_ =	shalt  }
0x45: {  	_ =	shalt  }
0x46: {  	_ =	shalt  }
0x47: {  	_ =	shalt  }
0x48: {  	_ =	shalt  }
0x49: {  	_ =	shalt  }
0x4a: {  	_ =	shalt  }
0x4b: {  	_ =	shalt  }
0x4c: {  	_ =	shalt  }
0x4d: {  	_ =	shalt  }
0x4e: {  	_ =	shalt  }
0x4f: {  	_ =	shalt  }
0x50: {  	_ =	shalt  }
0x51: {  	_ =	shalt  }
0x52: {  	_ =	shalt  }
0x53: {  	_ =	shalt  }
0x54: {  	_ =	shalt  }
0x55: {  	_ =	shalt  }
0x56: {  	_ =	shalt  }
0x57: {  	_ =	shalt  }
0x58: {  	_ =	shalt  }
0x59: {  	_ =	shalt  }
0x5a: {  	_ =	shalt  }
0x5b: {  	_ =	shalt  }
0x5c: {  	_ =	shalt  }
0x5d: {  	_ =	shalt  }
0x5e: {  	_ =	shalt  }
0x5f: {  	_ =	shalt  }
0x60: {  	_ =	shalt  }
0x61: {  	_ =	shalt  }
0x62: {  	_ =	shalt  }
0x63: {  	_ =	shalt  }
0x64: {  	_ =	shalt  }
0x65: {  	_ =	shalt  }
0x66: {  	_ =	shalt  }
0x67: {  	_ =	shalt  }
0x68: {  	_ =	shalt  }
0x69: {  	_ =	shalt  }
0x6a: {  	_ =	shalt  }
0x6b: {  	_ =	shalt  }
0x6c: {  	_ =	shalt  }
0x6d: {  	_ =	shalt  }
0x6e: {  	_ =	shalt  }
0x6f: {  	_ =	shalt  }
0x70: {  	_ =	shalt  }
0x71: {  	_ =	shalt  }
0x72: {  	_ =	shalt  }
0x73: {  	_ =	shalt  }
0x74: {  	_ =	shalt  }
0x75: {  	_ =	shalt  }
0x76: {  	_ =	shalt  }
0x77: {  	_ =	shalt  }
0x78: {  	_ =	shalt  }
0x79: {  	_ =	shalt  }
0x7a: {  	_ =	shalt  }
0x7b: {  	_ =	shalt  }
0x7c: {  	_ =	shalt  }
0x7d: {  	_ =	shalt  }
0x7e: {  	_ =	shalt  }
0x7f: {  	_ =	shalt  }
0x80: {  	_ =	shalt  }
0x81: {  	_ =	shalt  }
0x82: {  	_ =	shalt  }
0x83: {  	_ =	shalt  }
0x84: {  	_ =	shalt  }
0x85: {  	_ =	shalt  }
0x86: {  	_ =	shalt  }
0x87: {  	_ =	shalt  }
.Lfunc_end0:
.L_simem_size_0:
called_computation.1_lowered:
.L_overlay_start_0:
0x88: {  	s2 =	sld [smem:$0x3FD9]  }
0x89: {  	s3 =	sld [smem:$0x3FFE];
	_ =	sdelay $0x1  }
0x8a: {  	s1 =	srdreg.scid  }
0x8b: {  	s0 =	sand.u32 $0x1, s1  }
0x8c: {  	s17 =	sshll.u32 s0, $0xA;
	s2 =	sadd.s32 s3, s2  }
0x8d: {  	s2 =	sadd.s32 s2, s17  }
0x8e: {  	[smem:$0x3FB4] =	sst s2  }
0x8f: {  	_ = 	snop  }
0x90: {  	s2 =	sld [smem:$0x3FD0];
	(tm) =	ssettm $0x1  }
0x91: {  	s18 =	sld [smem:$0x3FFB];
	_ =	sdelay $0x3  }
0x92: {  	_ =	strace s18  }
0x93: {  	s3 =	sld [smem:$0x3FFC];
	_ =	sdelay $0x3  }
0x94: {  	_ =	strace s3  }
0x95: {  	s3 =	sld [smem:$0x3FFD];
	_ =	sdelay $0x3  }
0x96: {  	_ =	strace s3  }
0x97: {  	_ =	strace $0x8FFFFFFF  }
0x98: {  	s19 =	sld [smem:$0x3FDB];
	_ =	sdelay $0x1  }
0x99: {  	s4 =	simm.s32 $_scs_section_size  }
0x9a: {  	s5 =	simm.s32 $_size__tile_overlayer_lowered;
	s6 =	simm.s32 $_tile_overlayer_lowered  }
0x9b: {  	s22 =	simm.s32 $0x1BFF;
	s21 =	sshll.u32 s6, $0x1;
	s3 =	sadd.s32 s4, s19  }
0x9c: {  	s7 =	simm.s32 $0x0;
	s20 =	sshll.u32 s5, $0x1;
	s5 =	sadd.s32 s21, s3  }
0x9d: {  	[timem:s7], [sflag:s22] =	dma.local [hbm:s5], s20  }
0x9e: {  	_ =	swait.ge [sflag:s22], s20  }
0x9f: {  	s4 =	ssub.s32 $0x0, s20;
	[sflag:s22] =	ssyncset.done $0x0  }
0xa0: {  	[sflag:s22] =	ssyncadd.s32 s4;
	_ =	sdelay $0x1  }
0xa1: {  	s23 =	simm.s32 $0x1B8B  }
0xa2: {  	_ =	swait.ge [sflag:s23], $0x1  }
0xa3: {  	[sflag:s23] =	ssyncset.done $0x0  }
0xa4: {  	s25 =	simm.s32 $0x1B8E;
	s24 =	sld [smem:$0x3FFE];
	[sflag:s23] =	ssyncadd.s32 $0xFFFFFFFF  }
0xa5: {  	s26 =	simm.s32 $execute0_lowered;
	[smem:$0x3FD2] =	sst s25  }
0xa6: {  	s5 =	sshll.u32 s26, $0x1;
	_ =	strace $0x80000046;
	[dreg:$0x1] =	wrdreg $0xFFFFFFFF  }
0xa7: {  	s28 =	simm.s32 $_size_execute0_lowered;
	s3 =	sadd.s32 s3, s5;
	[dreg:$0x0] =	wrdreg $0x0  }
0xa8: {  	s5 =	sshll.u32 s28, $0x1;
	[dreg:$0x2] =	wrdreg s3  }
0xa9: {  	[dreg:$0x3] =	wrdreg s5  }
0xaa: {  	[dreg:$0x4] =	wrdreg $0xC0  }
0xab: {  	_ =	task [dreg:s7], $0x5FFFF  }
0xac: {  	[dreg:$0x1] =	wrdreg $0xFFFFFFFF  }
0xad: {  	[dreg:$0x0] =	wrdreg $0x60  }
0xae: {  	[dreg:$0x2] =	wrdreg s2  }
0xaf: {  	[dreg:$0x3] =	wrdreg s24  }
0xb0: {  	[dreg:$0x4] =	wrdreg $0x82000  }
0xb1: {  	[dreg:$0x5] =	wrdreg $0xA  }
0xb2: {  	_ =	task.clear_ibuf [dreg:s7], $0x6FFFF;
	_ =	strace $0x90000046  }
0xb3: {  	s29 =	simm.s32 $0xA;
	_ =	strace $0x80000048  }
0xb4: {  	_ =	swait.ge [sflag:s29], $0x1  }
0xb5: {  	[sflag:s29] =	ssyncadd.s32 $0xFFFFFFFF  }
0xb6: {  	_ =	strace $0x90000048  }
0xb7: {  	_ =	sfence  }
0xb8: {  	s30 =	sld [smem:$0x0];
	_ =	sdelay $0x2  }
0xb9: {  	s31 =	sshll.u32 s1, $0xD;
	s1 =	sshrl.u32 s1, $0x2  }
0xba: {  	s3 =	sand.u32 $0x4000, s31;
	s1 =	sadd.s32 s1, s30  }
0xbb: {  	s0 =	sor.u32 s3, s0;
	s1 =	sshll.u32 s1, $0x11  }
0xbc: {  	s0 =	sor.u32 s1, s0  }
0xbd: {  	s0 =	sadd.s32 $0x8F2B, s0  }
0xbe: {  	[sflag:s0] =	ssyncadd.remote.s32 $0x1  }
0xbf: {  	_ =	sfence.sel $0xFFFF  }
0xc0: {  	[dreg:$0x0] =	wrdreg $0xFFFFFFFF;
	(pc) =	sbr.abs _section_cstart, $3  }
0xc1: {  	[dreg:$0x1] =	wrdreg $0xFFFFFFFF  }
0xc2: {  	_ =	task.clear_ibuf [dreg:s7], $0x2FFFF;
	_ =	strace $0x9FFFFFFF  }
0xc3: {  	(tm) =	ssettm $0x7FFFFFFF  }
tec
execute0_lowered:
.L_overlay_start_1:
0x0: {  	(tag) =	ssettag $0x1  }
0x1: {  	s1 =	rddreg [dreg:$0x0]  }
0x2: {  	s6 =	rddreg [dreg:$0x1]  }
0x3: {  	s2 =	rddreg [dreg:$0x2]  }
0x4: {  	s0 =	rddreg [dreg:$0x3];
	s3 =	simm.s32 $0x0;
	s4 =	srdreg.scid  }
0x5: {  	[smem:$0x7FF] =	sst s3;
	s7 =	sand.u32 $0x1, s4  }
0x6: {  	s4 =	stileid.u32;
	s5 =	smul.u32 $0x5000, s7  }
0x7: {  	s10 =	sadd.s32 $0x18C00, s6;
	_ =	strace $0x80000047;
	s11 =	smul.u32 $0x280, s4  }
0x8: {  	s8 =	ssub.s32 $0x2, s7;
	s26 =	smul.u32 $0x2780, s7;
	p0 =	seq.s32 s4, $0xF  }
0x9: {  	s9 =	sshrl.u32 s8, $0x1;
	s13 =	sadd.s32 s5, s6;
	s5 =	sadd.s32 $0x18400, s6  }
0xa: {  	s12 =	ssub.s32 s8, s9;
	s16 =	sor.u32 $0x10, s11;
	s17 =	sor.u32 $0x20, s11  }
0xb: {  	s18 =	sor.u32 $0x30, s11;
	s19 =	sor.u32 $0x40, s11;
	s20 =	sor.u32 $0x50, s11  }
0xc: {  	s21 =	sor.u32 $0x60, s11;
	s22 =	sor.u32 $0x70, s11;
	s23 =	sadd.s32 $0x80, s11  }
0xd: {  	s24 =	sadd.s32 $0x100, s11;
	s15 =	sadd.s32 $0x180, s11;
	s28 =	sadd.s32 s11, s26  }
0xe: {  	s14 =	sadd.s32 $0x200, s11;
	s7 =	sadd.s32 s26, s23;
	s6 =	sshll.u32 s28, $0x4  }
0xf: {  	v39 =	vlaneseq.u32;
	s29 =	sadd.s32 s26, s24;
	s25 =	sadd.s32 s26, s15;
	s26 =	sadd.s32 s26, s14  }
0x10: {  	s28 =	sadd.s32 $0xC0, s11;
	v2 =	vor.u32 s18, v39;
	v3 =	vor.u32 s19, v39;
	s18 =	sadd.s32 $0xD0, s11;
	s19 =	sadd.s32 $0xE0, s11  }
0x11: {  	v0 =	vor.u32 s16, v39;
	v5 =	vor.u32 s21, v39;
	v6 =	vor.u32 s22, v39;
	s21 =	sadd.s32 $0x110, s11;
	s22 =	sadd.s32 $0x120, s11;
	s16 =	sadd.s32 $0x140, s11  }
0x12: {  	v4 =	vor.u32 s20, v39;
	v7 =	vor.u32 s23, v39;
	s23 =	sadd.s32 $0x150, s11;
	v15 =	vor.u32 s24, v39;
	s24 =	sadd.s32 $0x1D0, s11;
	s20 =	sadd.s32 $0x1E0, s11  }
0x13: {  	v1 =	vor.u32 s17, v39;
	v23 =	vor.u32 s15, v39;
	v32 =	vor.u32 s14, v39;
	s14 =	simm.s32 $0x200;
	s15 =	simm.s32 $0x3;
	s17 =	simm.s32 $0x100  }
0x14: {  	s7 =	sshll.u32 s7, $0x4;
	s6 =	sadd.s32 s10, s6;
	s9 =	sshll.u32 s29, $0x4  }
0x15: {  	s30 =	sshll.u32 s25, $0x4;
	s31 =	sshll.u32 s26, $0x4;
	s25 =	sadd.s32 $0x90, s11  }
0x16: {  	s26 =	sadd.s32 $0xA0, s11;
	s29 =	sadd.s32 $0xB0, s11;
	v11 =	vor.u32 s28, v39;
	s28 =	sadd.s32 $0x1A0, s11  }
0x17: {  	v13 =	vor.u32 s19, v39;
	s19 =	sadd.s32 $0x1C0, s11;
	v16 =	vor.u32 s21, v39;
	s21 =	sadd.s32 $0x1F0, s11;
	v19 =	vor.u32 s16, v39;
	s16 =	sadd.s32 $0x210, s11  }
0x18: {  	v12 =	vor.u32 s18, v39;
	v20 =	vor.u32 s23, v39;
	s23 =	sadd.s32 $0x220, s11;
	v30 =	vor.u32 s20, v39;
	s18 =	simm.s32 $0x180;
	s20 =	simm.s32 $0x1  }
0x19: {  	v17 =	vor.u32 s22, v39;
	s22 =	simm.s32 $0x0;
	s7 =	sadd.s32 s10, s7;
	s8 =	sadd.s32 s10, s9  }
0x1a: {  	v26 =	vor.u32 s11, v39;
	v29 =	vor.u32 s24, v39;
	s9 =	sadd.s32 s10, s30;
	s10 =	sadd.s32 s10, s31;
	s30 =	sadd.s32 $0xF0, s11;
	v8 =	vor.u32 s25, v39  }
0x1b: {  	s31 =	sadd.s32 $0x130, s11;
	v9 =	vor.u32 s26, v39;
	s25 =	sadd.s32 $0x160, s11;
	v10 =	vor.u32 s29, v39;
	s26 =	sadd.s32 $0x170, s11;
	v25 =	vor.u32 s28, v39  }
0x1c: {  	s29 =	sadd.s32 $0x190, s11;
	v28 =	vor.u32 s19, v39;
	v31 =	vor.u32 s21, v39;
	v33 =	vor.u32 s16, v39;
	s16 =	simm.s32 $0x80;
	s19 =	simm.s32 $0x4200  }
0x1d: {  	v34 =	vor.u32 s23, v39;
	s21 =	simm.s32 $0x2;
	v14 =	vor.u32 s30, v39;
	s30 =	sadd.s32 $0x1B0, s11;
	v18 =	vor.u32 s31, v39;
	s31 =	smul.u32 $0x500, s4  }
0x1e: {  	v21 =	vor.u32 s25, v39;
	s25 =	sadd.s32 $0x230, s11;
	v22 =	vor.u32 s26, v39;
	v24 =	vor.u32 s29, v39;
	s26 =	sadd.s32 $0x240, s11;
	s29 =	sadd.s32 $0x250, s11  }
0x1f: {  	v27 =	vor.u32 s30, v39;
	s30 =	sadd.s32 $0x260, s11;
	v35 =	vor.u32 s25, v39;
	v36 =	vor.u32 s26, v39;
	s13 =	sadd.s32 s31, s13;
	s31 =	sadd.s32 $0x270, s11  }
0x20: {  	v37 =	vor.u32 s29, v39;
	s11 =	smax.u32 s12, $0x1;
	v38 =	vor.u32 s30, v39;
	s12 =	sadd.s32 $0x3C00, s13;
	s13 =	sadd.s32 $0xDC00, s13;
	v39 =	vor.u32 s31, v39  }
.LBB2_1:
0x21: {  	[tilespmem:s14], [sflag:$0x3] =	stream.linear.gather [hbm4b:s5+s3], $0x4000, $0x38;
	[tilespmem:$0x1BE00] =	vst v63  }
0x22: {  	_ =	swait.ge [sflag:s15], $0x4000  }
0x23: {  	[sflag:s15] =	ssyncset.done $0x0  }
0x24: {  	[sflag:s15] =	ssyncadd.s32 $0xFFFFC000  }
0x25: {  	[tilespmem:$0x100] =	vst v26  }
0x26: {  	[tilespmem:$0x110] =	vst v0  }
0x27: {  	[tilespmem:$0x120] =	vst v1  }
0x28: {  	[tilespmem:$0x130] =	vst v2  }
0x29: {  	[tilespmem:$0x140] =	vst v3  }
0x2a: {  	[tilespmem:$0x150] =	vst v4  }
0x2b: {  	[tilespmem:$0x160] =	vst v5  }
0x2c: {  	[tilespmem:$0x170] =	vst v6  }
0x2d: {  	[spmem:s2] =	stream.indirect.scatter [tilespmem:s14], [sflag:$0x3], $0x80, s17, s16, $0xb8;
	[tilespmem:$0x1BE00] =	vst v63  }
0x2e: {  	_ =	swait.ge [sflag:s15], $0x4000  }
0x2f: {  	[sflag:s15] =	ssyncset.done $0x0  }
0x30: {  	[sflag:s15] =	ssyncadd.s32 $0xFFFFC000  }
0x31: {  	[tilespmem:$0x100] =	vst v7  }
0x32: {  	[tilespmem:$0x110] =	vst v8  }
0x33: {  	[tilespmem:$0x120] =	vst v9  }
0x34: {  	[tilespmem:$0x130] =	vst v10  }
0x35: {  	[tilespmem:$0x140] =	vst v11  }
0x36: {  	[tilespmem:$0x150] =	vst v12  }
0x37: {  	[tilespmem:$0x160] =	vst v13  }
0x38: {  	[tilespmem:$0x170] =	vst v14  }
0x39: {  	[spmem:s2] =	stream.indirect.scatter [tilespmem:s14], [sflag:$0x3], $0x80, s17, s16, $0xb8;
	[tilespmem:$0x1BE00] =	vst v63  }
0x3a: {  	_ =	swait.ge [sflag:s15], $0x4000  }
0x3b: {  	[sflag:s15] =	ssyncset.done $0x0  }
0x3c: {  	[sflag:s15] =	ssyncadd.s32 $0xFFFFC000  }
0x3d: {  	[tilespmem:$0x100] =	vst v15  }
0x3e: {  	[tilespmem:$0x110] =	vst v16  }
0x3f: {  	[tilespmem:$0x120] =	vst v17  }
0x40: {  	[tilespmem:$0x130] =	vst v18  }
0x41: {  	[tilespmem:$0x140] =	vst v19  }
0x42: {  	[tilespmem:$0x150] =	vst v20  }
0x43: {  	[tilespmem:$0x160] =	vst v21  }
0x44: {  	[tilespmem:$0x170] =	vst v22  }
0x45: {  	[spmem:s2] =	stream.indirect.scatter [tilespmem:s14], [sflag:$0x3], $0x80, s17, s16, $0xb8;
	[tilespmem:$0x1BE00] =	vst v63  }
0x46: {  	_ =	swait.ge [sflag:s15], $0x4000  }
0x47: {  	[sflag:s15] =	ssyncset.done $0x0  }
0x48: {  	[sflag:s15] =	ssyncadd.s32 $0xFFFFC000  }
0x49: {  	[tilespmem:$0x100] =	vst v23  }
0x4a: {  	[tilespmem:$0x110] =	vst v24  }
0x4b: {  	[tilespmem:$0x120] =	vst v25  }
0x4c: {  	[tilespmem:$0x130] =	vst v27  }
0x4d: {  	[tilespmem:$0x140] =	vst v28  }
0x4e: {  	[tilespmem:$0x150] =	vst v29  }
0x4f: {  	[tilespmem:$0x160] =	vst v30  }
0x50: {  	[tilespmem:$0x170] =	vst v31  }
0x51: {  	[spmem:s2] =	stream.indirect.scatter [tilespmem:s14], [sflag:$0x3], $0x80, s17, s16, $0xb8;
	[tilespmem:$0x1BE00] =	vst v63  }
0x52: {  	_ =	swait.ge [sflag:s15], $0x4000  }
0x53: {  	[sflag:s15] =	ssyncset.done $0x0  }
0x54: {  	[sflag:s15] =	ssyncadd.s32 $0xFFFFC000  }
0x55: {  	[tilespmem:$0x100] =	vst @!p0 v32  }
0x56: {  	[tilespmem:$0x110] =	vst @!p0 v33  }
0x57: {  	[tilespmem:$0x120] =	vst @!p0 v34  }
0x58: {  	[tilespmem:$0x130] =	vst @!p0 v35  }
0x59: {  	[tilespmem:$0x140] =	vst @!p0 v36  }
0x5a: {  	[tilespmem:$0x150] =	vst @!p0 v37  }
0x5b: {  	[tilespmem:$0x160] =	vst @!p0 v38  }
0x5c: {  	s23 =	simm.s32 @!p0 $0x80;
	s24 =	simm.s32 @!p0 $0x100;
	s25 =	simm.s32 @!p0 $0x200;
	[tilespmem:$0x170] =	vst @!p0 v39  }
0x5d: {  	[spmem:s2] =	stream.indirect.scatter @!p0 [tilespmem:s25], [sflag:$0x3], $0x80, s24, s23, $0xb8;
	[tilespmem:$0x1BE00] =	vst v63  }
0x5e: {  	s23 =	simm.s32 @!p0 $0x3  }
0x5f: {  	_ =	swait.ge @!p0 [sflag:s23], $0x4000  }
0x60: {  	[sflag:s23] =	ssyncset.done @!p0 $0x0  }
0x61: {  	[sflag:s23] =	ssyncadd.s32 @!p0 $0xFFFFC000  }
0x62: {  	s30 =	sadd.s32 $0x0, s12;
	[bflag:$0x0] =	sbarrier.arrive $0xFFFF  }
0x63: {  	[tilespmem:s17], [sflag:$0x3] =	stream.linear.gather [hbm4b:s30+s3], $0x80, $0x38;
	[tilespmem:$0x1BE00] =	vst v63  }
0x64: {  	_ =	swait.ge [sflag:s15], $0x80  }
0x65: {  	[sflag:s15] =	ssyncset.done $0x0  }
0x66: {  	s23 =	sadd.s32 $0x10, s30;
	[sflag:s15] =	ssyncadd.s32 $0xFFFFFF80  }
0x67: {  	[tilespmem:s18], [sflag:$0x3] =	stream.linear.gather [hbm4b:s23+s3], $0x80, $0x38;
	[tilespmem:$0x1BE00] =	vst v63  }
0x68: {  	_ =	swait.ge [sflag:s15], $0x80  }
0x69: {  	[sflag:s15] =	ssyncset.done $0x0  }
0x6a: {  	s31 =	sadd.s32 $0x0, s13;
	[sflag:s15] =	ssyncadd.s32 $0xFFFFFF80  }
0x6b: {  	[tilespmem:s3], [sflag:$0x3] =	stream.linear.gather [hbm4b:s31+s3], $0x100, $0x38;
	[tilespmem:$0x1BE00] =	vst v63  }
0x6c: {  	_ =	swait.ge [sflag:s15], $0x100  }
0x6d: {  	[sflag:s15] =	ssyncset.done $0x0  }
0x6e: {  	[sflag:s15] =	ssyncadd.s32 $0xFFFFFF00  }
0x6f: {  	[tilespmem:s14], [sflag:$0x1] =	stream.indirect.gather [hbm4b:s1+s16], $0x80, s3, s16, $0xb8;
	[tilespmem:$0x1BE00] =	vst v63  }
0x70: {  	_ = 	snop  }
0x71: {  	[tilespmem:s19], [sflag:$0x2] =	stream.indirect.gather [hbm4b:s1+s16], $0x80, s16, s16, $0xb8;
	[tilespmem:$0x1BE00] =	vst v63  }
0x72: {  	_ =	swait.ge [sflag:s20], $0x4000  }
0x73: {  	[sflag:s20] =	ssyncset.done $0x0  }
0x74: {  	[sflag:s20] =	ssyncadd.s32 $0xFFFFC000  }
0x75: {  	[spmem:s2] =	stream.indirect.scatter.add.f32 [tilespmem:s14], [sflag:$0x3], $0x80, s17, s16, $0xb8;
	[tilespmem:$0x1BE00] =	vst v63  }
0x76: {  	_ =	swait.ge [sflag:s15], $0x4000  }
0x77: {  	[sflag:s15] =	ssyncset.done $0x0  }
0x78: {  	[sflag:s15] =	ssyncadd.s32 $0xFFFFC000  }
0x79: {  	_ =	swait.ge [sflag:s21], $0x4000  }
0x7a: {  	[sflag:s21] =	ssyncset.done $0x0  }
0x7b: {  	[sflag:s21] =	ssyncadd.s32 $0xFFFFC000  }
0x7c: {  	[spmem:s2] =	stream.indirect.scatter.add.f32 [tilespmem:s19], [sflag:$0x3], $0x80, s18, s16, $0xb8;
	[tilespmem:$0x1BE00] =	vst v63  }
0x7d: {  	_ =	swait.ge [sflag:s15], $0x4000  }
0x7e: {  	s24 =	simm.s32 $0x40;
	s23 =	simm.s32 $0x20;
	[sflag:s15] =	ssyncset.done $0x0  }
.LBB2_2:
0x7f: {  	s25 =	sadd.s32 s23, s12  }
0x80: {  	[sflag:s15] =	ssyncadd.s32 $0xFFFFC000;
	s26 =	smov.u32 s24;
	s28 =	sadd.s32 $0x20, s24  }
0x81: {  	[tilespmem:s17], [sflag:$0x3] =	stream.linear.gather [hbm4b:s25+s3], $0x80, $0x38;
	[tilespmem:$0x1BE00] =	vst v63  }
0x82: {  	p1 =	sne.s32 s24, $0x4E0;
	_ =	swait.ge [sflag:s15], $0x80  }
0x83: {  	[sflag:s15] =	ssyncset.done $0x0  }
0x84: {  	s24 =	sadd.s32 $0x10, s25;
	[sflag:s15] =	ssyncadd.s32 $0xFFFFFF80  }
0x85: {  	[tilespmem:s18], [sflag:$0x3] =	stream.linear.gather [hbm4b:s24+s3], $0x80, $0x38;
	[tilespmem:$0x1BE00] =	vst v63  }
0x86: {  	_ =	swait.ge [sflag:s15], $0x80  }
0x87: {  	[sflag:s15] =	ssyncset.done $0x0  }
0x88: {  	s24 =	sadd.s32 s23, s13;
	s23 =	smov.u32 s26;
	[sflag:s15] =	ssyncadd.s32 $0xFFFFFF80  }
0x89: {  	[tilespmem:s3], [sflag:$0x3] =	stream.linear.gather [hbm4b:s24+s3], $0x100, $0x38;
	[tilespmem:$0x1BE00] =	vst v63  }
0x8a: {  	_ =	swait.ge [sflag:s15], $0x100  }
0x8b: {  	[sflag:s15] =	ssyncset.done $0x0  }
0x8c: {  	[sflag:s15] =	ssyncadd.s32 $0xFFFFFF00  }
0x8d: {  	[tilespmem:s14], [sflag:$0x1] =	stream.indirect.gather [hbm4b:s1+s16], $0x80, s3, s16, $0xb8;
	[tilespmem:$0x1BE00] =	vst v63  }
0x8e: {  	_ = 	snop  }
0x8f: {  	[tilespmem:s19], [sflag:$0x2] =	stream.indirect.gather [hbm4b:s1+s16], $0x80, s16, s16, $0xb8;
	[tilespmem:$0x1BE00] =	vst v63  }
0x90: {  	_ =	swait.ge [sflag:s20], $0x4000  }
0x91: {  	[sflag:s20] =	ssyncset.done $0x0  }
0x92: {  	[sflag:s20] =	ssyncadd.s32 $0xFFFFC000  }
0x93: {  	[spmem:s2] =	stream.indirect.scatter.add.f32 [tilespmem:s14], [sflag:$0x3], $0x80, s17, s16, $0xb8;
	[tilespmem:$0x1BE00] =	vst v63  }
0x94: {  	_ =	swait.ge [sflag:s15], $0x4000  }
0x95: {  	[sflag:s15] =	ssyncset.done $0x0  }
0x96: {  	[sflag:s15] =	ssyncadd.s32 $0xFFFFC000  }
0x97: {  	_ =	swait.ge [sflag:s21], $0x4000  }
.Ltmp0:
0x98: {  	[sflag:s21] =	ssyncset.done $0x0;
	(pc) =	sbr.rel @p1 .LBB2_2-.Ltmp0, $4  }
0x99: {  	[sflag:s21] =	ssyncadd.s32 $0xFFFFC000  }
0x9a: {  	[spmem:s2] =	stream.indirect.scatter.add.f32 [tilespmem:s19], [sflag:$0x3], $0x80, s18, s16, $0xb8;
	[tilespmem:$0x1BE00] =	vst v63  }
0x9b: {  	_ =	swait.ge [sflag:s15], $0x4000  }
0x9c: {  	s24 =	smov.u32 s28;
	[sflag:s15] =	ssyncset.done $0x0  }
0x9d: {  	s24 =	sadd.s32 s23, s12;
	[sflag:s15] =	ssyncadd.s32 $0xFFFFC000  }
0x9e: {  	[tilespmem:s17], [sflag:$0x3] =	stream.linear.gather [hbm4b:s24+s3], $0x80, $0x38;
	[tilespmem:$0x1BE00] =	vst v63  }
0x9f: {  	_ =	swait.ge [sflag:s15], $0x80  }
0xa0: {  	[sflag:s15] =	ssyncset.done $0x0  }
0xa1: {  	s24 =	sadd.s32 $0x10, s24;
	[sflag:s15] =	ssyncadd.s32 $0xFFFFFF80  }
0xa2: {  	[tilespmem:s18], [sflag:$0x3] =	stream.linear.gather [hbm4b:s24+s3], $0x80, $0x38;
	[tilespmem:$0x1BE00] =	vst v63  }
0xa3: {  	_ =	swait.ge [sflag:s15], $0x80  }
0xa4: {  	[sflag:s15] =	ssyncset.done $0x0  }
0xa5: {  	s31 =	sadd.s32 s23, s13;
	[sflag:s15] =	ssyncadd.s32 $0xFFFFFF80  }
0xa6: {  	[tilespmem:s3], [sflag:$0x3] =	stream.linear.gather [hbm4b:s31+s3], $0x100, $0x38;
	[tilespmem:$0x1BE00] =	vst v63  }
0xa7: {  	_ =	swait.ge [sflag:s15], $0x100  }
0xa8: {  	[sflag:s15] =	ssyncset.done $0x0  }
0xa9: {  	[sflag:s15] =	ssyncadd.s32 $0xFFFFFF00  }
0xaa: {  	[tilespmem:s14], [sflag:$0x1] =	stream.indirect.gather [hbm4b:s1+s16], $0x80, s3, s16, $0xb8;
	[tilespmem:$0x1BE00] =	vst v63  }
0xab: {  	_ = 	snop  }
0xac: {  	[tilespmem:s19], [sflag:$0x2] =	stream.indirect.gather [hbm4b:s1+s16], $0x80, s16, s16, $0xb8;
	[tilespmem:$0x1BE00] =	vst v63  }
0xad: {  	_ =	swait.ge [sflag:s20], $0x4000  }
0xae: {  	[sflag:s20] =	ssyncset.done $0x0  }
0xaf: {  	[sflag:s20] =	ssyncadd.s32 $0xFFFFC000  }
0xb0: {  	[spmem:s2] =	stream.indirect.scatter.add.f32 [tilespmem:s14], [sflag:$0x3], $0x80, s17, s16, $0xb8;
	[tilespmem:$0x1BE00] =	vst v63  }
0xb1: {  	_ =	swait.ge [sflag:s15], $0x4000  }
0xb2: {  	[sflag:s15] =	ssyncset.done $0x0  }
0xb3: {  	[sflag:s15] =	ssyncadd.s32 $0xFFFFC000  }
0xb4: {  	_ =	swait.ge [sflag:s21], $0x4000  }
0xb5: {  	[sflag:s21] =	ssyncset.done $0x0  }
0xb6: {  	[sflag:s21] =	ssyncadd.s32 $0xFFFFC000  }
0xb7: {  	[spmem:s2] =	stream.indirect.scatter.add.f32 [tilespmem:s19], [sflag:$0x3], $0x80, s18, s16, $0xb8;
	[tilespmem:$0x1BE00] =	vst v63  }
0xb8: {  	_ =	swait.ge [sflag:s15], $0x4000  }
0xb9: {  	[sflag:s15] =	ssyncset.done $0x0  }
0xba: {  	[sflag:s15] =	ssyncadd.s32 $0xFFFFC000  }
0xbb: {  	[bflag:$0x0] =	sbarrier.arrive $0xFFFF  }
0xbc: {  	[tilespmem:$0x100] =	vst v26  }
0xbd: {  	[tilespmem:$0x110] =	vst v0  }
0xbe: {  	[tilespmem:$0x120] =	vst v1  }
0xbf: {  	[tilespmem:$0x130] =	vst v2  }
0xc0: {  	[tilespmem:$0x140] =	vst v3  }
0xc1: {  	[tilespmem:$0x150] =	vst v4  }
0xc2: {  	[tilespmem:$0x160] =	vst v5  }
0xc3: {  	[tilespmem:$0x170] =	vst v6  }
0xc4: {  	[tilespmem:s14], [sflag:$0x1] =	stream.indirect.gather [spmem:s2], $0x80, s17, s16, $0xb8;
	[tilespmem:$0x1BE00] =	vst v63  }
0xc5: {  	_ =	swait.ge [sflag:s20], $0x4000  }
0xc6: {  	[sflag:s20] =	ssyncset.done $0x0  }
0xc7: {  	[sflag:s20] =	ssyncadd.s32 $0xFFFFC000  }
0xc8: {  	[hbm4b:s6+s3] =	stream.linear.scatter [tilespmem:s14], [sflag:$0x3], $0x4000, $0x38;
	[tilespmem:$0x1BE00] =	vst v63  }
0xc9: {  	_ =	swait.ge [sflag:s15], $0x4000  }
0xca: {  	[sflag:s15] =	ssyncset.done $0x0  }
0xcb: {  	[sflag:s15] =	ssyncadd.s32 $0xFFFFC000  }
0xcc: {  	[tilespmem:$0x100] =	vst v7  }
0xcd: {  	[tilespmem:$0x110] =	vst v8  }
0xce: {  	[tilespmem:$0x120] =	vst v9  }
0xcf: {  	[tilespmem:$0x130] =	vst v10  }
0xd0: {  	[tilespmem:$0x140] =	vst v11  }
0xd1: {  	[tilespmem:$0x150] =	vst v12  }
0xd2: {  	[tilespmem:$0x160] =	vst v13  }
0xd3: {  	[tilespmem:$0x170] =	vst v14  }
0xd4: {  	[tilespmem:s14], [sflag:$0x1] =	stream.indirect.gather [spmem:s2], $0x80, s17, s16, $0xb8;
	[tilespmem:$0x1BE00] =	vst v63  }
0xd5: {  	_ =	swait.ge [sflag:s20], $0x4000  }
0xd6: {  	[sflag:s20] =	ssyncset.done $0x0  }
0xd7: {  	[sflag:s20] =	ssyncadd.s32 $0xFFFFC000  }
0xd8: {  	[hbm4b:s7+s3] =	stream.linear.scatter [tilespmem:s14], [sflag:$0x3], $0x4000, $0x38;
	[tilespmem:$0x1BE00] =	vst v63  }
0xd9: {  	_ =	swait.ge [sflag:s15], $0x4000  }
0xda: {  	[sflag:s15] =	ssyncset.done $0x0  }
0xdb: {  	[sflag:s15] =	ssyncadd.s32 $0xFFFFC000  }
0xdc: {  	[tilespmem:$0x100] =	vst v15  }
0xdd: {  	[tilespmem:$0x110] =	vst v16  }
0xde: {  	[tilespmem:$0x120] =	vst v17  }
0xdf: {  	[tilespmem:$0x130] =	vst v18  }
0xe0: {  	[tilespmem:$0x140] =	vst v19  }
0xe1: {  	[tilespmem:$0x150] =	vst v20  }
0xe2: {  	[tilespmem:$0x160] =	vst v21  }
0xe3: {  	[tilespmem:$0x170] =	vst v22  }
0xe4: {  	[tilespmem:s14], [sflag:$0x1] =	stream.indirect.gather [spmem:s2], $0x80, s17, s16, $0xb8;
	[tilespmem:$0x1BE00] =	vst v63  }
0xe5: {  	_ =	swait.ge [sflag:s20], $0x4000  }
0xe6: {  	[sflag:s20] =	ssyncset.done $0x0  }
0xe7: {  	[sflag:s20] =	ssyncadd.s32 $0xFFFFC000  }
0xe8: {  	[hbm4b:s8+s3] =	stream.linear.scatter [tilespmem:s14], [sflag:$0x3], $0x4000, $0x38;
	[tilespmem:$0x1BE00] =	vst v63  }
0xe9: {  	_ =	swait.ge [sflag:s15], $0x4000  }
0xea: {  	[sflag:s15] =	ssyncset.done $0x0  }
0xeb: {  	[sflag:s15] =	ssyncadd.s32 $0xFFFFC000  }
0xec: {  	[tilespmem:$0x100] =	vst v23  }
0xed: {  	[tilespmem:$0x110] =	vst v24  }
0xee: {  	[tilespmem:$0x120] =	vst v25  }
0xef: {  	[tilespmem:$0x130] =	vst v27  }
0xf0: {  	[tilespmem:$0x140] =	vst v28  }
0xf1: {  	[tilespmem:$0x150] =	vst v29  }
0xf2: {  	[tilespmem:$0x160] =	vst v30  }
0xf3: {  	[tilespmem:$0x170] =	vst v31  }
0xf4: {  	[tilespmem:s14], [sflag:$0x1] =	stream.indirect.gather [spmem:s2], $0x80, s17, s16, $0xb8;
	[tilespmem:$0x1BE00] =	vst v63  }
0xf5: {  	_ =	swait.ge [sflag:s20], $0x4000  }
0xf6: {  	[sflag:s20] =	ssyncset.done $0x0  }
0xf7: {  	[sflag:s20] =	ssyncadd.s32 $0xFFFFC000  }
0xf8: {  	[hbm4b:s9+s3] =	stream.linear.scatter [tilespmem:s14], [sflag:$0x3], $0x4000, $0x38;
	[tilespmem:$0x1BE00] =	vst v63  }
0xf9: {  	_ =	swait.ge [sflag:s15], $0x4000  }
0xfa: {  	[sflag:s15] =	ssyncset.done $0x0  }
0xfb: {  	[sflag:s15] =	ssyncadd.s32 $0xFFFFC000  }
0xfc: {  	[tilespmem:$0x100] =	vst @!p0 v32  }
0xfd: {  	[tilespmem:$0x110] =	vst @!p0 v33  }
0xfe: {  	[tilespmem:$0x120] =	vst @!p0 v34  }
0xff: {  	[tilespmem:$0x130] =	vst @!p0 v35  }
0x100: {  	[tilespmem:$0x140] =	vst @!p0 v36  }
0x101: {  	[tilespmem:$0x150] =	vst @!p0 v37  }
0x102: {  	[tilespmem:$0x160] =	vst @!p0 v38  }
0x103: {  	s23 =	simm.s32 @!p0 $0x80;
	s25 =	simm.s32 @!p0 $0x200;
	s24 =	simm.s32 @!p0 $0x100;
	[tilespmem:$0x170] =	vst @!p0 v39  }
0x104: {  	[tilespmem:s25], [sflag:$0x1] =	stream.indirect.gather @!p0 [spmem:s2], $0x80, s24, s23, $0xb8;
	[tilespmem:$0x1BE00] =	vst v63  }
0x105: {  	s23 =	simm.s32 @!p0 $0x1  }
0x106: {  	_ =	swait.ge @!p0 [sflag:s23], $0x4000  }
0x107: {  	s22 =	sadd.s32 $0x1, s22;
	[sflag:s23] =	ssyncset.done @!p0 $0x0  }
0x108: {  	p1 =	sne.s32 s22, s11;
	[sflag:s23] =	ssyncadd.s32 @!p0 $0xFFFFC000;
	s23 =	simm.s32 @!p0 $0x0  }
0x109: {  	[hbm4b:s10+s23] =	stream.linear.scatter @!p0 [tilespmem:s25], [sflag:$0x3], $0x4000, $0x38;
	[tilespmem:$0x1BE00] =	vst v63  }
.Ltmp1:
0x10a: {  	_ = 	snop;
	(pc) =	sbr.rel @p1 .LBB2_1-.Ltmp1, $4  }
0x10b: {  	s23 =	simm.s32 @!p0 $0x3  }
0x10c: {  	_ =	swait.ge @!p0 [sflag:s23], $0x4000  }
0x10d: {  	[sflag:s23] =	ssyncset.done @!p0 $0x0  }
0x10e: {  	[sflag:s23] =	ssyncadd.s32 @!p0 $0xFFFFC000  }
0x10f: {  	_ =	sfence.sel $0x180000  }
0x110: {  	[bflag:$0x0] =	sbarrier.arrive $0xFFFF  }
0x111: {  	p0 =	sne.s32 s4, $0x0;
	_ =	strace $0x90000047  }
0x112: {  	s0 =	sadd.s32 @!p0 $0x100000, s0;
	[bflag:$0x2] =	sbarrier.arrive $0xFFFF  }
0x113: {  	[sflag:s0] =	ssyncadd.tile.s32 @!p0 $0x1;
	_ =	shalt  }
.Lfunc_end2:
_tile_overlayer_lowered:
.L_overlay_start_2:
0x114: {  	(tag) =	ssettag $0x2  }
0x115: {  	s0 =	rddreg [dreg:$0x0];
	s2 =	stileid.u32  }
0x116: {  	s1 =	rddreg [dreg:$0x1];
	p0 =	sne.s32 s2, $0x0  }
0x117: {  	s3 =	rddreg [dreg:$0x2];
	[bflag:$0x3] =	sbarrier.arrive $0xFFFF;
	s2 =	simm.s32 @!p0 $0x1C03  }
0x118: {  	[timem:s3], [sflag:s2] =	dma.local @!p0 [hbm:s0], s1  }
0x119: {  	s0 =	simm.s32 @!p0 $0x3  }
0x11a: {  	_ =	swait.ge @!p0 [sflag:s0], s1  }
0x11b: {  	s1 =	ssub.s32 @!p0 $0x0, s1;
	[sflag:s0] =	ssyncset.done @!p0 $0x0  }
0x11c: {  	[sflag:s0] =	ssyncadd.s32 @!p0 s1  }
0x11d: {  	[bflag:$0x3] =	sbarrier.arrive $0xFFFF  }
0x11e: {  	_ =	shalt  }

// kernel: kernel.14.cloned.1.call-start
scs
__scs_entry_jumppad:
0x0: {  	(pc) =	sbr.rel $0x88, $3  }
0x1: {  	(tag) =	ssettag $0x0;
	lr =	simm.s32 $0x1  }
0x2: {  	[smem:$0x3F8D] =	sst lr;
	_ =	strace $0xD0000000  }
0x3: {  	_ = 	snop  }
0x4: {  	_ = 	snop  }
0x5: {  	_ = 	snop  }
0x6: {  	_ = 	snop  }
0x7: {  	_ = 	snop  }
__scs_overlays_trampoline_lowered:
0x8: {  	[smem:$0x3F9C] =	sst s0  }
0x9: {  	[smem:$0x3F9D] =	sst s1  }
0xa: {  	[smem:$0x3F9E] =	sst s2  }
0xb: {  	[smem:$0x3F9F] =	sst s3  }
0xc: {  	[smem:$0x3FA0] =	sst s4  }
0xd: {  	[smem:$0x3FA1] =	sst s5  }
0xe: {  	[smem:$0x3FA2] =	sst s6  }
0xf: {  	[smem:$0x3FA3] =	sst s7  }
0x10: {  	[smem:$0x3FA4] =	sst s8  }
0x11: {  	[smem:$0x3FA5] =	sst s9;
	s0 =	simm.s32 @!p0 $0x0  }
0x12: {  	s1 =	sld [smem:$0x3F8B];
	s0 =	simm.s32 @p0 $0x1  }
0x13: {  	[smem:$0x3FA6] =	sst s0;
	s0 =	simm.s32 @!p1 $0x0  }
0x14: {  	s2 =	sld [smem:$0x3F8A];
	s0 =	simm.s32 @p1 $0x1  }
0x15: {  	[smem:$0x3FA7] =	sst s0;
	s0 =	simm.s32 @!p2 $0x0  }
0x16: {  	s3 =	sld [smem:$0x3FDB];
	s0 =	simm.s32 @p2 $0x1  }
0x17: {  	s4 =	simm.s32 $0x1BF5;
	[smem:$0x3FA9] =	sst s0  }
0x18: {  	s0 =	sld [smem:$0x3F8C];
	_ =	swait.ge [sflag:s4], $0x0  }
0x19: {  	s7 =	sld [smem:$0x3F8D]  }
0x1a: {  	s8 =	sadd.s32 $0xFFFFE003, lr  }
0x1b: {  	s9 =	sadd.s32 $0xFFFFFEF7, lr;
	s5 =	simm.s32 $0xFFFFFFFF;
	p2 =	slt.u32 s8, $0xFFFFF086  }
0x1c: {  	p1 =	slt.u32 s9, $0xF7A;
	s5 =	simm.s32 @!p2 $0x0  }
0x1d: {  	s5 =	simm.s32 @p1 $0x1;
	p0 =	seq.s32 s7, s2  }
0x1e: {  	s7 =	smul.u32 @!p0 $0xF7A, s2;
	p2 =	seq.s32 @!p0 s5, $0x0  }
0x1f: {  	s9 =	smul.u32 $0xF7A, s1;
	s8 =	simm.s32 @!p0 $0x1BF5;
	p2 =	por !p2, p0  }
0x20: {  	[sflag:s8] =	ssyncset.s32 @!p0 $0xFFFFF086;
	s6 =	sadd.s32 @!p0 s3, s7;
	s7 =	simm.s32 @!p0 $0x108  }
0x21: {  	s3 =	sadd.s32 s3, s9;
	s6 =	sadd.s32 @!p0 $0x88, s6;
	s7 =	simm.s32 @p2 $0x1082  }
0x22: {  	[simem:s7], [sflag:s8] =	dma.local @!p0 [hbm:s6], $0xF7A  }
0x23: {  	s9 =	sor.u32 $0xD0000000, s2;
	s6 =	simm.s32 $0x108;
	_ =	swait.ge @!p0 [sflag:s8], $0x0  }
0x24: {  	s3 =	sadd.s32 $0x88, s3;
	s6 =	simm.s32 @!p1 $0x1082;
	[sflag:s4] =	ssyncset.s32 $0xFFFFF086  }
0x25: {  	[simem:s6], [sflag:s4] =	dma.local [hbm:s3], $0xF7A  }
0x26: {  	[smem:$0x3F8D] =	sst s1;
	(tag) =	ssettag s2;
	_ =	strace s9  }
0x27: {  	s1 =	sld [smem:$0x3F9D]  }
0x28: {  	s2 =	sld [smem:$0x3F9E]  }
0x29: {  	s4 =	sld [smem:$0x3FA0]  }
0x2a: {  	p0 =	seq.s32 s5, $0x0;
	s5 =	sld [smem:$0x3FA1]  }
0x2b: {  	s6 =	sld [smem:$0x3FA2]  }
0x2c: {  	s7 =	sld [smem:$0x3FA3]  }
0x2d: {  	s3 =	simm.s32 $0x108;
	s8 =	sld [smem:$0x3FA4]  }
0x2e: {  	s3 =	simm.s32 @!p0 $0x1082;
	s9 =	sld [smem:$0x3FA5]  }
0x2f: {  	lr =	sadd.s32 s0, s3;
	s0 =	sld [smem:$0x3F9C]  }
0x30: {  	s3 =	sld [smem:$0x3F9F]  }
0x31: {  	[smem:$0x3FA8] =	sst s10  }
0x32: {  	s10 =	sld [smem:$0x3FA6];
	_ =	sdelay $0x3  }
0x33: {  	p0 =	seq.s32 s10, $0x1;
	s10 =	sld [smem:$0x3FA8];
	_ =	sdelay $0x3  }
0x34: {  	[smem:$0x3FA8] =	sst s10  }
0x35: {  	s10 =	sld [smem:$0x3FA7];
	_ =	sdelay $0x3  }
0x36: {  	p1 =	seq.s32 s10, $0x1;
	s10 =	sld [smem:$0x3FA8];
	_ =	sdelay $0x3  }
0x37: {  	[smem:$0x3FA8] =	sst s10  }
0x38: {  	s10 =	sld [smem:$0x3FA9]  }
0x39: {  	_ = 	snop;
	(pc) =	sbr.ind lr, $3  }
0x3a: {  	_ = 	snop  }
0x3b: {  	_ = 	snop  }
0x3c: {  	p2 =	seq.s32 s10, $0x1;
	s10 =	sld [smem:$0x3FA8]  }
0x3d: {  	_ =	shalt  }
0x3e: {  	_ =	shalt  }
0x3f: {  	_ =	shalt  }
0x40: {  	_ =	shalt  }
0x41: {  	_ =	shalt  }
0x42: {  	_ =	shalt  }
0x43: {  	_ =	shalt  }
0x44: {  	_ =	shalt  }
0x45: {  	_ =	shalt  }
0x46: {  	_ =	shalt  }
0x47: {  	_ =	shalt  }
0x48: {  	_ =	shalt  }
0x49: {  	_ =	shalt  }
0x4a: {  	_ =	shalt  }
0x4b: {  	_ =	shalt  }
0x4c: {  	_ =	shalt  }
0x4d: {  	_ =	shalt  }
0x4e: {  	_ =	shalt  }
0x4f: {  	_ =	shalt  }
0x50: {  	_ =	shalt  }
0x51: {  	_ =	shalt  }
0x52: {  	_ =	shalt  }
0x53: {  	_ =	shalt  }
0x54: {  	_ =	shalt  }
0x55: {  	_ =	shalt  }
0x56: {  	_ =	shalt  }
0x57: {  	_ =	shalt  }
0x58: {  	_ =	shalt  }
0x59: {  	_ =	shalt  }
0x5a: {  	_ =	shalt  }
0x5b: {  	_ =	shalt  }
0x5c: {  	_ =	shalt  }
0x5d: {  	_ =	shalt  }
0x5e: {  	_ =	shalt  }
0x5f: {  	_ =	shalt  }
0x60: {  	_ =	shalt  }
0x61: {  	_ =	shalt  }
0x62: {  	_ =	shalt  }
0x63: {  	_ =	shalt  }
0x64: {  	_ =	shalt  }
0x65: {  	_ =	shalt  }
0x66: {  	_ =	shalt  }
0x67: {  	_ =	shalt  }
0x68: {  	_ =	shalt  }
0x69: {  	_ =	shalt  }
0x6a: {  	_ =	shalt  }
0x6b: {  	_ =	shalt  }
0x6c: {  	_ =	shalt  }
0x6d: {  	_ =	shalt  }
0x6e: {  	_ =	shalt  }
0x6f: {  	_ =	shalt  }
0x70: {  	_ =	shalt  }
0x71: {  	_ =	shalt  }
0x72: {  	_ =	shalt  }
0x73: {  	_ =	shalt  }
0x74: {  	_ =	shalt  }
0x75: {  	_ =	shalt  }
0x76: {  	_ =	shalt  }
0x77: {  	_ =	shalt  }
0x78: {  	_ =	shalt  }
0x79: {  	_ =	shalt  }
0x7a: {  	_ =	shalt  }
0x7b: {  	_ =	shalt  }
0x7c: {  	_ =	shalt  }
0x7d: {  	_ =	shalt  }
0x7e: {  	_ =	shalt  }
0x7f: {  	_ =	shalt  }
0x80: {  	_ =	shalt  }
0x81: {  	_ =	shalt  }
0x82: {  	_ =	shalt  }
0x83: {  	_ =	shalt  }
0x84: {  	_ =	shalt  }
0x85: {  	_ =	shalt  }
0x86: {  	_ =	shalt  }
0x87: {  	_ =	shalt  }
.Lfunc_end0:
.L_simem_size_0:
called_computation.2_lowered:
.L_overlay_start_0:
0x88: {  	s2 =	sld [smem:$0x3FD9]  }
0x89: {  	s3 =	sld [smem:$0x3FFE];
	_ =	sdelay $0x1  }
0x8a: {  	s1 =	srdreg.scid  }
0x8b: {  	s0 =	sand.u32 $0x1, s1  }
0x8c: {  	s17 =	sshll.u32 s0, $0xA;
	s2 =	sadd.s32 s3, s2  }
0x8d: {  	s2 =	sadd.s32 s2, s17  }
0x8e: {  	[smem:$0x3FB4] =	sst s2  }
0x8f: {  	_ = 	snop  }
0x90: {  	s2 =	sld [smem:$0x3FD0];
	(tm) =	ssettm $0x1  }
0x91: {  	s18 =	sld [smem:$0x3FFB];
	_ =	sdelay $0x3  }
0x92: {  	_ =	strace s18  }
0x93: {  	s3 =	sld [smem:$0x3FFC];
	_ =	sdelay $0x3  }
0x94: {  	_ =	strace s3  }
0x95: {  	s3 =	sld [smem:$0x3FFD];
	_ =	sdelay $0x3  }
0x96: {  	_ =	strace s3  }
0x97: {  	_ =	strace $0x8FFFFFFF  }
0x98: {  	s19 =	sld [smem:$0x3FDB];
	_ =	sdelay $0x1  }
0x99: {  	s4 =	simm.s32 $_scs_section_size  }
0x9a: {  	s5 =	simm.s32 $_size__tile_overlayer_lowered;
	s6 =	simm.s32 $_tile_overlayer_lowered  }
0x9b: {  	s22 =	simm.s32 $0x1BFF;
	s21 =	sshll.u32 s6, $0x1;
	s3 =	sadd.s32 s4, s19  }
0x9c: {  	s7 =	simm.s32 $0x0;
	s20 =	sshll.u32 s5, $0x1;
	s5 =	sadd.s32 s21, s3  }
0x9d: {  	[timem:s7], [sflag:s22] =	dma.local [hbm:s5], s20  }
0x9e: {  	_ =	swait.ge [sflag:s22], s20  }
0x9f: {  	s4 =	ssub.s32 $0x0, s20;
	[sflag:s22] =	ssyncset.done $0x0  }
0xa0: {  	[sflag:s22] =	ssyncadd.s32 s4;
	_ =	sdelay $0x1  }
0xa1: {  	s23 =	simm.s32 $0x1B8B  }
0xa2: {  	_ =	swait.ge [sflag:s23], $0x1  }
0xa3: {  	[sflag:s23] =	ssyncset.done $0x0  }
0xa4: {  	s25 =	simm.s32 $0x1B8E;
	s24 =	sld [smem:$0x3FFE];
	[sflag:s23] =	ssyncadd.s32 $0xFFFFFFFF  }
0xa5: {  	s26 =	simm.s32 $execute0_lowered;
	[smem:$0x3FD2] =	sst s25  }
0xa6: {  	s5 =	sshll.u32 s26, $0x1;
	_ =	strace $0x8000004C;
	[dreg:$0x1] =	wrdreg $0xFFFFFFFF  }
0xa7: {  	s28 =	simm.s32 $_size_execute0_lowered;
	s3 =	sadd.s32 s3, s5;
	[dreg:$0x0] =	wrdreg $0x0  }
0xa8: {  	s5 =	sshll.u32 s28, $0x1;
	[dreg:$0x2] =	wrdreg s3  }
0xa9: {  	[dreg:$0x3] =	wrdreg s5  }
0xaa: {  	[dreg:$0x4] =	wrdreg $0xC0  }
0xab: {  	_ =	task [dreg:s7], $0x5FFFF  }
0xac: {  	[dreg:$0x1] =	wrdreg $0xFFFFFFFF  }
0xad: {  	[dreg:$0x0] =	wrdreg $0x60  }
0xae: {  	[dreg:$0x2] =	wrdreg s2  }
0xaf: {  	[dreg:$0x3] =	wrdreg s24  }
0xb0: {  	[dreg:$0x4] =	wrdreg $0x82000  }
0xb1: {  	[dreg:$0x5] =	wrdreg $0x9  }
0xb2: {  	_ =	task.clear_ibuf [dreg:s7], $0x6FFFF;
	_ =	strace $0x9000004C  }
0xb3: {  	s29 =	simm.s32 $0x9;
	_ =	strace $0x8000004E  }
0xb4: {  	_ =	swait.ge [sflag:s29], $0x1  }
0xb5: {  	[sflag:s29] =	ssyncadd.s32 $0xFFFFFFFF  }
0xb6: {  	_ =	strace $0x9000004E  }
0xb7: {  	_ =	sfence  }
0xb8: {  	s30 =	sld [smem:$0x0];
	_ =	sdelay $0x2  }
0xb9: {  	s31 =	sshll.u32 s1, $0xD;
	s1 =	sshrl.u32 s1, $0x2  }
0xba: {  	s3 =	sand.u32 $0x4000, s31;
	s1 =	sadd.s32 s1, s30  }
0xbb: {  	s0 =	sor.u32 s3, s0;
	s1 =	sshll.u32 s1, $0x11  }
0xbc: {  	s0 =	sor.u32 s1, s0  }
0xbd: {  	s0 =	sadd.s32 $0x8F2B, s0  }
0xbe: {  	[sflag:s0] =	ssyncadd.remote.s32 $0x1  }
0xbf: {  	_ =	sfence.sel $0xFFFF  }
0xc0: {  	[dreg:$0x0] =	wrdreg $0xFFFFFFFF;
	(pc) =	sbr.abs _section_cstart, $3  }
0xc1: {  	[dreg:$0x1] =	wrdreg $0xFFFFFFFF  }
0xc2: {  	_ =	task.clear_ibuf [dreg:s7], $0x2FFFF;
	_ =	strace $0x9FFFFFFF  }
0xc3: {  	(tm) =	ssettm $0x7FFFFFFF  }
tec
execute0_lowered:
.L_overlay_start_1:
0x0: {  	(tag) =	ssettag $0x1  }
0x1: {  	s1 =	rddreg [dreg:$0x0]  }
0x2: {  	s6 =	rddreg [dreg:$0x1]  }
0x3: {  	s2 =	rddreg [dreg:$0x2]  }
0x4: {  	s0 =	rddreg [dreg:$0x3];
	s3 =	simm.s32 $0x0;
	s4 =	srdreg.scid  }
0x5: {  	[smem:$0x7FF] =	sst s3;
	s7 =	sand.u32 $0x1, s4  }
0x6: {  	s4 =	stileid.u32;
	s5 =	smul.u32 $0x5000, s7  }
0x7: {  	s10 =	sadd.s32 $0x18C00, s6;
	_ =	strace $0x8000004D;
	s11 =	smul.u32 $0x280, s4  }
0x8: {  	s8 =	ssub.s32 $0x2, s7;
	s26 =	smul.u32 $0x2780, s7;
	p0 =	seq.s32 s4, $0xF  }
0x9: {  	s9 =	sshrl.u32 s8, $0x1;
	s13 =	sadd.s32 s5, s6;
	s5 =	sadd.s32 $0x18400, s6  }
0xa: {  	s12 =	ssub.s32 s8, s9;
	s16 =	sor.u32 $0x10, s11;
	s17 =	sor.u32 $0x20, s11  }
0xb: {  	s18 =	sor.u32 $0x30, s11;
	s19 =	sor.u32 $0x40, s11;
	s20 =	sor.u32 $0x50, s11  }
0xc: {  	s21 =	sor.u32 $0x60, s11;
	s22 =	sor.u32 $0x70, s11;
	s23 =	sadd.s32 $0x80, s11  }
0xd: {  	s24 =	sadd.s32 $0x100, s11;
	s15 =	sadd.s32 $0x180, s11;
	s28 =	sadd.s32 s11, s26  }
0xe: {  	s14 =	sadd.s32 $0x200, s11;
	s7 =	sadd.s32 s26, s23;
	s6 =	sshll.u32 s28, $0x4  }
0xf: {  	v39 =	vlaneseq.u32;
	s29 =	sadd.s32 s26, s24;
	s25 =	sadd.s32 s26, s15;
	s26 =	sadd.s32 s26, s14  }
0x10: {  	s28 =	sadd.s32 $0xC0, s11;
	v2 =	vor.u32 s18, v39;
	v3 =	vor.u32 s19, v39;
	s18 =	sadd.s32 $0xD0, s11;
	s19 =	sadd.s32 $0xE0, s11  }
0x11: {  	v0 =	vor.u32 s16, v39;
	v5 =	vor.u32 s21, v39;
	v6 =	vor.u32 s22, v39;
	s21 =	sadd.s32 $0x110, s11;
	s22 =	sadd.s32 $0x120, s11;
	s16 =	sadd.s32 $0x140, s11  }
0x12: {  	v4 =	vor.u32 s20, v39;
	v7 =	vor.u32 s23, v39;
	s23 =	sadd.s32 $0x150, s11;
	v15 =	vor.u32 s24, v39;
	s24 =	sadd.s32 $0x1D0, s11;
	s20 =	sadd.s32 $0x1E0, s11  }
0x13: {  	v1 =	vor.u32 s17, v39;
	v23 =	vor.u32 s15, v39;
	v32 =	vor.u32 s14, v39;
	s14 =	simm.s32 $0x200;
	s15 =	simm.s32 $0x3;
	s17 =	simm.s32 $0x100  }
0x14: {  	s7 =	sshll.u32 s7, $0x4;
	s6 =	sadd.s32 s10, s6;
	s9 =	sshll.u32 s29, $0x4  }
0x15: {  	s30 =	sshll.u32 s25, $0x4;
	s31 =	sshll.u32 s26, $0x4;
	s25 =	sadd.s32 $0x90, s11  }
0x16: {  	s26 =	sadd.s32 $0xA0, s11;
	s29 =	sadd.s32 $0xB0, s11;
	v11 =	vor.u32 s28, v39;
	s28 =	sadd.s32 $0x1A0, s11  }
0x17: {  	v13 =	vor.u32 s19, v39;
	s19 =	sadd.s32 $0x1C0, s11;
	v16 =	vor.u32 s21, v39;
	s21 =	sadd.s32 $0x1F0, s11;
	v19 =	vor.u32 s16, v39;
	s16 =	sadd.s32 $0x210, s11  }
0x18: {  	v12 =	vor.u32 s18, v39;
	v20 =	vor.u32 s23, v39;
	s23 =	sadd.s32 $0x220, s11;
	v30 =	vor.u32 s20, v39;
	s18 =	simm.s32 $0x180;
	s20 =	simm.s32 $0x1  }
0x19: {  	v17 =	vor.u32 s22, v39;
	s22 =	simm.s32 $0x0;
	s7 =	sadd.s32 s10, s7;
	s8 =	sadd.s32 s10, s9  }
0x1a: {  	v26 =	vor.u32 s11, v39;
	v29 =	vor.u32 s24, v39;
	s9 =	sadd.s32 s10, s30;
	s10 =	sadd.s32 s10, s31;
	s30 =	sadd.s32 $0xF0, s11;
	v8 =	vor.u32 s25, v39  }
0x1b: {  	s31 =	sadd.s32 $0x130, s11;
	v9 =	vor.u32 s26, v39;
	s25 =	sadd.s32 $0x160, s11;
	v10 =	vor.u32 s29, v39;
	s26 =	sadd.s32 $0x170, s11;
	v25 =	vor.u32 s28, v39  }
0x1c: {  	s29 =	sadd.s32 $0x190, s11;
	v28 =	vor.u32 s19, v39;
	v31 =	vor.u32 s21, v39;
	v33 =	vor.u32 s16, v39;
	s16 =	simm.s32 $0x80;
	s19 =	simm.s32 $0x4200  }
0x1d: {  	v34 =	vor.u32 s23, v39;
	s21 =	simm.s32 $0x2;
	v14 =	vor.u32 s30, v39;
	s30 =	sadd.s32 $0x1B0, s11;
	v18 =	vor.u32 s31, v39;
	s31 =	smul.u32 $0x500, s4  }
0x1e: {  	v21 =	vor.u32 s25, v39;
	s25 =	sadd.s32 $0x230, s11;
	v22 =	vor.u32 s26, v39;
	v24 =	vor.u32 s29, v39;
	s26 =	sadd.s32 $0x240, s11;
	s29 =	sadd.s32 $0x250, s11  }
0x1f: {  	v27 =	vor.u32 s30, v39;
	s30 =	sadd.s32 $0x260, s11;
	v35 =	vor.u32 s25, v39;
	v36 =	vor.u32 s26, v39;
	s13 =	sadd.s32 s31, s13;
	s31 =	sadd.s32 $0x270, s11  }
0x20: {  	v37 =	vor.u32 s29, v39;
	s11 =	smax.u32 s12, $0x1;
	v38 =	vor.u32 s30, v39;
	s12 =	sadd.s32 $0x3C00, s13;
	s13 =	sadd.s32 $0xDC00, s13;
	v39 =	vor.u32 s31, v39  }
.LBB2_1:
0x21: {  	[tilespmem:s14], [sflag:$0x3] =	stream.linear.gather [hbm4b:s5+s3], $0x4000, $0x38;
	[tilespmem:$0x1BE00] =	vst v63  }
0x22: {  	_ =	swait.ge [sflag:s15], $0x4000  }
0x23: {  	[sflag:s15] =	ssyncset.done $0x0  }
0x24: {  	[sflag:s15] =	ssyncadd.s32 $0xFFFFC000  }
0x25: {  	[tilespmem:$0x100] =	vst v26  }
0x26: {  	[tilespmem:$0x110] =	vst v0  }
0x27: {  	[tilespmem:$0x120] =	vst v1  }
0x28: {  	[tilespmem:$0x130] =	vst v2  }
0x29: {  	[tilespmem:$0x140] =	vst v3  }
0x2a: {  	[tilespmem:$0x150] =	vst v4  }
0x2b: {  	[tilespmem:$0x160] =	vst v5  }
0x2c: {  	[tilespmem:$0x170] =	vst v6  }
0x2d: {  	[spmem:s2] =	stream.indirect.scatter [tilespmem:s14], [sflag:$0x3], $0x80, s17, s16, $0xb8;
	[tilespmem:$0x1BE00] =	vst v63  }
0x2e: {  	_ =	swait.ge [sflag:s15], $0x4000  }
0x2f: {  	[sflag:s15] =	ssyncset.done $0x0  }
0x30: {  	[sflag:s15] =	ssyncadd.s32 $0xFFFFC000  }
0x31: {  	[tilespmem:$0x100] =	vst v7  }
0x32: {  	[tilespmem:$0x110] =	vst v8  }
0x33: {  	[tilespmem:$0x120] =	vst v9  }
0x34: {  	[tilespmem:$0x130] =	vst v10  }
0x35: {  	[tilespmem:$0x140] =	vst v11  }
0x36: {  	[tilespmem:$0x150] =	vst v12  }
0x37: {  	[tilespmem:$0x160] =	vst v13  }
0x38: {  	[tilespmem:$0x170] =	vst v14  }
0x39: {  	[spmem:s2] =	stream.indirect.scatter [tilespmem:s14], [sflag:$0x3], $0x80, s17, s16, $0xb8;
	[tilespmem:$0x1BE00] =	vst v63  }
0x3a: {  	_ =	swait.ge [sflag:s15], $0x4000  }
0x3b: {  	[sflag:s15] =	ssyncset.done $0x0  }
0x3c: {  	[sflag:s15] =	ssyncadd.s32 $0xFFFFC000  }
0x3d: {  	[tilespmem:$0x100] =	vst v15  }
0x3e: {  	[tilespmem:$0x110] =	vst v16  }
0x3f: {  	[tilespmem:$0x120] =	vst v17  }
0x40: {  	[tilespmem:$0x130] =	vst v18  }
0x41: {  	[tilespmem:$0x140] =	vst v19  }
0x42: {  	[tilespmem:$0x150] =	vst v20  }
0x43: {  	[tilespmem:$0x160] =	vst v21  }
0x44: {  	[tilespmem:$0x170] =	vst v22  }
0x45: {  	[spmem:s2] =	stream.indirect.scatter [tilespmem:s14], [sflag:$0x3], $0x80, s17, s16, $0xb8;
	[tilespmem:$0x1BE00] =	vst v63  }
0x46: {  	_ =	swait.ge [sflag:s15], $0x4000  }
0x47: {  	[sflag:s15] =	ssyncset.done $0x0  }
0x48: {  	[sflag:s15] =	ssyncadd.s32 $0xFFFFC000  }
0x49: {  	[tilespmem:$0x100] =	vst v23  }
0x4a: {  	[tilespmem:$0x110] =	vst v24  }
0x4b: {  	[tilespmem:$0x120] =	vst v25  }
0x4c: {  	[tilespmem:$0x130] =	vst v27  }
0x4d: {  	[tilespmem:$0x140] =	vst v28  }
0x4e: {  	[tilespmem:$0x150] =	vst v29  }
0x4f: {  	[tilespmem:$0x160] =	vst v30  }
0x50: {  	[tilespmem:$0x170] =	vst v31  }
0x51: {  	[spmem:s2] =	stream.indirect.scatter [tilespmem:s14], [sflag:$0x3], $0x80, s17, s16, $0xb8;
	[tilespmem:$0x1BE00] =	vst v63  }
0x52: {  	_ =	swait.ge [sflag:s15], $0x4000  }
0x53: {  	[sflag:s15] =	ssyncset.done $0x0  }
0x54: {  	[sflag:s15] =	ssyncadd.s32 $0xFFFFC000  }
0x55: {  	[tilespmem:$0x100] =	vst @!p0 v32  }
0x56: {  	[tilespmem:$0x110] =	vst @!p0 v33  }
0x57: {  	[tilespmem:$0x120] =	vst @!p0 v34  }
0x58: {  	[tilespmem:$0x130] =	vst @!p0 v35  }
0x59: {  	[tilespmem:$0x140] =	vst @!p0 v36  }
0x5a: {  	[tilespmem:$0x150] =	vst @!p0 v37  }
0x5b: {  	[tilespmem:$0x160] =	vst @!p0 v38  }
0x5c: {  	s23 =	simm.s32 @!p0 $0x80;
	s24 =	simm.s32 @!p0 $0x100;
	s25 =	simm.s32 @!p0 $0x200;
	[tilespmem:$0x170] =	vst @!p0 v39  }
0x5d: {  	[spmem:s2] =	stream.indirect.scatter @!p0 [tilespmem:s25], [sflag:$0x3], $0x80, s24, s23, $0xb8;
	[tilespmem:$0x1BE00] =	vst v63  }
0x5e: {  	s23 =	simm.s32 @!p0 $0x3  }
0x5f: {  	_ =	swait.ge @!p0 [sflag:s23], $0x4000  }
0x60: {  	[sflag:s23] =	ssyncset.done @!p0 $0x0  }
0x61: {  	[sflag:s23] =	ssyncadd.s32 @!p0 $0xFFFFC000  }
0x62: {  	s30 =	sadd.s32 $0x0, s12;
	[bflag:$0x0] =	sbarrier.arrive $0xFFFF  }
0x63: {  	[tilespmem:s17], [sflag:$0x3] =	stream.linear.gather [hbm4b:s30+s3], $0x80, $0x38;
	[tilespmem:$0x1BE00] =	vst v63  }
0x64: {  	_ =	swait.ge [sflag:s15], $0x80  }
0x65: {  	[sflag:s15] =	ssyncset.done $0x0  }
0x66: {  	s23 =	sadd.s32 $0x10, s30;
	[sflag:s15] =	ssyncadd.s32 $0xFFFFFF80  }
0x67: {  	[tilespmem:s18], [sflag:$0x3] =	stream.linear.gather [hbm4b:s23+s3], $0x80, $0x38;
	[tilespmem:$0x1BE00] =	vst v63  }
0x68: {  	_ =	swait.ge [sflag:s15], $0x80  }
0x69: {  	[sflag:s15] =	ssyncset.done $0x0  }
0x6a: {  	s31 =	sadd.s32 $0x0, s13;
	[sflag:s15] =	ssyncadd.s32 $0xFFFFFF80  }
0x6b: {  	[tilespmem:s3], [sflag:$0x3] =	stream.linear.gather [hbm4b:s31+s3], $0x100, $0x38;
	[tilespmem:$0x1BE00] =	vst v63  }
0x6c: {  	_ =	swait.ge [sflag:s15], $0x100  }
0x6d: {  	[sflag:s15] =	ssyncset.done $0x0  }
0x6e: {  	[sflag:s15] =	ssyncadd.s32 $0xFFFFFF00  }
0x6f: {  	[tilespmem:s14], [sflag:$0x1] =	stream.indirect.gather [hbm4b:s1+s16], $0x80, s3, s16, $0xb8;
	[tilespmem:$0x1BE00] =	vst v63  }
0x70: {  	_ = 	snop  }
0x71: {  	[tilespmem:s19], [sflag:$0x2] =	stream.indirect.gather [hbm4b:s1+s16], $0x80, s16, s16, $0xb8;
	[tilespmem:$0x1BE00] =	vst v63  }
0x72: {  	_ =	swait.ge [sflag:s20], $0x4000  }
0x73: {  	[sflag:s20] =	ssyncset.done $0x0  }
0x74: {  	[sflag:s20] =	ssyncadd.s32 $0xFFFFC000  }
0x75: {  	[spmem:s2] =	stream.indirect.scatter.add.f32 [tilespmem:s14], [sflag:$0x3], $0x80, s17, s16, $0xb8;
	[tilespmem:$0x1BE00] =	vst v63  }
0x76: {  	_ =	swait.ge [sflag:s15], $0x4000  }
0x77: {  	[sflag:s15] =	ssyncset.done $0x0  }
0x78: {  	[sflag:s15] =	ssyncadd.s32 $0xFFFFC000  }
0x79: {  	_ =	swait.ge [sflag:s21], $0x4000  }
0x7a: {  	[sflag:s21] =	ssyncset.done $0x0  }
0x7b: {  	[sflag:s21] =	ssyncadd.s32 $0xFFFFC000  }
0x7c: {  	[spmem:s2] =	stream.indirect.scatter.add.f32 [tilespmem:s19], [sflag:$0x3], $0x80, s18, s16, $0xb8;
	[tilespmem:$0x1BE00] =	vst v63  }
0x7d: {  	_ =	swait.ge [sflag:s15], $0x4000  }
0x7e: {  	s24 =	simm.s32 $0x40;
	s23 =	simm.s32 $0x20;
	[sflag:s15] =	ssyncset.done $0x0  }
.LBB2_2:
0x7f: {  	s25 =	sadd.s32 s23, s12  }
0x80: {  	[sflag:s15] =	ssyncadd.s32 $0xFFFFC000;
	s26 =	smov.u32 s24;
	s28 =	sadd.s32 $0x20, s24  }
0x81: {  	[tilespmem:s17], [sflag:$0x3] =	stream.linear.gather [hbm4b:s25+s3], $0x80, $0x38;
	[tilespmem:$0x1BE00] =	vst v63  }
0x82: {  	p1 =	sne.s32 s24, $0x4E0;
	_ =	swait.ge [sflag:s15], $0x80  }
0x83: {  	[sflag:s15] =	ssyncset.done $0x0  }
0x84: {  	s24 =	sadd.s32 $0x10, s25;
	[sflag:s15] =	ssyncadd.s32 $0xFFFFFF80  }
0x85: {  	[tilespmem:s18], [sflag:$0x3] =	stream.linear.gather [hbm4b:s24+s3], $0x80, $0x38;
	[tilespmem:$0x1BE00] =	vst v63  }
0x86: {  	_ =	swait.ge [sflag:s15], $0x80  }
0x87: {  	[sflag:s15] =	ssyncset.done $0x0  }
0x88: {  	s24 =	sadd.s32 s23, s13;
	s23 =	smov.u32 s26;
	[sflag:s15] =	ssyncadd.s32 $0xFFFFFF80  }
0x89: {  	[tilespmem:s3], [sflag:$0x3] =	stream.linear.gather [hbm4b:s24+s3], $0x100, $0x38;
	[tilespmem:$0x1BE00] =	vst v63  }
0x8a: {  	_ =	swait.ge [sflag:s15], $0x100  }
0x8b: {  	[sflag:s15] =	ssyncset.done $0x0  }
0x8c: {  	[sflag:s15] =	ssyncadd.s32 $0xFFFFFF00  }
0x8d: {  	[tilespmem:s14], [sflag:$0x1] =	stream.indirect.gather [hbm4b:s1+s16], $0x80, s3, s16, $0xb8;
	[tilespmem:$0x1BE00] =	vst v63  }
0x8e: {  	_ = 	snop  }
0x8f: {  	[tilespmem:s19], [sflag:$0x2] =	stream.indirect.gather [hbm4b:s1+s16], $0x80, s16, s16, $0xb8;
	[tilespmem:$0x1BE00] =	vst v63  }
0x90: {  	_ =	swait.ge [sflag:s20], $0x4000  }
0x91: {  	[sflag:s20] =	ssyncset.done $0x0  }
0x92: {  	[sflag:s20] =	ssyncadd.s32 $0xFFFFC000  }
0x93: {  	[spmem:s2] =	stream.indirect.scatter.add.f32 [tilespmem:s14], [sflag:$0x3], $0x80, s17, s16, $0xb8;
	[tilespmem:$0x1BE00] =	vst v63  }
0x94: {  	_ =	swait.ge [sflag:s15], $0x4000  }
0x95: {  	[sflag:s15] =	ssyncset.done $0x0  }
0x96: {  	[sflag:s15] =	ssyncadd.s32 $0xFFFFC000  }
0x97: {  	_ =	swait.ge [sflag:s21], $0x4000  }
.Ltmp0:
0x98: {  	[sflag:s21] =	ssyncset.done $0x0;
	(pc) =	sbr.rel @p1 .LBB2_2-.Ltmp0, $4  }
0x99: {  	[sflag:s21] =	ssyncadd.s32 $0xFFFFC000  }
0x9a: {  	[spmem:s2] =	stream.indirect.scatter.add.f32 [tilespmem:s19], [sflag:$0x3], $0x80, s18, s16, $0xb8;
	[tilespmem:$0x1BE00] =	vst v63  }
0x9b: {  	_ =	swait.ge [sflag:s15], $0x4000  }
0x9c: {  	s24 =	smov.u32 s28;
	[sflag:s15] =	ssyncset.done $0x0  }
0x9d: {  	s24 =	sadd.s32 s23, s12;
	[sflag:s15] =	ssyncadd.s32 $0xFFFFC000  }
0x9e: {  	[tilespmem:s17], [sflag:$0x3] =	stream.linear.gather [hbm4b:s24+s3], $0x80, $0x38;
	[tilespmem:$0x1BE00] =	vst v63  }
0x9f: {  	_ =	swait.ge [sflag:s15], $0x80  }
0xa0: {  	[sflag:s15] =	ssyncset.done $0x0  }
0xa1: {  	s24 =	sadd.s32 $0x10, s24;
	[sflag:s15] =	ssyncadd.s32 $0xFFFFFF80  }
0xa2: {  	[tilespmem:s18], [sflag:$0x3] =	stream.linear.gather [hbm4b:s24+s3], $0x80, $0x38;
	[tilespmem:$0x1BE00] =	vst v63  }
0xa3: {  	_ =	swait.ge [sflag:s15], $0x80  }
0xa4: {  	[sflag:s15] =	ssyncset.done $0x0  }
0xa5: {  	s31 =	sadd.s32 s23, s13;
	[sflag:s15] =	ssyncadd.s32 $0xFFFFFF80  }
0xa6: {  	[tilespmem:s3], [sflag:$0x3] =	stream.linear.gather [hbm4b:s31+s3], $0x100, $0x38;
	[tilespmem:$0x1BE00] =	vst v63  }
0xa7: {  	_ =	swait.ge [sflag:s15], $0x100  }
0xa8: {  	[sflag:s15] =	ssyncset.done $0x0  }
0xa9: {  	[sflag:s15] =	ssyncadd.s32 $0xFFFFFF00  }
0xaa: {  	[tilespmem:s14], [sflag:$0x1] =	stream.indirect.gather [hbm4b:s1+s16], $0x80, s3, s16, $0xb8;
	[tilespmem:$0x1BE00] =	vst v63  }
0xab: {  	_ = 	snop  }
0xac: {  	[tilespmem:s19], [sflag:$0x2] =	stream.indirect.gather [hbm4b:s1+s16], $0x80, s16, s16, $0xb8;
	[tilespmem:$0x1BE00] =	vst v63  }
0xad: {  	_ =	swait.ge [sflag:s20], $0x4000  }
0xae: {  	[sflag:s20] =	ssyncset.done $0x0  }
0xaf: {  	[sflag:s20] =	ssyncadd.s32 $0xFFFFC000  }
0xb0: {  	[spmem:s2] =	stream.indirect.scatter.add.f32 [tilespmem:s14], [sflag:$0x3], $0x80, s17, s16, $0xb8;
	[tilespmem:$0x1BE00] =	vst v63  }
0xb1: {  	_ =	swait.ge [sflag:s15], $0x4000  }
0xb2: {  	[sflag:s15] =	ssyncset.done $0x0  }
0xb3: {  	[sflag:s15] =	ssyncadd.s32 $0xFFFFC000  }
0xb4: {  	_ =	swait.ge [sflag:s21], $0x4000  }
0xb5: {  	[sflag:s21] =	ssyncset.done $0x0  }
0xb6: {  	[sflag:s21] =	ssyncadd.s32 $0xFFFFC000  }
0xb7: {  	[spmem:s2] =	stream.indirect.scatter.add.f32 [tilespmem:s19], [sflag:$0x3], $0x80, s18, s16, $0xb8;
	[tilespmem:$0x1BE00] =	vst v63  }
0xb8: {  	_ =	swait.ge [sflag:s15], $0x4000  }
0xb9: {  	[sflag:s15] =	ssyncset.done $0x0  }
0xba: {  	[sflag:s15] =	ssyncadd.s32 $0xFFFFC000  }
0xbb: {  	[bflag:$0x0] =	sbarrier.arrive $0xFFFF  }
0xbc: {  	[tilespmem:$0x100] =	vst v26  }
0xbd: {  	[tilespmem:$0x110] =	vst v0  }
0xbe: {  	[tilespmem:$0x120] =	vst v1  }
0xbf: {  	[tilespmem:$0x130] =	vst v2  }
0xc0: {  	[tilespmem:$0x140] =	vst v3  }
0xc1: {  	[tilespmem:$0x150] =	vst v4  }
0xc2: {  	[tilespmem:$0x160] =	vst v5  }
0xc3: {  	[tilespmem:$0x170] =	vst v6  }
0xc4: {  	[tilespmem:s14], [sflag:$0x1] =	stream.indirect.gather [spmem:s2], $0x80, s17, s16, $0xb8;
	[tilespmem:$0x1BE00] =	vst v63  }
0xc5: {  	_ =	swait.ge [sflag:s20], $0x4000  }
0xc6: {  	[sflag:s20] =	ssyncset.done $0x0  }
0xc7: {  	[sflag:s20] =	ssyncadd.s32 $0xFFFFC000  }
0xc8: {  	[hbm4b:s6+s3] =	stream.linear.scatter [tilespmem:s14], [sflag:$0x3], $0x4000, $0x38;
	[tilespmem:$0x1BE00] =	vst v63  }
0xc9: {  	_ =	swait.ge [sflag:s15], $0x4000  }
0xca: {  	[sflag:s15] =	ssyncset.done $0x0  }
0xcb: {  	[sflag:s15] =	ssyncadd.s32 $0xFFFFC000  }
0xcc: {  	[tilespmem:$0x100] =	vst v7  }
0xcd: {  	[tilespmem:$0x110] =	vst v8  }
0xce: {  	[tilespmem:$0x120] =	vst v9  }
0xcf: {  	[tilespmem:$0x130] =	vst v10  }
0xd0: {  	[tilespmem:$0x140] =	vst v11  }
0xd1: {  	[tilespmem:$0x150] =	vst v12  }
0xd2: {  	[tilespmem:$0x160] =	vst v13  }
0xd3: {  	[tilespmem:$0x170] =	vst v14  }
0xd4: {  	[tilespmem:s14], [sflag:$0x1] =	stream.indirect.gather [spmem:s2], $0x80, s17, s16, $0xb8;
	[tilespmem:$0x1BE00] =	vst v63  }
0xd5: {  	_ =	swait.ge [sflag:s20], $0x4000  }
0xd6: {  	[sflag:s20] =	ssyncset.done $0x0  }
0xd7: {  	[sflag:s20] =	ssyncadd.s32 $0xFFFFC000  }
0xd8: {  	[hbm4b:s7+s3] =	stream.linear.scatter [tilespmem:s14], [sflag:$0x3], $0x4000, $0x38;
	[tilespmem:$0x1BE00] =	vst v63  }
0xd9: {  	_ =	swait.ge [sflag:s15], $0x4000  }
0xda: {  	[sflag:s15] =	ssyncset.done $0x0  }
0xdb: {  	[sflag:s15] =	ssyncadd.s32 $0xFFFFC000  }
0xdc: {  	[tilespmem:$0x100] =	vst v15  }
0xdd: {  	[tilespmem:$0x110] =	vst v16  }
0xde: {  	[tilespmem:$0x120] =	vst v17  }
0xdf: {  	[tilespmem:$0x130] =	vst v18  }
0xe0: {  	[tilespmem:$0x140] =	vst v19  }
0xe1: {  	[tilespmem:$0x150] =	vst v20  }
0xe2: {  	[tilespmem:$0x160] =	vst v21  }
0xe3: {  	[tilespmem:$0x170] =	vst v22  }
0xe4: {  	[tilespmem:s14], [sflag:$0x1] =	stream.indirect.gather [spmem:s2], $0x80, s17, s16, $0xb8;
	[tilespmem:$0x1BE00] =	vst v63  }
0xe5: {  	_ =	swait.ge [sflag:s20], $0x4000  }
0xe6: {  	[sflag:s20] =	ssyncset.done $0x0  }
0xe7: {  	[sflag:s20] =	ssyncadd.s32 $0xFFFFC000  }
0xe8: {  	[hbm4b:s8+s3] =	stream.linear.scatter [tilespmem:s14], [sflag:$0x3], $0x4000, $0x38;
	[tilespmem:$0x1BE00] =	vst v63  }
0xe9: {  	_ =	swait.ge [sflag:s15], $0x4000  }
0xea: {  	[sflag:s15] =	ssyncset.done $0x0  }
0xeb: {  	[sflag:s15] =	ssyncadd.s32 $0xFFFFC000  }
0xec: {  	[tilespmem:$0x100] =	vst v23  }
0xed: {  	[tilespmem:$0x110] =	vst v24  }
0xee: {  	[tilespmem:$0x120] =	vst v25  }
0xef: {  	[tilespmem:$0x130] =	vst v27  }
0xf0: {  	[tilespmem:$0x140] =	vst v28  }
0xf1: {  	[tilespmem:$0x150] =	vst v29  }
0xf2: {  	[tilespmem:$0x160] =	vst v30  }
0xf3: {  	[tilespmem:$0x170] =	vst v31  }
0xf4: {  	[tilespmem:s14], [sflag:$0x1] =	stream.indirect.gather [spmem:s2], $0x80, s17, s16, $0xb8;
	[tilespmem:$0x1BE00] =	vst v63  }
0xf5: {  	_ =	swait.ge [sflag:s20], $0x4000  }
0xf6: {  	[sflag:s20] =	ssyncset.done $0x0  }
0xf7: {  	[sflag:s20] =	ssyncadd.s32 $0xFFFFC000  }
0xf8: {  	[hbm4b:s9+s3] =	stream.linear.scatter [tilespmem:s14], [sflag:$0x3], $0x4000, $0x38;
	[tilespmem:$0x1BE00] =	vst v63  }
0xf9: {  	_ =	swait.ge [sflag:s15], $0x4000  }
0xfa: {  	[sflag:s15] =	ssyncset.done $0x0  }
0xfb: {  	[sflag:s15] =	ssyncadd.s32 $0xFFFFC000  }
0xfc: {  	[tilespmem:$0x100] =	vst @!p0 v32  }
0xfd: {  	[tilespmem:$0x110] =	vst @!p0 v33  }
0xfe: {  	[tilespmem:$0x120] =	vst @!p0 v34  }
0xff: {  	[tilespmem:$0x130] =	vst @!p0 v35  }
0x100: {  	[tilespmem:$0x140] =	vst @!p0 v36  }
0x101: {  	[tilespmem:$0x150] =	vst @!p0 v37  }
0x102: {  	[tilespmem:$0x160] =	vst @!p0 v38  }
0x103: {  	s23 =	simm.s32 @!p0 $0x80;
	s25 =	simm.s32 @!p0 $0x200;
	s24 =	simm.s32 @!p0 $0x100;
	[tilespmem:$0x170] =	vst @!p0 v39  }
0x104: {  	[tilespmem:s25], [sflag:$0x1] =	stream.indirect.gather @!p0 [spmem:s2], $0x80, s24, s23, $0xb8;
	[tilespmem:$0x1BE00] =	vst v63  }
0x105: {  	s23 =	simm.s32 @!p0 $0x1  }
0x106: {  	_ =	swait.ge @!p0 [sflag:s23], $0x4000  }
0x107: {  	s22 =	sadd.s32 $0x1, s22;
	[sflag:s23] =	ssyncset.done @!p0 $0x0  }
0x108: {  	p1 =	sne.s32 s22, s11;
	[sflag:s23] =	ssyncadd.s32 @!p0 $0xFFFFC000;
	s23 =	simm.s32 @!p0 $0x0  }
0x109: {  	[hbm4b:s10+s23] =	stream.linear.scatter @!p0 [tilespmem:s25], [sflag:$0x3], $0x4000, $0x38;
	[tilespmem:$0x1BE00] =	vst v63  }
.Ltmp1:
0x10a: {  	_ = 	snop;
	(pc) =	sbr.rel @p1 .LBB2_1-.Ltmp1, $4  }
0x10b: {  	s23 =	simm.s32 @!p0 $0x3  }
0x10c: {  	_ =	swait.ge @!p0 [sflag:s23], $0x4000  }
0x10d: {  	[sflag:s23] =	ssyncset.done @!p0 $0x0  }
0x10e: {  	[sflag:s23] =	ssyncadd.s32 @!p0 $0xFFFFC000  }
0x10f: {  	_ =	sfence.sel $0x180000  }
0x110: {  	[bflag:$0x0] =	sbarrier.arrive $0xFFFF  }
0x111: {  	p0 =	sne.s32 s4, $0x0;
	_ =	strace $0x9000004D  }
0x112: {  	s0 =	sadd.s32 @!p0 $0x100000, s0;
	[bflag:$0x2] =	sbarrier.arrive $0xFFFF  }
0x113: {  	[sflag:s0] =	ssyncadd.tile.s32 @!p0 $0x1;
	_ =	shalt  }
.Lfunc_end2:
_tile_overlayer_lowered:
.L_overlay_start_2:
0x114: {  	(tag) =	ssettag $0x2  }
0x115: {  	s0 =	rddreg [dreg:$0x0];
	s2 =	stileid.u32  }
0x116: {  	s1 =	rddreg [dreg:$0x1];
	p0 =	sne.s32 s2, $0x0  }
0x117: {  	s3 =	rddreg [dreg:$0x2];
	[bflag:$0x3] =	sbarrier.arrive $0xFFFF;
	s2 =	simm.s32 @!p0 $0x1C03  }
0x118: {  	[timem:s3], [sflag:s2] =	dma.local @!p0 [hbm:s0], s1  }
0x119: {  	s0 =	simm.s32 @!p0 $0x3  }
0x11a: {  	_ =	swait.ge @!p0 [sflag:s0], s1  }
0x11b: {  	s1 =	ssub.s32 @!p0 $0x0, s1;
	[sflag:s0] =	ssyncset.done @!p0 $0x0  }
0x11c: {  	[sflag:s0] =	ssyncadd.s32 @!p0 s1  }
0x11d: {  	[bflag:$0x3] =	sbarrier.arrive $0xFFFF  }
0x11e: {  	_ =	shalt  }

// kernel: kernel.8.cloned.1.call-start
scs
__scs_entry_jumppad:
0x0: {  	(pc) =	sbr.rel $0x88, $3  }
0x1: {  	(tag) =	ssettag $0x0;
	lr =	simm.s32 $0x1  }
0x2: {  	[smem:$0x3F8D] =	sst lr;
	_ =	strace $0xD0000000  }
0x3: {  	_ = 	snop  }
0x4: {  	_ = 	snop  }
0x5: {  	_ = 	snop  }
0x6: {  	_ = 	snop  }
0x7: {  	_ = 	snop  }
__scs_overlays_trampoline_lowered:
0x8: {  	[smem:$0x3F9C] =	sst s0  }
0x9: {  	[smem:$0x3F9D] =	sst s1  }
0xa: {  	[smem:$0x3F9E] =	sst s2  }
0xb: {  	[smem:$0x3F9F] =	sst s3  }
0xc: {  	[smem:$0x3FA0] =	sst s4  }
0xd: {  	[smem:$0x3FA1] =	sst s5  }
0xe: {  	[smem:$0x3FA2] =	sst s6  }
0xf: {  	[smem:$0x3FA3] =	sst s7  }
0x10: {  	[smem:$0x3FA4] =	sst s8  }
0x11: {  	[smem:$0x3FA5] =	sst s9;
	s0 =	simm.s32 @!p0 $0x0  }
0x12: {  	s1 =	sld [smem:$0x3F8B];
	s0 =	simm.s32 @p0 $0x1  }
0x13: {  	[smem:$0x3FA6] =	sst s0;
	s0 =	simm.s32 @!p1 $0x0  }
0x14: {  	s2 =	sld [smem:$0x3F8A];
	s0 =	simm.s32 @p1 $0x1  }
0x15: {  	[smem:$0x3FA7] =	sst s0;
	s0 =	simm.s32 @!p2 $0x0  }
0x16: {  	s3 =	sld [smem:$0x3FDB];
	s0 =	simm.s32 @p2 $0x1  }
0x17: {  	s4 =	simm.s32 $0x1BF5;
	[smem:$0x3FA9] =	sst s0  }
0x18: {  	s0 =	sld [smem:$0x3F8C];
	_ =	swait.ge [sflag:s4], $0x0  }
0x19: {  	s7 =	sld [smem:$0x3F8D]  }
0x1a: {  	s8 =	sadd.s32 $0xFFFFE003, lr  }
0x1b: {  	s9 =	sadd.s32 $0xFFFFFEF7, lr;
	s5 =	simm.s32 $0xFFFFFFFF;
	p2 =	slt.u32 s8, $0xFFFFF086  }
0x1c: {  	p1 =	slt.u32 s9, $0xF7A;
	s5 =	simm.s32 @!p2 $0x0  }
0x1d: {  	s5 =	simm.s32 @p1 $0x1;
	p0 =	seq.s32 s7, s2  }
0x1e: {  	s7 =	smul.u32 @!p0 $0xF7A, s2;
	p2 =	seq.s32 @!p0 s5, $0x0  }
0x1f: {  	s9 =	smul.u32 $0xF7A, s1;
	s8 =	simm.s32 @!p0 $0x1BF5;
	p2 =	por !p2, p0  }
0x20: {  	[sflag:s8] =	ssyncset.s32 @!p0 $0xFFFFF086;
	s6 =	sadd.s32 @!p0 s3, s7;
	s7 =	simm.s32 @!p0 $0x108  }
0x21: {  	s3 =	sadd.s32 s3, s9;
	s6 =	sadd.s32 @!p0 $0x88, s6;
	s7 =	simm.s32 @p2 $0x1082  }
0x22: {  	[simem:s7], [sflag:s8] =	dma.local @!p0 [hbm:s6], $0xF7A  }
0x23: {  	s9 =	sor.u32 $0xD0000000, s2;
	s6 =	simm.s32 $0x108;
	_ =	swait.ge @!p0 [sflag:s8], $0x0  }
0x24: {  	s3 =	sadd.s32 $0x88, s3;
	s6 =	simm.s32 @!p1 $0x1082;
	[sflag:s4] =	ssyncset.s32 $0xFFFFF086  }
0x25: {  	[simem:s6], [sflag:s4] =	dma.local [hbm:s3], $0xF7A  }
0x26: {  	[smem:$0x3F8D] =	sst s1;
	(tag) =	ssettag s2;
	_ =	strace s9  }
0x27: {  	s1 =	sld [smem:$0x3F9D]  }
0x28: {  	s2 =	sld [smem:$0x3F9E]  }
0x29: {  	s4 =	sld [smem:$0x3FA0]  }
0x2a: {  	p0 =	seq.s32 s5, $0x0;
	s5 =	sld [smem:$0x3FA1]  }
0x2b: {  	s6 =	sld [smem:$0x3FA2]  }
0x2c: {  	s7 =	sld [smem:$0x3FA3]  }
0x2d: {  	s3 =	simm.s32 $0x108;
	s8 =	sld [smem:$0x3FA4]  }
0x2e: {  	s3 =	simm.s32 @!p0 $0x1082;
	s9 =	sld [smem:$0x3FA5]  }
0x2f: {  	lr =	sadd.s32 s0, s3;
	s0 =	sld [smem:$0x3F9C]  }
0x30: {  	s3 =	sld [smem:$0x3F9F]  }
0x31: {  	[smem:$0x3FA8] =	sst s10  }
0x32: {  	s10 =	sld [smem:$0x3FA6];
	_ =	sdelay $0x3  }
0x33: {  	p0 =	seq.s32 s10, $0x1;
	s10 =	sld [smem:$0x3FA8];
	_ =	sdelay $0x3  }
0x34: {  	[smem:$0x3FA8] =	sst s10  }
0x35: {  	s10 =	sld [smem:$0x3FA7];
	_ =	sdelay $0x3  }
0x36: {  	p1 =	seq.s32 s10, $0x1;
	s10 =	sld [smem:$0x3FA8];
	_ =	sdelay $0x3  }
0x37: {  	[smem:$0x3FA8] =	sst s10  }
0x38: {  	s10 =	sld [smem:$0x3FA9]  }
0x39: {  	_ = 	snop;
	(pc) =	sbr.ind lr, $3  }
0x3a: {  	_ = 	snop  }
0x3b: {  	_ = 	snop  }
0x3c: {  	p2 =	seq.s32 s10, $0x1;
	s10 =	sld [smem:$0x3FA8]  }
0x3d: {  	_ =	shalt  }
0x3e: {  	_ =	shalt  }
0x3f: {  	_ =	shalt  }
0x40: {  	_ =	shalt  }
0x41: {  	_ =	shalt  }
0x42: {  	_ =	shalt  }
0x43: {  	_ =	shalt  }
0x44: {  	_ =	shalt  }
0x45: {  	_ =	shalt  }
0x46: {  	_ =	shalt  }
0x47: {  	_ =	shalt  }
0x48: {  	_ =	shalt  }
0x49: {  	_ =	shalt  }
0x4a: {  	_ =	shalt  }
0x4b: {  	_ =	shalt  }
0x4c: {  	_ =	shalt  }
0x4d: {  	_ =	shalt  }
0x4e: {  	_ =	shalt  }
0x4f: {  	_ =	shalt  }
0x50: {  	_ =	shalt  }
0x51: {  	_ =	shalt  }
0x52: {  	_ =	shalt  }
0x53: {  	_ =	shalt  }
0x54: {  	_ =	shalt  }
0x55: {  	_ =	shalt  }
0x56: {  	_ =	shalt  }
0x57: {  	_ =	shalt  }
0x58: {  	_ =	shalt  }
0x59: {  	_ =	shalt  }
0x5a: {  	_ =	shalt  }
0x5b: {  	_ =	shalt  }
0x5c: {  	_ =	shalt  }
0x5d: {  	_ =	shalt  }
0x5e: {  	_ =	shalt  }
0x5f: {  	_ =	shalt  }
0x60: {  	_ =	shalt  }
0x61: {  	_ =	shalt  }
0x62: {  	_ =	shalt  }
0x63: {  	_ =	shalt  }
0x64: {  	_ =	shalt  }
0x65: {  	_ =	shalt  }
0x66: {  	_ =	shalt  }
0x67: {  	_ =	shalt  }
0x68: {  	_ =	shalt  }
0x69: {  	_ =	shalt  }
0x6a: {  	_ =	shalt  }
0x6b: {  	_ =	shalt  }
0x6c: {  	_ =	shalt  }
0x6d: {  	_ =	shalt  }
0x6e: {  	_ =	shalt  }
0x6f: {  	_ =	shalt  }
0x70: {  	_ =	shalt  }
0x71: {  	_ =	shalt  }
0x72: {  	_ =	shalt  }
0x73: {  	_ =	shalt  }
0x74: {  	_ =	shalt  }
0x75: {  	_ =	shalt  }
0x76: {  	_ =	shalt  }
0x77: {  	_ =	shalt  }
0x78: {  	_ =	shalt  }
0x79: {  	_ =	shalt  }
0x7a: {  	_ =	shalt  }
0x7b: {  	_ =	shalt  }
0x7c: {  	_ =	shalt  }
0x7d: {  	_ =	shalt  }
0x7e: {  	_ =	shalt  }
0x7f: {  	_ =	shalt  }
0x80: {  	_ =	shalt  }
0x81: {  	_ =	shalt  }
0x82: {  	_ =	shalt  }
0x83: {  	_ =	shalt  }
0x84: {  	_ =	shalt  }
0x85: {  	_ =	shalt  }
0x86: {  	_ =	shalt  }
0x87: {  	_ =	shalt  }
.Lfunc_end0:
.L_simem_size_0:
called_computation_lowered:
.L_overlay_start_0:
0x88: {  	s2 =	sld [smem:$0x3FD9]  }
0x89: {  	s3 =	sld [smem:$0x3FFE];
	_ =	sdelay $0x1  }
0x8a: {  	s1 =	srdreg.scid  }
0x8b: {  	s0 =	sand.u32 $0x1, s1  }
0x8c: {  	s17 =	sshll.u32 s0, $0xA;
	s2 =	sadd.s32 s3, s2  }
0x8d: {  	s2 =	sadd.s32 s2, s17  }
0x8e: {  	[smem:$0x3FB4] =	sst s2  }
0x8f: {  	_ = 	snop  }
0x90: {  	(tm) =	ssettm $0x1  }
0x91: {  	s18 =	sld [smem:$0x3FFB];
	_ =	sdelay $0x3  }
0x92: {  	_ =	strace s18  }
0x93: {  	s2 =	sld [smem:$0x3FFC];
	_ =	sdelay $0x3  }
0x94: {  	_ =	strace s2  }
0x95: {  	s2 =	sld [smem:$0x3FFD];
	_ =	sdelay $0x3  }
0x96: {  	_ =	strace s2  }
0x97: {  	_ =	strace $0x8FFFFFFF  }
0x98: {  	s19 =	sld [smem:$0x3FDB];
	_ =	sdelay $0x1  }
0x99: {  	s20 =	simm.s32 $_scs_section_size  }
0x9a: {  	s4 =	simm.s32 $_size__tile_overlayer_lowered;
	s5 =	simm.s32 $_tile_overlayer_lowered  }
0x9b: {  	s6 =	simm.s32 $0x1BFF;
	s21 =	sshll.u32 s5, $0x1;
	s3 =	sadd.s32 s20, s19  }
0x9c: {  	s22 =	simm.s32 $0x0;
	s4 =	sshll.u32 s4, $0x1;
	s5 =	sadd.s32 s21, s3  }
0x9d: {  	[timem:s22], [sflag:s6] =	dma.local [hbm:s5], s4  }
0x9e: {  	_ =	swait.ge [sflag:s6], s4  }
0x9f: {  	s4 =	ssub.s32 $0x0, s4;
	[sflag:s6] =	ssyncset.done $0x0  }
0xa0: {  	[sflag:s6] =	ssyncadd.s32 s4;
	_ =	sdelay $0x1  }
0xa1: {  	s23 =	simm.s32 $0x1B8B  }
0xa2: {  	_ =	swait.ge [sflag:s23], $0x1  }
0xa3: {  	[sflag:s23] =	ssyncset.done $0x0  }
0xa4: {  	[sflag:s23] =	ssyncadd.s32 $0xFFFFFFFF  }
0xa5: {  	s4 =	sld [smem:$0x0]  }
0xa6: {  	s5 =	sand.u32 $0xFFFFFFFE, s1  }
0xa7: {  	p0 =	sne.s32 s1, s5  }
0xa8: {  	s5 =	sshll.u32 @p0 s5, $0xE  }
0xa9: {  	s5 =	sadd.s32 @p0 $0x11B8D, s5;
	s6 =	sshll.u32 @p0 s4, $0x11  }
0xaa: {  	s5 =	sor.u32 @p0 s6, s5  }
0xab: {  	[sflag:s5] =	ssyncadd.remote.s32 @p0 $0x1;
	_ =	sdelay $0x1  }
0xac: {  	s5 =	simm.s32 @p0 $0x1B8D  }
0xad: {  	_ =	swait.eq @p0 [sflag:s5], $0x1  }
0xae: {  	[sflag:s5] =	ssyncadd.s32 @p0 $0xFFFFFFFF  }
0xaf: {  	s6 =	sshll.u32 @!p0 s1, $0xE  }
0xb0: {  	s6 =	sor.u32 @!p0 $0x4000, s6;
	s5 =	simm.s32 @!p0 $0x1B8D  }
0xb1: {  	s4 =	sshll.u32 @!p0 s4, $0x11;
	s6 =	sadd.s32 @!p0 $0x11B8D, s6;
	_ =	swait.eq @!p0 [sflag:s5], $0x1  }
0xb2: {  	s4 =	sor.u32 @!p0 s4, s6;
	[sflag:s5] =	ssyncadd.s32 @!p0 $0xFFFFFFFF  }
0xb3: {  	s25 =	simm.s32 $0x1B8E;
	s24 =	sld [smem:$0x3FFE];
	[sflag:s4] =	ssyncadd.remote.s32 @!p0 $0x1  }
0xb4: {  	s26 =	simm.s32 $execute0_lowered;
	[smem:$0x3FD2] =	sst s25  }
0xb5: {  	s5 =	sshll.u32 s26, $0x1;
	_ =	strace $0x80000049;
	[dreg:$0x1] =	wrdreg $0xFFFFFFFF  }
0xb6: {  	s28 =	simm.s32 $_size_execute0_lowered;
	s3 =	sadd.s32 s3, s5;
	[dreg:$0x0] =	wrdreg $0x0  }
0xb7: {  	s5 =	sshll.u32 s28, $0x1;
	[dreg:$0x2] =	wrdreg s3  }
0xb8: {  	[dreg:$0x3] =	wrdreg s5  }
0xb9: {  	[dreg:$0x4] =	wrdreg $0xC0  }
0xba: {  	_ =	task [dreg:s22], $0x5FFFF  }
0xbb: {  	[dreg:$0x1] =	wrdreg $0xFFFFFFFF  }
0xbc: {  	[dreg:$0x0] =	wrdreg $0x60  }
0xbd: {  	[dreg:$0x2] =	wrdreg s24  }
0xbe: {  	[dreg:$0x3] =	wrdreg $0x81000  }
0xbf: {  	[dreg:$0x4] =	wrdreg $0x9  }
0xc0: {  	_ =	task.clear_ibuf [dreg:s22], $0x5FFFF;
	_ =	strace $0x90000049  }
0xc1: {  	s29 =	simm.s32 $0x9;
	_ =	strace $0x8000004B  }
0xc2: {  	_ =	swait.ge [sflag:s29], $0x1  }
0xc3: {  	[sflag:s29] =	ssyncadd.s32 $0xFFFFFFFF  }
0xc4: {  	_ =	strace $0x9000004B  }
0xc5: {  	_ =	sfence  }
0xc6: {  	s30 =	sld [smem:$0x0];
	_ =	sdelay $0x2  }
0xc7: {  	s31 =	sshll.u32 s1, $0xD;
	s1 =	sshrl.u32 s1, $0x2  }
0xc8: {  	s4 =	sand.u32 $0x4000, s31;
	s1 =	sadd.s32 s1, s30  }
0xc9: {  	s0 =	sor.u32 s4, s0;
	s1 =	sshll.u32 s1, $0x11  }
0xca: {  	s0 =	sor.u32 s1, s0  }
0xcb: {  	s0 =	sadd.s32 $0x8F2B, s0  }
0xcc: {  	[sflag:s0] =	ssyncadd.remote.s32 $0x1  }
0xcd: {  	_ =	sfence.sel $0xFFFF  }
0xce: {  	[dreg:$0x0] =	wrdreg $0xFFFFFFFF;
	(pc) =	sbr.abs _section_cstart, $3  }
0xcf: {  	[dreg:$0x1] =	wrdreg $0xFFFFFFFF  }
0xd0: {  	_ =	task.clear_ibuf [dreg:s22], $0x2FFFF;
	_ =	strace $0x9FFFFFFF  }
0xd1: {  	(tm) =	ssettm $0x7FFFFFFF  }
tec
execute0_lowered:
.L_overlay_start_1:
0x0: {  	(tag) =	ssettag $0x1  }
0x1: {  	s6 =	rddreg [dreg:$0x0];
	s3 =	srdreg.scid  }
0x2: {  	s1 =	rddreg [dreg:$0x1];
	s7 =	sand.u32 $0x1, s3  }
0x3: {  	s0 =	rddreg [dreg:$0x2];
	s2 =	simm.s32 $0x0;
	s3 =	smul.u32 $0x5000, s7  }
0x4: {  	[smem:$0x7FF] =	sst s2;
	s4 =	sadd.s32 $0x18400, s6  }
0x5: {  	s5 =	sadd.s32 $0x17C00, s6;
	s11 =	sadd.s32 s3, s6;
	s3 =	stileid.u32  }
0x6: {  	s10 =	sadd.s32 $0x67C00, s6;
	s8 =	ssub.s32 $0x2, s7;
	s13 =	smul.u32 $0x280, s3  }
0x7: {  	_ =	strace $0x8000004A;
	s22 =	smul.u32 $0x2780, s7;
	s9 =	sshrl.u32 s8, $0x1  }
0x8: {  	s12 =	ssub.s32 s8, s9;
	p0 =	seq.s32 s3, $0xF;
	s31 =	sor.u32 $0x10, s13  }
0x9: {  	s15 =	sor.u32 $0x20, s13;
	s16 =	sor.u32 $0x30, s13;
	s17 =	sor.u32 $0x40, s13  }
0xa: {  	s18 =	sor.u32 $0x50, s13;
	s19 =	sor.u32 $0x60, s13;
	s20 =	sor.u32 $0x70, s13  }
0xb: {  	s21 =	sadd.s32 $0x80, s13;
	s23 =	sadd.s32 $0x100, s13;
	s24 =	sadd.s32 $0x180, s13  }
0xc: {  	s14 =	sadd.s32 $0x200, s13;
	s28 =	sadd.s32 s13, s22;
	s26 =	sadd.s32 $0x90, s13  }
0xd: {  	s30 =	sadd.s32 $0xA0, s13;
	s7 =	sadd.s32 s22, s21;
	s29 =	sadd.s32 s22, s23  }
0xe: {  	v39 =	vlaneseq.u32;
	s6 =	sshll.u32 s28, $0x4;
	s25 =	sadd.s32 s22, s24;
	s22 =	sadd.s32 s22, s14  }
0xf: {  	s28 =	sadd.s32 $0xB0, s13;
	v1 =	vor.u32 s15, v39;
	v2 =	vor.u32 s16, v39;
	s15 =	sadd.s32 $0xD0, s13;
	s16 =	sadd.s32 $0xE0, s13  }
0x10: {  	v3 =	vor.u32 s17, v39;
	s17 =	sadd.s32 $0xF0, s13;
	v5 =	vor.u32 s19, v39;
	v6 =	vor.u32 s20, v39;
	s19 =	sadd.s32 $0x110, s13;
	s20 =	sadd.s32 $0x120, s13  }
0x11: {  	v0 =	vor.u32 s31, v39;
	s31 =	sadd.s32 $0x130, s13;
	v7 =	vor.u32 s21, v39;
	v8 =	vor.u32 s26, v39;
	s21 =	sadd.s32 $0x140, s13;
	s26 =	sadd.s32 $0x150, s13  }
0x12: {  	v9 =	vor.u32 s30, v39;
	s30 =	sadd.s32 $0x160, s13;
	v15 =	vor.u32 s23, v39;
	s23 =	sadd.s32 $0x1D0, s13;
	v23 =	vor.u32 s24, v39;
	s24 =	smul.u32 $0x500, s3  }
0x13: {  	v4 =	vor.u32 s18, v39;
	v32 =	vor.u32 s14, v39;
	s14 =	simm.s32 $0x2;
	s18 =	simm.s32 $0x0;
	s7 =	sshll.u32 s7, $0x4  }
0x14: {  	s8 =	sshll.u32 s29, $0x4;
	s6 =	sadd.s32 s10, s6;
	s29 =	sadd.s32 $0xC0, s13  }
0x15: {  	v10 =	vor.u32 s28, v39;
	v12 =	vor.u32 s15, v39;
	s15 =	sadd.s32 $0x170, s13;
	s28 =	sadd.s32 $0x190, s13;
	v13 =	vor.u32 s16, v39;
	s16 =	sadd.s32 $0x1B0, s13  }
0x16: {  	v14 =	vor.u32 s17, v39;
	s17 =	sadd.s32 $0x1C0, s13;
	v16 =	vor.u32 s19, v39;
	v18 =	vor.u32 s31, v39;
	s31 =	sadd.s32 $0x1E0, s13;
	s19 =	sadd.s32 $0x1F0, s13  }
0x17: {  	v17 =	vor.u32 s20, v39;
	s20 =	sadd.s32 $0x210, s13;
	v19 =	vor.u32 s21, v39;
	v20 =	vor.u32 s26, v39;
	s21 =	sadd.s32 $0x220, s13;
	s26 =	sadd.s32 $0x230, s13  }
0x18: {  	v30 =	vor.u32 s13, v39;
	v21 =	vor.u32 s30, v39;
	s30 =	sadd.s32 $0x240, s13;
	s22 =	sshll.u32 s22, $0x4;
	v28 =	vor.u32 s23, v39;
	s7 =	sadd.s32 s10, s7  }
0x19: {  	s8 =	sadd.s32 s10, s8;
	v11 =	vor.u32 s29, v39;
	s29 =	sadd.s32 $0x1A0, s13;
	v22 =	vor.u32 s15, v39;
	v24 =	vor.u32 s28, v39;
	s15 =	sshll.u32 s25, $0x4  }
0x1a: {  	v26 =	vor.u32 s16, v39;
	v27 =	vor.u32 s17, v39;
	s25 =	sadd.s32 $0x250, s13;
	v29 =	vor.u32 s31, v39;
	s28 =	sadd.s32 s24, s11;
	s31 =	sadd.s32 $0x270, s13  }
0x1b: {  	v31 =	vor.u32 s19, v39;
	v33 =	vor.u32 s20, v39;
	s11 =	smax.u32 s12, $0x1;
	v34 =	vor.u32 s21, v39;
	s16 =	simm.s32 $0x4100;
	s17 =	simm.s32 $0x1  }
0x1c: {  	v35 =	vor.u32 s26, v39;
	v36 =	vor.u32 s30, v39;
	v25 =	vor.u32 s29, v39;
	s9 =	sadd.s32 s10, s15;
	s10 =	sadd.s32 s10, s22;
	s29 =	sadd.s32 $0x260, s13  }
0x1d: {  	s12 =	sadd.s32 $0x3C00, s28;
	s13 =	simm.s32 $0x100;
	s15 =	simm.s32 $0x80;
	v37 =	vor.u32 s25, v39;
	v38 =	vor.u32 s29, v39;
	v39 =	vor.u32 s31, v39  }
.LBB2_1:
0x1e: {  	[tilespmem:s13], [sflag:$0x2] =	stream.linear.gather [hbm4b:s4+s2], $0x4000, $0x38;
	[tilespmem:$0x1BD00] =	vst v63  }
0x1f: {  	_ =	swait.ge [sflag:s14], $0x4000  }
0x20: {  	[sflag:s14] =	ssyncset.done $0x0  }
0x21: {  	[sflag:s14] =	ssyncadd.s32 $0xFFFFC000  }
0x22: {  	[tilespmem:$0x0] =	vst v30  }
0x23: {  	[tilespmem:$0x10] =	vst v0  }
0x24: {  	[tilespmem:$0x20] =	vst v1  }
0x25: {  	[tilespmem:$0x30] =	vst v2  }
0x26: {  	[tilespmem:$0x40] =	vst v3  }
0x27: {  	[tilespmem:$0x50] =	vst v4  }
0x28: {  	[tilespmem:$0x60] =	vst v5  }
0x29: {  	[tilespmem:$0x70] =	vst v6  }
0x2a: {  	[spmem:s1] =	stream.indirect.scatter [tilespmem:s13], [sflag:$0x2], $0x80, s2, s15, $0xb8;
	[tilespmem:$0x1BD00] =	vst v63  }
0x2b: {  	_ =	swait.ge [sflag:s14], $0x4000  }
0x2c: {  	[sflag:s14] =	ssyncset.done $0x0  }
0x2d: {  	[sflag:s14] =	ssyncadd.s32 $0xFFFFC000  }
0x2e: {  	[tilespmem:$0x0] =	vst v7  }
0x2f: {  	[tilespmem:$0x10] =	vst v8  }
0x30: {  	[tilespmem:$0x20] =	vst v9  }
0x31: {  	[tilespmem:$0x30] =	vst v10  }
0x32: {  	[tilespmem:$0x40] =	vst v11  }
0x33: {  	[tilespmem:$0x50] =	vst v12  }
0x34: {  	[tilespmem:$0x60] =	vst v13  }
0x35: {  	[tilespmem:$0x70] =	vst v14  }
0x36: {  	[spmem:s1] =	stream.indirect.scatter [tilespmem:s13], [sflag:$0x2], $0x80, s2, s15, $0xb8;
	[tilespmem:$0x1BD00] =	vst v63  }
0x37: {  	_ =	swait.ge [sflag:s14], $0x4000  }
0x38: {  	[sflag:s14] =	ssyncset.done $0x0  }
0x39: {  	[sflag:s14] =	ssyncadd.s32 $0xFFFFC000  }
0x3a: {  	[tilespmem:$0x0] =	vst v15  }
0x3b: {  	[tilespmem:$0x10] =	vst v16  }
0x3c: {  	[tilespmem:$0x20] =	vst v17  }
0x3d: {  	[tilespmem:$0x30] =	vst v18  }
0x3e: {  	[tilespmem:$0x40] =	vst v19  }
0x3f: {  	[tilespmem:$0x50] =	vst v20  }
0x40: {  	[tilespmem:$0x60] =	vst v21  }
0x41: {  	[tilespmem:$0x70] =	vst v22  }
0x42: {  	[spmem:s1] =	stream.indirect.scatter [tilespmem:s13], [sflag:$0x2], $0x80, s2, s15, $0xb8;
	[tilespmem:$0x1BD00] =	vst v63  }
0x43: {  	_ =	swait.ge [sflag:s14], $0x4000  }
0x44: {  	[sflag:s14] =	ssyncset.done $0x0  }
0x45: {  	[sflag:s14] =	ssyncadd.s32 $0xFFFFC000  }
0x46: {  	[tilespmem:$0x0] =	vst v23  }
0x47: {  	[tilespmem:$0x10] =	vst v24  }
0x48: {  	[tilespmem:$0x20] =	vst v25  }
0x49: {  	[tilespmem:$0x30] =	vst v26  }
0x4a: {  	[tilespmem:$0x40] =	vst v27  }
0x4b: {  	[tilespmem:$0x50] =	vst v28  }
0x4c: {  	[tilespmem:$0x60] =	vst v29  }
0x4d: {  	[tilespmem:$0x70] =	vst v31  }
0x4e: {  	[spmem:s1] =	stream.indirect.scatter [tilespmem:s13], [sflag:$0x2], $0x80, s2, s15, $0xb8;
	[tilespmem:$0x1BD00] =	vst v63  }
0x4f: {  	_ =	swait.ge [sflag:s14], $0x4000  }
0x50: {  	[sflag:s14] =	ssyncset.done $0x0  }
0x51: {  	[sflag:s14] =	ssyncadd.s32 $0xFFFFC000  }
0x52: {  	[tilespmem:$0x0] =	vst @!p0 v32  }
0x53: {  	[tilespmem:$0x10] =	vst @!p0 v33  }
0x54: {  	[tilespmem:$0x20] =	vst @!p0 v34  }
0x55: {  	[tilespmem:$0x30] =	vst @!p0 v35  }
0x56: {  	[tilespmem:$0x40] =	vst @!p0 v36  }
0x57: {  	[tilespmem:$0x50] =	vst @!p0 v37  }
0x58: {  	[tilespmem:$0x60] =	vst @!p0 v38  }
0x59: {  	s19 =	simm.s32 @!p0 $0x80;
	s20 =	simm.s32 @!p0 $0x0;
	s21 =	simm.s32 @!p0 $0x100;
	[tilespmem:$0x70] =	vst @!p0 v39  }
0x5a: {  	[spmem:s1] =	stream.indirect.scatter @!p0 [tilespmem:s21], [sflag:$0x2], $0x80, s20, s19, $0xb8;
	[tilespmem:$0x1BD00] =	vst v63  }
0x5b: {  	s19 =	simm.s32 @!p0 $0x2  }
0x5c: {  	_ =	swait.ge @!p0 [sflag:s19], $0x4000  }
0x5d: {  	[sflag:s19] =	ssyncset.done @!p0 $0x0  }
0x5e: {  	[sflag:s19] =	ssyncadd.s32 @!p0 $0xFFFFC000  }
0x5f: {  	[tilespmem:s13], [sflag:$0x2] =	stream.linear.gather [hbm4b:s5+s2], $0x4000, $0x38;
	[tilespmem:$0x1BD00] =	vst v63  }
0x60: {  	_ =	swait.ge [sflag:s14], $0x4000  }
0x61: {  	[sflag:s14] =	ssyncset.done $0x0  }
0x62: {  	[sflag:s14] =	ssyncadd.s32 $0xFFFFC000  }
0x63: {  	[tilespmem:s16], [sflag:$0x2] =	stream.linear.gather [hbm4b:s5+s2], $0x4000, $0x38;
	[tilespmem:$0x1BD00] =	vst v63  }
0x64: {  	_ =	swait.ge [sflag:s14], $0x4000  }
0x65: {  	[sflag:s14] =	ssyncset.done $0x0  }
0x66: {  	[sflag:s14] =	ssyncadd.s32 $0xFFFFC000  }
0x67: {  	s31 =	sadd.s32 $0x0, s12;
	[bflag:$0x0] =	sbarrier.arrive $0xFFFF  }
0x68: {  	[tilespmem:s2], [sflag:$0x2] =	stream.linear.gather [hbm4b:s31+s2], $0x80, $0x38;
	[tilespmem:$0x1BD00] =	vst v63  }
0x69: {  	_ =	swait.ge [sflag:s14], $0x80  }
0x6a: {  	[sflag:s14] =	ssyncset.done $0x0  }
0x6b: {  	s19 =	sadd.s32 $0x10, s31;
	[sflag:s14] =	ssyncadd.s32 $0xFFFFFF80  }
0x6c: {  	[tilespmem:s15], [sflag:$0x2] =	stream.linear.gather [hbm4b:s19+s2], $0x80, $0x38;
	[tilespmem:$0x1BD00] =	vst v63  }
0x6d: {  	_ =	swait.ge [sflag:s14], $0x80  }
0x6e: {  	[sflag:s14] =	ssyncset.done $0x0  }
0x6f: {  	[sflag:s14] =	ssyncadd.s32 $0xFFFFFF80  }
0x70: {  	[spmem:s1] =	stream.indirect.scatter.add.f32 [tilespmem:s13], [sflag:$0x2], $0x80, s2, s15, $0xb8;
	[tilespmem:$0x1BD00] =	vst v63  }
0x71: {  	_ =	swait.ge [sflag:s14], $0x4000  }
0x72: {  	[sflag:s14] =	ssyncset.done $0x0  }
0x73: {  	[sflag:s14] =	ssyncadd.s32 $0xFFFFC000  }
0x74: {  	[spmem:s1] =	stream.indirect.scatter.add.f32 [tilespmem:s16], [sflag:$0x2], $0x80, s15, s15, $0xb8;
	[tilespmem:$0x1BD00] =	vst v63  }
0x75: {  	_ =	swait.ge [sflag:s14], $0x4000  }
0x76: {  	s20 =	simm.s32 $0x40;
	s19 =	simm.s32 $0x20;
	[sflag:s14] =	ssyncset.done $0x0  }
.LBB2_2:
0x77: {  	s21 =	sadd.s32 s19, s12  }
0x78: {  	[sflag:s14] =	ssyncadd.s32 $0xFFFFC000;
	s19 =	smov.u32 s20;
	s22 =	sadd.s32 $0x20, s20  }
0x79: {  	[tilespmem:s2], [sflag:$0x2] =	stream.linear.gather [hbm4b:s21+s2], $0x80, $0x38;
	[tilespmem:$0x1BD00] =	vst v63  }
0x7a: {  	p1 =	sne.s32 s20, $0x4E0;
	_ =	swait.ge [sflag:s14], $0x80  }
0x7b: {  	[sflag:s14] =	ssyncset.done $0x0  }
0x7c: {  	s20 =	sadd.s32 $0x10, s21;
	[sflag:s14] =	ssyncadd.s32 $0xFFFFFF80  }
0x7d: {  	[tilespmem:s15], [sflag:$0x2] =	stream.linear.gather [hbm4b:s20+s2], $0x80, $0x38;
	[tilespmem:$0x1BD00] =	vst v63  }
0x7e: {  	_ =	swait.ge [sflag:s14], $0x80  }
0x7f: {  	[sflag:s14] =	ssyncset.done $0x0  }
0x80: {  	[sflag:s14] =	ssyncadd.s32 $0xFFFFFF80  }
0x81: {  	[spmem:s1] =	stream.indirect.scatter.add.f32 [tilespmem:s13], [sflag:$0x2], $0x80, s2, s15, $0xb8;
	[tilespmem:$0x1BD00] =	vst v63  }
0x82: {  	_ =	swait.ge [sflag:s14], $0x4000  }
.Ltmp0:
0x83: {  	[sflag:s14] =	ssyncset.done $0x0;
	(pc) =	sbr.rel @p1 .LBB2_2-.Ltmp0, $4  }
0x84: {  	[sflag:s14] =	ssyncadd.s32 $0xFFFFC000  }
0x85: {  	[spmem:s1] =	stream.indirect.scatter.add.f32 [tilespmem:s16], [sflag:$0x2], $0x80, s15, s15, $0xb8;
	[tilespmem:$0x1BD00] =	vst v63  }
0x86: {  	_ =	swait.ge [sflag:s14], $0x4000  }
0x87: {  	s20 =	smov.u32 s22;
	[sflag:s14] =	ssyncset.done $0x0  }
0x88: {  	s19 =	sadd.s32 s19, s12;
	[sflag:s14] =	ssyncadd.s32 $0xFFFFC000  }
0x89: {  	[tilespmem:s2], [sflag:$0x2] =	stream.linear.gather [hbm4b:s19+s2], $0x80, $0x38;
	[tilespmem:$0x1BD00] =	vst v63  }
0x8a: {  	_ =	swait.ge [sflag:s14], $0x80  }
0x8b: {  	[sflag:s14] =	ssyncset.done $0x0  }
0x8c: {  	s19 =	sadd.s32 $0x10, s19;
	[sflag:s14] =	ssyncadd.s32 $0xFFFFFF80  }
0x8d: {  	[tilespmem:s15], [sflag:$0x2] =	stream.linear.gather [hbm4b:s19+s2], $0x80, $0x38;
	[tilespmem:$0x1BD00] =	vst v63  }
0x8e: {  	_ =	swait.ge [sflag:s14], $0x80  }
0x8f: {  	[sflag:s14] =	ssyncset.done $0x0  }
0x90: {  	[sflag:s14] =	ssyncadd.s32 $0xFFFFFF80  }
0x91: {  	[spmem:s1] =	stream.indirect.scatter.add.f32 [tilespmem:s13], [sflag:$0x2], $0x80, s2, s15, $0xb8;
	[tilespmem:$0x1BD00] =	vst v63  }
0x92: {  	_ =	swait.ge [sflag:s14], $0x4000  }
0x93: {  	[sflag:s14] =	ssyncset.done $0x0  }
0x94: {  	[sflag:s14] =	ssyncadd.s32 $0xFFFFC000  }
0x95: {  	[spmem:s1] =	stream.indirect.scatter.add.f32 [tilespmem:s16], [sflag:$0x2], $0x80, s15, s15, $0xb8;
	[tilespmem:$0x1BD00] =	vst v63  }
0x96: {  	_ =	swait.ge [sflag:s14], $0x4000  }
0x97: {  	[sflag:s14] =	ssyncset.done $0x0  }
0x98: {  	[sflag:s14] =	ssyncadd.s32 $0xFFFFC000  }
0x99: {  	[bflag:$0x0] =	sbarrier.arrive $0xFFFF  }
0x9a: {  	[tilespmem:$0x0] =	vst v30  }
0x9b: {  	[tilespmem:$0x10] =	vst v0  }
0x9c: {  	[tilespmem:$0x20] =	vst v1  }
0x9d: {  	[tilespmem:$0x30] =	vst v2  }
0x9e: {  	[tilespmem:$0x40] =	vst v3  }
0x9f: {  	[tilespmem:$0x50] =	vst v4  }
0xa0: {  	[tilespmem:$0x60] =	vst v5  }
0xa1: {  	[tilespmem:$0x70] =	vst v6  }
0xa2: {  	[tilespmem:s13], [sflag:$0x1] =	stream.indirect.gather [spmem:s1], $0x80, s2, s15, $0xb8;
	[tilespmem:$0x1BD00] =	vst v63  }
0xa3: {  	_ =	swait.ge [sflag:s17], $0x4000  }
0xa4: {  	[sflag:s17] =	ssyncset.done $0x0  }
0xa5: {  	[sflag:s17] =	ssyncadd.s32 $0xFFFFC000  }
0xa6: {  	[hbm4b:s6+s2] =	stream.linear.scatter [tilespmem:s13], [sflag:$0x2], $0x4000, $0x38;
	[tilespmem:$0x1BD00] =	vst v63  }
0xa7: {  	_ =	swait.ge [sflag:s14], $0x4000  }
0xa8: {  	[sflag:s14] =	ssyncset.done $0x0  }
0xa9: {  	[sflag:s14] =	ssyncadd.s32 $0xFFFFC000  }
0xaa: {  	[tilespmem:$0x0] =	vst v7  }
0xab: {  	[tilespmem:$0x10] =	vst v8  }
0xac: {  	[tilespmem:$0x20] =	vst v9  }
0xad: {  	[tilespmem:$0x30] =	vst v10  }
0xae: {  	[tilespmem:$0x40] =	vst v11  }
0xaf: {  	[tilespmem:$0x50] =	vst v12  }
0xb0: {  	[tilespmem:$0x60] =	vst v13  }
0xb1: {  	[tilespmem:$0x70] =	vst v14  }
0xb2: {  	[tilespmem:s13], [sflag:$0x1] =	stream.indirect.gather [spmem:s1], $0x80, s2, s15, $0xb8;
	[tilespmem:$0x1BD00] =	vst v63  }
0xb3: {  	_ =	swait.ge [sflag:s17], $0x4000  }
0xb4: {  	[sflag:s17] =	ssyncset.done $0x0  }
0xb5: {  	[sflag:s17] =	ssyncadd.s32 $0xFFFFC000  }
0xb6: {  	[hbm4b:s7+s2] =	stream.linear.scatter [tilespmem:s13], [sflag:$0x2], $0x4000, $0x38;
	[tilespmem:$0x1BD00] =	vst v63  }
0xb7: {  	_ =	swait.ge [sflag:s14], $0x4000  }
0xb8: {  	[sflag:s14] =	ssyncset.done $0x0  }
0xb9: {  	[sflag:s14] =	ssyncadd.s32 $0xFFFFC000  }
0xba: {  	[tilespmem:$0x0] =	vst v15  }
0xbb: {  	[tilespmem:$0x10] =	vst v16  }
0xbc: {  	[tilespmem:$0x20] =	vst v17  }
0xbd: {  	[tilespmem:$0x30] =	vst v18  }
0xbe: {  	[tilespmem:$0x40] =	vst v19  }
0xbf: {  	[tilespmem:$0x50] =	vst v20  }
0xc0: {  	[tilespmem:$0x60] =	vst v21  }
0xc1: {  	[tilespmem:$0x70] =	vst v22  }
0xc2: {  	[tilespmem:s13], [sflag:$0x1] =	stream.indirect.gather [spmem:s1], $0x80, s2, s15, $0xb8;
	[tilespmem:$0x1BD00] =	vst v63  }
0xc3: {  	_ =	swait.ge [sflag:s17], $0x4000  }
0xc4: {  	[sflag:s17] =	ssyncset.done $0x0  }
0xc5: {  	[sflag:s17] =	ssyncadd.s32 $0xFFFFC000  }
0xc6: {  	[hbm4b:s8+s2] =	stream.linear.scatter [tilespmem:s13], [sflag:$0x2], $0x4000, $0x38;
	[tilespmem:$0x1BD00] =	vst v63  }
0xc7: {  	_ =	swait.ge [sflag:s14], $0x4000  }
0xc8: {  	[sflag:s14] =	ssyncset.done $0x0  }
0xc9: {  	[sflag:s14] =	ssyncadd.s32 $0xFFFFC000  }
0xca: {  	[tilespmem:$0x0] =	vst v23  }
0xcb: {  	[tilespmem:$0x10] =	vst v24  }
0xcc: {  	[tilespmem:$0x20] =	vst v25  }
0xcd: {  	[tilespmem:$0x30] =	vst v26  }
0xce: {  	[tilespmem:$0x40] =	vst v27  }
0xcf: {  	[tilespmem:$0x50] =	vst v28  }
0xd0: {  	[tilespmem:$0x60] =	vst v29  }
0xd1: {  	[tilespmem:$0x70] =	vst v31  }
0xd2: {  	[tilespmem:s13], [sflag:$0x1] =	stream.indirect.gather [spmem:s1], $0x80, s2, s15, $0xb8;
	[tilespmem:$0x1BD00] =	vst v63  }
0xd3: {  	_ =	swait.ge [sflag:s17], $0x4000  }
0xd4: {  	[sflag:s17] =	ssyncset.done $0x0  }
0xd5: {  	[sflag:s17] =	ssyncadd.s32 $0xFFFFC000  }
0xd6: {  	[hbm4b:s9+s2] =	stream.linear.scatter [tilespmem:s13], [sflag:$0x2], $0x4000, $0x38;
	[tilespmem:$0x1BD00] =	vst v63  }
0xd7: {  	_ =	swait.ge [sflag:s14], $0x4000  }
0xd8: {  	[sflag:s14] =	ssyncset.done $0x0  }
0xd9: {  	[sflag:s14] =	ssyncadd.s32 $0xFFFFC000  }
0xda: {  	[tilespmem:$0x0] =	vst @!p0 v32  }
0xdb: {  	[tilespmem:$0x10] =	vst @!p0 v33  }
0xdc: {  	[tilespmem:$0x20] =	vst @!p0 v34  }
0xdd: {  	[tilespmem:$0x30] =	vst @!p0 v35  }
0xde: {  	[tilespmem:$0x40] =	vst @!p0 v36  }
0xdf: {  	[tilespmem:$0x50] =	vst @!p0 v37  }
0xe0: {  	[tilespmem:$0x60] =	vst @!p0 v38  }
0xe1: {  	s20 =	simm.s32 @!p0 $0x0;
	s21 =	simm.s32 @!p0 $0x100;
	s19 =	simm.s32 @!p0 $0x80;
	[tilespmem:$0x70] =	vst @!p0 v39  }
0xe2: {  	[tilespmem:s21], [sflag:$0x1] =	stream.indirect.gather @!p0 [spmem:s1], $0x80, s20, s19, $0xb8;
	[tilespmem:$0x1BD00] =	vst v63  }
0xe3: {  	s19 =	simm.s32 @!p0 $0x1  }
0xe4: {  	s18 =	sadd.s32 $0x1, s18;
	_ =	swait.ge @!p0 [sflag:s19], $0x4000  }
0xe5: {  	p1 =	sne.s32 s18, s11;
	[sflag:s19] =	ssyncset.done @!p0 $0x0  }
.Ltmp1:
0xe6: {  	[sflag:s19] =	ssyncadd.s32 @!p0 $0xFFFFC000;
	s19 =	simm.s32 @!p0 $0x2;
	(pc) =	sbr.rel @p1 .LBB2_1-.Ltmp1, $4  }
0xe7: {  	[hbm4b:s10+s20] =	stream.linear.scatter @!p0 [tilespmem:s21], [sflag:$0x2], $0x4000, $0x38;
	[tilespmem:$0x1BD00] =	vst v63  }
0xe8: {  	_ =	swait.ge @!p0 [sflag:s19], $0x4000  }
0xe9: {  	[sflag:s19] =	ssyncset.done @!p0 $0x0  }
0xea: {  	[sflag:s19] =	ssyncadd.s32 @!p0 $0xFFFFC000  }
0xeb: {  	_ =	sfence.sel $0x180000  }
0xec: {  	[bflag:$0x0] =	sbarrier.arrive $0xFFFF  }
0xed: {  	p0 =	sne.s32 s3, $0x0;
	_ =	strace $0x9000004A  }
0xee: {  	s0 =	sadd.s32 @!p0 $0x100000, s0;
	[bflag:$0x2] =	sbarrier.arrive $0xFFFF  }
0xef: {  	[sflag:s0] =	ssyncadd.tile.s32 @!p0 $0x1;
	_ =	shalt  }
.Lfunc_end2:
_tile_overlayer_lowered:
.L_overlay_start_2:
0xf0: {  	(tag) =	ssettag $0x2  }
0xf1: {  	s0 =	rddreg [dreg:$0x0];
	s2 =	stileid.u32  }
0xf2: {  	s1 =	rddreg [dreg:$0x1];
	p0 =	sne.s32 s2, $0x0  }
0xf3: {  	s3 =	rddreg [dreg:$0x2];
	[bflag:$0x3] =	sbarrier.arrive $0xFFFF;
	s2 =	simm.s32 @!p0 $0x1C02  }
0xf4: {  	[timem:s3], [sflag:s2] =	dma.local @!p0 [hbm:s0], s1  }
0xf5: {  	s0 =	simm.s32 @!p0 $0x2  }
0xf6: {  	_ =	swait.ge @!p0 [sflag:s0], s1  }
0xf7: {  	s1 =	ssub.s32 @!p0 $0x0, s1;
	[sflag:s0] =	ssyncset.done @!p0 $0x0  }
0xf8: {  	[sflag:s0] =	ssyncadd.s32 @!p0 s1  }
0xf9: {  	[bflag:$0x3] =	sbarrier.arrive $0xFFFF  }
0xfa: {  	_ =	shalt  }

</sc_bundles>
